<compile_context>
chip_gen: v7x
topology: tpu7x:2x2x1
jax: 0.10.2.dev20260603
libtpu: 0.0.44.dev20260713+nightly
codegen_flags: <defaults>
</compile_context>

<pallas_src>
import functools

import jax
import jax.numpy as jnp
from jax import lax
from jax.experimental import pallas as pl
from jax.experimental.pallas import tpu as pltpu
from jax.experimental.pallas import tpu_sc as plsc

B, N, D, C = 4, 1024, 4, 64
F = D * C
K = 20
OUT = 128
BR = 512
NB = N // BR
PTS = B * N

NC, NS, L = 2, 16, 16
NW = NC * NS
PPW = PTS // NW
G = 8
GK = G * K
NG = PPW // G


def _topk_body(x_ref, w1_ref, out_idx_ref, wmat_ref, dist_ref):
    b = pl.program_id(0)
    r = pl.program_id(1)
    x = x_ref[0]
    w1 = w1_ref[...]
    w1n = w1 * w1 / jnp.sum(w1 * w1)
    wmat_ref[...] = jnp.concatenate([w1n.T] * D, axis=1)

    sq = jnp.sum(x * x, axis=1, keepdims=True)
    row0 = pl.multiple_of(r * BR, BR)
    xb = x_ref[0, pl.ds(row0, BR), :]
    sqb = jnp.sum(xb * xb, axis=1, keepdims=True)
    dist_ref[...] = sqb - 2.0 * lax.dot_general(
        xb, x, (((1,), (1,)), ((), ())), preferred_element_type=jnp.float32
    ) + sq.T

    iota_f = lax.broadcasted_iota(jnp.int32, (BR, N), 1).astype(jnp.float32)
    for k in range(K):
        d = dist_ref[...]
        m = jnp.min(d, axis=1, keepdims=True)
        cand = jnp.where(d <= m, iota_f, float(N))
        idxf = jnp.min(cand, axis=1, keepdims=True)
        msk = cand == idxf
        out_idx_ref[0, :, k : k + 1] = idxf.astype(jnp.int32) + b * N
        dist_ref[...] = jnp.where(msk, 3.0e38, d)


def _proj_body(wa_ref, w2_ref, out_ref):
    w2 = w2_ref[...]
    w2n = w2 * w2 / jnp.sum(w2 * w2)
    wa = wa_ref[...]
    for d in range(D):
        out_ref[:, d * OUT : (d + 1) * OUT] = lax.dot_general(
            wa[:, d * C : (d + 1) * C], w2n, (((1,), (1,)), ((), ())),
            preferred_element_type=jnp.float32)


@functools.partial(
    pl.kernel,
    mesh=plsc.VectorSubcoreMesh(core_axis_name="c", subcore_axis_name="s"),
    out_type=jax.ShapeDtypeStruct((PTS, F), jnp.float32),
    scratch_types=[
        pltpu.VMEM((PPW * K,), jnp.int32),
        pltpu.VMEM((GK, F), jnp.float32),
        pltpu.VMEM((GK, F), jnp.float32),
        pltpu.VMEM((K, F), jnp.float32),
        pltpu.VMEM((G, F), jnp.float32),
        pltpu.VMEM((G, F), jnp.float32),
        pltpu.SemaphoreType.DMA,
        pltpu.SemaphoreType.DMA,
        pltpu.SemaphoreType.DMA,
        pltpu.SemaphoreType.DMA,
    ],
)
def _sc_gather_combine(table_hbm, idx_hbm, wmat_hbm, out_hbm,
                       idx_v, rows0_v, rows1_v, wm_v, acc0_v, acc1_v,
                       sem0, sem1, osem0, osem1):
    wid = lax.axis_index("s") * NC + lax.axis_index("c")
    pltpu.sync_copy(wmat_hbm, wm_v)
    base_pt = wid * PPW
    pltpu.sync_copy(idx_hbm.at[pl.ds(base_pt * K, PPW * K)], idx_v)
    rows = (rows0_v, rows1_v)
    sems = (sem0, sem1)
    accs = (acc0_v, acc1_v)
    osems = (osem0, osem1)
    H = GK // 2

    def issue(g, slot):
        pltpu.async_copy(table_hbm.at[idx_v.at[pl.ds(g * GK, H)]],
                         rows[slot].at[pl.ds(0, H)], sems[slot])
        pltpu.async_copy(table_hbm.at[idx_v.at[pl.ds(g * GK + H, H)]],
                         rows[slot].at[pl.ds(H, H)], sems[slot])

    def wait(g, slot):
        pltpu.make_async_copy(table_hbm.at[idx_v.at[pl.ds(g * GK, H)]],
                              rows[slot].at[pl.ds(0, H)], sems[slot]).wait()
        pltpu.make_async_copy(table_hbm.at[idx_v.at[pl.ds(g * GK + H, H)]],
                              rows[slot].at[pl.ds(H, H)], sems[slot]).wait()

    def combine_store(g, slot):
        rv = rows[slot]
        av = accs[slot]

        @pl.when(g >= 2)
        def _():
            pltpu.make_async_copy(
                av, out_hbm.at[pl.ds(base_pt + (g - 2) * G, G)], osems[slot]
            ).wait()

        @plsc.parallel_loop(0, F // L, 1, unroll=2)
        def chunk(c):
            sl = pl.ds(c * L, L)
            ws = [wm_v[k, sl] for k in range(K)]
            for p in range(G):
                acc = rv[p * K, sl] * ws[0]
                for k in range(1, K):
                    acc = acc + rv[p * K + k, sl] * ws[k]
                av[p, sl] = acc

        pltpu.async_copy(av, out_hbm.at[pl.ds(base_pt + g * G, G)], osems[slot])

    issue(0, 0)
    issue(1, 1)

    def pair(h, carry):
        g = h * 2

        def half(slot):
            gg = g + slot
            wait(gg, slot)
            combine_store(gg, slot)

            @pl.when(gg + 2 < NG)
            def _():
                issue(gg + 2, slot)

        half(0)
        half(1)
        return carry

    lax.fori_loop(0, NG // 2, pair, 0)

    pltpu.make_async_copy(
        accs[0], out_hbm.at[pl.ds(base_pt + (NG - 2) * G, G)], osems[0]).wait()
    pltpu.make_async_copy(
        accs[1], out_hbm.at[pl.ds(base_pt + (NG - 1) * G, G)], osems[1]).wait()


def kernel(x, w1, w2):
    x_flat = x.reshape(B, N, F)
    idx, wmat = pl.pallas_call(
        _topk_body,
        grid=(B, NB),
        in_specs=[
            pl.BlockSpec((1, N, F), lambda b, r: (b, 0, 0)),
            pl.BlockSpec((C, K), lambda b, r: (0, 0)),
        ],
        out_specs=[
            pl.BlockSpec((1, BR, K), lambda b, r: (b, r, 0)),
            pl.BlockSpec((K, F), lambda b, r: (0, 0)),
        ],
        out_shape=[
            jax.ShapeDtypeStruct((B, N, K), jnp.int32),
            jax.ShapeDtypeStruct((K, F), jnp.float32),
        ],
        scratch_shapes=[pltpu.VMEM((BR, N), jnp.float32)],
    )(x_flat, w1)

    weighted = _sc_gather_combine(
        x_flat.reshape(PTS, F), idx.reshape(PTS * K), wmat)

    out = pl.pallas_call(
        _proj_body,
        in_specs=[
            pl.BlockSpec((PTS, F), lambda: (0, 0)),
            pl.BlockSpec((OUT, C), lambda: (0, 0)),
        ],
        out_specs=pl.BlockSpec((PTS, D * OUT), lambda: (0, 0)),
        out_shape=jax.ShapeDtypeStruct((PTS, D * OUT), jnp.float32),
    )(weighted, w2)
    return out.reshape(B, N, D, OUT)

# --- scband reference (transcript-rebuilt; emitter-appended) ---
"""Pipeline reference for scband-w-fmlayer-5875515261156 (READ-ONLY COPY).

The authoritative reference and input builder live on the scoring server;
editing this copy changes nothing except your own understanding.
"""

import jax, jax.numpy as jnp
import numpy as np

IN_CHANNELS = 64
OUT_CHANNELS = 128
NUM_NEIGHBOR = 20
B, N, D, C = 4, 1024, 4, 64


def weightNormalize(w):
    return w ** 2 / jnp.sum(w ** 2)


def pairwise_distance(pc):
    # pc: [B, N, F] -> squared euclidean distance [B, N, N]
    inner = -2.0 * jnp.matmul(pc, jnp.swapaxes(pc, 1, 2))
    sq = jnp.sum(pc ** 2, axis=-1, keepdims=True)
    return sq + inner + jnp.swapaxes(sq, 1, 2)


def knn(adj_mtr, k, include_myself=True):
    # k smallest distances (self has distance 0, so it is included)
    _, nn_idx = jax.lax.top_k(-adj_mtr, k)
    return nn_idx


def setup_inputs(seed: int = 0) -> dict:
    key = jax.random.key(seed)
    kx, k1, k2 = jax.random.split(key, 3)
    x = jax.random.normal(kx, (B, N, D, C), dtype=jnp.float32)
    w1 = jax.random.uniform(k1, (IN_CHANNELS, NUM_NEIGHBOR), dtype=jnp.float32)
    w2 = jax.random.uniform(k2, (OUT_CHANNELS, IN_CHANNELS), dtype=jnp.float32)
    return {"x": x, "w1": w1, "w2": w2}


def reference(x, w1, w2):
    Bv, Nv, Dv, Cv = x.shape
    flat = x.reshape(Bv, Nv, Dv * Cv)
    adj_mtr = pairwise_distance(flat)
    k = w1.shape[1]
    nn_idx = knn(adj_mtr, k=k, include_myself=True)  # [B, N, k]
    idx = (jnp.arange(Bv) * Nv).reshape(Bv, 1, 1)
    k2 = nn_idx.astype(jnp.int64) + idx
    ptcld = x.reshape(Bv * Nv, Dv * Cv)
    gathered = jnp.take(ptcld, k2.reshape(-1), axis=0)
    gathered = gathered.reshape(Bv, Nv, k, Dv, Cv)
    q_p_s = jnp.transpose(gathered, (0, 1, 3, 4, 2))  # [B, N, D, C, k]
    weighted = q_p_s * weightNormalize(w1)
    weighted = jnp.sum(weighted, axis=-1)  # [B, N, D, C]
    weighted_sum = jnp.matmul(weighted, weightNormalize(w2).T)  # [B, N, D, out]
    return weighted_sum

if __name__ == "__main__":
    import jax
    _d = setup_inputs()
    print(jax.jit(kernel)(*tuple(_d.values())))

</pallas_src>

<mosaic_0001>
#map = affine_map<(d0, d1) -> (0, 0)>
#map1 = affine_map<(d0, d1) -> (0)>
module attributes {stable_mosaic.version = 14 : i64} {
  func.func @_sc_gather_combine(%arg0: i32, %arg1: i32, %arg2: memref<4096x256xf32, #tpu.memory_space<hbm>>, %arg3: memref<81920xi32, #tpu.memory_space<hbm>>, %arg4: memref<20x256xf32, #tpu.memory_space<hbm>>, %arg5: memref<4096x256xf32, #tpu.memory_space<hbm>>, %arg6: memref<2560xi32, #tpu.memory_space<vmem>>, %arg7: memref<160x256xf32, #tpu.memory_space<vmem>>, %arg8: memref<160x256xf32, #tpu.memory_space<vmem>>, %arg9: memref<20x256xf32, #tpu.memory_space<vmem>>, %arg10: memref<8x256xf32, #tpu.memory_space<vmem>>, %arg11: memref<8x256xf32, #tpu.memory_space<vmem>>, %arg12: memref<!tpu.dma_semaphore, #tpu.memory_space<semaphore_mem>>, %arg13: memref<!tpu.dma_semaphore, #tpu.memory_space<semaphore_mem>>, %arg14: memref<!tpu.dma_semaphore, #tpu.memory_space<semaphore_mem>>, %arg15: memref<!tpu.dma_semaphore, #tpu.memory_space<semaphore_mem>>) attributes {dimension_semantics = [#tpu.dimension_semantics<core_parallel>, #tpu.dimension_semantics<subcore_parallel>], iteration_bounds = array<i64: 2, 16>, scalar_prefetch = 0 : i64, scratch_operands = 10 : i64, tpu.core_type = #tpu.core_type<sc_vector_subcore>, window_params = [{transform_indices = #map}, {transform_indices = #map1}, {transform_indices = #map}, {transform_indices = #map}]} {
    %mul3A = arith.constant 2 : i32
    %mul3A_0 = arith.muli %arg1, %mul3A : i32
    %add3A = arith.addi %mul3A_0, %arg0 : i32
    "tpu.region"() ({
      %run_scoped3A = tpu.sem_alloc : memref<!tpu.dma_semaphore, #tpu.memory_space<semaphore_mem>>
      tpu.enqueue_dma source(%arg4 : memref<20x256xf32, #tpu.memory_space<hbm>>) target(%arg9 : memref<20x256xf32, #tpu.memory_space<vmem>>) target_semaphore(%run_scoped3A : memref<!tpu.dma_semaphore, #tpu.memory_space<semaphore_mem>>)
      tpu.wait_dma2 semaphore(%run_scoped3A : memref<!tpu.dma_semaphore, #tpu.memory_space<semaphore_mem>>) src(%arg4 : memref<20x256xf32, #tpu.memory_space<hbm>>) dst(%arg9 : memref<20x256xf32, #tpu.memory_space<vmem>>)
      tpu.yield
    }) : () -> ()
    %mul3A_1 = arith.constant 128 : i32
    %mul3A_2 = arith.muli %add3A, %mul3A_1 : i32
    %mul3A_3 = arith.constant 20 : i32
    %mul3A_4 = arith.muli %mul3A_2, %mul3A_3 : i32
    "tpu.region"() ({
      %run_scoped3A = tpu.sem_alloc : memref<!tpu.dma_semaphore, #tpu.memory_space<semaphore_mem>>
      %dma_start3A_52 = tpu.memref_slice %arg3[%mul3A_4] : memref<81920xi32, #tpu.memory_space<hbm>> -> memref<2560xi32, #tpu.memory_space<hbm>>
      %dma_start3A_53 = tpu.memref_slice %arg3[%mul3A_4] : memref<81920xi32, #tpu.memory_space<hbm>> -> memref<2560xi32, #tpu.memory_space<hbm>>
      tpu.enqueue_dma source(%dma_start3A_53 : memref<2560xi32, #tpu.memory_space<hbm>>) target(%arg6 : memref<2560xi32, #tpu.memory_space<vmem>>) target_semaphore(%run_scoped3A : memref<!tpu.dma_semaphore, #tpu.memory_space<semaphore_mem>>)
      %dma_wait3A_54 = tpu.memref_slice %arg3[%mul3A_4] : memref<81920xi32, #tpu.memory_space<hbm>> -> memref<2560xi32, #tpu.memory_space<hbm>>
      %dma_wait3A_55 = tpu.memref_slice %arg3[%mul3A_4] : memref<81920xi32, #tpu.memory_space<hbm>> -> memref<2560xi32, #tpu.memory_space<hbm>>
      tpu.wait_dma2 semaphore(%run_scoped3A : memref<!tpu.dma_semaphore, #tpu.memory_space<semaphore_mem>>) src(%dma_wait3A_55 : memref<2560xi32, #tpu.memory_space<hbm>>) dst(%arg6 : memref<2560xi32, #tpu.memory_space<vmem>>)
      tpu.yield
    }) : () -> ()
    %dma_start3A = arith.constant 0 : i32
    %dma_start3A_5 = arith.constant 0 : i32
    %dma_start3A_6 = tpu.memref_slice %arg7[%dma_start3A, %dma_start3A_5] : memref<160x256xf32, #tpu.memory_space<vmem>> -> memref<80x256xf32, #tpu.memory_space<vmem>>
    %dma_start3A_7 = arith.constant 0 : i32
    %dma_start3A_8 = tpu.memref_slice %arg6[%dma_start3A_7] : memref<2560xi32, #tpu.memory_space<vmem>> -> memref<80xi32, #tpu.memory_space<vmem>>
    %dma_start3A_9 = arith.constant 0 : i32
    %dma_start3A_10 = arith.constant 0 : i32
    %dma_start3A_11 = tpu.memref_slice %arg2[%dma_start3A_9, %dma_start3A_10] : memref<4096x256xf32, #tpu.memory_space<hbm>> -> memref<4096x256xf32, #tpu.memory_space<hbm>>
    tpu.enqueue_indirect_dma source(%dma_start3A_11 : memref<4096x256xf32, #tpu.memory_space<hbm>>) target(%dma_start3A_6 : memref<80x256xf32, #tpu.memory_space<vmem>>) offsets(%dma_start3A_8 : memref<80xi32, #tpu.memory_space<vmem>>) semaphore(%arg12 : memref<!tpu.dma_semaphore, #tpu.memory_space<semaphore_mem>>)
    %dma_start3A_12 = arith.constant 80 : i32
    %dma_start3A_13 = arith.constant 0 : i32
    %dma_start3A_14 = tpu.memref_slice %arg7[%dma_start3A_12, %dma_start3A_13] : memref<160x256xf32, #tpu.memory_space<vmem>> -> memref<80x256xf32, #tpu.memory_space<vmem>>
    %dma_start3A_15 = arith.constant 80 : i32
    %dma_start3A_16 = tpu.memref_slice %arg6[%dma_start3A_15] : memref<2560xi32, #tpu.memory_space<vmem>> -> memref<80xi32, #tpu.memory_space<vmem>>
    %dma_start3A_17 = arith.constant 0 : i32
    %dma_start3A_18 = arith.constant 0 : i32
    %dma_start3A_19 = tpu.memref_slice %arg2[%dma_start3A_17, %dma_start3A_18] : memref<4096x256xf32, #tpu.memory_space<hbm>> -> memref<4096x256xf32, #tpu.memory_space<hbm>>
    tpu.enqueue_indirect_dma source(%dma_start3A_19 : memref<4096x256xf32, #tpu.memory_space<hbm>>) target(%dma_start3A_14 : memref<80x256xf32, #tpu.memory_space<vmem>>) offsets(%dma_start3A_16 : memref<80xi32, #tpu.memory_space<vmem>>) semaphore(%arg12 : memref<!tpu.dma_semaphore, #tpu.memory_space<semaphore_mem>>)
    %dma_start3A_20 = arith.constant 0 : i32
    %dma_start3A_21 = arith.constant 0 : i32
    %dma_start3A_22 = tpu.memref_slice %arg8[%dma_start3A_20, %dma_start3A_21] : memref<160x256xf32, #tpu.memory_space<vmem>> -> memref<80x256xf32, #tpu.memory_space<vmem>>
    %dma_start3A_23 = arith.constant 160 : i32
    %dma_start3A_24 = tpu.memref_slice %arg6[%dma_start3A_23] : memref<2560xi32, #tpu.memory_space<vmem>> -> memref<80xi32, #tpu.memory_space<vmem>>
    %dma_start3A_25 = arith.constant 0 : i32
    %dma_start3A_26 = arith.constant 0 : i32
    %dma_start3A_27 = tpu.memref_slice %arg2[%dma_start3A_25, %dma_start3A_26] : memref<4096x256xf32, #tpu.memory_space<hbm>> -> memref<4096x256xf32, #tpu.memory_space<hbm>>
    tpu.enqueue_indirect_dma source(%dma_start3A_27 : memref<4096x256xf32, #tpu.memory_space<hbm>>) target(%dma_start3A_22 : memref<80x256xf32, #tpu.memory_space<vmem>>) offsets(%dma_start3A_24 : memref<80xi32, #tpu.memory_space<vmem>>) semaphore(%arg13 : memref<!tpu.dma_semaphore, #tpu.memory_space<semaphore_mem>>)
    %dma_start3A_28 = arith.constant 80 : i32
    %dma_start3A_29 = arith.constant 0 : i32
    %dma_start3A_30 = tpu.memref_slice %arg8[%dma_start3A_28, %dma_start3A_29] : memref<160x256xf32, #tpu.memory_space<vmem>> -> memref<80x256xf32, #tpu.memory_space<vmem>>
    %dma_start3A_31 = arith.constant 240 : i32
    %dma_start3A_32 = tpu.memref_slice %arg6[%dma_start3A_31] : memref<2560xi32, #tpu.memory_space<vmem>> -> memref<80xi32, #tpu.memory_space<vmem>>
    %dma_start3A_33 = arith.constant 0 : i32
    %dma_start3A_34 = arith.constant 0 : i32
    %dma_start3A_35 = tpu.memref_slice %arg2[%dma_start3A_33, %dma_start3A_34] : memref<4096x256xf32, #tpu.memory_space<hbm>> -> memref<4096x256xf32, #tpu.memory_space<hbm>>
    tpu.enqueue_indirect_dma source(%dma_start3A_35 : memref<4096x256xf32, #tpu.memory_space<hbm>>) target(%dma_start3A_30 : memref<80x256xf32, #tpu.memory_space<vmem>>) offsets(%dma_start3A_32 : memref<80xi32, #tpu.memory_space<vmem>>) semaphore(%arg13 : memref<!tpu.dma_semaphore, #tpu.memory_space<semaphore_mem>>)
    %scan3A = arith.constant 0 : i32
    %scan3A_36 = arith.constant 0 : i32
    %scan3A_37 = arith.constant 8 : i32
    %scan3A_38 = arith.addi %scan3A_36, %scan3A_37 : i32
    %scan3A_39 = arith.constant 1 : i32
    scf.for %scan3A_52 = %scan3A_36 to %scan3A_38 step %scan3A_39  : i32 {
      %mul3A_53 = arith.constant 2 : i32
      %mul3A_54 = arith.muli %scan3A_52, %mul3A_53 : i32
      %add3A_55 = arith.constant 0 : i32
      %add3A_56 = arith.addi %mul3A_54, %add3A_55 : i32
      %mul3A_57 = arith.constant 160 : i32
      %mul3A_58 = arith.muli %add3A_56, %mul3A_57 : i32
      %dma_wait3A_59 = arith.constant 0 : i32
      %dma_wait3A_60 = arith.constant 0 : i32
      %dma_wait3A_61 = tpu.memref_slice %arg7[%dma_wait3A_59, %dma_wait3A_60] : memref<160x256xf32, #tpu.memory_space<vmem>> -> memref<80x256xf32, #tpu.memory_space<vmem>>
      %dma_wait3A_62 = tpu.memref_slice %arg6[%mul3A_58] : memref<2560xi32, #tpu.memory_space<vmem>> -> memref<80xi32, #tpu.memory_space<vmem>>
      %dma_wait3A_63 = arith.constant 0 : i32
      %dma_wait3A_64 = arith.constant 0 : i32
      %dma_wait3A_65 = tpu.memref_slice %arg2[%dma_wait3A_63, %dma_wait3A_64] : memref<4096x256xf32, #tpu.memory_space<hbm>> -> memref<4096x256xf32, #tpu.memory_space<hbm>>
      tpu.wait_indirect_dma semaphore(%arg12 : memref<!tpu.dma_semaphore, #tpu.memory_space<semaphore_mem>>) src(%dma_wait3A_65 : memref<4096x256xf32, #tpu.memory_space<hbm>>) dst(%dma_wait3A_61 : memref<80x256xf32, #tpu.memory_space<vmem>>)
      %mul3A_66 = arith.constant 160 : i32
      %mul3A_67 = arith.muli %add3A_56, %mul3A_66 : i32
      %add3A_68 = arith.constant 80 : i32
      %add3A_69 = arith.addi %mul3A_67, %add3A_68 : i32
      %dma_wait3A_70 = arith.constant 80 : i32
      %dma_wait3A_71 = arith.constant 0 : i32
      %dma_wait3A_72 = tpu.memref_slice %arg7[%dma_wait3A_70, %dma_wait3A_71] : memref<160x256xf32, #tpu.memory_space<vmem>> -> memref<80x256xf32, #tpu.memory_space<vmem>>
      %dma_wait3A_73 = tpu.memref_slice %arg6[%add3A_69] : memref<2560xi32, #tpu.memory_space<vmem>> -> memref<80xi32, #tpu.memory_space<vmem>>
      %dma_wait3A_74 = arith.constant 0 : i32
      %dma_wait3A_75 = arith.constant 0 : i32
      %dma_wait3A_76 = tpu.memref_slice %arg2[%dma_wait3A_74, %dma_wait3A_75] : memref<4096x256xf32, #tpu.memory_space<hbm>> -> memref<4096x256xf32, #tpu.memory_space<hbm>>
      tpu.wait_indirect_dma semaphore(%arg12 : memref<!tpu.dma_semaphore, #tpu.memory_space<semaphore_mem>>) src(%dma_wait3A_76 : memref<4096x256xf32, #tpu.memory_space<hbm>>) dst(%dma_wait3A_72 : memref<80x256xf32, #tpu.memory_space<vmem>>)
      %ge3A = arith.constant 2 : i32
      %ge3A_77 = arith.cmpi sge, %add3A_56, %ge3A : i32
      %convert_element_type3A = arith.extui %ge3A_77 : i1 to i32
      %cond3A = arith.constant 0 : i32
      %cond3A_78 = arith.cmpi ne, %convert_element_type3A, %cond3A : i32
      scf.if %cond3A_78 {
        %sub3A = arith.constant 2 : i32
        %sub3A_138 = arith.subi %add3A_56, %sub3A : i32
        %mul3A_139 = arith.constant 8 : i32
        %mul3A_140 = arith.muli %sub3A_138, %mul3A_139 : i32
        %add3A_141 = arith.addi %mul3A_2, %mul3A_140 : i32
        %dma_wait3A_142 = arith.constant 0 : i32
        %dma_wait3A_143 = tpu.memref_slice %arg5[%add3A_141, %dma_wait3A_142] : memref<4096x256xf32, #tpu.memory_space<hbm>> -> memref<8x256xf32, #tpu.memory_space<hbm>>
        %dma_wait3A_144 = arith.constant 0 : i32
        %dma_wait3A_145 = tpu.memref_slice %arg5[%add3A_141, %dma_wait3A_144] : memref<4096x256xf32, #tpu.memory_space<hbm>> -> memref<8x256xf32, #tpu.memory_space<hbm>>
        tpu.wait_dma2 semaphore(%arg14 : memref<!tpu.dma_semaphore, #tpu.memory_space<semaphore_mem>>) src(%arg10 : memref<8x256xf32, #tpu.memory_space<vmem>>) dst(%dma_wait3A_145 : memref<8x256xf32, #tpu.memory_space<hbm>>)
      } else {
      }
      %parallel_loop3A = arith.constant 0 : i32
      %parallel_loop3A_79 = arith.constant 16 : i32
      %parallel_loop3A_80 = arith.constant 1 : i32
      scf.for %parallel_loop3A_138 = %parallel_loop3A to %parallel_loop3A_79 step %parallel_loop3A_80  : i32 {
        %parallel_loop3A_139 = arith.constant 16 : i32
        %parallel_loop3A_140 = arith.muli %parallel_loop3A_138, %parallel_loop3A_139 : i32
        %parallel_loop3A_141 = arith.constant 0 : i32
        %parallel_loop3A_142 = arith.index_cast %parallel_loop3A_141 : i32 to index
        %parallel_loop3A_143 = arith.index_cast %parallel_loop3A_140 : i32 to index
        %parallel_loop3A_144 = tpu.vector_load %arg9[%parallel_loop3A_142, %parallel_loop3A_143] {strides = array<i32>} : memref<20x256xf32, #tpu.memory_space<vmem>>, vector<1x16xf32>,
        %parallel_loop3A_145 = vector.shape_cast %parallel_loop3A_144 : vector<1x16xf32> to vector<16xf32>
        %parallel_loop3A_146 = arith.constant 1 : i32
        %parallel_loop3A_147 = arith.index_cast %parallel_loop3A_146 : i32 to index
        %parallel_loop3A_148 = arith.index_cast %parallel_loop3A_140 : i32 to index
        %parallel_loop3A_149 = tpu.vector_load %arg9[%parallel_loop3A_147, %parallel_loop3A_148] {strides = array<i32>} : memref<20x256xf32, #tpu.memory_space<vmem>>, vector<1x16xf32>,
        %parallel_loop3A_150 = vector.shape_cast %parallel_loop3A_149 : vector<1x16xf32> to vector<16xf32>
        %parallel_loop3A_151 = arith.constant 2 : i32
        %parallel_loop3A_152 = arith.index_cast %parallel_loop3A_151 : i32 to index
        %parallel_loop3A_153 = arith.index_cast %parallel_loop3A_140 : i32 to index
        %parallel_loop3A_154 = tpu.vector_load %arg9[%parallel_loop3A_152, %parallel_loop3A_153] {strides = array<i32>} : memref<20x256xf32, #tpu.memory_space<vmem>>, vector<1x16xf32>,
        %parallel_loop3A_155 = vector.shape_cast %parallel_loop3A_154 : vector<1x16xf32> to vector<16xf32>
        %parallel_loop3A_156 = arith.constant 3 : i32
        %parallel_loop3A_157 = arith.index_cast %parallel_loop3A_156 : i32 to index
        %parallel_loop3A_158 = arith.index_cast %parallel_loop3A_140 : i32 to index
        %parallel_loop3A_159 = tpu.vector_load %arg9[%parallel_loop3A_157, %parallel_loop3A_158] {strides = array<i32>} : memref<20x256xf32, #tpu.memory_space<vmem>>, vector<1x16xf32>,
        %parallel_loop3A_160 = vector.shape_cast %parallel_loop3A_159 : vector<1x16xf32> to vector<16xf32>
        %parallel_loop3A_161 = arith.constant 4 : i32
        %parallel_loop3A_162 = arith.index_cast %parallel_loop3A_161 : i32 to index
        %parallel_loop3A_163 = arith.index_cast %parallel_loop3A_140 : i32 to index
        %parallel_loop3A_164 = tpu.vector_load %arg9[%parallel_loop3A_162, %parallel_loop3A_163] {strides = array<i32>} : memref<20x256xf32, #tpu.memory_space<vmem>>, vector<1x16xf32>,
        %parallel_loop3A_165 = vector.shape_cast %parallel_loop3A_164 : vector<1x16xf32> to vector<16xf32>
        %parallel_loop3A_166 = arith.constant 5 : i32
        %parallel_loop3A_167 = arith.index_cast %parallel_loop3A_166 : i32 to index
        %parallel_loop3A_168 = arith.index_cast %parallel_loop3A_140 : i32 to index
        %parallel_loop3A_169 = tpu.vector_load %arg9[%parallel_loop3A_167, %parallel_loop3A_168] {strides = array<i32>} : memref<20x256xf32, #tpu.memory_space<vmem>>, vector<1x16xf32>,
        %parallel_loop3A_170 = vector.shape_cast %parallel_loop3A_169 : vector<1x16xf32> to vector<16xf32>
        %parallel_loop3A_171 = arith.constant 6 : i32
        %parallel_loop3A_172 = arith.index_cast %parallel_loop3A_171 : i32 to index
        %parallel_loop3A_173 = arith.index_cast %parallel_loop3A_140 : i32 to index
        %parallel_loop3A_174 = tpu.vector_load %arg9[%parallel_loop3A_172, %parallel_loop3A_173] {strides = array<i32>} : memref<20x256xf32, #tpu.memory_space<vmem>>, vector<1x16xf32>,
        %parallel_loop3A_175 = vector.shape_cast %parallel_loop3A_174 : vector<1x16xf32> to vector<16xf32>
        %parallel_loop3A_176 = arith.constant 7 : i32
        %parallel_loop3A_177 = arith.index_cast %parallel_loop3A_176 : i32 to index
        %parallel_loop3A_178 = arith.index_cast %parallel_loop3A_140 : i32 to index
        %parallel_loop3A_179 = tpu.vector_load %arg9[%parallel_loop3A_177, %parallel_loop3A_178] {strides = array<i32>} : memref<20x256xf32, #tpu.memory_space<vmem>>, vector<1x16xf32>,
        %parallel_loop3A_180 = vector.shape_cast %parallel_loop3A_179 : vector<1x16xf32> to vector<16xf32>
        %parallel_loop3A_181 = arith.constant 8 : i32
        %parallel_loop3A_182 = arith.index_cast %parallel_loop3A_181 : i32 to index
        %parallel_loop3A_183 = arith.index_cast %parallel_loop3A_140 : i32 to index
        %parallel_loop3A_184 = tpu.vector_load %arg9[%parallel_loop3A_182, %parallel_loop3A_183] {strides = array<i32>} : memref<20x256xf32, #tpu.memory_space<vmem>>, vector<1x16xf32>,
        %parallel_loop3A_185 = vector.shape_cast %parallel_loop3A_184 : vector<1x16xf32> to vector<16xf32>
        %parallel_loop3A_186 = arith.constant 9 : i32
        %parallel_loop3A_187 = arith.index_cast %parallel_loop3A_186 : i32 to index
        %parallel_loop3A_188 = arith.index_cast %parallel_loop3A_140 : i32 to index
        %parallel_loop3A_189 = tpu.vector_load %arg9[%parallel_loop3A_187, %parallel_loop3A_188] {strides = array<i32>} : memref<20x256xf32, #tpu.memory_space<vmem>>, vector<1x16xf32>,
        %parallel_loop3A_190 = vector.shape_cast %parallel_loop3A_189 : vector<1x16xf32> to vector<16xf32>
        %parallel_loop3A_191 = arith.constant 10 : i32
        %parallel_loop3A_192 = arith.index_cast %parallel_loop3A_191 : i32 to index
        %parallel_loop3A_193 = arith.index_cast %parallel_loop3A_140 : i32 to index
        %parallel_loop3A_194 = tpu.vector_load %arg9[%parallel_loop3A_192, %parallel_loop3A_193] {strides = array<i32>} : memref<20x256xf32, #tpu.memory_space<vmem>>, vector<1x16xf32>,
        %parallel_loop3A_195 = vector.shape_cast %parallel_loop3A_194 : vector<1x16xf32> to vector<16xf32>
        %parallel_loop3A_196 = arith.constant 11 : i32
        %parallel_loop3A_197 = arith.index_cast %parallel_loop3A_196 : i32 to index
        %parallel_loop3A_198 = arith.index_cast %parallel_loop3A_140 : i32 to index
        %parallel_loop3A_199 = tpu.vector_load %arg9[%parallel_loop3A_197, %parallel_loop3A_198] {strides = array<i32>} : memref<20x256xf32, #tpu.memory_space<vmem>>, vector<1x16xf32>,
        %parallel_loop3A_200 = vector.shape_cast %parallel_loop3A_199 : vector<1x16xf32> to vector<16xf32>
        %parallel_loop3A_201 = arith.constant 12 : i32
        %parallel_loop3A_202 = arith.index_cast %parallel_loop3A_201 : i32 to index
        %parallel_loop3A_203 = arith.index_cast %parallel_loop3A_140 : i32 to index
        %parallel_loop3A_204 = tpu.vector_load %arg9[%parallel_loop3A_202, %parallel_loop3A_203] {strides = array<i32>} : memref<20x256xf32, #tpu.memory_space<vmem>>, vector<1x16xf32>,
        %parallel_loop3A_205 = vector.shape_cast %parallel_loop3A_204 : vector<1x16xf32> to vector<16xf32>
        %parallel_loop3A_206 = arith.constant 13 : i32
        %parallel_loop3A_207 = arith.index_cast %parallel_loop3A_206 : i32 to index
        %parallel_loop3A_208 = arith.index_cast %parallel_loop3A_140 : i32 to index
        %parallel_loop3A_209 = tpu.vector_load %arg9[%parallel_loop3A_207, %parallel_loop3A_208] {strides = array<i32>} : memref<20x256xf32, #tpu.memory_space<vmem>>, vector<1x16xf32>,
        %parallel_loop3A_210 = vector.shape_cast %parallel_loop3A_209 : vector<1x16xf32> to vector<16xf32>
        %parallel_loop3A_211 = arith.constant 14 : i32
        %parallel_loop3A_212 = arith.index_cast %parallel_loop3A_211 : i32 to index
        %parallel_loop3A_213 = arith.index_cast %parallel_loop3A_140 : i32 to index
        %parallel_loop3A_214 = tpu.vector_load %arg9[%parallel_loop3A_212, %parallel_loop3A_213] {strides = array<i32>} : memref<20x256xf32, #tpu.memory_space<vmem>>, vector<1x16xf32>,
        %parallel_loop3A_215 = vector.shape_cast %parallel_loop3A_214 : vector<1x16xf32> to vector<16xf32>
        %parallel_loop3A_216 = arith.constant 15 : i32
        %parallel_loop3A_217 = arith.index_cast %parallel_loop3A_216 : i32 to index
        %parallel_loop3A_218 = arith.index_cast %parallel_loop3A_140 : i32 to index
        %parallel_loop3A_219 = tpu.vector_load %arg9[%parallel_loop3A_217, %parallel_loop3A_218] {strides = array<i32>} : memref<20x256xf32, #tpu.memory_space<vmem>>, vector<1x16xf32>,
        %parallel_loop3A_220 = vector.shape_cast %parallel_loop3A_219 : vector<1x16xf32> to vector<16xf32>
        %parallel_loop3A_221 = arith.constant 16 : i32
        %parallel_loop3A_222 = arith.index_cast %parallel_loop3A_221 : i32 to index
        %parallel_loop3A_223 = arith.index_cast %parallel_loop3A_140 : i32 to index
        %parallel_loop3A_224 = tpu.vector_load %arg9[%parallel_loop3A_222, %parallel_loop3A_223] {strides = array<i32>} : memref<20x256xf32, #tpu.memory_space<vmem>>, vector<1x16xf32>,
        %parallel_loop3A_225 = vector.shape_cast %parallel_loop3A_224 : vector<1x16xf32> to vector<16xf32>
        %parallel_loop3A_226 = arith.constant 17 : i32
        %parallel_loop3A_227 = arith.index_cast %parallel_loop3A_226 : i32 to index
        %parallel_loop3A_228 = arith.index_cast %parallel_loop3A_140 : i32 to index
        %parallel_loop3A_229 = tpu.vector_load %arg9[%parallel_loop3A_227, %parallel_loop3A_228] {strides = array<i32>} : memref<20x256xf32, #tpu.memory_space<vmem>>, vector<1x16xf32>,
        %parallel_loop3A_230 = vector.shape_cast %parallel_loop3A_229 : vector<1x16xf32> to vector<16xf32>
        %parallel_loop3A_231 = arith.constant 18 : i32
        %parallel_loop3A_232 = arith.index_cast %parallel_loop3A_231 : i32 to index
        %parallel_loop3A_233 = arith.index_cast %parallel_loop3A_140 : i32 to index
        %parallel_loop3A_234 = tpu.vector_load %arg9[%parallel_loop3A_232, %parallel_loop3A_233] {strides = array<i32>} : memref<20x256xf32, #tpu.memory_space<vmem>>, vector<1x16xf32>,
        %parallel_loop3A_235 = vector.shape_cast %parallel_loop3A_234 : vector<1x16xf32> to vector<16xf32>
        %parallel_loop3A_236 = arith.constant 19 : i32
        %parallel_loop3A_237 = arith.index_cast %parallel_loop3A_236 : i32 to index
        %parallel_loop3A_238 = arith.index_cast %parallel_loop3A_140 : i32 to index
        %parallel_loop3A_239 = tpu.vector_load %arg9[%parallel_loop3A_237, %parallel_loop3A_238] {strides = array<i32>} : memref<20x256xf32, #tpu.memory_space<vmem>>, vector<1x16xf32>,
        %parallel_loop3A_240 = vector.shape_cast %parallel_loop3A_239 : vector<1x16xf32> to vector<16xf32>
        %parallel_loop3A_241 = arith.constant 0 : i32
        %parallel_loop3A_242 = arith.index_cast %parallel_loop3A_241 : i32 to index
        %parallel_loop3A_243 = arith.index_cast %parallel_loop3A_140 : i32 to index
        %parallel_loop3A_244 = tpu.vector_load %arg7[%parallel_loop3A_242, %parallel_loop3A_243] {strides = array<i32>} : memref<160x256xf32, #tpu.memory_space<vmem>>, vector<1x16xf32>,
        %parallel_loop3A_245 = vector.shape_cast %parallel_loop3A_244 : vector<1x16xf32> to vector<16xf32>
        %parallel_loop3A_246 = arith.mulf %parallel_loop3A_245, %parallel_loop3A_145 : vector<16xf32>
        %parallel_loop3A_247 = arith.constant 1 : i32
        %parallel_loop3A_248 = arith.index_cast %parallel_loop3A_247 : i32 to index
        %parallel_loop3A_249 = arith.index_cast %parallel_loop3A_140 : i32 to index
        %parallel_loop3A_250 = tpu.vector_load %arg7[%parallel_loop3A_248, %parallel_loop3A_249] {strides = array<i32>} : memref<160x256xf32, #tpu.memory_space<vmem>>, vector<1x16xf32>,
        %parallel_loop3A_251 = vector.shape_cast %parallel_loop3A_250 : vector<1x16xf32> to vector<16xf32>
        %parallel_loop3A_252 = arith.mulf %parallel_loop3A_251, %parallel_loop3A_150 : vector<16xf32>
        %parallel_loop3A_253 = arith.addf %parallel_loop3A_246, %parallel_loop3A_252 : vector<16xf32>
        %parallel_loop3A_254 = arith.constant 2 : i32
        %parallel_loop3A_255 = arith.index_cast %parallel_loop3A_254 : i32 to index
        %parallel_loop3A_256 = arith.index_cast %parallel_loop3A_140 : i32 to index
        %parallel_loop3A_257 = tpu.vector_load %arg7[%parallel_loop3A_255, %parallel_loop3A_256] {strides = array<i32>} : memref<160x256xf32, #tpu.memory_space<vmem>>, vector<1x16xf32>,
        %parallel_loop3A_258 = vector.shape_cast %parallel_loop3A_257 : vector<1x16xf32> to vector<16xf32>
        %parallel_loop3A_259 = arith.mulf %parallel_loop3A_258, %parallel_loop3A_155 : vector<16xf32>
        %parallel_loop3A_260 = arith.addf %parallel_loop3A_253, %parallel_loop3A_259 : vector<16xf32>
        %parallel_loop3A_261 = arith.constant 3 : i32
        %parallel_loop3A_262 = arith.index_cast %parallel_loop3A_261 : i32 to index
        %parallel_loop3A_263 = arith.index_cast %parallel_loop3A_140 : i32 to index
        %parallel_loop3A_264 = tpu.vector_load %arg7[%parallel_loop3A_262, %parallel_loop3A_263] {strides = array<i32>} : memref<160x256xf32, #tpu.memory_space<vmem>>, vector<1x16xf32>,
        %parallel_loop3A_265 = vector.shape_cast %parallel_loop3A_264 : vector<1x16xf32> to vector<16xf32>
        %parallel_loop3A_266 = arith.mulf %parallel_loop3A_265, %parallel_loop3A_160 : vector<16xf32>
        %parallel_loop3A_267 = arith.addf %parallel_loop3A_260, %parallel_loop3A_266 : vector<16xf32>
        %parallel_loop3A_268 = arith.constant 4 : i32
        %parallel_loop3A_269 = arith.index_cast %parallel_loop3A_268 : i32 to index
        %parallel_loop3A_270 = arith.index_cast %parallel_loop3A_140 : i32 to index
        %parallel_loop3A_271 = tpu.vector_load %arg7[%parallel_loop3A_269, %parallel_loop3A_270] {strides = array<i32>} : memref<160x256xf32, #tpu.memory_space<vmem>>, vector<1x16xf32>,
        %parallel_loop3A_272 = vector.shape_cast %parallel_loop3A_271 : vector<1x16xf32> to vector<16xf32>
        %parallel_loop3A_273 = arith.mulf %parallel_loop3A_272, %parallel_loop3A_165 : vector<16xf32>
        %parallel_loop3A_274 = arith.addf %parallel_loop3A_267, %parallel_loop3A_273 : vector<16xf32>
        %parallel_loop3A_275 = arith.constant 5 : i32
        %parallel_loop3A_276 = arith.index_cast %parallel_loop3A_275 : i32 to index
        %parallel_loop3A_277 = arith.index_cast %parallel_loop3A_140 : i32 to index
        %parallel_loop3A_278 = tpu.vector_load %arg7[%parallel_loop3A_276, %parallel_loop3A_277] {strides = array<i32>} : memref<160x256xf32, #tpu.memory_space<vmem>>, vector<1x16xf32>,
        %parallel_loop3A_279 = vector.shape_cast %parallel_loop3A_278 : vector<1x16xf32> to vector<16xf32>
        %parallel_loop3A_280 = arith.mulf %parallel_loop3A_279, %parallel_loop3A_170 : vector<16xf32>
        %parallel_loop3A_281 = arith.addf %parallel_loop3A_274, %parallel_loop3A_280 : vector<16xf32>
        %parallel_loop3A_282 = arith.constant 6 : i32
        %parallel_loop3A_283 = arith.index_cast %parallel_loop3A_282 : i32 to index
        %parallel_loop3A_284 = arith.index_cast %parallel_loop3A_140 : i32 to index
        %parallel_loop3A_285 = tpu.vector_load %arg7[%parallel_loop3A_283, %parallel_loop3A_284] {strides = array<i32>} : memref<160x256xf32, #tpu.memory_space<vmem>>, vector<1x16xf32>,
        %parallel_loop3A_286 = vector.shape_cast %parallel_loop3A_285 : vector<1x16xf32> to vector<16xf32>
        %parallel_loop3A_287 = arith.mulf %parallel_loop3A_286, %parallel_loop3A_175 : vector<16xf32>
        %parallel_loop3A_288 = arith.addf %parallel_loop3A_281, %parallel_loop3A_287 : vector<16xf32>
        %parallel_loop3A_289 = arith.constant 7 : i32
        %parallel_loop3A_290 = arith.index_cast %parallel_loop3A_289 : i32 to index
        %parallel_loop3A_291 = arith.index_cast %parallel_loop3A_140 : i32 to index
        %parallel_loop3A_292 = tpu.vector_load %arg7[%parallel_loop3A_290, %parallel_loop3A_291] {strides = array<i32>} : memref<160x256xf32, #tpu.memory_space<vmem>>, vector<1x16xf32>,
        %parallel_loop3A_293 = vector.shape_cast %parallel_loop3A_292 : vector<1x16xf32> to vector<16xf32>
        %parallel_loop3A_294 = arith.mulf %parallel_loop3A_293, %parallel_loop3A_180 : vector<16xf32>
        %parallel_loop3A_295 = arith.addf %parallel_loop3A_288, %parallel_loop3A_294 : vector<16xf32>
        %parallel_loop3A_296 = arith.constant 8 : i32
        %parallel_loop3A_297 = arith.index_cast %parallel_loop3A_296 : i32 to index
        %parallel_loop3A_298 = arith.index_cast %parallel_loop3A_140 : i32 to index
        %parallel_loop3A_299 = tpu.vector_load %arg7[%parallel_loop3A_297, %parallel_loop3A_298] {strides = array<i32>} : memref<160x256xf32, #tpu.memory_space<vmem>>, vector<1x16xf32>,
        %parallel_loop3A_300 = vector.shape_cast %parallel_loop3A_299 : vector<1x16xf32> to vector<16xf32>
        %parallel_loop3A_301 = arith.mulf %parallel_loop3A_300, %parallel_loop3A_185 : vector<16xf32>
        %parallel_loop3A_302 = arith.addf %parallel_loop3A_295, %parallel_loop3A_301 : vector<16xf32>
        %parallel_loop3A_303 = arith.constant 9 : i32
        %parallel_loop3A_304 = arith.index_cast %parallel_loop3A_303 : i32 to index
        %parallel_loop3A_305 = arith.index_cast %parallel_loop3A_140 : i32 to index
        %parallel_loop3A_306 = tpu.vector_load %arg7[%parallel_loop3A_304, %parallel_loop3A_305] {strides = array<i32>} : memref<160x256xf32, #tpu.memory_space<vmem>>, vector<1x16xf32>,
        %parallel_loop3A_307 = vector.shape_cast %parallel_loop3A_306 : vector<1x16xf32> to vector<16xf32>
        %parallel_loop3A_308 = arith.mulf %parallel_loop3A_307, %parallel_loop3A_190 : vector<16xf32>
        %parallel_loop3A_309 = arith.addf %parallel_loop3A_302, %parallel_loop3A_308 : vector<16xf32>
        %parallel_loop3A_310 = arith.constant 10 : i32
        %parallel_loop3A_311 = arith.index_cast %parallel_loop3A_310 : i32 to index
        %parallel_loop3A_312 = arith.index_cast %parallel_loop3A_140 : i32 to index
        %parallel_loop3A_313 = tpu.vector_load %arg7[%parallel_loop3A_311, %parallel_loop3A_312] {strides = array<i32>} : memref<160x256xf32, #tpu.memory_space<vmem>>, vector<1x16xf32>,
        %parallel_loop3A_314 = vector.shape_cast %parallel_loop3A_313 : vector<1x16xf32> to vector<16xf32>
        %parallel_loop3A_315 = arith.mulf %parallel_loop3A_314, %parallel_loop3A_195 : vector<16xf32>
        %parallel_loop3A_316 = arith.addf %parallel_loop3A_309, %parallel_loop3A_315 : vector<16xf32>
        %parallel_loop3A_317 = arith.constant 11 : i32
        %parallel_loop3A_318 = arith.index_cast %parallel_loop3A_317 : i32 to index
        %parallel_loop3A_319 = arith.index_cast %parallel_loop3A_140 : i32 to index
        %parallel_loop3A_320 = tpu.vector_load %arg7[%parallel_loop3A_318, %parallel_loop3A_319] {strides = array<i32>} : memref<160x256xf32, #tpu.memory_space<vmem>>, vector<1x16xf32>,
        %parallel_loop3A_321 = vector.shape_cast %parallel_loop3A_320 : vector<1x16xf32> to vector<16xf32>
        %parallel_loop3A_322 = arith.mulf %parallel_loop3A_321, %parallel_loop3A_200 : vector<16xf32>
        %parallel_loop3A_323 = arith.addf %parallel_loop3A_316, %parallel_loop3A_322 : vector<16xf32>
        %parallel_loop3A_324 = arith.constant 12 : i32
        %parallel_loop3A_325 = arith.index_cast %parallel_loop3A_324 : i32 to index
        %parallel_loop3A_326 = arith.index_cast %parallel_loop3A_140 : i32 to index
        %parallel_loop3A_327 = tpu.vector_load %arg7[%parallel_loop3A_325, %parallel_loop3A_326] {strides = array<i32>} : memref<160x256xf32, #tpu.memory_space<vmem>>, vector<1x16xf32>,
        %parallel_loop3A_328 = vector.shape_cast %parallel_loop3A_327 : vector<1x16xf32> to vector<16xf32>
        %parallel_loop3A_329 = arith.mulf %parallel_loop3A_328, %parallel_loop3A_205 : vector<16xf32>
        %parallel_loop3A_330 = arith.addf %parallel_loop3A_323, %parallel_loop3A_329 : vector<16xf32>
        %parallel_loop3A_331 = arith.constant 13 : i32
        %parallel_loop3A_332 = arith.index_cast %parallel_loop3A_331 : i32 to index
        %parallel_loop3A_333 = arith.index_cast %parallel_loop3A_140 : i32 to index
        %parallel_loop3A_334 = tpu.vector_load %arg7[%parallel_loop3A_332, %parallel_loop3A_333] {strides = array<i32>} : memref<160x256xf32, #tpu.memory_space<vmem>>, vector<1x16xf32>,
        %parallel_loop3A_335 = vector.shape_cast %parallel_loop3A_334 : vector<1x16xf32> to vector<16xf32>
        %parallel_loop3A_336 = arith.mulf %parallel_loop3A_335, %parallel_loop3A_210 : vector<16xf32>
        %parallel_loop3A_337 = arith.addf %parallel_loop3A_330, %parallel_loop3A_336 : vector<16xf32>
        %parallel_loop3A_338 = arith.constant 14 : i32
        %parallel_loop3A_339 = arith.index_cast %parallel_loop3A_338 : i32 to index
        %parallel_loop3A_340 = arith.index_cast %parallel_loop3A_140 : i32 to index
        %parallel_loop3A_341 = tpu.vector_load %arg7[%parallel_loop3A_339, %parallel_loop3A_340] {strides = array<i32>} : memref<160x256xf32, #tpu.memory_space<vmem>>, vector<1x16xf32>,
        %parallel_loop3A_342 = vector.shape_cast %parallel_loop3A_341 : vector<1x16xf32> to vector<16xf32>
        %parallel_loop3A_343 = arith.mulf %parallel_loop3A_342, %parallel_loop3A_215 : vector<16xf32>
        %parallel_loop3A_344 = arith.addf %parallel_loop3A_337, %parallel_loop3A_343 : vector<16xf32>
        %parallel_loop3A_345 = arith.constant 15 : i32
        %parallel_loop3A_346 = arith.index_cast %parallel_loop3A_345 : i32 to index
        %parallel_loop3A_347 = arith.index_cast %parallel_loop3A_140 : i32 to index
        %parallel_loop3A_348 = tpu.vector_load %arg7[%parallel_loop3A_346, %parallel_loop3A_347] {strides = array<i32>} : memref<160x256xf32, #tpu.memory_space<vmem>>, vector<1x16xf32>,
        %parallel_loop3A_349 = vector.shape_cast %parallel_loop3A_348 : vector<1x16xf32> to vector<16xf32>
        %parallel_loop3A_350 = arith.mulf %parallel_loop3A_349, %parallel_loop3A_220 : vector<16xf32>
        %parallel_loop3A_351 = arith.addf %parallel_loop3A_344, %parallel_loop3A_350 : vector<16xf32>
        %parallel_loop3A_352 = arith.constant 16 : i32
        %parallel_loop3A_353 = arith.index_cast %parallel_loop3A_352 : i32 to index
        %parallel_loop3A_354 = arith.index_cast %parallel_loop3A_140 : i32 to index
        %parallel_loop3A_355 = tpu.vector_load %arg7[%parallel_loop3A_353, %parallel_loop3A_354] {strides = array<i32>} : memref<160x256xf32, #tpu.memory_space<vmem>>, vector<1x16xf32>,
        %parallel_loop3A_356 = vector.shape_cast %parallel_loop3A_355 : vector<1x16xf32> to vector<16xf32>
        %parallel_loop3A_357 = arith.mulf %parallel_loop3A_356, %parallel_loop3A_225 : vector<16xf32>
        %parallel_loop3A_358 = arith.addf %parallel_loop3A_351, %parallel_loop3A_357 : vector<16xf32>
        %parallel_loop3A_359 = arith.constant 17 : i32
        %parallel_loop3A_360 = arith.index_cast %parallel_loop3A_359 : i32 to index
        %parallel_loop3A_361 = arith.index_cast %parallel_loop3A_140 : i32 to index
        %parallel_loop3A_362 = tpu.vector_load %arg7[%parallel_loop3A_360, %parallel_loop3A_361] {strides = array<i32>} : memref<160x256xf32, #tpu.memory_space<vmem>>, vector<1x16xf32>,
        %parallel_loop3A_363 = vector.shape_cast %parallel_loop3A_362 : vector<1x16xf32> to vector<16xf32>
        %parallel_loop3A_364 = arith.mulf %parallel_loop3A_363, %parallel_loop3A_230 : vector<16xf32>
        %parallel_loop3A_365 = arith.addf %parallel_loop3A_358, %parallel_loop3A_364 : vector<16xf32>
        %parallel_loop3A_366 = arith.constant 18 : i32
        %parallel_loop3A_367 = arith.index_cast %parallel_loop3A_366 : i32 to index
        %parallel_loop3A_368 = arith.index_cast %parallel_loop3A_140 : i32 to index
        %parallel_loop3A_369 = tpu.vector_load %arg7[%parallel_loop3A_367, %parallel_loop3A_368] {strides = array<i32>} : memref<160x256xf32, #tpu.memory_space<vmem>>, vector<1x16xf32>,
        %parallel_loop3A_370 = vector.shape_cast %parallel_loop3A_369 : vector<1x16xf32> to vector<16xf32>
        %parallel_loop3A_371 = arith.mulf %parallel_loop3A_370, %parallel_loop3A_235 : vector<16xf32>
        %parallel_loop3A_372 = arith.addf %parallel_loop3A_365, %parallel_loop3A_371 : vector<16xf32>
        %parallel_loop3A_373 = arith.constant 19 : i32
        %parallel_loop3A_374 = arith.index_cast %parallel_loop3A_373 : i32 to index
        %parallel_loop3A_375 = arith.index_cast %parallel_loop3A_140 : i32 to index
        %parallel_loop3A_376 = tpu.vector_load %arg7[%parallel_loop3A_374, %parallel_loop3A_375] {strides = array<i32>} : memref<160x256xf32, #tpu.memory_space<vmem>>, vector<1x16xf32>,
        %parallel_loop3A_377 = vector.shape_cast %parallel_loop3A_376 : vector<1x16xf32> to vector<16xf32>
        %parallel_loop3A_378 = arith.mulf %parallel_loop3A_377, %parallel_loop3A_240 : vector<16xf32>
        %parallel_loop3A_379 = arith.addf %parallel_loop3A_372, %parallel_loop3A_378 : vector<16xf32>
        %parallel_loop3A_380 = arith.constant 0 : i32
        %parallel_loop3A_381 = arith.index_cast %parallel_loop3A_380 : i32 to index
        %parallel_loop3A_382 = arith.index_cast %parallel_loop3A_140 : i32 to index
        %parallel_loop3A_383 = tpu.vector_load %arg10[%parallel_loop3A_381, %parallel_loop3A_382] {strides = array<i32>} : memref<8x256xf32, #tpu.memory_space<vmem>>, vector<1x16xf32>,
        %parallel_loop3A_384 = vector.shape_cast %parallel_loop3A_383 : vector<1x16xf32> to vector<16xf32>
        %parallel_loop3A_385 = vector.shape_cast %parallel_loop3A_379 : vector<16xf32> to vector<1x16xf32>
        tpu.vector_store %arg10[%parallel_loop3A_381, %parallel_loop3A_382], %parallel_loop3A_385 {strides = array<i32>} : memref<8x256xf32, #tpu.memory_space<vmem>>, vector<1x16xf32>,
        %parallel_loop3A_386 = arith.constant 20 : i32
        %parallel_loop3A_387 = arith.index_cast %parallel_loop3A_386 : i32 to index
        %parallel_loop3A_388 = arith.index_cast %parallel_loop3A_140 : i32 to index
        %parallel_loop3A_389 = tpu.vector_load %arg7[%parallel_loop3A_387, %parallel_loop3A_388] {strides = array<i32>} : memref<160x256xf32, #tpu.memory_space<vmem>>, vector<1x16xf32>,
        %parallel_loop3A_390 = vector.shape_cast %parallel_loop3A_389 : vector<1x16xf32> to vector<16xf32>
        %parallel_loop3A_391 = arith.mulf %parallel_loop3A_390, %parallel_loop3A_145 : vector<16xf32>
        %parallel_loop3A_392 = arith.constant 21 : i32
        %parallel_loop3A_393 = arith.index_cast %parallel_loop3A_392 : i32 to index
        %parallel_loop3A_394 = arith.index_cast %parallel_loop3A_140 : i32 to index
        %parallel_loop3A_395 = tpu.vector_load %arg7[%parallel_loop3A_393, %parallel_loop3A_394] {strides = array<i32>} : memref<160x256xf32, #tpu.memory_space<vmem>>, vector<1x16xf32>,
        %parallel_loop3A_396 = vector.shape_cast %parallel_loop3A_395 : vector<1x16xf32> to vector<16xf32>
        %parallel_loop3A_397 = arith.mulf %parallel_loop3A_396, %parallel_loop3A_150 : vector<16xf32>
        %parallel_loop3A_398 = arith.addf %parallel_loop3A_391, %parallel_loop3A_397 : vector<16xf32>
        %parallel_loop3A_399 = arith.constant 22 : i32
        %parallel_loop3A_400 = arith.index_cast %parallel_loop3A_399 : i32 to index
        %parallel_loop3A_401 = arith.index_cast %parallel_loop3A_140 : i32 to index
        %parallel_loop3A_402 = tpu.vector_load %arg7[%parallel_loop3A_400, %parallel_loop3A_401] {strides = array<i32>} : memref<160x256xf32, #tpu.memory_space<vmem>>, vector<1x16xf32>,
        %parallel_loop3A_403 = vector.shape_cast %parallel_loop3A_402 : vector<1x16xf32> to vector<16xf32>
        %parallel_loop3A_404 = arith.mulf %parallel_loop3A_403, %parallel_loop3A_155 : vector<16xf32>
        %parallel_loop3A_405 = arith.addf %parallel_loop3A_398, %parallel_loop3A_404 : vector<16xf32>
        %parallel_loop3A_406 = arith.constant 23 : i32
        %parallel_loop3A_407 = arith.index_cast %parallel_loop3A_406 : i32 to index
        %parallel_loop3A_408 = arith.index_cast %parallel_loop3A_140 : i32 to index
        %parallel_loop3A_409 = tpu.vector_load %arg7[%parallel_loop3A_407, %parallel_loop3A_408] {strides = array<i32>} : memref<160x256xf32, #tpu.memory_space<vmem>>, vector<1x16xf32>,
        %parallel_loop3A_410 = vector.shape_cast %parallel_loop3A_409 : vector<1x16xf32> to vector<16xf32>
        %parallel_loop3A_411 = arith.mulf %parallel_loop3A_410, %parallel_loop3A_160 : vector<16xf32>
        %parallel_loop3A_412 = arith.addf %parallel_loop3A_405, %parallel_loop3A_411 : vector<16xf32>
        %parallel_loop3A_413 = arith.constant 24 : i32
        %parallel_loop3A_414 = arith.index_cast %parallel_loop3A_413 : i32 to index
        %parallel_loop3A_415 = arith.index_cast %parallel_loop3A_140 : i32 to index
        %parallel_loop3A_416 = tpu.vector_load %arg7[%parallel_loop3A_414, %parallel_loop3A_415] {strides = array<i32>} : memref<160x256xf32, #tpu.memory_space<vmem>>, vector<1x16xf32>,
        %parallel_loop3A_417 = vector.shape_cast %parallel_loop3A_416 : vector<1x16xf32> to vector<16xf32>
        %parallel_loop3A_418 = arith.mulf %parallel_loop3A_417, %parallel_loop3A_165 : vector<16xf32>
        %parallel_loop3A_419 = arith.addf %parallel_loop3A_412, %parallel_loop3A_418 : vector<16xf32>
        %parallel_loop3A_420 = arith.constant 25 : i32
        %parallel_loop3A_421 = arith.index_cast %parallel_loop3A_420 : i32 to index
        %parallel_loop3A_422 = arith.index_cast %parallel_loop3A_140 : i32 to index
        %parallel_loop3A_423 = tpu.vector_load %arg7[%parallel_loop3A_421, %parallel_loop3A_422] {strides = array<i32>} : memref<160x256xf32, #tpu.memory_space<vmem>>, vector<1x16xf32>,
        %parallel_loop3A_424 = vector.shape_cast %parallel_loop3A_423 : vector<1x16xf32> to vector<16xf32>
        %parallel_loop3A_425 = arith.mulf %parallel_loop3A_424, %parallel_loop3A_170 : vector<16xf32>
        %parallel_loop3A_426 = arith.addf %parallel_loop3A_419, %parallel_loop3A_425 : vector<16xf32>
        %parallel_loop3A_427 = arith.constant 26 : i32
        %parallel_loop3A_428 = arith.index_cast %parallel_loop3A_427 : i32 to index
        %parallel_loop3A_429 = arith.index_cast %parallel_loop3A_140 : i32 to index
        %parallel_loop3A_430 = tpu.vector_load %arg7[%parallel_loop3A_428, %parallel_loop3A_429] {strides = array<i32>} : memref<160x256xf32, #tpu.memory_space<vmem>>, vector<1x16xf32>,
        %parallel_loop3A_431 = vector.shape_cast %parallel_loop3A_430 : vector<1x16xf32> to vector<16xf32>
        %parallel_loop3A_432 = arith.mulf %parallel_loop3A_431, %parallel_loop3A_175 : vector<16xf32>
        %parallel_loop3A_433 = arith.addf %parallel_loop3A_426, %parallel_loop3A_432 : vector<16xf32>
        %parallel_loop3A_434 = arith.constant 27 : i32
        %parallel_loop3A_435 = arith.index_cast %parallel_loop3A_434 : i32 to index
        %parallel_loop3A_436 = arith.index_cast %parallel_loop3A_140 : i32 to index
        %parallel_loop3A_437 = tpu.vector_load %arg7[%parallel_loop3A_435, %parallel_loop3A_436] {strides = array<i32>} : memref<160x256xf32, #tpu.memory_space<vmem>>, vector<1x16xf32>,
        %parallel_loop3A_438 = vector.shape_cast %parallel_loop3A_437 : vector<1x16xf32> to vector<16xf32>
        %parallel_loop3A_439 = arith.mulf %parallel_loop3A_438, %parallel_loop3A_180 : vector<16xf32>
        %parallel_loop3A_440 = arith.addf %parallel_loop3A_433, %parallel_loop3A_439 : vector<16xf32>
        %parallel_loop3A_441 = arith.constant 28 : i32
        %parallel_loop3A_442 = arith.index_cast %parallel_loop3A_441 : i32 to index
        %parallel_loop3A_443 = arith.index_cast %parallel_loop3A_140 : i32 to index
        %parallel_loop3A_444 = tpu.vector_load %arg7[%parallel_loop3A_442, %parallel_loop3A_443] {strides = array<i32>} : memref<160x256xf32, #tpu.memory_space<vmem>>, vector<1x16xf32>,
        %parallel_loop3A_445 = vector.shape_cast %parallel_loop3A_444 : vector<1x16xf32> to vector<16xf32>
        %parallel_loop3A_446 = arith.mulf %parallel_loop3A_445, %parallel_loop3A_185 : vector<16xf32>
        %parallel_loop3A_447 = arith.addf %parallel_loop3A_440, %parallel_loop3A_446 : vector<16xf32>
        %parallel_loop3A_448 = arith.constant 29 : i32
        %parallel_loop3A_449 = arith.index_cast %parallel_loop3A_448 : i32 to index
        %parallel_loop3A_450 = arith.index_cast %parallel_loop3A_140 : i32 to index
        %parallel_loop3A_451 = tpu.vector_load %arg7[%parallel_loop3A_449, %parallel_loop3A_450] {strides = array<i32>} : memref<160x256xf32, #tpu.memory_space<vmem>>, vector<1x16xf32>,
        %parallel_loop3A_452 = vector.shape_cast %parallel_loop3A_451 : vector<1x16xf32> to vector<16xf32>
        %parallel_loop3A_453 = arith.mulf %parallel_loop3A_452, %parallel_loop3A_190 : vector<16xf32>
        %parallel_loop3A_454 = arith.addf %parallel_loop3A_447, %parallel_loop3A_453 : vector<16xf32>
        %parallel_loop3A_455 = arith.constant 30 : i32
        %parallel_loop3A_456 = arith.index_cast %parallel_loop3A_455 : i32 to index
        %parallel_loop3A_457 = arith.index_cast %parallel_loop3A_140 : i32 to index
        %parallel_loop3A_458 = tpu.vector_load %arg7[%parallel_loop3A_456, %parallel_loop3A_457] {strides = array<i32>} : memref<160x256xf32, #tpu.memory_space<vmem>>, vector<1x16xf32>,
        %parallel_loop3A_459 = vector.shape_cast %parallel_loop3A_458 : vector<1x16xf32> to vector<16xf32>
        %parallel_loop3A_460 = arith.mulf %parallel_loop3A_459, %parallel_loop3A_195 : vector<16xf32>
        %parallel_loop3A_461 = arith.addf %parallel_loop3A_454, %parallel_loop3A_460 : vector<16xf32>
        %parallel_loop3A_462 = arith.constant 31 : i32
        %parallel_loop3A_463 = arith.index_cast %parallel_loop3A_462 : i32 to index
        %parallel_loop3A_464 = arith.index_cast %parallel_loop3A_140 : i32 to index
        %parallel_loop3A_465 = tpu.vector_load %arg7[%parallel_loop3A_463, %parallel_loop3A_464] {strides = array<i32>} : memref<160x256xf32, #tpu.memory_space<vmem>>, vector<1x16xf32>,
        %parallel_loop3A_466 = vector.shape_cast %parallel_loop3A_465 : vector<1x16xf32> to vector<16xf32>
        %parallel_loop3A_467 = arith.mulf %parallel_loop3A_466, %parallel_loop3A_200 : vector<16xf32>
        %parallel_loop3A_468 = arith.addf %parallel_loop3A_461, %parallel_loop3A_467 : vector<16xf32>
        %parallel_loop3A_469 = arith.constant 32 : i32
        %parallel_loop3A_470 = arith.index_cast %parallel_loop3A_469 : i32 to index
        %parallel_loop3A_471 = arith.index_cast %parallel_loop3A_140 : i32 to index
        %parallel_loop3A_472 = tpu.vector_load %arg7[%parallel_loop3A_470, %parallel_loop3A_471] {strides = array<i32>} : memref<160x256xf32, #tpu.memory_space<vmem>>, vector<1x16xf32>,
        %parallel_loop3A_473 = vector.shape_cast %parallel_loop3A_472 : vector<1x16xf32> to vector<16xf32>
        %parallel_loop3A_474 = arith.mulf %parallel_loop3A_473, %parallel_loop3A_205 : vector<16xf32>
        %parallel_loop3A_475 = arith.addf %parallel_loop3A_468, %parallel_loop3A_474 : vector<16xf32>
        %parallel_loop3A_476 = arith.constant 33 : i32
        %parallel_loop3A_477 = arith.index_cast %parallel_loop3A_476 : i32 to index
        %parallel_loop3A_478 = arith.index_cast %parallel_loop3A_140 : i32 to index
        %parallel_loop3A_479 = tpu.vector_load %arg7[%parallel_loop3A_477, %parallel_loop3A_478] {strides = array<i32>} : memref<160x256xf32, #tpu.memory_space<vmem>>, vector<1x16xf32>,
        %parallel_loop3A_480 = vector.shape_cast %parallel_loop3A_479 : vector<1x16xf32> to vector<16xf32>
        %parallel_loop3A_481 = arith.mulf %parallel_loop3A_480, %parallel_loop3A_210 : vector<16xf32>
        %parallel_loop3A_482 = arith.addf %parallel_loop3A_475, %parallel_loop3A_481 : vector<16xf32>
        %parallel_loop3A_483 = arith.constant 34 : i32
        %parallel_loop3A_484 = arith.index_cast %parallel_loop3A_483 : i32 to index
        %parallel_loop3A_485 = arith.index_cast %parallel_loop3A_140 : i32 to index
        %parallel_loop3A_486 = tpu.vector_load %arg7[%parallel_loop3A_484, %parallel_loop3A_485] {strides = array<i32>} : memref<160x256xf32, #tpu.memory_space<vmem>>, vector<1x16xf32>,
        %parallel_loop3A_487 = vector.shape_cast %parallel_loop3A_486 : vector<1x16xf32> to vector<16xf32>
        %parallel_loop3A_488 = arith.mulf %parallel_loop3A_487, %parallel_loop3A_215 : vector<16xf32>
        %parallel_loop3A_489 = arith.addf %parallel_loop3A_482, %parallel_loop3A_488 : vector<16xf32>
        %parallel_loop3A_490 = arith.constant 35 : i32
        %parallel_loop3A_491 = arith.index_cast %parallel_loop3A_490 : i32 to index
        %parallel_loop3A_492 = arith.index_cast %parallel_loop3A_140 : i32 to index
        %parallel_loop3A_493 = tpu.vector_load %arg7[%parallel_loop3A_491, %parallel_loop3A_492] {strides = array<i32>} : memref<160x256xf32, #tpu.memory_space<vmem>>, vector<1x16xf32>,
        %parallel_loop3A_494 = vector.shape_cast %parallel_loop3A_493 : vector<1x16xf32> to vector<16xf32>
        %parallel_loop3A_495 = arith.mulf %parallel_loop3A_494, %parallel_loop3A_220 : vector<16xf32>
        %parallel_loop3A_496 = arith.addf %parallel_loop3A_489, %parallel_loop3A_495 : vector<16xf32>
        %parallel_loop3A_497 = arith.constant 36 : i32
        %parallel_loop3A_498 = arith.index_cast %parallel_loop3A_497 : i32 to index
        %parallel_loop3A_499 = arith.index_cast %parallel_loop3A_140 : i32 to index
        %parallel_loop3A_500 = tpu.vector_load %arg7[%parallel_loop3A_498, %parallel_loop3A_499] {strides = array<i32>} : memref<160x256xf32, #tpu.memory_space<vmem>>, vector<1x16xf32>,
        %parallel_loop3A_501 = vector.shape_cast %parallel_loop3A_500 : vector<1x16xf32> to vector<16xf32>
        %parallel_loop3A_502 = arith.mulf %parallel_loop3A_501, %parallel_loop3A_225 : vector<16xf32>
        %parallel_loop3A_503 = arith.addf %parallel_loop3A_496, %parallel_loop3A_502 : vector<16xf32>
        %parallel_loop3A_504 = arith.constant 37 : i32
        %parallel_loop3A_505 = arith.index_cast %parallel_loop3A_504 : i32 to index
        %parallel_loop3A_506 = arith.index_cast %parallel_loop3A_140 : i32 to index
        %parallel_loop3A_507 = tpu.vector_load %arg7[%parallel_loop3A_505, %parallel_loop3A_506] {strides = array<i32>} : memref<160x256xf32, #tpu.memory_space<vmem>>, vector<1x16xf32>,
        %parallel_loop3A_508 = vector.shape_cast %parallel_loop3A_507 : vector<1x16xf32> to vector<16xf32>
        %parallel_loop3A_509 = arith.mulf %parallel_loop3A_508, %parallel_loop3A_230 : vector<16xf32>
        %parallel_loop3A_510 = arith.addf %parallel_loop3A_503, %parallel_loop3A_509 : vector<16xf32>
        %parallel_loop3A_511 = arith.constant 38 : i32
        %parallel_loop3A_512 = arith.index_cast %parallel_loop3A_511 : i32 to index
        %parallel_loop3A_513 = arith.index_cast %parallel_loop3A_140 : i32 to index
        %parallel_loop3A_514 = tpu.vector_load %arg7[%parallel_loop3A_512, %parallel_loop3A_513] {strides = array<i32>} : memref<160x256xf32, #tpu.memory_space<vmem>>, vector<1x16xf32>,
        %parallel_loop3A_515 = vector.shape_cast %parallel_loop3A_514 : vector<1x16xf32> to vector<16xf32>
        %parallel_loop3A_516 = arith.mulf %parallel_loop3A_515, %parallel_loop3A_235 : vector<16xf32>
        %parallel_loop3A_517 = arith.addf %parallel_loop3A_510, %parallel_loop3A_516 : vector<16xf32>
        %parallel_loop3A_518 = arith.constant 39 : i32
        %parallel_loop3A_519 = arith.index_cast %parallel_loop3A_518 : i32 to index
        %parallel_loop3A_520 = arith.index_cast %parallel_loop3A_140 : i32 to index
        %parallel_loop3A_521 = tpu.vector_load %arg7[%parallel_loop3A_519, %parallel_loop3A_520] {strides = array<i32>} : memref<160x256xf32, #tpu.memory_space<vmem>>, vector<1x16xf32>,
        %parallel_loop3A_522 = vector.shape_cast %parallel_loop3A_521 : vector<1x16xf32> to vector<16xf32>
        %parallel_loop3A_523 = arith.mulf %parallel_loop3A_522, %parallel_loop3A_240 : vector<16xf32>
        %parallel_loop3A_524 = arith.addf %parallel_loop3A_517, %parallel_loop3A_523 : vector<16xf32>
        %parallel_loop3A_525 = arith.constant 1 : i32
        %parallel_loop3A_526 = arith.index_cast %parallel_loop3A_525 : i32 to index
        %parallel_loop3A_527 = arith.index_cast %parallel_loop3A_140 : i32 to index
        %parallel_loop3A_528 = tpu.vector_load %arg10[%parallel_loop3A_526, %parallel_loop3A_527] {strides = array<i32>} : memref<8x256xf32, #tpu.memory_space<vmem>>, vector<1x16xf32>,
        %parallel_loop3A_529 = vector.shape_cast %parallel_loop3A_528 : vector<1x16xf32> to vector<16xf32>
        %parallel_loop3A_530 = vector.shape_cast %parallel_loop3A_524 : vector<16xf32> to vector<1x16xf32>
        tpu.vector_store %arg10[%parallel_loop3A_526, %parallel_loop3A_527], %parallel_loop3A_530 {strides = array<i32>} : memref<8x256xf32, #tpu.memory_space<vmem>>, vector<1x16xf32>,
        %parallel_loop3A_531 = arith.constant 40 : i32
        %parallel_loop3A_532 = arith.index_cast %parallel_loop3A_531 : i32 to index
        %parallel_loop3A_533 = arith.index_cast %parallel_loop3A_140 : i32 to index
        %parallel_loop3A_534 = tpu.vector_load %arg7[%parallel_loop3A_532, %parallel_loop3A_533] {strides = array<i32>} : memref<160x256xf32, #tpu.memory_space<vmem>>, vector<1x16xf32>,
        %parallel_loop3A_535 = vector.shape_cast %parallel_loop3A_534 : vector<1x16xf32> to vector<16xf32>
        %parallel_loop3A_536 = arith.mulf %parallel_loop3A_535, %parallel_loop3A_145 : vector<16xf32>
        %parallel_loop3A_537 = arith.constant 41 : i32
        %parallel_loop3A_538 = arith.index_cast %parallel_loop3A_537 : i32 to index
        %parallel_loop3A_539 = arith.index_cast %parallel_loop3A_140 : i32 to index
        %parallel_loop3A_540 = tpu.vector_load %arg7[%parallel_loop3A_538, %parallel_loop3A_539] {strides = array<i32>} : memref<160x256xf32, #tpu.memory_space<vmem>>, vector<1x16xf32>,
        %parallel_loop3A_541 = vector.shape_cast %parallel_loop3A_540 : vector<1x16xf32> to vector<16xf32>
        %parallel_loop3A_542 = arith.mulf %parallel_loop3A_541, %parallel_loop3A_150 : vector<16xf32>
        %parallel_loop3A_543 = arith.addf %parallel_loop3A_536, %parallel_loop3A_542 : vector<16xf32>
        %parallel_loop3A_544 = arith.constant 42 : i32
        %parallel_loop3A_545 = arith.index_cast %parallel_loop3A_544 : i32 to index
        %parallel_loop3A_546 = arith.index_cast %parallel_loop3A_140 : i32 to index
        %parallel_loop3A_547 = tpu.vector_load %arg7[%parallel_loop3A_545, %parallel_loop3A_546] {strides = array<i32>} : memref<160x256xf32, #tpu.memory_space<vmem>>, vector<1x16xf32>,
        %parallel_loop3A_548 = vector.shape_cast %parallel_loop3A_547 : vector<1x16xf32> to vector<16xf32>
        %parallel_loop3A_549 = arith.mulf %parallel_loop3A_548, %parallel_loop3A_155 : vector<16xf32>
        %parallel_loop3A_550 = arith.addf %parallel_loop3A_543, %parallel_loop3A_549 : vector<16xf32>
        %parallel_loop3A_551 = arith.constant 43 : i32
        %parallel_loop3A_552 = arith.index_cast %parallel_loop3A_551 : i32 to index
        %parallel_loop3A_553 = arith.index_cast %parallel_loop3A_140 : i32 to index
        %parallel_loop3A_554 = tpu.vector_load %arg7[%parallel_loop3A_552, %parallel_loop3A_553] {strides = array<i32>} : memref<160x256xf32, #tpu.memory_space<vmem>>, vector<1x16xf32>,
        %parallel_loop3A_555 = vector.shape_cast %parallel_loop3A_554 : vector<1x16xf32> to vector<16xf32>
        %parallel_loop3A_556 = arith.mulf %parallel_loop3A_555, %parallel_loop3A_160 : vector<16xf32>
        %parallel_loop3A_557 = arith.addf %parallel_loop3A_550, %parallel_loop3A_556 : vector<16xf32>
        %parallel_loop3A_558 = arith.constant 44 : i32
        %parallel_loop3A_559 = arith.index_cast %parallel_loop3A_558 : i32 to index
        %parallel_loop3A_560 = arith.index_cast %parallel_loop3A_140 : i32 to index
        %parallel_loop3A_561 = tpu.vector_load %arg7[%parallel_loop3A_559, %parallel_loop3A_560] {strides = array<i32>} : memref<160x256xf32, #tpu.memory_space<vmem>>, vector<1x16xf32>,
        %parallel_loop3A_562 = vector.shape_cast %parallel_loop3A_561 : vector<1x16xf32> to vector<16xf32>
        %parallel_loop3A_563 = arith.mulf %parallel_loop3A_562, %parallel_loop3A_165 : vector<16xf32>
        %parallel_loop3A_564 = arith.addf %parallel_loop3A_557, %parallel_loop3A_563 : vector<16xf32>
        %parallel_loop3A_565 = arith.constant 45 : i32
        %parallel_loop3A_566 = arith.index_cast %parallel_loop3A_565 : i32 to index
        %parallel_loop3A_567 = arith.index_cast %parallel_loop3A_140 : i32 to index
        %parallel_loop3A_568 = tpu.vector_load %arg7[%parallel_loop3A_566, %parallel_loop3A_567] {strides = array<i32>} : memref<160x256xf32, #tpu.memory_space<vmem>>, vector<1x16xf32>,
        %parallel_loop3A_569 = vector.shape_cast %parallel_loop3A_568 : vector<1x16xf32> to vector<16xf32>
        %parallel_loop3A_570 = arith.mulf %parallel_loop3A_569, %parallel_loop3A_170 : vector<16xf32>
        %parallel_loop3A_571 = arith.addf %parallel_loop3A_564, %parallel_loop3A_570 : vector<16xf32>
        %parallel_loop3A_572 = arith.constant 46 : i32
        %parallel_loop3A_573 = arith.index_cast %parallel_loop3A_572 : i32 to index
        %parallel_loop3A_574 = arith.index_cast %parallel_loop3A_140 : i32 to index
        %parallel_loop3A_575 = tpu.vector_load %arg7[%parallel_loop3A_573, %parallel_loop3A_574] {strides = array<i32>} : memref<160x256xf32, #tpu.memory_space<vmem>>, vector<1x16xf32>,
        %parallel_loop3A_576 = vector.shape_cast %parallel_loop3A_575 : vector<1x16xf32> to vector<16xf32>
        %parallel_loop3A_577 = arith.mulf %parallel_loop3A_576, %parallel_loop3A_175 : vector<16xf32>
        %parallel_loop3A_578 = arith.addf %parallel_loop3A_571, %parallel_loop3A_577 : vector<16xf32>
        %parallel_loop3A_579 = arith.constant 47 : i32
        %parallel_loop3A_580 = arith.index_cast %parallel_loop3A_579 : i32 to index
        %parallel_loop3A_581 = arith.index_cast %parallel_loop3A_140 : i32 to index
        %parallel_loop3A_582 = tpu.vector_load %arg7[%parallel_loop3A_580, %parallel_loop3A_581] {strides = array<i32>} : memref<160x256xf32, #tpu.memory_space<vmem>>, vector<1x16xf32>,
        %parallel_loop3A_583 = vector.shape_cast %parallel_loop3A_582 : vector<1x16xf32> to vector<16xf32>
        %parallel_loop3A_584 = arith.mulf %parallel_loop3A_583, %parallel_loop3A_180 : vector<16xf32>
        %parallel_loop3A_585 = arith.addf %parallel_loop3A_578, %parallel_loop3A_584 : vector<16xf32>
        %parallel_loop3A_586 = arith.constant 48 : i32
        %parallel_loop3A_587 = arith.index_cast %parallel_loop3A_586 : i32 to index
        %parallel_loop3A_588 = arith.index_cast %parallel_loop3A_140 : i32 to index
        %parallel_loop3A_589 = tpu.vector_load %arg7[%parallel_loop3A_587, %parallel_loop3A_588] {strides = array<i32>} : memref<160x256xf32, #tpu.memory_space<vmem>>, vector<1x16xf32>,
        %parallel_loop3A_590 = vector.shape_cast %parallel_loop3A_589 : vector<1x16xf32> to vector<16xf32>
        %parallel_loop3A_591 = arith.mulf %parallel_loop3A_590, %parallel_loop3A_185 : vector<16xf32>
        %parallel_loop3A_592 = arith.addf %parallel_loop3A_585, %parallel_loop3A_591 : vector<16xf32>
        %parallel_loop3A_593 = arith.constant 49 : i32
        %parallel_loop3A_594 = arith.index_cast %parallel_loop3A_593 : i32 to index
        %parallel_loop3A_595 = arith.index_cast %parallel_loop3A_140 : i32 to index
        %parallel_loop3A_596 = tpu.vector_load %arg7[%parallel_loop3A_594, %parallel_loop3A_595] {strides = array<i32>} : memref<160x256xf32, #tpu.memory_space<vmem>>, vector<1x16xf32>,
        %parallel_loop3A_597 = vector.shape_cast %parallel_loop3A_596 : vector<1x16xf32> to vector<16xf32>
        %parallel_loop3A_598 = arith.mulf %parallel_loop3A_597, %parallel_loop3A_190 : vector<16xf32>
        %parallel_loop3A_599 = arith.addf %parallel_loop3A_592, %parallel_loop3A_598 : vector<16xf32>
        %parallel_loop3A_600 = arith.constant 50 : i32
        %parallel_loop3A_601 = arith.index_cast %parallel_loop3A_600 : i32 to index
        %parallel_loop3A_602 = arith.index_cast %parallel_loop3A_140 : i32 to index
        %parallel_loop3A_603 = tpu.vector_load %arg7[%parallel_loop3A_601, %parallel_loop3A_602] {strides = array<i32>} : memref<160x256xf32, #tpu.memory_space<vmem>>, vector<1x16xf32>,
        %parallel_loop3A_604 = vector.shape_cast %parallel_loop3A_603 : vector<1x16xf32> to vector<16xf32>
        %parallel_loop3A_605 = arith.mulf %parallel_loop3A_604, %parallel_loop3A_195 : vector<16xf32>
        %parallel_loop3A_606 = arith.addf %parallel_loop3A_599, %parallel_loop3A_605 : vector<16xf32>
        %parallel_loop3A_607 = arith.constant 51 : i32
        %parallel_loop3A_608 = arith.index_cast %parallel_loop3A_607 : i32 to index
        %parallel_loop3A_609 = arith.index_cast %parallel_loop3A_140 : i32 to index
        %parallel_loop3A_610 = tpu.vector_load %arg7[%parallel_loop3A_608, %parallel_loop3A_609] {strides = array<i32>} : memref<160x256xf32, #tpu.memory_space<vmem>>, vector<1x16xf32>,
        %parallel_loop3A_611 = vector.shape_cast %parallel_loop3A_610 : vector<1x16xf32> to vector<16xf32>
        %parallel_loop3A_612 = arith.mulf %parallel_loop3A_611, %parallel_loop3A_200 : vector<16xf32>
        %parallel_loop3A_613 = arith.addf %parallel_loop3A_606, %parallel_loop3A_612 : vector<16xf32>
        %parallel_loop3A_614 = arith.constant 52 : i32
        %parallel_loop3A_615 = arith.index_cast %parallel_loop3A_614 : i32 to index
        %parallel_loop3A_616 = arith.index_cast %parallel_loop3A_140 : i32 to index
        %parallel_loop3A_617 = tpu.vector_load %arg7[%parallel_loop3A_615, %parallel_loop3A_616] {strides = array<i32>} : memref<160x256xf32, #tpu.memory_space<vmem>>, vector<1x16xf32>,
        %parallel_loop3A_618 = vector.shape_cast %parallel_loop3A_617 : vector<1x16xf32> to vector<16xf32>
        %parallel_loop3A_619 = arith.mulf %parallel_loop3A_618, %parallel_loop3A_205 : vector<16xf32>
        %parallel_loop3A_620 = arith.addf %parallel_loop3A_613, %parallel_loop3A_619 : vector<16xf32>
        %parallel_loop3A_621 = arith.constant 53 : i32
        %parallel_loop3A_622 = arith.index_cast %parallel_loop3A_621 : i32 to index
        %parallel_loop3A_623 = arith.index_cast %parallel_loop3A_140 : i32 to index
        %parallel_loop3A_624 = tpu.vector_load %arg7[%parallel_loop3A_622, %parallel_loop3A_623] {strides = array<i32>} : memref<160x256xf32, #tpu.memory_space<vmem>>, vector<1x16xf32>,
        %parallel_loop3A_625 = vector.shape_cast %parallel_loop3A_624 : vector<1x16xf32> to vector<16xf32>
        %parallel_loop3A_626 = arith.mulf %parallel_loop3A_625, %parallel_loop3A_210 : vector<16xf32>
        %parallel_loop3A_627 = arith.addf %parallel_loop3A_620, %parallel_loop3A_626 : vector<16xf32>
        %parallel_loop3A_628 = arith.constant 54 : i32
        %parallel_loop3A_629 = arith.index_cast %parallel_loop3A_628 : i32 to index
        %parallel_loop3A_630 = arith.index_cast %parallel_loop3A_140 : i32 to index
        %parallel_loop3A_631 = tpu.vector_load %arg7[%parallel_loop3A_629, %parallel_loop3A_630] {strides = array<i32>} : memref<160x256xf32, #tpu.memory_space<vmem>>, vector<1x16xf32>,
        %parallel_loop3A_632 = vector.shape_cast %parallel_loop3A_631 : vector<1x16xf32> to vector<16xf32>
        %parallel_loop3A_633 = arith.mulf %parallel_loop3A_632, %parallel_loop3A_215 : vector<16xf32>
        %parallel_loop3A_634 = arith.addf %parallel_loop3A_627, %parallel_loop3A_633 : vector<16xf32>
        %parallel_loop3A_635 = arith.constant 55 : i32
        %parallel_loop3A_636 = arith.index_cast %parallel_loop3A_635 : i32 to index
        %parallel_loop3A_637 = arith.index_cast %parallel_loop3A_140 : i32 to index
        %parallel_loop3A_638 = tpu.vector_load %arg7[%parallel_loop3A_636, %parallel_loop3A_637] {strides = array<i32>} : memref<160x256xf32, #tpu.memory_space<vmem>>, vector<1x16xf32>,
        %parallel_loop3A_639 = vector.shape_cast %parallel_loop3A_638 : vector<1x16xf32> to vector<16xf32>
        %parallel_loop3A_640 = arith.mulf %parallel_loop3A_639, %parallel_loop3A_220 : vector<16xf32>
        %parallel_loop3A_641 = arith.addf %parallel_loop3A_634, %parallel_loop3A_640 : vector<16xf32>
        %parallel_loop3A_642 = arith.constant 56 : i32
        %parallel_loop3A_643 = arith.index_cast %parallel_loop3A_642 : i32 to index
        %parallel_loop3A_644 = arith.index_cast %parallel_loop3A_140 : i32 to index
        %parallel_loop3A_645 = tpu.vector_load %arg7[%parallel_loop3A_643, %parallel_loop3A_644] {strides = array<i32>} : memref<160x256xf32, #tpu.memory_space<vmem>>, vector<1x16xf32>,
        %parallel_loop3A_646 = vector.shape_cast %parallel_loop3A_645 : vector<1x16xf32> to vector<16xf32>
        %parallel_loop3A_647 = arith.mulf %parallel_loop3A_646, %parallel_loop3A_225 : vector<16xf32>
        %parallel_loop3A_648 = arith.addf %parallel_loop3A_641, %parallel_loop3A_647 : vector<16xf32>
        %parallel_loop3A_649 = arith.constant 57 : i32
        %parallel_loop3A_650 = arith.index_cast %parallel_loop3A_649 : i32 to index
        %parallel_loop3A_651 = arith.index_cast %parallel_loop3A_140 : i32 to index
        %parallel_loop3A_652 = tpu.vector_load %arg7[%parallel_loop3A_650, %parallel_loop3A_651] {strides = array<i32>} : memref<160x256xf32, #tpu.memory_space<vmem>>, vector<1x16xf32>,
        %parallel_loop3A_653 = vector.shape_cast %parallel_loop3A_652 : vector<1x16xf32> to vector<16xf32>
        %parallel_loop3A_654 = arith.mulf %parallel_loop3A_653, %parallel_loop3A_230 : vector<16xf32>
        %parallel_loop3A_655 = arith.addf %parallel_loop3A_648, %parallel_loop3A_654 : vector<16xf32>
        %parallel_loop3A_656 = arith.constant 58 : i32
        %parallel_loop3A_657 = arith.index_cast %parallel_loop3A_656 : i32 to index
        %parallel_loop3A_658 = arith.index_cast %parallel_loop3A_140 : i32 to index
        %parallel_loop3A_659 = tpu.vector_load %arg7[%parallel_loop3A_657, %parallel_loop3A_658] {strides = array<i32>} : memref<160x256xf32, #tpu.memory_space<vmem>>, vector<1x16xf32>,
        %parallel_loop3A_660 = vector.shape_cast %parallel_loop3A_659 : vector<1x16xf32> to vector<16xf32>
        %parallel_loop3A_661 = arith.mulf %parallel_loop3A_660, %parallel_loop3A_235 : vector<16xf32>
        %parallel_loop3A_662 = arith.addf %parallel_loop3A_655, %parallel_loop3A_661 : vector<16xf32>
        %parallel_loop3A_663 = arith.constant 59 : i32
        %parallel_loop3A_664 = arith.index_cast %parallel_loop3A_663 : i32 to index
        %parallel_loop3A_665 = arith.index_cast %parallel_loop3A_140 : i32 to index
        %parallel_loop3A_666 = tpu.vector_load %arg7[%parallel_loop3A_664, %parallel_loop3A_665] {strides = array<i32>} : memref<160x256xf32, #tpu.memory_space<vmem>>, vector<1x16xf32>,
        %parallel_loop3A_667 = vector.shape_cast %parallel_loop3A_666 : vector<1x16xf32> to vector<16xf32>
        %parallel_loop3A_668 = arith.mulf %parallel_loop3A_667, %parallel_loop3A_240 : vector<16xf32>
        %parallel_loop3A_669 = arith.addf %parallel_loop3A_662, %parallel_loop3A_668 : vector<16xf32>
        %parallel_loop3A_670 = arith.constant 2 : i32
        %parallel_loop3A_671 = arith.index_cast %parallel_loop3A_670 : i32 to index
        %parallel_loop3A_672 = arith.index_cast %parallel_loop3A_140 : i32 to index
        %parallel_loop3A_673 = tpu.vector_load %arg10[%parallel_loop3A_671, %parallel_loop3A_672] {strides = array<i32>} : memref<8x256xf32, #tpu.memory_space<vmem>>, vector<1x16xf32>,
        %parallel_loop3A_674 = vector.shape_cast %parallel_loop3A_673 : vector<1x16xf32> to vector<16xf32>
        %parallel_loop3A_675 = vector.shape_cast %parallel_loop3A_669 : vector<16xf32> to vector<1x16xf32>
        tpu.vector_store %arg10[%parallel_loop3A_671, %parallel_loop3A_672], %parallel_loop3A_675 {strides = array<i32>} : memref<8x256xf32, #tpu.memory_space<vmem>>, vector<1x16xf32>,
        %parallel_loop3A_676 = arith.constant 60 : i32
        %parallel_loop3A_677 = arith.index_cast %parallel_loop3A_676 : i32 to index
        %parallel_loop3A_678 = arith.index_cast %parallel_loop3A_140 : i32 to index
        %parallel_loop3A_679 = tpu.vector_load %arg7[%parallel_loop3A_677, %parallel_loop3A_678] {strides = array<i32>} : memref<160x256xf32, #tpu.memory_space<vmem>>, vector<1x16xf32>,
        %parallel_loop3A_680 = vector.shape_cast %parallel_loop3A_679 : vector<1x16xf32> to vector<16xf32>
        %parallel_loop3A_681 = arith.mulf %parallel_loop3A_680, %parallel_loop3A_145 : vector<16xf32>
        %parallel_loop3A_682 = arith.constant 61 : i32
        %parallel_loop3A_683 = arith.index_cast %parallel_loop3A_682 : i32 to index
        %parallel_loop3A_684 = arith.index_cast %parallel_loop3A_140 : i32 to index
        %parallel_loop3A_685 = tpu.vector_load %arg7[%parallel_loop3A_683, %parallel_loop3A_684] {strides = array<i32>} : memref<160x256xf32, #tpu.memory_space<vmem>>, vector<1x16xf32>,
        %parallel_loop3A_686 = vector.shape_cast %parallel_loop3A_685 : vector<1x16xf32> to vector<16xf32>
        %parallel_loop3A_687 = arith.mulf %parallel_loop3A_686, %parallel_loop3A_150 : vector<16xf32>
        %parallel_loop3A_688 = arith.addf %parallel_loop3A_681, %parallel_loop3A_687 : vector<16xf32>
        %parallel_loop3A_689 = arith.constant 62 : i32
        %parallel_loop3A_690 = arith.index_cast %parallel_loop3A_689 : i32 to index
        %parallel_loop3A_691 = arith.index_cast %parallel_loop3A_140 : i32 to index
        %parallel_loop3A_692 = tpu.vector_load %arg7[%parallel_loop3A_690, %parallel_loop3A_691] {strides = array<i32>} : memref<160x256xf32, #tpu.memory_space<vmem>>, vector<1x16xf32>,
        %parallel_loop3A_693 = vector.shape_cast %parallel_loop3A_692 : vector<1x16xf32> to vector<16xf32>
        %parallel_loop3A_694 = arith.mulf %parallel_loop3A_693, %parallel_loop3A_155 : vector<16xf32>
        %parallel_loop3A_695 = arith.addf %parallel_loop3A_688, %parallel_loop3A_694 : vector<16xf32>
        %parallel_loop3A_696 = arith.constant 63 : i32
        %parallel_loop3A_697 = arith.index_cast %parallel_loop3A_696 : i32 to index
        %parallel_loop3A_698 = arith.index_cast %parallel_loop3A_140 : i32 to index
        %parallel_loop3A_699 = tpu.vector_load %arg7[%parallel_loop3A_697, %parallel_loop3A_698] {strides = array<i32>} : memref<160x256xf32, #tpu.memory_space<vmem>>, vector<1x16xf32>,
        %parallel_loop3A_700 = vector.shape_cast %parallel_loop3A_699 : vector<1x16xf32> to vector<16xf32>
        %parallel_loop3A_701 = arith.mulf %parallel_loop3A_700, %parallel_loop3A_160 : vector<16xf32>
        %parallel_loop3A_702 = arith.addf %parallel_loop3A_695, %parallel_loop3A_701 : vector<16xf32>
        %parallel_loop3A_703 = arith.constant 64 : i32
        %parallel_loop3A_704 = arith.index_cast %parallel_loop3A_703 : i32 to index
        %parallel_loop3A_705 = arith.index_cast %parallel_loop3A_140 : i32 to index
        %parallel_loop3A_706 = tpu.vector_load %arg7[%parallel_loop3A_704, %parallel_loop3A_705] {strides = array<i32>} : memref<160x256xf32, #tpu.memory_space<vmem>>, vector<1x16xf32>,
        %parallel_loop3A_707 = vector.shape_cast %parallel_loop3A_706 : vector<1x16xf32> to vector<16xf32>
        %parallel_loop3A_708 = arith.mulf %parallel_loop3A_707, %parallel_loop3A_165 : vector<16xf32>
        %parallel_loop3A_709 = arith.addf %parallel_loop3A_702, %parallel_loop3A_708 : vector<16xf32>
        %parallel_loop3A_710 = arith.constant 65 : i32
        %parallel_loop3A_711 = arith.index_cast %parallel_loop3A_710 : i32 to index
        %parallel_loop3A_712 = arith.index_cast %parallel_loop3A_140 : i32 to index
        %parallel_loop3A_713 = tpu.vector_load %arg7[%parallel_loop3A_711, %parallel_loop3A_712] {strides = array<i32>} : memref<160x256xf32, #tpu.memory_space<vmem>>, vector<1x16xf32>,
        %parallel_loop3A_714 = vector.shape_cast %parallel_loop3A_713 : vector<1x16xf32> to vector<16xf32>
        %parallel_loop3A_715 = arith.mulf %parallel_loop3A_714, %parallel_loop3A_170 : vector<16xf32>
        %parallel_loop3A_716 = arith.addf %parallel_loop3A_709, %parallel_loop3A_715 : vector<16xf32>
        %parallel_loop3A_717 = arith.constant 66 : i32
        %parallel_loop3A_718 = arith.index_cast %parallel_loop3A_717 : i32 to index
        %parallel_loop3A_719 = arith.index_cast %parallel_loop3A_140 : i32 to index
        %parallel_loop3A_720 = tpu.vector_load %arg7[%parallel_loop3A_718, %parallel_loop3A_719] {strides = array<i32>} : memref<160x256xf32, #tpu.memory_space<vmem>>, vector<1x16xf32>,
        %parallel_loop3A_721 = vector.shape_cast %parallel_loop3A_720 : vector<1x16xf32> to vector<16xf32>
        %parallel_loop3A_722 = arith.mulf %parallel_loop3A_721, %parallel_loop3A_175 : vector<16xf32>
        %parallel_loop3A_723 = arith.addf %parallel_loop3A_716, %parallel_loop3A_722 : vector<16xf32>
        %parallel_loop3A_724 = arith.constant 67 : i32
        %parallel_loop3A_725 = arith.index_cast %parallel_loop3A_724 : i32 to index
        %parallel_loop3A_726 = arith.index_cast %parallel_loop3A_140 : i32 to index
        %parallel_loop3A_727 = tpu.vector_load %arg7[%parallel_loop3A_725, %parallel_loop3A_726] {strides = array<i32>} : memref<160x256xf32, #tpu.memory_space<vmem>>, vector<1x16xf32>,
        %parallel_loop3A_728 = vector.shape_cast %parallel_loop3A_727 : vector<1x16xf32> to vector<16xf32>
        %parallel_loop3A_729 = arith.mulf %parallel_loop3A_728, %parallel_loop3A_180 : vector<16xf32>
        %parallel_loop3A_730 = arith.addf %parallel_loop3A_723, %parallel_loop3A_729 : vector<16xf32>
        %parallel_loop3A_731 = arith.constant 68 : i32
        %parallel_loop3A_732 = arith.index_cast %parallel_loop3A_731 : i32 to index
        %parallel_loop3A_733 = arith.index_cast %parallel_loop3A_140 : i32 to index
        %parallel_loop3A_734 = tpu.vector_load %arg7[%parallel_loop3A_732, %parallel_loop3A_733] {strides = array<i32>} : memref<160x256xf32, #tpu.memory_space<vmem>>, vector<1x16xf32>,
        %parallel_loop3A_735 = vector.shape_cast %parallel_loop3A_734 : vector<1x16xf32> to vector<16xf32>
        %parallel_loop3A_736 = arith.mulf %parallel_loop3A_735, %parallel_loop3A_185 : vector<16xf32>
        %parallel_loop3A_737 = arith.addf %parallel_loop3A_730, %parallel_loop3A_736 : vector<16xf32>
        %parallel_loop3A_738 = arith.constant 69 : i32
        %parallel_loop3A_739 = arith.index_cast %parallel_loop3A_738 : i32 to index
        %parallel_loop3A_740 = arith.index_cast %parallel_loop3A_140 : i32 to index
        %parallel_loop3A_741 = tpu.vector_load %arg7[%parallel_loop3A_739, %parallel_loop3A_740] {strides = array<i32>} : memref<160x256xf32, #tpu.memory_space<vmem>>, vector<1x16xf32>,
        %parallel_loop3A_742 = vector.shape_cast %parallel_loop3A_741 : vector<1x16xf32> to vector<16xf32>
        %parallel_loop3A_743 = arith.mulf %parallel_loop3A_742, %parallel_loop3A_190 : vector<16xf32>
        %parallel_loop3A_744 = arith.addf %parallel_loop3A_737, %parallel_loop3A_743 : vector<16xf32>
        %parallel_loop3A_745 = arith.constant 70 : i32
        %parallel_loop3A_746 = arith.index_cast %parallel_loop3A_745 : i32 to index
        %parallel_loop3A_747 = arith.index_cast %parallel_loop3A_140 : i32 to index
        %parallel_loop3A_748 = tpu.vector_load %arg7[%parallel_loop3A_746, %parallel_loop3A_747] {strides = array<i32>} : memref<160x256xf32, #tpu.memory_space<vmem>>, vector<1x16xf32>,
        %parallel_loop3A_749 = vector.shape_cast %parallel_loop3A_748 : vector<1x16xf32> to vector<16xf32>
        %parallel_loop3A_750 = arith.mulf %parallel_loop3A_749, %parallel_loop3A_195 : vector<16xf32>
        %parallel_loop3A_751 = arith.addf %parallel_loop3A_744, %parallel_loop3A_750 : vector<16xf32>
        %parallel_loop3A_752 = arith.constant 71 : i32
        %parallel_loop3A_753 = arith.index_cast %parallel_loop3A_752 : i32 to index
        %parallel_loop3A_754 = arith.index_cast %parallel_loop3A_140 : i32 to index
        %parallel_loop3A_755 = tpu.vector_load %arg7[%parallel_loop3A_753, %parallel_loop3A_754] {strides = array<i32>} : memref<160x256xf32, #tpu.memory_space<vmem>>, vector<1x16xf32>,
        %parallel_loop3A_756 = vector.shape_cast %parallel_loop3A_755 : vector<1x16xf32> to vector<16xf32>
        %parallel_loop3A_757 = arith.mulf %parallel_loop3A_756, %parallel_loop3A_200 : vector<16xf32>
        %parallel_loop3A_758 = arith.addf %parallel_loop3A_751, %parallel_loop3A_757 : vector<16xf32>
        %parallel_loop3A_759 = arith.constant 72 : i32
        %parallel_loop3A_760 = arith.index_cast %parallel_loop3A_759 : i32 to index
        %parallel_loop3A_761 = arith.index_cast %parallel_loop3A_140 : i32 to index
        %parallel_loop3A_762 = tpu.vector_load %arg7[%parallel_loop3A_760, %parallel_loop3A_761] {strides = array<i32>} : memref<160x256xf32, #tpu.memory_space<vmem>>, vector<1x16xf32>,
        %parallel_loop3A_763 = vector.shape_cast %parallel_loop3A_762 : vector<1x16xf32> to vector<16xf32>
        %parallel_loop3A_764 = arith.mulf %parallel_loop3A_763, %parallel_loop3A_205 : vector<16xf32>
        %parallel_loop3A_765 = arith.addf %parallel_loop3A_758, %parallel_loop3A_764 : vector<16xf32>
        %parallel_loop3A_766 = arith.constant 73 : i32
        %parallel_loop3A_767 = arith.index_cast %parallel_loop3A_766 : i32 to index
        %parallel_loop3A_768 = arith.index_cast %parallel_loop3A_140 : i32 to index
        %parallel_loop3A_769 = tpu.vector_load %arg7[%parallel_loop3A_767, %parallel_loop3A_768] {strides = array<i32>} : memref<160x256xf32, #tpu.memory_space<vmem>>, vector<1x16xf32>,
        %parallel_loop3A_770 = vector.shape_cast %parallel_loop3A_769 : vector<1x16xf32> to vector<16xf32>
        %parallel_loop3A_771 = arith.mulf %parallel_loop3A_770, %parallel_loop3A_210 : vector<16xf32>
        %parallel_loop3A_772 = arith.addf %parallel_loop3A_765, %parallel_loop3A_771 : vector<16xf32>
        %parallel_loop3A_773 = arith.constant 74 : i32
        %parallel_loop3A_774 = arith.index_cast %parallel_loop3A_773 : i32 to index
        %parallel_loop3A_775 = arith.index_cast %parallel_loop3A_140 : i32 to index
        %parallel_loop3A_776 = tpu.vector_load %arg7[%parallel_loop3A_774, %parallel_loop3A_775] {strides = array<i32>} : memref<160x256xf32, #tpu.memory_space<vmem>>, vector<1x16xf32>,
        %parallel_loop3A_777 = vector.shape_cast %parallel_loop3A_776 : vector<1x16xf32> to vector<16xf32>
        %parallel_loop3A_778 = arith.mulf %parallel_loop3A_777, %parallel_loop3A_215 : vector<16xf32>
        %parallel_loop3A_779 = arith.addf %parallel_loop3A_772, %parallel_loop3A_778 : vector<16xf32>
        %parallel_loop3A_780 = arith.constant 75 : i32
        %parallel_loop3A_781 = arith.index_cast %parallel_loop3A_780 : i32 to index
        %parallel_loop3A_782 = arith.index_cast %parallel_loop3A_140 : i32 to index
        %parallel_loop3A_783 = tpu.vector_load %arg7[%parallel_loop3A_781, %parallel_loop3A_782] {strides = array<i32>} : memref<160x256xf32, #tpu.memory_space<vmem>>, vector<1x16xf32>,
        %parallel_loop3A_784 = vector.shape_cast %parallel_loop3A_783 : vector<1x16xf32> to vector<16xf32>
        %parallel_loop3A_785 = arith.mulf %parallel_loop3A_784, %parallel_loop3A_220 : vector<16xf32>
        %parallel_loop3A_786 = arith.addf %parallel_loop3A_779, %parallel_loop3A_785 : vector<16xf32>
        %parallel_loop3A_787 = arith.constant 76 : i32
        %parallel_loop3A_788 = arith.index_cast %parallel_loop3A_787 : i32 to index
        %parallel_loop3A_789 = arith.index_cast %parallel_loop3A_140 : i32 to index
        %parallel_loop3A_790 = tpu.vector_load %arg7[%parallel_loop3A_788, %parallel_loop3A_789] {strides = array<i32>} : memref<160x256xf32, #tpu.memory_space<vmem>>, vector<1x16xf32>,
        %parallel_loop3A_791 = vector.shape_cast %parallel_loop3A_790 : vector<1x16xf32> to vector<16xf32>
        %parallel_loop3A_792 = arith.mulf %parallel_loop3A_791, %parallel_loop3A_225 : vector<16xf32>
        %parallel_loop3A_793 = arith.addf %parallel_loop3A_786, %parallel_loop3A_792 : vector<16xf32>
        %parallel_loop3A_794 = arith.constant 77 : i32
        %parallel_loop3A_795 = arith.index_cast %parallel_loop3A_794 : i32 to index
        %parallel_loop3A_796 = arith.index_cast %parallel_loop3A_140 : i32 to index
        %parallel_loop3A_797 = tpu.vector_load %arg7[%parallel_loop3A_795, %parallel_loop3A_796] {strides = array<i32>} : memref<160x256xf32, #tpu.memory_space<vmem>>, vector<1x16xf32>,
        %parallel_loop3A_798 = vector.shape_cast %parallel_loop3A_797 : vector<1x16xf32> to vector<16xf32>
        %parallel_loop3A_799 = arith.mulf %parallel_loop3A_798, %parallel_loop3A_230 : vector<16xf32>
        %parallel_loop3A_800 = arith.addf %parallel_loop3A_793, %parallel_loop3A_799 : vector<16xf32>
        %parallel_loop3A_801 = arith.constant 78 : i32
        %parallel_loop3A_802 = arith.index_cast %parallel_loop3A_801 : i32 to index
        %parallel_loop3A_803 = arith.index_cast %parallel_loop3A_140 : i32 to index
        %parallel_loop3A_804 = tpu.vector_load %arg7[%parallel_loop3A_802, %parallel_loop3A_803] {strides = array<i32>} : memref<160x256xf32, #tpu.memory_space<vmem>>, vector<1x16xf32>,
        %parallel_loop3A_805 = vector.shape_cast %parallel_loop3A_804 : vector<1x16xf32> to vector<16xf32>
        %parallel_loop3A_806 = arith.mulf %parallel_loop3A_805, %parallel_loop3A_235 : vector<16xf32>
        %parallel_loop3A_807 = arith.addf %parallel_loop3A_800, %parallel_loop3A_806 : vector<16xf32>
        %parallel_loop3A_808 = arith.constant 79 : i32
        %parallel_loop3A_809 = arith.index_cast %parallel_loop3A_808 : i32 to index
        %parallel_loop3A_810 = arith.index_cast %parallel_loop3A_140 : i32 to index
        %parallel_loop3A_811 = tpu.vector_load %arg7[%parallel_loop3A_809, %parallel_loop3A_810] {strides = array<i32>} : memref<160x256xf32, #tpu.memory_space<vmem>>, vector<1x16xf32>,
        %parallel_loop3A_812 = vector.shape_cast %parallel_loop3A_811 : vector<1x16xf32> to vector<16xf32>
        %parallel_loop3A_813 = arith.mulf %parallel_loop3A_812, %parallel_loop3A_240 : vector<16xf32>
        %parallel_loop3A_814 = arith.addf %parallel_loop3A_807, %parallel_loop3A_813 : vector<16xf32>
        %parallel_loop3A_815 = arith.constant 3 : i32
        %parallel_loop3A_816 = arith.index_cast %parallel_loop3A_815 : i32 to index
        %parallel_loop3A_817 = arith.index_cast %parallel_loop3A_140 : i32 to index
        %parallel_loop3A_818 = tpu.vector_load %arg10[%parallel_loop3A_816, %parallel_loop3A_817] {strides = array<i32>} : memref<8x256xf32, #tpu.memory_space<vmem>>, vector<1x16xf32>,
        %parallel_loop3A_819 = vector.shape_cast %parallel_loop3A_818 : vector<1x16xf32> to vector<16xf32>
        %parallel_loop3A_820 = vector.shape_cast %parallel_loop3A_814 : vector<16xf32> to vector<1x16xf32>
        tpu.vector_store %arg10[%parallel_loop3A_816, %parallel_loop3A_817], %parallel_loop3A_820 {strides = array<i32>} : memref<8x256xf32, #tpu.memory_space<vmem>>, vector<1x16xf32>,
        %parallel_loop3A_821 = arith.constant 80 : i32
        %parallel_loop3A_822 = arith.index_cast %parallel_loop3A_821 : i32 to index
        %parallel_loop3A_823 = arith.index_cast %parallel_loop3A_140 : i32 to index
        %parallel_loop3A_824 = tpu.vector_load %arg7[%parallel_loop3A_822, %parallel_loop3A_823] {strides = array<i32>} : memref<160x256xf32, #tpu.memory_space<vmem>>, vector<1x16xf32>,
        %parallel_loop3A_825 = vector.shape_cast %parallel_loop3A_824 : vector<1x16xf32> to vector<16xf32>
        %parallel_loop3A_826 = arith.mulf %parallel_loop3A_825, %parallel_loop3A_145 : vector<16xf32>
        %parallel_loop3A_827 = arith.constant 81 : i32
        %parallel_loop3A_828 = arith.index_cast %parallel_loop3A_827 : i32 to index
        %parallel_loop3A_829 = arith.index_cast %parallel_loop3A_140 : i32 to index
        %parallel_loop3A_830 = tpu.vector_load %arg7[%parallel_loop3A_828, %parallel_loop3A_829] {strides = array<i32>} : memref<160x256xf32, #tpu.memory_space<vmem>>, vector<1x16xf32>,
        %parallel_loop3A_831 = vector.shape_cast %parallel_loop3A_830 : vector<1x16xf32> to vector<16xf32>
        %parallel_loop3A_832 = arith.mulf %parallel_loop3A_831, %parallel_loop3A_150 : vector<16xf32>
        %parallel_loop3A_833 = arith.addf %parallel_loop3A_826, %parallel_loop3A_832 : vector<16xf32>
        %parallel_loop3A_834 = arith.constant 82 : i32
        %parallel_loop3A_835 = arith.index_cast %parallel_loop3A_834 : i32 to index
        %parallel_loop3A_836 = arith.index_cast %parallel_loop3A_140 : i32 to index
        %parallel_loop3A_837 = tpu.vector_load %arg7[%parallel_loop3A_835, %parallel_loop3A_836] {strides = array<i32>} : memref<160x256xf32, #tpu.memory_space<vmem>>, vector<1x16xf32>,
        %parallel_loop3A_838 = vector.shape_cast %parallel_loop3A_837 : vector<1x16xf32> to vector<16xf32>
        %parallel_loop3A_839 = arith.mulf %parallel_loop3A_838, %parallel_loop3A_155 : vector<16xf32>
        %parallel_loop3A_840 = arith.addf %parallel_loop3A_833, %parallel_loop3A_839 : vector<16xf32>
        %parallel_loop3A_841 = arith.constant 83 : i32
        %parallel_loop3A_842 = arith.index_cast %parallel_loop3A_841 : i32 to index
        %parallel_loop3A_843 = arith.index_cast %parallel_loop3A_140 : i32 to index
        %parallel_loop3A_844 = tpu.vector_load %arg7[%parallel_loop3A_842, %parallel_loop3A_843] {strides = array<i32>} : memref<160x256xf32, #tpu.memory_space<vmem>>, vector<1x16xf32>,
        %parallel_loop3A_845 = vector.shape_cast %parallel_loop3A_844 : vector<1x16xf32> to vector<16xf32>
        %parallel_loop3A_846 = arith.mulf %parallel_loop3A_845, %parallel_loop3A_160 : vector<16xf32>
        %parallel_loop3A_847 = arith.addf %parallel_loop3A_840, %parallel_loop3A_846 : vector<16xf32>
        %parallel_loop3A_848 = arith.constant 84 : i32
        %parallel_loop3A_849 = arith.index_cast %parallel_loop3A_848 : i32 to index
        %parallel_loop3A_850 = arith.index_cast %parallel_loop3A_140 : i32 to index
        %parallel_loop3A_851 = tpu.vector_load %arg7[%parallel_loop3A_849, %parallel_loop3A_850] {strides = array<i32>} : memref<160x256xf32, #tpu.memory_space<vmem>>, vector<1x16xf32>,
        %parallel_loop3A_852 = vector.shape_cast %parallel_loop3A_851 : vector<1x16xf32> to vector<16xf32>
        %parallel_loop3A_853 = arith.mulf %parallel_loop3A_852, %parallel_loop3A_165 : vector<16xf32>
        %parallel_loop3A_854 = arith.addf %parallel_loop3A_847, %parallel_loop3A_853 : vector<16xf32>
        %parallel_loop3A_855 = arith.constant 85 : i32
        %parallel_loop3A_856 = arith.index_cast %parallel_loop3A_855 : i32 to index
        %parallel_loop3A_857 = arith.index_cast %parallel_loop3A_140 : i32 to index
        %parallel_loop3A_858 = tpu.vector_load %arg7[%parallel_loop3A_856, %parallel_loop3A_857] {strides = array<i32>} : memref<160x256xf32, #tpu.memory_space<vmem>>, vector<1x16xf32>,
        %parallel_loop3A_859 = vector.shape_cast %parallel_loop3A_858 : vector<1x16xf32> to vector<16xf32>
        %parallel_loop3A_860 = arith.mulf %parallel_loop3A_859, %parallel_loop3A_170 : vector<16xf32>
        %parallel_loop3A_861 = arith.addf %parallel_loop3A_854, %parallel_loop3A_860 : vector<16xf32>
        %parallel_loop3A_862 = arith.constant 86 : i32
        %parallel_loop3A_863 = arith.index_cast %parallel_loop3A_862 : i32 to index
        %parallel_loop3A_864 = arith.index_cast %parallel_loop3A_140 : i32 to index
        %parallel_loop3A_865 = tpu.vector_load %arg7[%parallel_loop3A_863, %parallel_loop3A_864] {strides = array<i32>} : memref<160x256xf32, #tpu.memory_space<vmem>>, vector<1x16xf32>,
        %parallel_loop3A_866 = vector.shape_cast %parallel_loop3A_865 : vector<1x16xf32> to vector<16xf32>
        %parallel_loop3A_867 = arith.mulf %parallel_loop3A_866, %parallel_loop3A_175 : vector<16xf32>
        %parallel_loop3A_868 = arith.addf %parallel_loop3A_861, %parallel_loop3A_867 : vector<16xf32>
        %parallel_loop3A_869 = arith.constant 87 : i32
        %parallel_loop3A_870 = arith.index_cast %parallel_loop3A_869 : i32 to index
        %parallel_loop3A_871 = arith.index_cast %parallel_loop3A_140 : i32 to index
        %parallel_loop3A_872 = tpu.vector_load %arg7[%parallel_loop3A_870, %parallel_loop3A_871] {strides = array<i32>} : memref<160x256xf32, #tpu.memory_space<vmem>>, vector<1x16xf32>,
        %parallel_loop3A_873 = vector.shape_cast %parallel_loop3A_872 : vector<1x16xf32> to vector<16xf32>
        %parallel_loop3A_874 = arith.mulf %parallel_loop3A_873, %parallel_loop3A_180 : vector<16xf32>
        %parallel_loop3A_875 = arith.addf %parallel_loop3A_868, %parallel_loop3A_874 : vector<16xf32>
        %parallel_loop3A_876 = arith.constant 88 : i32
        %parallel_loop3A_877 = arith.index_cast %parallel_loop3A_876 : i32 to index
        %parallel_loop3A_878 = arith.index_cast %parallel_loop3A_140 : i32 to index
        %parallel_loop3A_879 = tpu.vector_load %arg7[%parallel_loop3A_877, %parallel_loop3A_878] {strides = array<i32>} : memref<160x256xf32, #tpu.memory_space<vmem>>, vector<1x16xf32>,
        %parallel_loop3A_880 = vector.shape_cast %parallel_loop3A_879 : vector<1x16xf32> to vector<16xf32>
        %parallel_loop3A_881 = arith.mulf %parallel_loop3A_880, %parallel_loop3A_185 : vector<16xf32>
        %parallel_loop3A_882 = arith.addf %parallel_loop3A_875, %parallel_loop3A_881 : vector<16xf32>
        %parallel_loop3A_883 = arith.constant 89 : i32
        %parallel_loop3A_884 = arith.index_cast %parallel_loop3A_883 : i32 to index
        %parallel_loop3A_885 = arith.index_cast %parallel_loop3A_140 : i32 to index
        %parallel_loop3A_886 = tpu.vector_load %arg7[%parallel_loop3A_884, %parallel_loop3A_885] {strides = array<i32>} : memref<160x256xf32, #tpu.memory_space<vmem>>, vector<1x16xf32>,
        %parallel_loop3A_887 = vector.shape_cast %parallel_loop3A_886 : vector<1x16xf32> to vector<16xf32>
        %parallel_loop3A_888 = arith.mulf %parallel_loop3A_887, %parallel_loop3A_190 : vector<16xf32>
        %parallel_loop3A_889 = arith.addf %parallel_loop3A_882, %parallel_loop3A_888 : vector<16xf32>
        %parallel_loop3A_890 = arith.constant 90 : i32
        %parallel_loop3A_891 = arith.index_cast %parallel_loop3A_890 : i32 to index
        %parallel_loop3A_892 = arith.index_cast %parallel_loop3A_140 : i32 to index
        %parallel_loop3A_893 = tpu.vector_load %arg7[%parallel_loop3A_891, %parallel_loop3A_892] {strides = array<i32>} : memref<160x256xf32, #tpu.memory_space<vmem>>, vector<1x16xf32>,
        %parallel_loop3A_894 = vector.shape_cast %parallel_loop3A_893 : vector<1x16xf32> to vector<16xf32>
        %parallel_loop3A_895 = arith.mulf %parallel_loop3A_894, %parallel_loop3A_195 : vector<16xf32>
        %parallel_loop3A_896 = arith.addf %parallel_loop3A_889, %parallel_loop3A_895 : vector<16xf32>
        %parallel_loop3A_897 = arith.constant 91 : i32
        %parallel_loop3A_898 = arith.index_cast %parallel_loop3A_897 : i32 to index
        %parallel_loop3A_899 = arith.index_cast %parallel_loop3A_140 : i32 to index
        %parallel_loop3A_900 = tpu.vector_load %arg7[%parallel_loop3A_898, %parallel_loop3A_899] {strides = array<i32>} : memref<160x256xf32, #tpu.memory_space<vmem>>, vector<1x16xf32>,
        %parallel_loop3A_901 = vector.shape_cast %parallel_loop3A_900 : vector<1x16xf32> to vector<16xf32>
        %parallel_loop3A_902 = arith.mulf %parallel_loop3A_901, %parallel_loop3A_200 : vector<16xf32>
        %parallel_loop3A_903 = arith.addf %parallel_loop3A_896, %parallel_loop3A_902 : vector<16xf32>
        %parallel_loop3A_904 = arith.constant 92 : i32
        %parallel_loop3A_905 = arith.index_cast %parallel_loop3A_904 : i32 to index
        %parallel_loop3A_906 = arith.index_cast %parallel_loop3A_140 : i32 to index
        %parallel_loop3A_907 = tpu.vector_load %arg7[%parallel_loop3A_905, %parallel_loop3A_906] {strides = array<i32>} : memref<160x256xf32, #tpu.memory_space<vmem>>, vector<1x16xf32>,
        %parallel_loop3A_908 = vector.shape_cast %parallel_loop3A_907 : vector<1x16xf32> to vector<16xf32>
        %parallel_loop3A_909 = arith.mulf %parallel_loop3A_908, %parallel_loop3A_205 : vector<16xf32>
        %parallel_loop3A_910 = arith.addf %parallel_loop3A_903, %parallel_loop3A_909 : vector<16xf32>
        %parallel_loop3A_911 = arith.constant 93 : i32
        %parallel_loop3A_912 = arith.index_cast %parallel_loop3A_911 : i32 to index
        %parallel_loop3A_913 = arith.index_cast %parallel_loop3A_140 : i32 to index
        %parallel_loop3A_914 = tpu.vector_load %arg7[%parallel_loop3A_912, %parallel_loop3A_913] {strides = array<i32>} : memref<160x256xf32, #tpu.memory_space<vmem>>, vector<1x16xf32>,
        %parallel_loop3A_915 = vector.shape_cast %parallel_loop3A_914 : vector<1x16xf32> to vector<16xf32>
        %parallel_loop3A_916 = arith.mulf %parallel_loop3A_915, %parallel_loop3A_210 : vector<16xf32>
        %parallel_loop3A_917 = arith.addf %parallel_loop3A_910, %parallel_loop3A_916 : vector<16xf32>
        %parallel_loop3A_918 = arith.constant 94 : i32
        %parallel_loop3A_919 = arith.index_cast %parallel_loop3A_918 : i32 to index
        %parallel_loop3A_920 = arith.index_cast %parallel_loop3A_140 : i32 to index
        %parallel_loop3A_921 = tpu.vector_load %arg7[%parallel_loop3A_919, %parallel_loop3A_920] {strides = array<i32>} : memref<160x256xf32, #tpu.memory_space<vmem>>, vector<1x16xf32>,
        %parallel_loop3A_922 = vector.shape_cast %parallel_loop3A_921 : vector<1x16xf32> to vector<16xf32>
        %parallel_loop3A_923 = arith.mulf %parallel_loop3A_922, %parallel_loop3A_215 : vector<16xf32>
        %parallel_loop3A_924 = arith.addf %parallel_loop3A_917, %parallel_loop3A_923 : vector<16xf32>
        %parallel_loop3A_925 = arith.constant 95 : i32
        %parallel_loop3A_926 = arith.index_cast %parallel_loop3A_925 : i32 to index
        %parallel_loop3A_927 = arith.index_cast %parallel_loop3A_140 : i32 to index
        %parallel_loop3A_928 = tpu.vector_load %arg7[%parallel_loop3A_926, %parallel_loop3A_927] {strides = array<i32>} : memref<160x256xf32, #tpu.memory_space<vmem>>, vector<1x16xf32>,
        %parallel_loop3A_929 = vector.shape_cast %parallel_loop3A_928 : vector<1x16xf32> to vector<16xf32>
        %parallel_loop3A_930 = arith.mulf %parallel_loop3A_929, %parallel_loop3A_220 : vector<16xf32>
        %parallel_loop3A_931 = arith.addf %parallel_loop3A_924, %parallel_loop3A_930 : vector<16xf32>
        %parallel_loop3A_932 = arith.constant 96 : i32
        %parallel_loop3A_933 = arith.index_cast %parallel_loop3A_932 : i32 to index
        %parallel_loop3A_934 = arith.index_cast %parallel_loop3A_140 : i32 to index
        %parallel_loop3A_935 = tpu.vector_load %arg7[%parallel_loop3A_933, %parallel_loop3A_934] {strides = array<i32>} : memref<160x256xf32, #tpu.memory_space<vmem>>, vector<1x16xf32>,
        %parallel_loop3A_936 = vector.shape_cast %parallel_loop3A_935 : vector<1x16xf32> to vector<16xf32>
        %parallel_loop3A_937 = arith.mulf %parallel_loop3A_936, %parallel_loop3A_225 : vector<16xf32>
        %parallel_loop3A_938 = arith.addf %parallel_loop3A_931, %parallel_loop3A_937 : vector<16xf32>
        %parallel_loop3A_939 = arith.constant 97 : i32
        %parallel_loop3A_940 = arith.index_cast %parallel_loop3A_939 : i32 to index
        %parallel_loop3A_941 = arith.index_cast %parallel_loop3A_140 : i32 to index
        %parallel_loop3A_942 = tpu.vector_load %arg7[%parallel_loop3A_940, %parallel_loop3A_941] {strides = array<i32>} : memref<160x256xf32, #tpu.memory_space<vmem>>, vector<1x16xf32>,
        %parallel_loop3A_943 = vector.shape_cast %parallel_loop3A_942 : vector<1x16xf32> to vector<16xf32>
        %parallel_loop3A_944 = arith.mulf %parallel_loop3A_943, %parallel_loop3A_230 : vector<16xf32>
        %parallel_loop3A_945 = arith.addf %parallel_loop3A_938, %parallel_loop3A_944 : vector<16xf32>
        %parallel_loop3A_946 = arith.constant 98 : i32
        %parallel_loop3A_947 = arith.index_cast %parallel_loop3A_946 : i32 to index
        %parallel_loop3A_948 = arith.index_cast %parallel_loop3A_140 : i32 to index
        %parallel_loop3A_949 = tpu.vector_load %arg7[%parallel_loop3A_947, %parallel_loop3A_948] {strides = array<i32>} : memref<160x256xf32, #tpu.memory_space<vmem>>, vector<1x16xf32>,
        %parallel_loop3A_950 = vector.shape_cast %parallel_loop3A_949 : vector<1x16xf32> to vector<16xf32>
        %parallel_loop3A_951 = arith.mulf %parallel_loop3A_950, %parallel_loop3A_235 : vector<16xf32>
        %parallel_loop3A_952 = arith.addf %parallel_loop3A_945, %parallel_loop3A_951 : vector<16xf32>
        %parallel_loop3A_953 = arith.constant 99 : i32
        %parallel_loop3A_954 = arith.index_cast %parallel_loop3A_953 : i32 to index
        %parallel_loop3A_955 = arith.index_cast %parallel_loop3A_140 : i32 to index
        %parallel_loop3A_956 = tpu.vector_load %arg7[%parallel_loop3A_954, %parallel_loop3A_955] {strides = array<i32>} : memref<160x256xf32, #tpu.memory_space<vmem>>, vector<1x16xf32>,
        %parallel_loop3A_957 = vector.shape_cast %parallel_loop3A_956 : vector<1x16xf32> to vector<16xf32>
        %parallel_loop3A_958 = arith.mulf %parallel_loop3A_957, %parallel_loop3A_240 : vector<16xf32>
        %parallel_loop3A_959 = arith.addf %parallel_loop3A_952, %parallel_loop3A_958 : vector<16xf32>
        %parallel_loop3A_960 = arith.constant 4 : i32
        %parallel_loop3A_961 = arith.index_cast %parallel_loop3A_960 : i32 to index
        %parallel_loop3A_962 = arith.index_cast %parallel_loop3A_140 : i32 to index
        %parallel_loop3A_963 = tpu.vector_load %arg10[%parallel_loop3A_961, %parallel_loop3A_962] {strides = array<i32>} : memref<8x256xf32, #tpu.memory_space<vmem>>, vector<1x16xf32>,
        %parallel_loop3A_964 = vector.shape_cast %parallel_loop3A_963 : vector<1x16xf32> to vector<16xf32>
        %parallel_loop3A_965 = vector.shape_cast %parallel_loop3A_959 : vector<16xf32> to vector<1x16xf32>
        tpu.vector_store %arg10[%parallel_loop3A_961, %parallel_loop3A_962], %parallel_loop3A_965 {strides = array<i32>} : memref<8x256xf32, #tpu.memory_space<vmem>>, vector<1x16xf32>,
        %parallel_loop3A_966 = arith.constant 100 : i32
        %parallel_loop3A_967 = arith.index_cast %parallel_loop3A_966 : i32 to index
        %parallel_loop3A_968 = arith.index_cast %parallel_loop3A_140 : i32 to index
        %parallel_loop3A_969 = tpu.vector_load %arg7[%parallel_loop3A_967, %parallel_loop3A_968] {strides = array<i32>} : memref<160x256xf32, #tpu.memory_space<vmem>>, vector<1x16xf32>,
        %parallel_loop3A_970 = vector.shape_cast %parallel_loop3A_969 : vector<1x16xf32> to vector<16xf32>
        %parallel_loop3A_971 = arith.mulf %parallel_loop3A_970, %parallel_loop3A_145 : vector<16xf32>
        %parallel_loop3A_972 = arith.constant 101 : i32
        %parallel_loop3A_973 = arith.index_cast %parallel_loop3A_972 : i32 to index
        %parallel_loop3A_974 = arith.index_cast %parallel_loop3A_140 : i32 to index
        %parallel_loop3A_975 = tpu.vector_load %arg7[%parallel_loop3A_973, %parallel_loop3A_974] {strides = array<i32>} : memref<160x256xf32, #tpu.memory_space<vmem>>, vector<1x16xf32>,
        %parallel_loop3A_976 = vector.shape_cast %parallel_loop3A_975 : vector<1x16xf32> to vector<16xf32>
        %parallel_loop3A_977 = arith.mulf %parallel_loop3A_976, %parallel_loop3A_150 : vector<16xf32>
        %parallel_loop3A_978 = arith.addf %parallel_loop3A_971, %parallel_loop3A_977 : vector<16xf32>
        %parallel_loop3A_979 = arith.constant 102 : i32
        %parallel_loop3A_980 = arith.index_cast %parallel_loop3A_979 : i32 to index
        %parallel_loop3A_981 = arith.index_cast %parallel_loop3A_140 : i32 to index
        %parallel_loop3A_982 = tpu.vector_load %arg7[%parallel_loop3A_980, %parallel_loop3A_981] {strides = array<i32>} : memref<160x256xf32, #tpu.memory_space<vmem>>, vector<1x16xf32>,
        %parallel_loop3A_983 = vector.shape_cast %parallel_loop3A_982 : vector<1x16xf32> to vector<16xf32>
        %parallel_loop3A_984 = arith.mulf %parallel_loop3A_983, %parallel_loop3A_155 : vector<16xf32>
        %parallel_loop3A_985 = arith.addf %parallel_loop3A_978, %parallel_loop3A_984 : vector<16xf32>
        %parallel_loop3A_986 = arith.constant 103 : i32
        %parallel_loop3A_987 = arith.index_cast %parallel_loop3A_986 : i32 to index
        %parallel_loop3A_988 = arith.index_cast %parallel_loop3A_140 : i32 to index
        %parallel_loop3A_989 = tpu.vector_load %arg7[%parallel_loop3A_987, %parallel_loop3A_988] {strides = array<i32>} : memref<160x256xf32, #tpu.memory_space<vmem>>, vector<1x16xf32>,
        %parallel_loop3A_990 = vector.shape_cast %parallel_loop3A_989 : vector<1x16xf32> to vector<16xf32>
        %parallel_loop3A_991 = arith.mulf %parallel_loop3A_990, %parallel_loop3A_160 : vector<16xf32>
        %parallel_loop3A_992 = arith.addf %parallel_loop3A_985, %parallel_loop3A_991 : vector<16xf32>
        %parallel_loop3A_993 = arith.constant 104 : i32
        %parallel_loop3A_994 = arith.index_cast %parallel_loop3A_993 : i32 to index
        %parallel_loop3A_995 = arith.index_cast %parallel_loop3A_140 : i32 to index
        %parallel_loop3A_996 = tpu.vector_load %arg7[%parallel_loop3A_994, %parallel_loop3A_995] {strides = array<i32>} : memref<160x256xf32, #tpu.memory_space<vmem>>, vector<1x16xf32>,
        %parallel_loop3A_997 = vector.shape_cast %parallel_loop3A_996 : vector<1x16xf32> to vector<16xf32>
        %parallel_loop3A_998 = arith.mulf %parallel_loop3A_997, %parallel_loop3A_165 : vector<16xf32>
        %parallel_loop3A_999 = arith.addf %parallel_loop3A_992, %parallel_loop3A_998 : vector<16xf32>
        %parallel_loop3A_1000 = arith.constant 105 : i32
        %parallel_loop3A_1001 = arith.index_cast %parallel_loop3A_1000 : i32 to index
        %parallel_loop3A_1002 = arith.index_cast %parallel_loop3A_140 : i32 to index
        %parallel_loop3A_1003 = tpu.vector_load %arg7[%parallel_loop3A_1001, %parallel_loop3A_1002] {strides = array<i32>} : memref<160x256xf32, #tpu.memory_space<vmem>>, vector<1x16xf32>,
        %parallel_loop3A_1004 = vector.shape_cast %parallel_loop3A_1003 : vector<1x16xf32> to vector<16xf32>
        %parallel_loop3A_1005 = arith.mulf %parallel_loop3A_1004, %parallel_loop3A_170 : vector<16xf32>
        %parallel_loop3A_1006 = arith.addf %parallel_loop3A_999, %parallel_loop3A_1005 : vector<16xf32>
        %parallel_loop3A_1007 = arith.constant 106 : i32
        %parallel_loop3A_1008 = arith.index_cast %parallel_loop3A_1007 : i32 to index
        %parallel_loop3A_1009 = arith.index_cast %parallel_loop3A_140 : i32 to index
        %parallel_loop3A_1010 = tpu.vector_load %arg7[%parallel_loop3A_1008, %parallel_loop3A_1009] {strides = array<i32>} : memref<160x256xf32, #tpu.memory_space<vmem>>, vector<1x16xf32>,
        %parallel_loop3A_1011 = vector.shape_cast %parallel_loop3A_1010 : vector<1x16xf32> to vector<16xf32>
        %parallel_loop3A_1012 = arith.mulf %parallel_loop3A_1011, %parallel_loop3A_175 : vector<16xf32>
        %parallel_loop3A_1013 = arith.addf %parallel_loop3A_1006, %parallel_loop3A_1012 : vector<16xf32>
        %parallel_loop3A_1014 = arith.constant 107 : i32
        %parallel_loop3A_1015 = arith.index_cast %parallel_loop3A_1014 : i32 to index
        %parallel_loop3A_1016 = arith.index_cast %parallel_loop3A_140 : i32 to index
        %parallel_loop3A_1017 = tpu.vector_load %arg7[%parallel_loop3A_1015, %parallel_loop3A_1016] {strides = array<i32>} : memref<160x256xf32, #tpu.memory_space<vmem>>, vector<1x16xf32>,
        %parallel_loop3A_1018 = vector.shape_cast %parallel_loop3A_1017 : vector<1x16xf32> to vector<16xf32>
        %parallel_loop3A_1019 = arith.mulf %parallel_loop3A_1018, %parallel_loop3A_180 : vector<16xf32>
        %parallel_loop3A_1020 = arith.addf %parallel_loop3A_1013, %parallel_loop3A_1019 : vector<16xf32>
        %parallel_loop3A_1021 = arith.constant 108 : i32
        %parallel_loop3A_1022 = arith.index_cast %parallel_loop3A_1021 : i32 to index
        %parallel_loop3A_1023 = arith.index_cast %parallel_loop3A_140 : i32 to index
        %parallel_loop3A_1024 = tpu.vector_load %arg7[%parallel_loop3A_1022, %parallel_loop3A_1023] {strides = array<i32>} : memref<160x256xf32, #tpu.memory_space<vmem>>, vector<1x16xf32>,
        %parallel_loop3A_1025 = vector.shape_cast %parallel_loop3A_1024 : vector<1x16xf32> to vector<16xf32>
        %parallel_loop3A_1026 = arith.mulf %parallel_loop3A_1025, %parallel_loop3A_185 : vector<16xf32>
        %parallel_loop3A_1027 = arith.addf %parallel_loop3A_1020, %parallel_loop3A_1026 : vector<16xf32>
        %parallel_loop3A_1028 = arith.constant 109 : i32
        %parallel_loop3A_1029 = arith.index_cast %parallel_loop3A_1028 : i32 to index
        %parallel_loop3A_1030 = arith.index_cast %parallel_loop3A_140 : i32 to index
        %parallel_loop3A_1031 = tpu.vector_load %arg7[%parallel_loop3A_1029, %parallel_loop3A_1030] {strides = array<i32>} : memref<160x256xf32, #tpu.memory_space<vmem>>, vector<1x16xf32>,
        %parallel_loop3A_1032 = vector.shape_cast %parallel_loop3A_1031 : vector<1x16xf32> to vector<16xf32>
        %parallel_loop3A_1033 = arith.mulf %parallel_loop3A_1032, %parallel_loop3A_190 : vector<16xf32>
        %parallel_loop3A_1034 = arith.addf %parallel_loop3A_1027, %parallel_loop3A_1033 : vector<16xf32>
        %parallel_loop3A_1035 = arith.constant 110 : i32
        %parallel_loop3A_1036 = arith.index_cast %parallel_loop3A_1035 : i32 to index
        %parallel_loop3A_1037 = arith.index_cast %parallel_loop3A_140 : i32 to index
        %parallel_loop3A_1038 = tpu.vector_load %arg7[%parallel_loop3A_1036, %parallel_loop3A_1037] {strides = array<i32>} : memref<160x256xf32, #tpu.memory_space<vmem>>, vector<1x16xf32>,
        %parallel_loop3A_1039 = vector.shape_cast %parallel_loop3A_1038 : vector<1x16xf32> to vector<16xf32>
        %parallel_loop3A_1040 = arith.mulf %parallel_loop3A_1039, %parallel_loop3A_195 : vector<16xf32>
        %parallel_loop3A_1041 = arith.addf %parallel_loop3A_1034, %parallel_loop3A_1040 : vector<16xf32>
        %parallel_loop3A_1042 = arith.constant 111 : i32
        %parallel_loop3A_1043 = arith.index_cast %parallel_loop3A_1042 : i32 to index
        %parallel_loop3A_1044 = arith.index_cast %parallel_loop3A_140 : i32 to index
        %parallel_loop3A_1045 = tpu.vector_load %arg7[%parallel_loop3A_1043, %parallel_loop3A_1044] {strides = array<i32>} : memref<160x256xf32, #tpu.memory_space<vmem>>, vector<1x16xf32>,
        %parallel_loop3A_1046 = vector.shape_cast %parallel_loop3A_1045 : vector<1x16xf32> to vector<16xf32>
        %parallel_loop3A_1047 = arith.mulf %parallel_loop3A_1046, %parallel_loop3A_200 : vector<16xf32>
        %parallel_loop3A_1048 = arith.addf %parallel_loop3A_1041, %parallel_loop3A_1047 : vector<16xf32>
        %parallel_loop3A_1049 = arith.constant 112 : i32
        %parallel_loop3A_1050 = arith.index_cast %parallel_loop3A_1049 : i32 to index
        %parallel_loop3A_1051 = arith.index_cast %parallel_loop3A_140 : i32 to index
        %parallel_loop3A_1052 = tpu.vector_load %arg7[%parallel_loop3A_1050, %parallel_loop3A_1051] {strides = array<i32>} : memref<160x256xf32, #tpu.memory_space<vmem>>, vector<1x16xf32>,
        %parallel_loop3A_1053 = vector.shape_cast %parallel_loop3A_1052 : vector<1x16xf32> to vector<16xf32>
        %parallel_loop3A_1054 = arith.mulf %parallel_loop3A_1053, %parallel_loop3A_205 : vector<16xf32>
        %parallel_loop3A_1055 = arith.addf %parallel_loop3A_1048, %parallel_loop3A_1054 : vector<16xf32>
        %parallel_loop3A_1056 = arith.constant 113 : i32
        %parallel_loop3A_1057 = arith.index_cast %parallel_loop3A_1056 : i32 to index
        %parallel_loop3A_1058 = arith.index_cast %parallel_loop3A_140 : i32 to index
        %parallel_loop3A_1059 = tpu.vector_load %arg7[%parallel_loop3A_1057, %parallel_loop3A_1058] {strides = array<i32>} : memref<160x256xf32, #tpu.memory_space<vmem>>, vector<1x16xf32>,
        %parallel_loop3A_1060 = vector.shape_cast %parallel_loop3A_1059 : vector<1x16xf32> to vector<16xf32>
        %parallel_loop3A_1061 = arith.mulf %parallel_loop3A_1060, %parallel_loop3A_210 : vector<16xf32>
        %parallel_loop3A_1062 = arith.addf %parallel_loop3A_1055, %parallel_loop3A_1061 : vector<16xf32>
        %parallel_loop3A_1063 = arith.constant 114 : i32
        %parallel_loop3A_1064 = arith.index_cast %parallel_loop3A_1063 : i32 to index
        %parallel_loop3A_1065 = arith.index_cast %parallel_loop3A_140 : i32 to index
        %parallel_loop3A_1066 = tpu.vector_load %arg7[%parallel_loop3A_1064, %parallel_loop3A_1065] {strides = array<i32>} : memref<160x256xf32, #tpu.memory_space<vmem>>, vector<1x16xf32>,
        %parallel_loop3A_1067 = vector.shape_cast %parallel_loop3A_1066 : vector<1x16xf32> to vector<16xf32>
        %parallel_loop3A_1068 = arith.mulf %parallel_loop3A_1067, %parallel_loop3A_215 : vector<16xf32>
        %parallel_loop3A_1069 = arith.addf %parallel_loop3A_1062, %parallel_loop3A_1068 : vector<16xf32>
        %parallel_loop3A_1070 = arith.constant 115 : i32
        %parallel_loop3A_1071 = arith.index_cast %parallel_loop3A_1070 : i32 to index
        %parallel_loop3A_1072 = arith.index_cast %parallel_loop3A_140 : i32 to index
        %parallel_loop3A_1073 = tpu.vector_load %arg7[%parallel_loop3A_1071, %parallel_loop3A_1072] {strides = array<i32>} : memref<160x256xf32, #tpu.memory_space<vmem>>, vector<1x16xf32>,
        %parallel_loop3A_1074 = vector.shape_cast %parallel_loop3A_1073 : vector<1x16xf32> to vector<16xf32>
        %parallel_loop3A_1075 = arith.mulf %parallel_loop3A_1074, %parallel_loop3A_220 : vector<16xf32>
        %parallel_loop3A_1076 = arith.addf %parallel_loop3A_1069, %parallel_loop3A_1075 : vector<16xf32>
        %parallel_loop3A_1077 = arith.constant 116 : i32
        %parallel_loop3A_1078 = arith.index_cast %parallel_loop3A_1077 : i32 to index
        %parallel_loop3A_1079 = arith.index_cast %parallel_loop3A_140 : i32 to index
        %parallel_loop3A_1080 = tpu.vector_load %arg7[%parallel_loop3A_1078, %parallel_loop3A_1079] {strides = array<i32>} : memref<160x256xf32, #tpu.memory_space<vmem>>, vector<1x16xf32>,
        %parallel_loop3A_1081 = vector.shape_cast %parallel_loop3A_1080 : vector<1x16xf32> to vector<16xf32>
        %parallel_loop3A_1082 = arith.mulf %parallel_loop3A_1081, %parallel_loop3A_225 : vector<16xf32>
        %parallel_loop3A_1083 = arith.addf %parallel_loop3A_1076, %parallel_loop3A_1082 : vector<16xf32>
        %parallel_loop3A_1084 = arith.constant 117 : i32
        %parallel_loop3A_1085 = arith.index_cast %parallel_loop3A_1084 : i32 to index
        %parallel_loop3A_1086 = arith.index_cast %parallel_loop3A_140 : i32 to index
        %parallel_loop3A_1087 = tpu.vector_load %arg7[%parallel_loop3A_1085, %parallel_loop3A_1086] {strides = array<i32>} : memref<160x256xf32, #tpu.memory_space<vmem>>, vector<1x16xf32>,
        %parallel_loop3A_1088 = vector.shape_cast %parallel_loop3A_1087 : vector<1x16xf32> to vector<16xf32>
        %parallel_loop3A_1089 = arith.mulf %parallel_loop3A_1088, %parallel_loop3A_230 : vector<16xf32>
        %parallel_loop3A_1090 = arith.addf %parallel_loop3A_1083, %parallel_loop3A_1089 : vector<16xf32>
        %parallel_loop3A_1091 = arith.constant 118 : i32
        %parallel_loop3A_1092 = arith.index_cast %parallel_loop3A_1091 : i32 to index
        %parallel_loop3A_1093 = arith.index_cast %parallel_loop3A_140 : i32 to index
        %parallel_loop3A_1094 = tpu.vector_load %arg7[%parallel_loop3A_1092, %parallel_loop3A_1093] {strides = array<i32>} : memref<160x256xf32, #tpu.memory_space<vmem>>, vector<1x16xf32>,
        %parallel_loop3A_1095 = vector.shape_cast %parallel_loop3A_1094 : vector<1x16xf32> to vector<16xf32>
        %parallel_loop3A_1096 = arith.mulf %parallel_loop3A_1095, %parallel_loop3A_235 : vector<16xf32>
        %parallel_loop3A_1097 = arith.addf %parallel_loop3A_1090, %parallel_loop3A_1096 : vector<16xf32>
        %parallel_loop3A_1098 = arith.constant 119 : i32
        %parallel_loop3A_1099 = arith.index_cast %parallel_loop3A_1098 : i32 to index
        %parallel_loop3A_1100 = arith.index_cast %parallel_loop3A_140 : i32 to index
        %parallel_loop3A_1101 = tpu.vector_load %arg7[%parallel_loop3A_1099, %parallel_loop3A_1100] {strides = array<i32>} : memref<160x256xf32, #tpu.memory_space<vmem>>, vector<1x16xf32>,
        %parallel_loop3A_1102 = vector.shape_cast %parallel_loop3A_1101 : vector<1x16xf32> to vector<16xf32>
        %parallel_loop3A_1103 = arith.mulf %parallel_loop3A_1102, %parallel_loop3A_240 : vector<16xf32>
        %parallel_loop3A_1104 = arith.addf %parallel_loop3A_1097, %parallel_loop3A_1103 : vector<16xf32>
        %parallel_loop3A_1105 = arith.constant 5 : i32
        %parallel_loop3A_1106 = arith.index_cast %parallel_loop3A_1105 : i32 to index
        %parallel_loop3A_1107 = arith.index_cast %parallel_loop3A_140 : i32 to index
        %parallel_loop3A_1108 = tpu.vector_load %arg10[%parallel_loop3A_1106, %parallel_loop3A_1107] {strides = array<i32>} : memref<8x256xf32, #tpu.memory_space<vmem>>, vector<1x16xf32>,
        %parallel_loop3A_1109 = vector.shape_cast %parallel_loop3A_1108 : vector<1x16xf32> to vector<16xf32>
        %parallel_loop3A_1110 = vector.shape_cast %parallel_loop3A_1104 : vector<16xf32> to vector<1x16xf32>
        tpu.vector_store %arg10[%parallel_loop3A_1106, %parallel_loop3A_1107], %parallel_loop3A_1110 {strides = array<i32>} : memref<8x256xf32, #tpu.memory_space<vmem>>, vector<1x16xf32>,
        %parallel_loop3A_1111 = arith.constant 120 : i32
        %parallel_loop3A_1112 = arith.index_cast %parallel_loop3A_1111 : i32 to index
        %parallel_loop3A_1113 = arith.index_cast %parallel_loop3A_140 : i32 to index
        %parallel_loop3A_1114 = tpu.vector_load %arg7[%parallel_loop3A_1112, %parallel_loop3A_1113] {strides = array<i32>} : memref<160x256xf32, #tpu.memory_space<vmem>>, vector<1x16xf32>,
        %parallel_loop3A_1115 = vector.shape_cast %parallel_loop3A_1114 : vector<1x16xf32> to vector<16xf32>
        %parallel_loop3A_1116 = arith.mulf %parallel_loop3A_1115, %parallel_loop3A_145 : vector<16xf32>
        %parallel_loop3A_1117 = arith.constant 121 : i32
        %parallel_loop3A_1118 = arith.index_cast %parallel_loop3A_1117 : i32 to index
        %parallel_loop3A_1119 = arith.index_cast %parallel_loop3A_140 : i32 to index
        %parallel_loop3A_1120 = tpu.vector_load %arg7[%parallel_loop3A_1118, %parallel_loop3A_1119] {strides = array<i32>} : memref<160x256xf32, #tpu.memory_space<vmem>>, vector<1x16xf32>,
        %parallel_loop3A_1121 = vector.shape_cast %parallel_loop3A_1120 : vector<1x16xf32> to vector<16xf32>
        %parallel_loop3A_1122 = arith.mulf %parallel_loop3A_1121, %parallel_loop3A_150 : vector<16xf32>
        %parallel_loop3A_1123 = arith.addf %parallel_loop3A_1116, %parallel_loop3A_1122 : vector<16xf32>
        %parallel_loop3A_1124 = arith.constant 122 : i32
        %parallel_loop3A_1125 = arith.index_cast %parallel_loop3A_1124 : i32 to index
        %parallel_loop3A_1126 = arith.index_cast %parallel_loop3A_140 : i32 to index
        %parallel_loop3A_1127 = tpu.vector_load %arg7[%parallel_loop3A_1125, %parallel_loop3A_1126] {strides = array<i32>} : memref<160x256xf32, #tpu.memory_space<vmem>>, vector<1x16xf32>,
        %parallel_loop3A_1128 = vector.shape_cast %parallel_loop3A_1127 : vector<1x16xf32> to vector<16xf32>
        %parallel_loop3A_1129 = arith.mulf %parallel_loop3A_1128, %parallel_loop3A_155 : vector<16xf32>
        %parallel_loop3A_1130 = arith.addf %parallel_loop3A_1123, %parallel_loop3A_1129 : vector<16xf32>
        %parallel_loop3A_1131 = arith.constant 123 : i32
        %parallel_loop3A_1132 = arith.index_cast %parallel_loop3A_1131 : i32 to index
        %parallel_loop3A_1133 = arith.index_cast %parallel_loop3A_140 : i32 to index
        %parallel_loop3A_1134 = tpu.vector_load %arg7[%parallel_loop3A_1132, %parallel_loop3A_1133] {strides = array<i32>} : memref<160x256xf32, #tpu.memory_space<vmem>>, vector<1x16xf32>,
        %parallel_loop3A_1135 = vector.shape_cast %parallel_loop3A_1134 : vector<1x16xf32> to vector<16xf32>
        %parallel_loop3A_1136 = arith.mulf %parallel_loop3A_1135, %parallel_loop3A_160 : vector<16xf32>
        %parallel_loop3A_1137 = arith.addf %parallel_loop3A_1130, %parallel_loop3A_1136 : vector<16xf32>
        %parallel_loop3A_1138 = arith.constant 124 : i32
        %parallel_loop3A_1139 = arith.index_cast %parallel_loop3A_1138 : i32 to index
        %parallel_loop3A_1140 = arith.index_cast %parallel_loop3A_140 : i32 to index
        %parallel_loop3A_1141 = tpu.vector_load %arg7[%parallel_loop3A_1139, %parallel_loop3A_1140] {strides = array<i32>} : memref<160x256xf32, #tpu.memory_space<vmem>>, vector<1x16xf32>,
        %parallel_loop3A_1142 = vector.shape_cast %parallel_loop3A_1141 : vector<1x16xf32> to vector<16xf32>
        %parallel_loop3A_1143 = arith.mulf %parallel_loop3A_1142, %parallel_loop3A_165 : vector<16xf32>
        %parallel_loop3A_1144 = arith.addf %parallel_loop3A_1137, %parallel_loop3A_1143 : vector<16xf32>
        %parallel_loop3A_1145 = arith.constant 125 : i32
        %parallel_loop3A_1146 = arith.index_cast %parallel_loop3A_1145 : i32 to index
        %parallel_loop3A_1147 = arith.index_cast %parallel_loop3A_140 : i32 to index
        %parallel_loop3A_1148 = tpu.vector_load %arg7[%parallel_loop3A_1146, %parallel_loop3A_1147] {strides = array<i32>} : memref<160x256xf32, #tpu.memory_space<vmem>>, vector<1x16xf32>,
        %parallel_loop3A_1149 = vector.shape_cast %parallel_loop3A_1148 : vector<1x16xf32> to vector<16xf32>
        %parallel_loop3A_1150 = arith.mulf %parallel_loop3A_1149, %parallel_loop3A_170 : vector<16xf32>
        %parallel_loop3A_1151 = arith.addf %parallel_loop3A_1144, %parallel_loop3A_1150 : vector<16xf32>
        %parallel_loop3A_1152 = arith.constant 126 : i32
        %parallel_loop3A_1153 = arith.index_cast %parallel_loop3A_1152 : i32 to index
        %parallel_loop3A_1154 = arith.index_cast %parallel_loop3A_140 : i32 to index
        %parallel_loop3A_1155 = tpu.vector_load %arg7[%parallel_loop3A_1153, %parallel_loop3A_1154] {strides = array<i32>} : memref<160x256xf32, #tpu.memory_space<vmem>>, vector<1x16xf32>,
        %parallel_loop3A_1156 = vector.shape_cast %parallel_loop3A_1155 : vector<1x16xf32> to vector<16xf32>
        %parallel_loop3A_1157 = arith.mulf %parallel_loop3A_1156, %parallel_loop3A_175 : vector<16xf32>
        %parallel_loop3A_1158 = arith.addf %parallel_loop3A_1151, %parallel_loop3A_1157 : vector<16xf32>
        %parallel_loop3A_1159 = arith.constant 127 : i32
        %parallel_loop3A_1160 = arith.index_cast %parallel_loop3A_1159 : i32 to index
        %parallel_loop3A_1161 = arith.index_cast %parallel_loop3A_140 : i32 to index
        %parallel_loop3A_1162 = tpu.vector_load %arg7[%parallel_loop3A_1160, %parallel_loop3A_1161] {strides = array<i32>} : memref<160x256xf32, #tpu.memory_space<vmem>>, vector<1x16xf32>,
        %parallel_loop3A_1163 = vector.shape_cast %parallel_loop3A_1162 : vector<1x16xf32> to vector<16xf32>
        %parallel_loop3A_1164 = arith.mulf %parallel_loop3A_1163, %parallel_loop3A_180 : vector<16xf32>
        %parallel_loop3A_1165 = arith.addf %parallel_loop3A_1158, %parallel_loop3A_1164 : vector<16xf32>
        %parallel_loop3A_1166 = arith.constant 128 : i32
        %parallel_loop3A_1167 = arith.index_cast %parallel_loop3A_1166 : i32 to index
        %parallel_loop3A_1168 = arith.index_cast %parallel_loop3A_140 : i32 to index
        %parallel_loop3A_1169 = tpu.vector_load %arg7[%parallel_loop3A_1167, %parallel_loop3A_1168] {strides = array<i32>} : memref<160x256xf32, #tpu.memory_space<vmem>>, vector<1x16xf32>,
        %parallel_loop3A_1170 = vector.shape_cast %parallel_loop3A_1169 : vector<1x16xf32> to vector<16xf32>
        %parallel_loop3A_1171 = arith.mulf %parallel_loop3A_1170, %parallel_loop3A_185 : vector<16xf32>
        %parallel_loop3A_1172 = arith.addf %parallel_loop3A_1165, %parallel_loop3A_1171 : vector<16xf32>
        %parallel_loop3A_1173 = arith.constant 129 : i32
        %parallel_loop3A_1174 = arith.index_cast %parallel_loop3A_1173 : i32 to index
        %parallel_loop3A_1175 = arith.index_cast %parallel_loop3A_140 : i32 to index
        %parallel_loop3A_1176 = tpu.vector_load %arg7[%parallel_loop3A_1174, %parallel_loop3A_1175] {strides = array<i32>} : memref<160x256xf32, #tpu.memory_space<vmem>>, vector<1x16xf32>,
        %parallel_loop3A_1177 = vector.shape_cast %parallel_loop3A_1176 : vector<1x16xf32> to vector<16xf32>
        %parallel_loop3A_1178 = arith.mulf %parallel_loop3A_1177, %parallel_loop3A_190 : vector<16xf32>
        %parallel_loop3A_1179 = arith.addf %parallel_loop3A_1172, %parallel_loop3A_1178 : vector<16xf32>
        %parallel_loop3A_1180 = arith.constant 130 : i32
        %parallel_loop3A_1181 = arith.index_cast %parallel_loop3A_1180 : i32 to index
        %parallel_loop3A_1182 = arith.index_cast %parallel_loop3A_140 : i32 to index
        %parallel_loop3A_1183 = tpu.vector_load %arg7[%parallel_loop3A_1181, %parallel_loop3A_1182] {strides = array<i32>} : memref<160x256xf32, #tpu.memory_space<vmem>>, vector<1x16xf32>,
        %parallel_loop3A_1184 = vector.shape_cast %parallel_loop3A_1183 : vector<1x16xf32> to vector<16xf32>
        %parallel_loop3A_1185 = arith.mulf %parallel_loop3A_1184, %parallel_loop3A_195 : vector<16xf32>
        %parallel_loop3A_1186 = arith.addf %parallel_loop3A_1179, %parallel_loop3A_1185 : vector<16xf32>
        %parallel_loop3A_1187 = arith.constant 131 : i32
        %parallel_loop3A_1188 = arith.index_cast %parallel_loop3A_1187 : i32 to index
        %parallel_loop3A_1189 = arith.index_cast %parallel_loop3A_140 : i32 to index
        %parallel_loop3A_1190 = tpu.vector_load %arg7[%parallel_loop3A_1188, %parallel_loop3A_1189] {strides = array<i32>} : memref<160x256xf32, #tpu.memory_space<vmem>>, vector<1x16xf32>,
        %parallel_loop3A_1191 = vector.shape_cast %parallel_loop3A_1190 : vector<1x16xf32> to vector<16xf32>
        %parallel_loop3A_1192 = arith.mulf %parallel_loop3A_1191, %parallel_loop3A_200 : vector<16xf32>
        %parallel_loop3A_1193 = arith.addf %parallel_loop3A_1186, %parallel_loop3A_1192 : vector<16xf32>
        %parallel_loop3A_1194 = arith.constant 132 : i32
        %parallel_loop3A_1195 = arith.index_cast %parallel_loop3A_1194 : i32 to index
        %parallel_loop3A_1196 = arith.index_cast %parallel_loop3A_140 : i32 to index
        %parallel_loop3A_1197 = tpu.vector_load %arg7[%parallel_loop3A_1195, %parallel_loop3A_1196] {strides = array<i32>} : memref<160x256xf32, #tpu.memory_space<vmem>>, vector<1x16xf32>,
        %parallel_loop3A_1198 = vector.shape_cast %parallel_loop3A_1197 : vector<1x16xf32> to vector<16xf32>
        %parallel_loop3A_1199 = arith.mulf %parallel_loop3A_1198, %parallel_loop3A_205 : vector<16xf32>
        %parallel_loop3A_1200 = arith.addf %parallel_loop3A_1193, %parallel_loop3A_1199 : vector<16xf32>
        %parallel_loop3A_1201 = arith.constant 133 : i32
        %parallel_loop3A_1202 = arith.index_cast %parallel_loop3A_1201 : i32 to index
        %parallel_loop3A_1203 = arith.index_cast %parallel_loop3A_140 : i32 to index
        %parallel_loop3A_1204 = tpu.vector_load %arg7[%parallel_loop3A_1202, %parallel_loop3A_1203] {strides = array<i32>} : memref<160x256xf32, #tpu.memory_space<vmem>>, vector<1x16xf32>,
        %parallel_loop3A_1205 = vector.shape_cast %parallel_loop3A_1204 : vector<1x16xf32> to vector<16xf32>
        %parallel_loop3A_1206 = arith.mulf %parallel_loop3A_1205, %parallel_loop3A_210 : vector<16xf32>
        %parallel_loop3A_1207 = arith.addf %parallel_loop3A_1200, %parallel_loop3A_1206 : vector<16xf32>
        %parallel_loop3A_1208 = arith.constant 134 : i32
        %parallel_loop3A_1209 = arith.index_cast %parallel_loop3A_1208 : i32 to index
        %parallel_loop3A_1210 = arith.index_cast %parallel_loop3A_140 : i32 to index
        %parallel_loop3A_1211 = tpu.vector_load %arg7[%parallel_loop3A_1209, %parallel_loop3A_1210] {strides = array<i32>} : memref<160x256xf32, #tpu.memory_space<vmem>>, vector<1x16xf32>,
        %parallel_loop3A_1212 = vector.shape_cast %parallel_loop3A_1211 : vector<1x16xf32> to vector<16xf32>
        %parallel_loop3A_1213 = arith.mulf %parallel_loop3A_1212, %parallel_loop3A_215 : vector<16xf32>
        %parallel_loop3A_1214 = arith.addf %parallel_loop3A_1207, %parallel_loop3A_1213 : vector<16xf32>
        %parallel_loop3A_1215 = arith.constant 135 : i32
        %parallel_loop3A_1216 = arith.index_cast %parallel_loop3A_1215 : i32 to index
        %parallel_loop3A_1217 = arith.index_cast %parallel_loop3A_140 : i32 to index
        %parallel_loop3A_1218 = tpu.vector_load %arg7[%parallel_loop3A_1216, %parallel_loop3A_1217] {strides = array<i32>} : memref<160x256xf32, #tpu.memory_space<vmem>>, vector<1x16xf32>,
        %parallel_loop3A_1219 = vector.shape_cast %parallel_loop3A_1218 : vector<1x16xf32> to vector<16xf32>
        %parallel_loop3A_1220 = arith.mulf %parallel_loop3A_1219, %parallel_loop3A_220 : vector<16xf32>
        %parallel_loop3A_1221 = arith.addf %parallel_loop3A_1214, %parallel_loop3A_1220 : vector<16xf32>
        %parallel_loop3A_1222 = arith.constant 136 : i32
        %parallel_loop3A_1223 = arith.index_cast %parallel_loop3A_1222 : i32 to index
        %parallel_loop3A_1224 = arith.index_cast %parallel_loop3A_140 : i32 to index
        %parallel_loop3A_1225 = tpu.vector_load %arg7[%parallel_loop3A_1223, %parallel_loop3A_1224] {strides = array<i32>} : memref<160x256xf32, #tpu.memory_space<vmem>>, vector<1x16xf32>,
        %parallel_loop3A_1226 = vector.shape_cast %parallel_loop3A_1225 : vector<1x16xf32> to vector<16xf32>
        %parallel_loop3A_1227 = arith.mulf %parallel_loop3A_1226, %parallel_loop3A_225 : vector<16xf32>
        %parallel_loop3A_1228 = arith.addf %parallel_loop3A_1221, %parallel_loop3A_1227 : vector<16xf32>
        %parallel_loop3A_1229 = arith.constant 137 : i32
        %parallel_loop3A_1230 = arith.index_cast %parallel_loop3A_1229 : i32 to index
        %parallel_loop3A_1231 = arith.index_cast %parallel_loop3A_140 : i32 to index
        %parallel_loop3A_1232 = tpu.vector_load %arg7[%parallel_loop3A_1230, %parallel_loop3A_1231] {strides = array<i32>} : memref<160x256xf32, #tpu.memory_space<vmem>>, vector<1x16xf32>,
        %parallel_loop3A_1233 = vector.shape_cast %parallel_loop3A_1232 : vector<1x16xf32> to vector<16xf32>
        %parallel_loop3A_1234 = arith.mulf %parallel_loop3A_1233, %parallel_loop3A_230 : vector<16xf32>
        %parallel_loop3A_1235 = arith.addf %parallel_loop3A_1228, %parallel_loop3A_1234 : vector<16xf32>
        %parallel_loop3A_1236 = arith.constant 138 : i32
        %parallel_loop3A_1237 = arith.index_cast %parallel_loop3A_1236 : i32 to index
        %parallel_loop3A_1238 = arith.index_cast %parallel_loop3A_140 : i32 to index
        %parallel_loop3A_1239 = tpu.vector_load %arg7[%parallel_loop3A_1237, %parallel_loop3A_1238] {strides = array<i32>} : memref<160x256xf32, #tpu.memory_space<vmem>>, vector<1x16xf32>,
        %parallel_loop3A_1240 = vector.shape_cast %parallel_loop3A_1239 : vector<1x16xf32> to vector<16xf32>
        %parallel_loop3A_1241 = arith.mulf %parallel_loop3A_1240, %parallel_loop3A_235 : vector<16xf32>
        %parallel_loop3A_1242 = arith.addf %parallel_loop3A_1235, %parallel_loop3A_1241 : vector<16xf32>
        %parallel_loop3A_1243 = arith.constant 139 : i32
        %parallel_loop3A_1244 = arith.index_cast %parallel_loop3A_1243 : i32 to index
        %parallel_loop3A_1245 = arith.index_cast %parallel_loop3A_140 : i32 to index
        %parallel_loop3A_1246 = tpu.vector_load %arg7[%parallel_loop3A_1244, %parallel_loop3A_1245] {strides = array<i32>} : memref<160x256xf32, #tpu.memory_space<vmem>>, vector<1x16xf32>,
        %parallel_loop3A_1247 = vector.shape_cast %parallel_loop3A_1246 : vector<1x16xf32> to vector<16xf32>
        %parallel_loop3A_1248 = arith.mulf %parallel_loop3A_1247, %parallel_loop3A_240 : vector<16xf32>
        %parallel_loop3A_1249 = arith.addf %parallel_loop3A_1242, %parallel_loop3A_1248 : vector<16xf32>
        %parallel_loop3A_1250 = arith.constant 6 : i32
        %parallel_loop3A_1251 = arith.index_cast %parallel_loop3A_1250 : i32 to index
        %parallel_loop3A_1252 = arith.index_cast %parallel_loop3A_140 : i32 to index
        %parallel_loop3A_1253 = tpu.vector_load %arg10[%parallel_loop3A_1251, %parallel_loop3A_1252] {strides = array<i32>} : memref<8x256xf32, #tpu.memory_space<vmem>>, vector<1x16xf32>,
        %parallel_loop3A_1254 = vector.shape_cast %parallel_loop3A_1253 : vector<1x16xf32> to vector<16xf32>
        %parallel_loop3A_1255 = vector.shape_cast %parallel_loop3A_1249 : vector<16xf32> to vector<1x16xf32>
        tpu.vector_store %arg10[%parallel_loop3A_1251, %parallel_loop3A_1252], %parallel_loop3A_1255 {strides = array<i32>} : memref<8x256xf32, #tpu.memory_space<vmem>>, vector<1x16xf32>,
        %parallel_loop3A_1256 = arith.constant 140 : i32
        %parallel_loop3A_1257 = arith.index_cast %parallel_loop3A_1256 : i32 to index
        %parallel_loop3A_1258 = arith.index_cast %parallel_loop3A_140 : i32 to index
        %parallel_loop3A_1259 = tpu.vector_load %arg7[%parallel_loop3A_1257, %parallel_loop3A_1258] {strides = array<i32>} : memref<160x256xf32, #tpu.memory_space<vmem>>, vector<1x16xf32>,
        %parallel_loop3A_1260 = vector.shape_cast %parallel_loop3A_1259 : vector<1x16xf32> to vector<16xf32>
        %parallel_loop3A_1261 = arith.mulf %parallel_loop3A_1260, %parallel_loop3A_145 : vector<16xf32>
        %parallel_loop3A_1262 = arith.constant 141 : i32
        %parallel_loop3A_1263 = arith.index_cast %parallel_loop3A_1262 : i32 to index
        %parallel_loop3A_1264 = arith.index_cast %parallel_loop3A_140 : i32 to index
        %parallel_loop3A_1265 = tpu.vector_load %arg7[%parallel_loop3A_1263, %parallel_loop3A_1264] {strides = array<i32>} : memref<160x256xf32, #tpu.memory_space<vmem>>, vector<1x16xf32>,
        %parallel_loop3A_1266 = vector.shape_cast %parallel_loop3A_1265 : vector<1x16xf32> to vector<16xf32>
        %parallel_loop3A_1267 = arith.mulf %parallel_loop3A_1266, %parallel_loop3A_150 : vector<16xf32>
        %parallel_loop3A_1268 = arith.addf %parallel_loop3A_1261, %parallel_loop3A_1267 : vector<16xf32>
        %parallel_loop3A_1269 = arith.constant 142 : i32
        %parallel_loop3A_1270 = arith.index_cast %parallel_loop3A_1269 : i32 to index
        %parallel_loop3A_1271 = arith.index_cast %parallel_loop3A_140 : i32 to index
        %parallel_loop3A_1272 = tpu.vector_load %arg7[%parallel_loop3A_1270, %parallel_loop3A_1271] {strides = array<i32>} : memref<160x256xf32, #tpu.memory_space<vmem>>, vector<1x16xf32>,
        %parallel_loop3A_1273 = vector.shape_cast %parallel_loop3A_1272 : vector<1x16xf32> to vector<16xf32>
        %parallel_loop3A_1274 = arith.mulf %parallel_loop3A_1273, %parallel_loop3A_155 : vector<16xf32>
        %parallel_loop3A_1275 = arith.addf %parallel_loop3A_1268, %parallel_loop3A_1274 : vector<16xf32>
        %parallel_loop3A_1276 = arith.constant 143 : i32
        %parallel_loop3A_1277 = arith.index_cast %parallel_loop3A_1276 : i32 to index
        %parallel_loop3A_1278 = arith.index_cast %parallel_loop3A_140 : i32 to index
        %parallel_loop3A_1279 = tpu.vector_load %arg7[%parallel_loop3A_1277, %parallel_loop3A_1278] {strides = array<i32>} : memref<160x256xf32, #tpu.memory_space<vmem>>, vector<1x16xf32>,
        %parallel_loop3A_1280 = vector.shape_cast %parallel_loop3A_1279 : vector<1x16xf32> to vector<16xf32>
        %parallel_loop3A_1281 = arith.mulf %parallel_loop3A_1280, %parallel_loop3A_160 : vector<16xf32>
        %parallel_loop3A_1282 = arith.addf %parallel_loop3A_1275, %parallel_loop3A_1281 : vector<16xf32>
        %parallel_loop3A_1283 = arith.constant 144 : i32
        %parallel_loop3A_1284 = arith.index_cast %parallel_loop3A_1283 : i32 to index
        %parallel_loop3A_1285 = arith.index_cast %parallel_loop3A_140 : i32 to index
        %parallel_loop3A_1286 = tpu.vector_load %arg7[%parallel_loop3A_1284, %parallel_loop3A_1285] {strides = array<i32>} : memref<160x256xf32, #tpu.memory_space<vmem>>, vector<1x16xf32>,
        %parallel_loop3A_1287 = vector.shape_cast %parallel_loop3A_1286 : vector<1x16xf32> to vector<16xf32>
        %parallel_loop3A_1288 = arith.mulf %parallel_loop3A_1287, %parallel_loop3A_165 : vector<16xf32>
        %parallel_loop3A_1289 = arith.addf %parallel_loop3A_1282, %parallel_loop3A_1288 : vector<16xf32>
        %parallel_loop3A_1290 = arith.constant 145 : i32
        %parallel_loop3A_1291 = arith.index_cast %parallel_loop3A_1290 : i32 to index
        %parallel_loop3A_1292 = arith.index_cast %parallel_loop3A_140 : i32 to index
        %parallel_loop3A_1293 = tpu.vector_load %arg7[%parallel_loop3A_1291, %parallel_loop3A_1292] {strides = array<i32>} : memref<160x256xf32, #tpu.memory_space<vmem>>, vector<1x16xf32>,
        %parallel_loop3A_1294 = vector.shape_cast %parallel_loop3A_1293 : vector<1x16xf32> to vector<16xf32>
        %parallel_loop3A_1295 = arith.mulf %parallel_loop3A_1294, %parallel_loop3A_170 : vector<16xf32>
        %parallel_loop3A_1296 = arith.addf %parallel_loop3A_1289, %parallel_loop3A_1295 : vector<16xf32>
        %parallel_loop3A_1297 = arith.constant 146 : i32
        %parallel_loop3A_1298 = arith.index_cast %parallel_loop3A_1297 : i32 to index
        %parallel_loop3A_1299 = arith.index_cast %parallel_loop3A_140 : i32 to index
        %parallel_loop3A_1300 = tpu.vector_load %arg7[%parallel_loop3A_1298, %parallel_loop3A_1299] {strides = array<i32>} : memref<160x256xf32, #tpu.memory_space<vmem>>, vector<1x16xf32>,
        %parallel_loop3A_1301 = vector.shape_cast %parallel_loop3A_1300 : vector<1x16xf32> to vector<16xf32>
        %parallel_loop3A_1302 = arith.mulf %parallel_loop3A_1301, %parallel_loop3A_175 : vector<16xf32>
        %parallel_loop3A_1303 = arith.addf %parallel_loop3A_1296, %parallel_loop3A_1302 : vector<16xf32>
        %parallel_loop3A_1304 = arith.constant 147 : i32
        %parallel_loop3A_1305 = arith.index_cast %parallel_loop3A_1304 : i32 to index
        %parallel_loop3A_1306 = arith.index_cast %parallel_loop3A_140 : i32 to index
        %parallel_loop3A_1307 = tpu.vector_load %arg7[%parallel_loop3A_1305, %parallel_loop3A_1306] {strides = array<i32>} : memref<160x256xf32, #tpu.memory_space<vmem>>, vector<1x16xf32>,
        %parallel_loop3A_1308 = vector.shape_cast %parallel_loop3A_1307 : vector<1x16xf32> to vector<16xf32>
        %parallel_loop3A_1309 = arith.mulf %parallel_loop3A_1308, %parallel_loop3A_180 : vector<16xf32>
        %parallel_loop3A_1310 = arith.addf %parallel_loop3A_1303, %parallel_loop3A_1309 : vector<16xf32>
        %parallel_loop3A_1311 = arith.constant 148 : i32
        %parallel_loop3A_1312 = arith.index_cast %parallel_loop3A_1311 : i32 to index
        %parallel_loop3A_1313 = arith.index_cast %parallel_loop3A_140 : i32 to index
        %parallel_loop3A_1314 = tpu.vector_load %arg7[%parallel_loop3A_1312, %parallel_loop3A_1313] {strides = array<i32>} : memref<160x256xf32, #tpu.memory_space<vmem>>, vector<1x16xf32>,
        %parallel_loop3A_1315 = vector.shape_cast %parallel_loop3A_1314 : vector<1x16xf32> to vector<16xf32>
        %parallel_loop3A_1316 = arith.mulf %parallel_loop3A_1315, %parallel_loop3A_185 : vector<16xf32>
        %parallel_loop3A_1317 = arith.addf %parallel_loop3A_1310, %parallel_loop3A_1316 : vector<16xf32>
        %parallel_loop3A_1318 = arith.constant 149 : i32
        %parallel_loop3A_1319 = arith.index_cast %parallel_loop3A_1318 : i32 to index
        %parallel_loop3A_1320 = arith.index_cast %parallel_loop3A_140 : i32 to index
        %parallel_loop3A_1321 = tpu.vector_load %arg7[%parallel_loop3A_1319, %parallel_loop3A_1320] {strides = array<i32>} : memref<160x256xf32, #tpu.memory_space<vmem>>, vector<1x16xf32>,
        %parallel_loop3A_1322 = vector.shape_cast %parallel_loop3A_1321 : vector<1x16xf32> to vector<16xf32>
        %parallel_loop3A_1323 = arith.mulf %parallel_loop3A_1322, %parallel_loop3A_190 : vector<16xf32>
        %parallel_loop3A_1324 = arith.addf %parallel_loop3A_1317, %parallel_loop3A_1323 : vector<16xf32>
        %parallel_loop3A_1325 = arith.constant 150 : i32
        %parallel_loop3A_1326 = arith.index_cast %parallel_loop3A_1325 : i32 to index
        %parallel_loop3A_1327 = arith.index_cast %parallel_loop3A_140 : i32 to index
        %parallel_loop3A_1328 = tpu.vector_load %arg7[%parallel_loop3A_1326, %parallel_loop3A_1327] {strides = array<i32>} : memref<160x256xf32, #tpu.memory_space<vmem>>, vector<1x16xf32>,
        %parallel_loop3A_1329 = vector.shape_cast %parallel_loop3A_1328 : vector<1x16xf32> to vector<16xf32>
        %parallel_loop3A_1330 = arith.mulf %parallel_loop3A_1329, %parallel_loop3A_195 : vector<16xf32>
        %parallel_loop3A_1331 = arith.addf %parallel_loop3A_1324, %parallel_loop3A_1330 : vector<16xf32>
        %parallel_loop3A_1332 = arith.constant 151 : i32
        %parallel_loop3A_1333 = arith.index_cast %parallel_loop3A_1332 : i32 to index
        %parallel_loop3A_1334 = arith.index_cast %parallel_loop3A_140 : i32 to index
        %parallel_loop3A_1335 = tpu.vector_load %arg7[%parallel_loop3A_1333, %parallel_loop3A_1334] {strides = array<i32>} : memref<160x256xf32, #tpu.memory_space<vmem>>, vector<1x16xf32>,
        %parallel_loop3A_1336 = vector.shape_cast %parallel_loop3A_1335 : vector<1x16xf32> to vector<16xf32>
        %parallel_loop3A_1337 = arith.mulf %parallel_loop3A_1336, %parallel_loop3A_200 : vector<16xf32>
        %parallel_loop3A_1338 = arith.addf %parallel_loop3A_1331, %parallel_loop3A_1337 : vector<16xf32>
        %parallel_loop3A_1339 = arith.constant 152 : i32
        %parallel_loop3A_1340 = arith.index_cast %parallel_loop3A_1339 : i32 to index
        %parallel_loop3A_1341 = arith.index_cast %parallel_loop3A_140 : i32 to index
        %parallel_loop3A_1342 = tpu.vector_load %arg7[%parallel_loop3A_1340, %parallel_loop3A_1341] {strides = array<i32>} : memref<160x256xf32, #tpu.memory_space<vmem>>, vector<1x16xf32>,
        %parallel_loop3A_1343 = vector.shape_cast %parallel_loop3A_1342 : vector<1x16xf32> to vector<16xf32>
        %parallel_loop3A_1344 = arith.mulf %parallel_loop3A_1343, %parallel_loop3A_205 : vector<16xf32>
        %parallel_loop3A_1345 = arith.addf %parallel_loop3A_1338, %parallel_loop3A_1344 : vector<16xf32>
        %parallel_loop3A_1346 = arith.constant 153 : i32
        %parallel_loop3A_1347 = arith.index_cast %parallel_loop3A_1346 : i32 to index
        %parallel_loop3A_1348 = arith.index_cast %parallel_loop3A_140 : i32 to index
        %parallel_loop3A_1349 = tpu.vector_load %arg7[%parallel_loop3A_1347, %parallel_loop3A_1348] {strides = array<i32>} : memref<160x256xf32, #tpu.memory_space<vmem>>, vector<1x16xf32>,
        %parallel_loop3A_1350 = vector.shape_cast %parallel_loop3A_1349 : vector<1x16xf32> to vector<16xf32>
        %parallel_loop3A_1351 = arith.mulf %parallel_loop3A_1350, %parallel_loop3A_210 : vector<16xf32>
        %parallel_loop3A_1352 = arith.addf %parallel_loop3A_1345, %parallel_loop3A_1351 : vector<16xf32>
        %parallel_loop3A_1353 = arith.constant 154 : i32
        %parallel_loop3A_1354 = arith.index_cast %parallel_loop3A_1353 : i32 to index
        %parallel_loop3A_1355 = arith.index_cast %parallel_loop3A_140 : i32 to index
        %parallel_loop3A_1356 = tpu.vector_load %arg7[%parallel_loop3A_1354, %parallel_loop3A_1355] {strides = array<i32>} : memref<160x256xf32, #tpu.memory_space<vmem>>, vector<1x16xf32>,
        %parallel_loop3A_1357 = vector.shape_cast %parallel_loop3A_1356 : vector<1x16xf32> to vector<16xf32>
        %parallel_loop3A_1358 = arith.mulf %parallel_loop3A_1357, %parallel_loop3A_215 : vector<16xf32>
        %parallel_loop3A_1359 = arith.addf %parallel_loop3A_1352, %parallel_loop3A_1358 : vector<16xf32>
        %parallel_loop3A_1360 = arith.constant 155 : i32
        %parallel_loop3A_1361 = arith.index_cast %parallel_loop3A_1360 : i32 to index
        %parallel_loop3A_1362 = arith.index_cast %parallel_loop3A_140 : i32 to index
        %parallel_loop3A_1363 = tpu.vector_load %arg7[%parallel_loop3A_1361, %parallel_loop3A_1362] {strides = array<i32>} : memref<160x256xf32, #tpu.memory_space<vmem>>, vector<1x16xf32>,
        %parallel_loop3A_1364 = vector.shape_cast %parallel_loop3A_1363 : vector<1x16xf32> to vector<16xf32>
        %parallel_loop3A_1365 = arith.mulf %parallel_loop3A_1364, %parallel_loop3A_220 : vector<16xf32>
        %parallel_loop3A_1366 = arith.addf %parallel_loop3A_1359, %parallel_loop3A_1365 : vector<16xf32>
        %parallel_loop3A_1367 = arith.constant 156 : i32
        %parallel_loop3A_1368 = arith.index_cast %parallel_loop3A_1367 : i32 to index
        %parallel_loop3A_1369 = arith.index_cast %parallel_loop3A_140 : i32 to index
        %parallel_loop3A_1370 = tpu.vector_load %arg7[%parallel_loop3A_1368, %parallel_loop3A_1369] {strides = array<i32>} : memref<160x256xf32, #tpu.memory_space<vmem>>, vector<1x16xf32>,
        %parallel_loop3A_1371 = vector.shape_cast %parallel_loop3A_1370 : vector<1x16xf32> to vector<16xf32>
        %parallel_loop3A_1372 = arith.mulf %parallel_loop3A_1371, %parallel_loop3A_225 : vector<16xf32>
        %parallel_loop3A_1373 = arith.addf %parallel_loop3A_1366, %parallel_loop3A_1372 : vector<16xf32>
        %parallel_loop3A_1374 = arith.constant 157 : i32
        %parallel_loop3A_1375 = arith.index_cast %parallel_loop3A_1374 : i32 to index
        %parallel_loop3A_1376 = arith.index_cast %parallel_loop3A_140 : i32 to index
        %parallel_loop3A_1377 = tpu.vector_load %arg7[%parallel_loop3A_1375, %parallel_loop3A_1376] {strides = array<i32>} : memref<160x256xf32, #tpu.memory_space<vmem>>, vector<1x16xf32>,
        %parallel_loop3A_1378 = vector.shape_cast %parallel_loop3A_1377 : vector<1x16xf32> to vector<16xf32>
        %parallel_loop3A_1379 = arith.mulf %parallel_loop3A_1378, %parallel_loop3A_230 : vector<16xf32>
        %parallel_loop3A_1380 = arith.addf %parallel_loop3A_1373, %parallel_loop3A_1379 : vector<16xf32>
        %parallel_loop3A_1381 = arith.constant 158 : i32
        %parallel_loop3A_1382 = arith.index_cast %parallel_loop3A_1381 : i32 to index
        %parallel_loop3A_1383 = arith.index_cast %parallel_loop3A_140 : i32 to index
        %parallel_loop3A_1384 = tpu.vector_load %arg7[%parallel_loop3A_1382, %parallel_loop3A_1383] {strides = array<i32>} : memref<160x256xf32, #tpu.memory_space<vmem>>, vector<1x16xf32>,
        %parallel_loop3A_1385 = vector.shape_cast %parallel_loop3A_1384 : vector<1x16xf32> to vector<16xf32>
        %parallel_loop3A_1386 = arith.mulf %parallel_loop3A_1385, %parallel_loop3A_235 : vector<16xf32>
        %parallel_loop3A_1387 = arith.addf %parallel_loop3A_1380, %parallel_loop3A_1386 : vector<16xf32>
        %parallel_loop3A_1388 = arith.constant 159 : i32
        %parallel_loop3A_1389 = arith.index_cast %parallel_loop3A_1388 : i32 to index
        %parallel_loop3A_1390 = arith.index_cast %parallel_loop3A_140 : i32 to index
        %parallel_loop3A_1391 = tpu.vector_load %arg7[%parallel_loop3A_1389, %parallel_loop3A_1390] {strides = array<i32>} : memref<160x256xf32, #tpu.memory_space<vmem>>, vector<1x16xf32>,
        %parallel_loop3A_1392 = vector.shape_cast %parallel_loop3A_1391 : vector<1x16xf32> to vector<16xf32>
        %parallel_loop3A_1393 = arith.mulf %parallel_loop3A_1392, %parallel_loop3A_240 : vector<16xf32>
        %parallel_loop3A_1394 = arith.addf %parallel_loop3A_1387, %parallel_loop3A_1393 : vector<16xf32>
        %parallel_loop3A_1395 = arith.constant 7 : i32
        %parallel_loop3A_1396 = arith.index_cast %parallel_loop3A_1395 : i32 to index
        %parallel_loop3A_1397 = arith.index_cast %parallel_loop3A_140 : i32 to index
        %parallel_loop3A_1398 = tpu.vector_load %arg10[%parallel_loop3A_1396, %parallel_loop3A_1397] {strides = array<i32>} : memref<8x256xf32, #tpu.memory_space<vmem>>, vector<1x16xf32>,
        %parallel_loop3A_1399 = vector.shape_cast %parallel_loop3A_1398 : vector<1x16xf32> to vector<16xf32>
        %parallel_loop3A_1400 = vector.shape_cast %parallel_loop3A_1394 : vector<16xf32> to vector<1x16xf32>
        tpu.vector_store %arg10[%parallel_loop3A_1396, %parallel_loop3A_1397], %parallel_loop3A_1400 {strides = array<i32>} : memref<8x256xf32, #tpu.memory_space<vmem>>, vector<1x16xf32>,
      } {sc.loop_unroll_factor = 2 : i64, sc.parallel_access}
      %mul3A_81 = arith.constant 8 : i32
      %mul3A_82 = arith.muli %add3A_56, %mul3A_81 : i32
      %add3A_83 = arith.addi %mul3A_2, %mul3A_82 : i32
      %dma_start3A_84 = arith.constant 0 : i32
      %dma_start3A_85 = tpu.memref_slice %arg5[%add3A_83, %dma_start3A_84] : memref<4096x256xf32, #tpu.memory_space<hbm>> -> memref<8x256xf32, #tpu.memory_space<hbm>>
      %dma_start3A_86 = arith.constant 0 : i32
      %dma_start3A_87 = tpu.memref_slice %arg5[%add3A_83, %dma_start3A_86] : memref<4096x256xf32, #tpu.memory_space<hbm>> -> memref<8x256xf32, #tpu.memory_space<hbm>>
      tpu.enqueue_dma source(%arg10 : memref<8x256xf32, #tpu.memory_space<vmem>>) target(%dma_start3A_87 : memref<8x256xf32, #tpu.memory_space<hbm>>) target_semaphore(%arg14 : memref<!tpu.dma_semaphore, #tpu.memory_space<semaphore_mem>>)
      %add3A_88 = arith.constant 2 : i32
      %add3A_89 = arith.addi %add3A_56, %add3A_88 : i32
      %lt3A = arith.constant 16 : i32
      %lt3A_90 = arith.cmpi slt, %add3A_89, %lt3A : i32
      %convert_element_type3A_91 = arith.extui %lt3A_90 : i1 to i32
      %cond3A_92 = arith.constant 0 : i32
      %cond3A_93 = arith.cmpi ne, %convert_element_type3A_91, %cond3A_92 : i32
      scf.if %cond3A_93 {
        %add3A_138 = arith.constant 2 : i32
        %add3A_139 = arith.addi %add3A_56, %add3A_138 : i32
        %mul3A_140 = arith.constant 160 : i32
        %mul3A_141 = arith.muli %add3A_139, %mul3A_140 : i32
        %dma_start3A_142 = arith.constant 0 : i32
        %dma_start3A_143 = arith.constant 0 : i32
        %dma_start3A_144 = tpu.memref_slice %arg7[%dma_start3A_142, %dma_start3A_143] : memref<160x256xf32, #tpu.memory_space<vmem>> -> memref<80x256xf32, #tpu.memory_space<vmem>>
        %dma_start3A_145 = tpu.memref_slice %arg6[%mul3A_141] : memref<2560xi32, #tpu.memory_space<vmem>> -> memref<80xi32, #tpu.memory_space<vmem>>
        %dma_start3A_146 = arith.constant 0 : i32
        %dma_start3A_147 = arith.constant 0 : i32
        %dma_start3A_148 = tpu.memref_slice %arg2[%dma_start3A_146, %dma_start3A_147] : memref<4096x256xf32, #tpu.memory_space<hbm>> -> memref<4096x256xf32, #tpu.memory_space<hbm>>
        tpu.enqueue_indirect_dma source(%dma_start3A_148 : memref<4096x256xf32, #tpu.memory_space<hbm>>) target(%dma_start3A_144 : memref<80x256xf32, #tpu.memory_space<vmem>>) offsets(%dma_start3A_145 : memref<80xi32, #tpu.memory_space<vmem>>) semaphore(%arg12 : memref<!tpu.dma_semaphore, #tpu.memory_space<semaphore_mem>>)
        %mul3A_149 = arith.constant 160 : i32
        %mul3A_150 = arith.muli %add3A_139, %mul3A_149 : i32
        %add3A_151 = arith.constant 80 : i32
        %add3A_152 = arith.addi %mul3A_150, %add3A_151 : i32
        %dma_start3A_153 = arith.constant 80 : i32
        %dma_start3A_154 = arith.constant 0 : i32
        %dma_start3A_155 = tpu.memref_slice %arg7[%dma_start3A_153, %dma_start3A_154] : memref<160x256xf32, #tpu.memory_space<vmem>> -> memref<80x256xf32, #tpu.memory_space<vmem>>
        %dma_start3A_156 = tpu.memref_slice %arg6[%add3A_152] : memref<2560xi32, #tpu.memory_space<vmem>> -> memref<80xi32, #tpu.memory_space<vmem>>
        %dma_start3A_157 = arith.constant 0 : i32
        %dma_start3A_158 = arith.constant 0 : i32
        %dma_start3A_159 = tpu.memref_slice %arg2[%dma_start3A_157, %dma_start3A_158] : memref<4096x256xf32, #tpu.memory_space<hbm>> -> memref<4096x256xf32, #tpu.memory_space<hbm>>
        tpu.enqueue_indirect_dma source(%dma_start3A_159 : memref<4096x256xf32, #tpu.memory_space<hbm>>) target(%dma_start3A_155 : memref<80x256xf32, #tpu.memory_space<vmem>>) offsets(%dma_start3A_156 : memref<80xi32, #tpu.memory_space<vmem>>) semaphore(%arg12 : memref<!tpu.dma_semaphore, #tpu.memory_space<semaphore_mem>>)
      } else {
      }
      %add3A_94 = arith.constant 1 : i32
      %add3A_95 = arith.addi %mul3A_54, %add3A_94 : i32
      %mul3A_96 = arith.constant 160 : i32
      %mul3A_97 = arith.muli %add3A_95, %mul3A_96 : i32
      %dma_wait3A_98 = arith.constant 0 : i32
      %dma_wait3A_99 = arith.constant 0 : i32
      %dma_wait3A_100 = tpu.memref_slice %arg8[%dma_wait3A_98, %dma_wait3A_99] : memref<160x256xf32, #tpu.memory_space<vmem>> -> memref<80x256xf32, #tpu.memory_space<vmem>>
      %dma_wait3A_101 = tpu.memref_slice %arg6[%mul3A_97] : memref<2560xi32, #tpu.memory_space<vmem>> -> memref<80xi32, #tpu.memory_space<vmem>>
      %dma_wait3A_102 = arith.constant 0 : i32
      %dma_wait3A_103 = arith.constant 0 : i32
      %dma_wait3A_104 = tpu.memref_slice %arg2[%dma_wait3A_102, %dma_wait3A_103] : memref<4096x256xf32, #tpu.memory_space<hbm>> -> memref<4096x256xf32, #tpu.memory_space<hbm>>
      tpu.wait_indirect_dma semaphore(%arg13 : memref<!tpu.dma_semaphore, #tpu.memory_space<semaphore_mem>>) src(%dma_wait3A_104 : memref<4096x256xf32, #tpu.memory_space<hbm>>) dst(%dma_wait3A_100 : memref<80x256xf32, #tpu.memory_space<vmem>>)
      %mul3A_105 = arith.constant 160 : i32
      %mul3A_106 = arith.muli %add3A_95, %mul3A_105 : i32
      %add3A_107 = arith.constant 80 : i32
      %add3A_108 = arith.addi %mul3A_106, %add3A_107 : i32
      %dma_wait3A_109 = arith.constant 80 : i32
      %dma_wait3A_110 = arith.constant 0 : i32
      %dma_wait3A_111 = tpu.memref_slice %arg8[%dma_wait3A_109, %dma_wait3A_110] : memref<160x256xf32, #tpu.memory_space<vmem>> -> memref<80x256xf32, #tpu.memory_space<vmem>>
      %dma_wait3A_112 = tpu.memref_slice %arg6[%add3A_108] : memref<2560xi32, #tpu.memory_space<vmem>> -> memref<80xi32, #tpu.memory_space<vmem>>
      %dma_wait3A_113 = arith.constant 0 : i32
      %dma_wait3A_114 = arith.constant 0 : i32
      %dma_wait3A_115 = tpu.memref_slice %arg2[%dma_wait3A_113, %dma_wait3A_114] : memref<4096x256xf32, #tpu.memory_space<hbm>> -> memref<4096x256xf32, #tpu.memory_space<hbm>>
      tpu.wait_indirect_dma semaphore(%arg13 : memref<!tpu.dma_semaphore, #tpu.memory_space<semaphore_mem>>) src(%dma_wait3A_115 : memref<4096x256xf32, #tpu.memory_space<hbm>>) dst(%dma_wait3A_111 : memref<80x256xf32, #tpu.memory_space<vmem>>)
      %ge3A_116 = arith.constant 2 : i32
      %ge3A_117 = arith.cmpi sge, %add3A_95, %ge3A_116 : i32
      %convert_element_type3A_118 = arith.extui %ge3A_117 : i1 to i32
      %cond3A_119 = arith.constant 0 : i32
      %cond3A_120 = arith.cmpi ne, %convert_element_type3A_118, %cond3A_119 : i32
      scf.if %cond3A_120 {
        %sub3A = arith.constant 2 : i32
        %sub3A_138 = arith.subi %add3A_95, %sub3A : i32
        %mul3A_139 = arith.constant 8 : i32
        %mul3A_140 = arith.muli %sub3A_138, %mul3A_139 : i32
        %add3A_141 = arith.addi %mul3A_2, %mul3A_140 : i32
        %dma_wait3A_142 = arith.constant 0 : i32
        %dma_wait3A_143 = tpu.memref_slice %arg5[%add3A_141, %dma_wait3A_142] : memref<4096x256xf32, #tpu.memory_space<hbm>> -> memref<8x256xf32, #tpu.memory_space<hbm>>
        %dma_wait3A_144 = arith.constant 0 : i32
        %dma_wait3A_145 = tpu.memref_slice %arg5[%add3A_141, %dma_wait3A_144] : memref<4096x256xf32, #tpu.memory_space<hbm>> -> memref<8x256xf32, #tpu.memory_space<hbm>>
        tpu.wait_dma2 semaphore(%arg15 : memref<!tpu.dma_semaphore, #tpu.memory_space<semaphore_mem>>) src(%arg11 : memref<8x256xf32, #tpu.memory_space<vmem>>) dst(%dma_wait3A_145 : memref<8x256xf32, #tpu.memory_space<hbm>>)
      } else {
      }
      %parallel_loop3A_121 = arith.constant 0 : i32
      %parallel_loop3A_122 = arith.constant 16 : i32
      %parallel_loop3A_123 = arith.constant 1 : i32
      scf.for %parallel_loop3A_138 = %parallel_loop3A_121 to %parallel_loop3A_122 step %parallel_loop3A_123  : i32 {
        %parallel_loop3A_139 = arith.constant 16 : i32
        %parallel_loop3A_140 = arith.muli %parallel_loop3A_138, %parallel_loop3A_139 : i32
        %parallel_loop3A_141 = arith.constant 0 : i32
        %parallel_loop3A_142 = arith.index_cast %parallel_loop3A_141 : i32 to index
        %parallel_loop3A_143 = arith.index_cast %parallel_loop3A_140 : i32 to index
        %parallel_loop3A_144 = tpu.vector_load %arg9[%parallel_loop3A_142, %parallel_loop3A_143] {strides = array<i32>} : memref<20x256xf32, #tpu.memory_space<vmem>>, vector<1x16xf32>,
        %parallel_loop3A_145 = vector.shape_cast %parallel_loop3A_144 : vector<1x16xf32> to vector<16xf32>
        %parallel_loop3A_146 = arith.constant 1 : i32
        %parallel_loop3A_147 = arith.index_cast %parallel_loop3A_146 : i32 to index
        %parallel_loop3A_148 = arith.index_cast %parallel_loop3A_140 : i32 to index
        %parallel_loop3A_149 = tpu.vector_load %arg9[%parallel_loop3A_147, %parallel_loop3A_148] {strides = array<i32>} : memref<20x256xf32, #tpu.memory_space<vmem>>, vector<1x16xf32>,
        %parallel_loop3A_150 = vector.shape_cast %parallel_loop3A_149 : vector<1x16xf32> to vector<16xf32>
        %parallel_loop3A_151 = arith.constant 2 : i32
        %parallel_loop3A_152 = arith.index_cast %parallel_loop3A_151 : i32 to index
        %parallel_loop3A_153 = arith.index_cast %parallel_loop3A_140 : i32 to index
        %parallel_loop3A_154 = tpu.vector_load %arg9[%parallel_loop3A_152, %parallel_loop3A_153] {strides = array<i32>} : memref<20x256xf32, #tpu.memory_space<vmem>>, vector<1x16xf32>,
        %parallel_loop3A_155 = vector.shape_cast %parallel_loop3A_154 : vector<1x16xf32> to vector<16xf32>
        %parallel_loop3A_156 = arith.constant 3 : i32
        %parallel_loop3A_157 = arith.index_cast %parallel_loop3A_156 : i32 to index
        %parallel_loop3A_158 = arith.index_cast %parallel_loop3A_140 : i32 to index
        %parallel_loop3A_159 = tpu.vector_load %arg9[%parallel_loop3A_157, %parallel_loop3A_158] {strides = array<i32>} : memref<20x256xf32, #tpu.memory_space<vmem>>, vector<1x16xf32>,
        %parallel_loop3A_160 = vector.shape_cast %parallel_loop3A_159 : vector<1x16xf32> to vector<16xf32>
        %parallel_loop3A_161 = arith.constant 4 : i32
        %parallel_loop3A_162 = arith.index_cast %parallel_loop3A_161 : i32 to index
        %parallel_loop3A_163 = arith.index_cast %parallel_loop3A_140 : i32 to index
        %parallel_loop3A_164 = tpu.vector_load %arg9[%parallel_loop3A_162, %parallel_loop3A_163] {strides = array<i32>} : memref<20x256xf32, #tpu.memory_space<vmem>>, vector<1x16xf32>,
        %parallel_loop3A_165 = vector.shape_cast %parallel_loop3A_164 : vector<1x16xf32> to vector<16xf32>
        %parallel_loop3A_166 = arith.constant 5 : i32
        %parallel_loop3A_167 = arith.index_cast %parallel_loop3A_166 : i32 to index
        %parallel_loop3A_168 = arith.index_cast %parallel_loop3A_140 : i32 to index
        %parallel_loop3A_169 = tpu.vector_load %arg9[%parallel_loop3A_167, %parallel_loop3A_168] {strides = array<i32>} : memref<20x256xf32, #tpu.memory_space<vmem>>, vector<1x16xf32>,
        %parallel_loop3A_170 = vector.shape_cast %parallel_loop3A_169 : vector<1x16xf32> to vector<16xf32>
        %parallel_loop3A_171 = arith.constant 6 : i32
        %parallel_loop3A_172 = arith.index_cast %parallel_loop3A_171 : i32 to index
        %parallel_loop3A_173 = arith.index_cast %parallel_loop3A_140 : i32 to index
        %parallel_loop3A_174 = tpu.vector_load %arg9[%parallel_loop3A_172, %parallel_loop3A_173] {strides = array<i32>} : memref<20x256xf32, #tpu.memory_space<vmem>>, vector<1x16xf32>,
        %parallel_loop3A_175 = vector.shape_cast %parallel_loop3A_174 : vector<1x16xf32> to vector<16xf32>
        %parallel_loop3A_176 = arith.constant 7 : i32
        %parallel_loop3A_177 = arith.index_cast %parallel_loop3A_176 : i32 to index
        %parallel_loop3A_178 = arith.index_cast %parallel_loop3A_140 : i32 to index
        %parallel_loop3A_179 = tpu.vector_load %arg9[%parallel_loop3A_177, %parallel_loop3A_178] {strides = array<i32>} : memref<20x256xf32, #tpu.memory_space<vmem>>, vector<1x16xf32>,
        %parallel_loop3A_180 = vector.shape_cast %parallel_loop3A_179 : vector<1x16xf32> to vector<16xf32>
        %parallel_loop3A_181 = arith.constant 8 : i32
        %parallel_loop3A_182 = arith.index_cast %parallel_loop3A_181 : i32 to index
        %parallel_loop3A_183 = arith.index_cast %parallel_loop3A_140 : i32 to index
        %parallel_loop3A_184 = tpu.vector_load %arg9[%parallel_loop3A_182, %parallel_loop3A_183] {strides = array<i32>} : memref<20x256xf32, #tpu.memory_space<vmem>>, vector<1x16xf32>,
        %parallel_loop3A_185 = vector.shape_cast %parallel_loop3A_184 : vector<1x16xf32> to vector<16xf32>
        %parallel_loop3A_186 = arith.constant 9 : i32
        %parallel_loop3A_187 = arith.index_cast %parallel_loop3A_186 : i32 to index
        %parallel_loop3A_188 = arith.index_cast %parallel_loop3A_140 : i32 to index
        %parallel_loop3A_189 = tpu.vector_load %arg9[%parallel_loop3A_187, %parallel_loop3A_188] {strides = array<i32>} : memref<20x256xf32, #tpu.memory_space<vmem>>, vector<1x16xf32>,
        %parallel_loop3A_190 = vector.shape_cast %parallel_loop3A_189 : vector<1x16xf32> to vector<16xf32>
        %parallel_loop3A_191 = arith.constant 10 : i32
        %parallel_loop3A_192 = arith.index_cast %parallel_loop3A_191 : i32 to index
        %parallel_loop3A_193 = arith.index_cast %parallel_loop3A_140 : i32 to index
        %parallel_loop3A_194 = tpu.vector_load %arg9[%parallel_loop3A_192, %parallel_loop3A_193] {strides = array<i32>} : memref<20x256xf32, #tpu.memory_space<vmem>>, vector<1x16xf32>,
        %parallel_loop3A_195 = vector.shape_cast %parallel_loop3A_194 : vector<1x16xf32> to vector<16xf32>
        %parallel_loop3A_196 = arith.constant 11 : i32
        %parallel_loop3A_197 = arith.index_cast %parallel_loop3A_196 : i32 to index
        %parallel_loop3A_198 = arith.index_cast %parallel_loop3A_140 : i32 to index
        %parallel_loop3A_199 = tpu.vector_load %arg9[%parallel_loop3A_197, %parallel_loop3A_198] {strides = array<i32>} : memref<20x256xf32, #tpu.memory_space<vmem>>, vector<1x16xf32>,
        %parallel_loop3A_200 = vector.shape_cast %parallel_loop3A_199 : vector<1x16xf32> to vector<16xf32>
        %parallel_loop3A_201 = arith.constant 12 : i32
        %parallel_loop3A_202 = arith.index_cast %parallel_loop3A_201 : i32 to index
        %parallel_loop3A_203 = arith.index_cast %parallel_loop3A_140 : i32 to index
        %parallel_loop3A_204 = tpu.vector_load %arg9[%parallel_loop3A_202, %parallel_loop3A_203] {strides = array<i32>} : memref<20x256xf32, #tpu.memory_space<vmem>>, vector<1x16xf32>,
        %parallel_loop3A_205 = vector.shape_cast %parallel_loop3A_204 : vector<1x16xf32> to vector<16xf32>
        %parallel_loop3A_206 = arith.constant 13 : i32
        %parallel_loop3A_207 = arith.index_cast %parallel_loop3A_206 : i32 to index
        %parallel_loop3A_208 = arith.index_cast %parallel_loop3A_140 : i32 to index
        %parallel_loop3A_209 = tpu.vector_load %arg9[%parallel_loop3A_207, %parallel_loop3A_208] {strides = array<i32>} : memref<20x256xf32, #tpu.memory_space<vmem>>, vector<1x16xf32>,
        %parallel_loop3A_210 = vector.shape_cast %parallel_loop3A_209 : vector<1x16xf32> to vector<16xf32>
        %parallel_loop3A_211 = arith.constant 14 : i32
        %parallel_loop3A_212 = arith.index_cast %parallel_loop3A_211 : i32 to index
        %parallel_loop3A_213 = arith.index_cast %parallel_loop3A_140 : i32 to index
        %parallel_loop3A_214 = tpu.vector_load %arg9[%parallel_loop3A_212, %parallel_loop3A_213] {strides = array<i32>} : memref<20x256xf32, #tpu.memory_space<vmem>>, vector<1x16xf32>,
        %parallel_loop3A_215 = vector.shape_cast %parallel_loop3A_214 : vector<1x16xf32> to vector<16xf32>
        %parallel_loop3A_216 = arith.constant 15 : i32
        %parallel_loop3A_217 = arith.index_cast %parallel_loop3A_216 : i32 to index
        %parallel_loop3A_218 = arith.index_cast %parallel_loop3A_140 : i32 to index
        %parallel_loop3A_219 = tpu.vector_load %arg9[%parallel_loop3A_217, %parallel_loop3A_218] {strides = array<i32>} : memref<20x256xf32, #tpu.memory_space<vmem>>, vector<1x16xf32>,
        %parallel_loop3A_220 = vector.shape_cast %parallel_loop3A_219 : vector<1x16xf32> to vector<16xf32>
        %parallel_loop3A_221 = arith.constant 16 : i32
        %parallel_loop3A_222 = arith.index_cast %parallel_loop3A_221 : i32 to index
        %parallel_loop3A_223 = arith.index_cast %parallel_loop3A_140 : i32 to index
        %parallel_loop3A_224 = tpu.vector_load %arg9[%parallel_loop3A_222, %parallel_loop3A_223] {strides = array<i32>} : memref<20x256xf32, #tpu.memory_space<vmem>>, vector<1x16xf32>,
        %parallel_loop3A_225 = vector.shape_cast %parallel_loop3A_224 : vector<1x16xf32> to vector<16xf32>
        %parallel_loop3A_226 = arith.constant 17 : i32
        %parallel_loop3A_227 = arith.index_cast %parallel_loop3A_226 : i32 to index
        %parallel_loop3A_228 = arith.index_cast %parallel_loop3A_140 : i32 to index
        %parallel_loop3A_229 = tpu.vector_load %arg9[%parallel_loop3A_227, %parallel_loop3A_228] {strides = array<i32>} : memref<20x256xf32, #tpu.memory_space<vmem>>, vector<1x16xf32>,
        %parallel_loop3A_230 = vector.shape_cast %parallel_loop3A_229 : vector<1x16xf32> to vector<16xf32>
        %parallel_loop3A_231 = arith.constant 18 : i32
        %parallel_loop3A_232 = arith.index_cast %parallel_loop3A_231 : i32 to index
        %parallel_loop3A_233 = arith.index_cast %parallel_loop3A_140 : i32 to index
        %parallel_loop3A_234 = tpu.vector_load %arg9[%parallel_loop3A_232, %parallel_loop3A_233] {strides = array<i32>} : memref<20x256xf32, #tpu.memory_space<vmem>>, vector<1x16xf32>,
        %parallel_loop3A_235 = vector.shape_cast %parallel_loop3A_234 : vector<1x16xf32> to vector<16xf32>
        %parallel_loop3A_236 = arith.constant 19 : i32
        %parallel_loop3A_237 = arith.index_cast %parallel_loop3A_236 : i32 to index
        %parallel_loop3A_238 = arith.index_cast %parallel_loop3A_140 : i32 to index
        %parallel_loop3A_239 = tpu.vector_load %arg9[%parallel_loop3A_237, %parallel_loop3A_238] {strides = array<i32>} : memref<20x256xf32, #tpu.memory_space<vmem>>, vector<1x16xf32>,
        %parallel_loop3A_240 = vector.shape_cast %parallel_loop3A_239 : vector<1x16xf32> to vector<16xf32>
        %parallel_loop3A_241 = arith.constant 0 : i32
        %parallel_loop3A_242 = arith.index_cast %parallel_loop3A_241 : i32 to index
        %parallel_loop3A_243 = arith.index_cast %parallel_loop3A_140 : i32 to index
        %parallel_loop3A_244 = tpu.vector_load %arg8[%parallel_loop3A_242, %parallel_loop3A_243] {strides = array<i32>} : memref<160x256xf32, #tpu.memory_space<vmem>>, vector<1x16xf32>,
        %parallel_loop3A_245 = vector.shape_cast %parallel_loop3A_244 : vector<1x16xf32> to vector<16xf32>
        %parallel_loop3A_246 = arith.mulf %parallel_loop3A_245, %parallel_loop3A_145 : vector<16xf32>
        %parallel_loop3A_247 = arith.constant 1 : i32
        %parallel_loop3A_248 = arith.index_cast %parallel_loop3A_247 : i32 to index
        %parallel_loop3A_249 = arith.index_cast %parallel_loop3A_140 : i32 to index
        %parallel_loop3A_250 = tpu.vector_load %arg8[%parallel_loop3A_248, %parallel_loop3A_249] {strides = array<i32>} : memref<160x256xf32, #tpu.memory_space<vmem>>, vector<1x16xf32>,
        %parallel_loop3A_251 = vector.shape_cast %parallel_loop3A_250 : vector<1x16xf32> to vector<16xf32>
        %parallel_loop3A_252 = arith.mulf %parallel_loop3A_251, %parallel_loop3A_150 : vector<16xf32>
        %parallel_loop3A_253 = arith.addf %parallel_loop3A_246, %parallel_loop3A_252 : vector<16xf32>
        %parallel_loop3A_254 = arith.constant 2 : i32
        %parallel_loop3A_255 = arith.index_cast %parallel_loop3A_254 : i32 to index
        %parallel_loop3A_256 = arith.index_cast %parallel_loop3A_140 : i32 to index
        %parallel_loop3A_257 = tpu.vector_load %arg8[%parallel_loop3A_255, %parallel_loop3A_256] {strides = array<i32>} : memref<160x256xf32, #tpu.memory_space<vmem>>, vector<1x16xf32>,
        %parallel_loop3A_258 = vector.shape_cast %parallel_loop3A_257 : vector<1x16xf32> to vector<16xf32>
        %parallel_loop3A_259 = arith.mulf %parallel_loop3A_258, %parallel_loop3A_155 : vector<16xf32>
        %parallel_loop3A_260 = arith.addf %parallel_loop3A_253, %parallel_loop3A_259 : vector<16xf32>
        %parallel_loop3A_261 = arith.constant 3 : i32
        %parallel_loop3A_262 = arith.index_cast %parallel_loop3A_261 : i32 to index
        %parallel_loop3A_263 = arith.index_cast %parallel_loop3A_140 : i32 to index
        %parallel_loop3A_264 = tpu.vector_load %arg8[%parallel_loop3A_262, %parallel_loop3A_263] {strides = array<i32>} : memref<160x256xf32, #tpu.memory_space<vmem>>, vector<1x16xf32>,
        %parallel_loop3A_265 = vector.shape_cast %parallel_loop3A_264 : vector<1x16xf32> to vector<16xf32>
        %parallel_loop3A_266 = arith.mulf %parallel_loop3A_265, %parallel_loop3A_160 : vector<16xf32>
        %parallel_loop3A_267 = arith.addf %parallel_loop3A_260, %parallel_loop3A_266 : vector<16xf32>
        %parallel_loop3A_268 = arith.constant 4 : i32
        %parallel_loop3A_269 = arith.index_cast %parallel_loop3A_268 : i32 to index
        %parallel_loop3A_270 = arith.index_cast %parallel_loop3A_140 : i32 to index
        %parallel_loop3A_271 = tpu.vector_load %arg8[%parallel_loop3A_269, %parallel_loop3A_270] {strides = array<i32>} : memref<160x256xf32, #tpu.memory_space<vmem>>, vector<1x16xf32>,
        %parallel_loop3A_272 = vector.shape_cast %parallel_loop3A_271 : vector<1x16xf32> to vector<16xf32>
        %parallel_loop3A_273 = arith.mulf %parallel_loop3A_272, %parallel_loop3A_165 : vector<16xf32>
        %parallel_loop3A_274 = arith.addf %parallel_loop3A_267, %parallel_loop3A_273 : vector<16xf32>
        %parallel_loop3A_275 = arith.constant 5 : i32
        %parallel_loop3A_276 = arith.index_cast %parallel_loop3A_275 : i32 to index
        %parallel_loop3A_277 = arith.index_cast %parallel_loop3A_140 : i32 to index
        %parallel_loop3A_278 = tpu.vector_load %arg8[%parallel_loop3A_276, %parallel_loop3A_277] {strides = array<i32>} : memref<160x256xf32, #tpu.memory_space<vmem>>, vector<1x16xf32>,
        %parallel_loop3A_279 = vector.shape_cast %parallel_loop3A_278 : vector<1x16xf32> to vector<16xf32>
        %parallel_loop3A_280 = arith.mulf %parallel_loop3A_279, %parallel_loop3A_170 : vector<16xf32>
        %parallel_loop3A_281 = arith.addf %parallel_loop3A_274, %parallel_loop3A_280 : vector<16xf32>
        %parallel_loop3A_282 = arith.constant 6 : i32
        %parallel_loop3A_283 = arith.index_cast %parallel_loop3A_282 : i32 to index
        %parallel_loop3A_284 = arith.index_cast %parallel_loop3A_140 : i32 to index
        %parallel_loop3A_285 = tpu.vector_load %arg8[%parallel_loop3A_283, %parallel_loop3A_284] {strides = array<i32>} : memref<160x256xf32, #tpu.memory_space<vmem>>, vector<1x16xf32>,
        %parallel_loop3A_286 = vector.shape_cast %parallel_loop3A_285 : vector<1x16xf32> to vector<16xf32>
        %parallel_loop3A_287 = arith.mulf %parallel_loop3A_286, %parallel_loop3A_175 : vector<16xf32>
        %parallel_loop3A_288 = arith.addf %parallel_loop3A_281, %parallel_loop3A_287 : vector<16xf32>
        %parallel_loop3A_289 = arith.constant 7 : i32
        %parallel_loop3A_290 = arith.index_cast %parallel_loop3A_289 : i32 to index
        %parallel_loop3A_291 = arith.index_cast %parallel_loop3A_140 : i32 to index
        %parallel_loop3A_292 = tpu.vector_load %arg8[%parallel_loop3A_290, %parallel_loop3A_291] {strides = array<i32>} : memref<160x256xf32, #tpu.memory_space<vmem>>, vector<1x16xf32>,
        %parallel_loop3A_293 = vector.shape_cast %parallel_loop3A_292 : vector<1x16xf32> to vector<16xf32>
        %parallel_loop3A_294 = arith.mulf %parallel_loop3A_293, %parallel_loop3A_180 : vector<16xf32>
        %parallel_loop3A_295 = arith.addf %parallel_loop3A_288, %parallel_loop3A_294 : vector<16xf32>
        %parallel_loop3A_296 = arith.constant 8 : i32
        %parallel_loop3A_297 = arith.index_cast %parallel_loop3A_296 : i32 to index
        %parallel_loop3A_298 = arith.index_cast %parallel_loop3A_140 : i32 to index
        %parallel_loop3A_299 = tpu.vector_load %arg8[%parallel_loop3A_297, %parallel_loop3A_298] {strides = array<i32>} : memref<160x256xf32, #tpu.memory_space<vmem>>, vector<1x16xf32>,
        %parallel_loop3A_300 = vector.shape_cast %parallel_loop3A_299 : vector<1x16xf32> to vector<16xf32>
        %parallel_loop3A_301 = arith.mulf %parallel_loop3A_300, %parallel_loop3A_185 : vector<16xf32>
        %parallel_loop3A_302 = arith.addf %parallel_loop3A_295, %parallel_loop3A_301 : vector<16xf32>
        %parallel_loop3A_303 = arith.constant 9 : i32
        %parallel_loop3A_304 = arith.index_cast %parallel_loop3A_303 : i32 to index
        %parallel_loop3A_305 = arith.index_cast %parallel_loop3A_140 : i32 to index
        %parallel_loop3A_306 = tpu.vector_load %arg8[%parallel_loop3A_304, %parallel_loop3A_305] {strides = array<i32>} : memref<160x256xf32, #tpu.memory_space<vmem>>, vector<1x16xf32>,
        %parallel_loop3A_307 = vector.shape_cast %parallel_loop3A_306 : vector<1x16xf32> to vector<16xf32>
        %parallel_loop3A_308 = arith.mulf %parallel_loop3A_307, %parallel_loop3A_190 : vector<16xf32>
        %parallel_loop3A_309 = arith.addf %parallel_loop3A_302, %parallel_loop3A_308 : vector<16xf32>
        %parallel_loop3A_310 = arith.constant 10 : i32
        %parallel_loop3A_311 = arith.index_cast %parallel_loop3A_310 : i32 to index
        %parallel_loop3A_312 = arith.index_cast %parallel_loop3A_140 : i32 to index
        %parallel_loop3A_313 = tpu.vector_load %arg8[%parallel_loop3A_311, %parallel_loop3A_312] {strides = array<i32>} : memref<160x256xf32, #tpu.memory_space<vmem>>, vector<1x16xf32>,
        %parallel_loop3A_314 = vector.shape_cast %parallel_loop3A_313 : vector<1x16xf32> to vector<16xf32>
        %parallel_loop3A_315 = arith.mulf %parallel_loop3A_314, %parallel_loop3A_195 : vector<16xf32>
        %parallel_loop3A_316 = arith.addf %parallel_loop3A_309, %parallel_loop3A_315 : vector<16xf32>
        %parallel_loop3A_317 = arith.constant 11 : i32
        %parallel_loop3A_318 = arith.index_cast %parallel_loop3A_317 : i32 to index
        %parallel_loop3A_319 = arith.index_cast %parallel_loop3A_140 : i32 to index
        %parallel_loop3A_320 = tpu.vector_load %arg8[%parallel_loop3A_318, %parallel_loop3A_319] {strides = array<i32>} : memref<160x256xf32, #tpu.memory_space<vmem>>, vector<1x16xf32>,
        %parallel_loop3A_321 = vector.shape_cast %parallel_loop3A_320 : vector<1x16xf32> to vector<16xf32>
        %parallel_loop3A_322 = arith.mulf %parallel_loop3A_321, %parallel_loop3A_200 : vector<16xf32>
        %parallel_loop3A_323 = arith.addf %parallel_loop3A_316, %parallel_loop3A_322 : vector<16xf32>
        %parallel_loop3A_324 = arith.constant 12 : i32
        %parallel_loop3A_325 = arith.index_cast %parallel_loop3A_324 : i32 to index
        %parallel_loop3A_326 = arith.index_cast %parallel_loop3A_140 : i32 to index
        %parallel_loop3A_327 = tpu.vector_load %arg8[%parallel_loop3A_325, %parallel_loop3A_326] {strides = array<i32>} : memref<160x256xf32, #tpu.memory_space<vmem>>, vector<1x16xf32>,
        %parallel_loop3A_328 = vector.shape_cast %parallel_loop3A_327 : vector<1x16xf32> to vector<16xf32>
        %parallel_loop3A_329 = arith.mulf %parallel_loop3A_328, %parallel_loop3A_205 : vector<16xf32>
        %parallel_loop3A_330 = arith.addf %parallel_loop3A_323, %parallel_loop3A_329 : vector<16xf32>
        %parallel_loop3A_331 = arith.constant 13 : i32
        %parallel_loop3A_332 = arith.index_cast %parallel_loop3A_331 : i32 to index
        %parallel_loop3A_333 = arith.index_cast %parallel_loop3A_140 : i32 to index
        %parallel_loop3A_334 = tpu.vector_load %arg8[%parallel_loop3A_332, %parallel_loop3A_333] {strides = array<i32>} : memref<160x256xf32, #tpu.memory_space<vmem>>, vector<1x16xf32>,
        %parallel_loop3A_335 = vector.shape_cast %parallel_loop3A_334 : vector<1x16xf32> to vector<16xf32>
        %parallel_loop3A_336 = arith.mulf %parallel_loop3A_335, %parallel_loop3A_210 : vector<16xf32>
        %parallel_loop3A_337 = arith.addf %parallel_loop3A_330, %parallel_loop3A_336 : vector<16xf32>
        %parallel_loop3A_338 = arith.constant 14 : i32
        %parallel_loop3A_339 = arith.index_cast %parallel_loop3A_338 : i32 to index
        %parallel_loop3A_340 = arith.index_cast %parallel_loop3A_140 : i32 to index
        %parallel_loop3A_341 = tpu.vector_load %arg8[%parallel_loop3A_339, %parallel_loop3A_340] {strides = array<i32>} : memref<160x256xf32, #tpu.memory_space<vmem>>, vector<1x16xf32>,
        %parallel_loop3A_342 = vector.shape_cast %parallel_loop3A_341 : vector<1x16xf32> to vector<16xf32>
        %parallel_loop3A_343 = arith.mulf %parallel_loop3A_342, %parallel_loop3A_215 : vector<16xf32>
        %parallel_loop3A_344 = arith.addf %parallel_loop3A_337, %parallel_loop3A_343 : vector<16xf32>
        %parallel_loop3A_345 = arith.constant 15 : i32
        %parallel_loop3A_346 = arith.index_cast %parallel_loop3A_345 : i32 to index
        %parallel_loop3A_347 = arith.index_cast %parallel_loop3A_140 : i32 to index
        %parallel_loop3A_348 = tpu.vector_load %arg8[%parallel_loop3A_346, %parallel_loop3A_347] {strides = array<i32>} : memref<160x256xf32, #tpu.memory_space<vmem>>, vector<1x16xf32>,
        %parallel_loop3A_349 = vector.shape_cast %parallel_loop3A_348 : vector<1x16xf32> to vector<16xf32>
        %parallel_loop3A_350 = arith.mulf %parallel_loop3A_349, %parallel_loop3A_220 : vector<16xf32>
        %parallel_loop3A_351 = arith.addf %parallel_loop3A_344, %parallel_loop3A_350 : vector<16xf32>
        %parallel_loop3A_352 = arith.constant 16 : i32
        %parallel_loop3A_353 = arith.index_cast %parallel_loop3A_352 : i32 to index
        %parallel_loop3A_354 = arith.index_cast %parallel_loop3A_140 : i32 to index
        %parallel_loop3A_355 = tpu.vector_load %arg8[%parallel_loop3A_353, %parallel_loop3A_354] {strides = array<i32>} : memref<160x256xf32, #tpu.memory_space<vmem>>, vector<1x16xf32>,
        %parallel_loop3A_356 = vector.shape_cast %parallel_loop3A_355 : vector<1x16xf32> to vector<16xf32>
        %parallel_loop3A_357 = arith.mulf %parallel_loop3A_356, %parallel_loop3A_225 : vector<16xf32>
        %parallel_loop3A_358 = arith.addf %parallel_loop3A_351, %parallel_loop3A_357 : vector<16xf32>
        %parallel_loop3A_359 = arith.constant 17 : i32
        %parallel_loop3A_360 = arith.index_cast %parallel_loop3A_359 : i32 to index
        %parallel_loop3A_361 = arith.index_cast %parallel_loop3A_140 : i32 to index
        %parallel_loop3A_362 = tpu.vector_load %arg8[%parallel_loop3A_360, %parallel_loop3A_361] {strides = array<i32>} : memref<160x256xf32, #tpu.memory_space<vmem>>, vector<1x16xf32>,
        %parallel_loop3A_363 = vector.shape_cast %parallel_loop3A_362 : vector<1x16xf32> to vector<16xf32>
        %parallel_loop3A_364 = arith.mulf %parallel_loop3A_363, %parallel_loop3A_230 : vector<16xf32>
        %parallel_loop3A_365 = arith.addf %parallel_loop3A_358, %parallel_loop3A_364 : vector<16xf32>
        %parallel_loop3A_366 = arith.constant 18 : i32
        %parallel_loop3A_367 = arith.index_cast %parallel_loop3A_366 : i32 to index
        %parallel_loop3A_368 = arith.index_cast %parallel_loop3A_140 : i32 to index
        %parallel_loop3A_369 = tpu.vector_load %arg8[%parallel_loop3A_367, %parallel_loop3A_368] {strides = array<i32>} : memref<160x256xf32, #tpu.memory_space<vmem>>, vector<1x16xf32>,
        %parallel_loop3A_370 = vector.shape_cast %parallel_loop3A_369 : vector<1x16xf32> to vector<16xf32>
        %parallel_loop3A_371 = arith.mulf %parallel_loop3A_370, %parallel_loop3A_235 : vector<16xf32>
        %parallel_loop3A_372 = arith.addf %parallel_loop3A_365, %parallel_loop3A_371 : vector<16xf32>
        %parallel_loop3A_373 = arith.constant 19 : i32
        %parallel_loop3A_374 = arith.index_cast %parallel_loop3A_373 : i32 to index
        %parallel_loop3A_375 = arith.index_cast %parallel_loop3A_140 : i32 to index
        %parallel_loop3A_376 = tpu.vector_load %arg8[%parallel_loop3A_374, %parallel_loop3A_375] {strides = array<i32>} : memref<160x256xf32, #tpu.memory_space<vmem>>, vector<1x16xf32>,
        %parallel_loop3A_377 = vector.shape_cast %parallel_loop3A_376 : vector<1x16xf32> to vector<16xf32>
        %parallel_loop3A_378 = arith.mulf %parallel_loop3A_377, %parallel_loop3A_240 : vector<16xf32>
        %parallel_loop3A_379 = arith.addf %parallel_loop3A_372, %parallel_loop3A_378 : vector<16xf32>
        %parallel_loop3A_380 = arith.constant 0 : i32
        %parallel_loop3A_381 = arith.index_cast %parallel_loop3A_380 : i32 to index
        %parallel_loop3A_382 = arith.index_cast %parallel_loop3A_140 : i32 to index
        %parallel_loop3A_383 = tpu.vector_load %arg11[%parallel_loop3A_381, %parallel_loop3A_382] {strides = array<i32>} : memref<8x256xf32, #tpu.memory_space<vmem>>, vector<1x16xf32>,
        %parallel_loop3A_384 = vector.shape_cast %parallel_loop3A_383 : vector<1x16xf32> to vector<16xf32>
        %parallel_loop3A_385 = vector.shape_cast %parallel_loop3A_379 : vector<16xf32> to vector<1x16xf32>
        tpu.vector_store %arg11[%parallel_loop3A_381, %parallel_loop3A_382], %parallel_loop3A_385 {strides = array<i32>} : memref<8x256xf32, #tpu.memory_space<vmem>>, vector<1x16xf32>,
        %parallel_loop3A_386 = arith.constant 20 : i32
        %parallel_loop3A_387 = arith.index_cast %parallel_loop3A_386 : i32 to index
        %parallel_loop3A_388 = arith.index_cast %parallel_loop3A_140 : i32 to index
        %parallel_loop3A_389 = tpu.vector_load %arg8[%parallel_loop3A_387, %parallel_loop3A_388] {strides = array<i32>} : memref<160x256xf32, #tpu.memory_space<vmem>>, vector<1x16xf32>,
        %parallel_loop3A_390 = vector.shape_cast %parallel_loop3A_389 : vector<1x16xf32> to vector<16xf32>
        %parallel_loop3A_391 = arith.mulf %parallel_loop3A_390, %parallel_loop3A_145 : vector<16xf32>
        %parallel_loop3A_392 = arith.constant 21 : i32
        %parallel_loop3A_393 = arith.index_cast %parallel_loop3A_392 : i32 to index
        %parallel_loop3A_394 = arith.index_cast %parallel_loop3A_140 : i32 to index
        %parallel_loop3A_395 = tpu.vector_load %arg8[%parallel_loop3A_393, %parallel_loop3A_394] {strides = array<i32>} : memref<160x256xf32, #tpu.memory_space<vmem>>, vector<1x16xf32>,
        %parallel_loop3A_396 = vector.shape_cast %parallel_loop3A_395 : vector<1x16xf32> to vector<16xf32>
        %parallel_loop3A_397 = arith.mulf %parallel_loop3A_396, %parallel_loop3A_150 : vector<16xf32>
        %parallel_loop3A_398 = arith.addf %parallel_loop3A_391, %parallel_loop3A_397 : vector<16xf32>
        %parallel_loop3A_399 = arith.constant 22 : i32
        %parallel_loop3A_400 = arith.index_cast %parallel_loop3A_399 : i32 to index
        %parallel_loop3A_401 = arith.index_cast %parallel_loop3A_140 : i32 to index
        %parallel_loop3A_402 = tpu.vector_load %arg8[%parallel_loop3A_400, %parallel_loop3A_401] {strides = array<i32>} : memref<160x256xf32, #tpu.memory_space<vmem>>, vector<1x16xf32>,
        %parallel_loop3A_403 = vector.shape_cast %parallel_loop3A_402 : vector<1x16xf32> to vector<16xf32>
        %parallel_loop3A_404 = arith.mulf %parallel_loop3A_403, %parallel_loop3A_155 : vector<16xf32>
        %parallel_loop3A_405 = arith.addf %parallel_loop3A_398, %parallel_loop3A_404 : vector<16xf32>
        %parallel_loop3A_406 = arith.constant 23 : i32
        %parallel_loop3A_407 = arith.index_cast %parallel_loop3A_406 : i32 to index
        %parallel_loop3A_408 = arith.index_cast %parallel_loop3A_140 : i32 to index
        %parallel_loop3A_409 = tpu.vector_load %arg8[%parallel_loop3A_407, %parallel_loop3A_408] {strides = array<i32>} : memref<160x256xf32, #tpu.memory_space<vmem>>, vector<1x16xf32>,
        %parallel_loop3A_410 = vector.shape_cast %parallel_loop3A_409 : vector<1x16xf32> to vector<16xf32>
        %parallel_loop3A_411 = arith.mulf %parallel_loop3A_410, %parallel_loop3A_160 : vector<16xf32>
        %parallel_loop3A_412 = arith.addf %parallel_loop3A_405, %parallel_loop3A_411 : vector<16xf32>
        %parallel_loop3A_413 = arith.constant 24 : i32
        %parallel_loop3A_414 = arith.index_cast %parallel_loop3A_413 : i32 to index
        %parallel_loop3A_415 = arith.index_cast %parallel_loop3A_140 : i32 to index
        %parallel_loop3A_416 = tpu.vector_load %arg8[%parallel_loop3A_414, %parallel_loop3A_415] {strides = array<i32>} : memref<160x256xf32, #tpu.memory_space<vmem>>, vector<1x16xf32>,
        %parallel_loop3A_417 = vector.shape_cast %parallel_loop3A_416 : vector<1x16xf32> to vector<16xf32>
        %parallel_loop3A_418 = arith.mulf %parallel_loop3A_417, %parallel_loop3A_165 : vector<16xf32>
        %parallel_loop3A_419 = arith.addf %parallel_loop3A_412, %parallel_loop3A_418 : vector<16xf32>
        %parallel_loop3A_420 = arith.constant 25 : i32
        %parallel_loop3A_421 = arith.index_cast %parallel_loop3A_420 : i32 to index
        %parallel_loop3A_422 = arith.index_cast %parallel_loop3A_140 : i32 to index
        %parallel_loop3A_423 = tpu.vector_load %arg8[%parallel_loop3A_421, %parallel_loop3A_422] {strides = array<i32>} : memref<160x256xf32, #tpu.memory_space<vmem>>, vector<1x16xf32>,
        %parallel_loop3A_424 = vector.shape_cast %parallel_loop3A_423 : vector<1x16xf32> to vector<16xf32>
        %parallel_loop3A_425 = arith.mulf %parallel_loop3A_424, %parallel_loop3A_170 : vector<16xf32>
        %parallel_loop3A_426 = arith.addf %parallel_loop3A_419, %parallel_loop3A_425 : vector<16xf32>
        %parallel_loop3A_427 = arith.constant 26 : i32
        %parallel_loop3A_428 = arith.index_cast %parallel_loop3A_427 : i32 to index
        %parallel_loop3A_429 = arith.index_cast %parallel_loop3A_140 : i32 to index
        %parallel_loop3A_430 = tpu.vector_load %arg8[%parallel_loop3A_428, %parallel_loop3A_429] {strides = array<i32>} : memref<160x256xf32, #tpu.memory_space<vmem>>, vector<1x16xf32>,
        %parallel_loop3A_431 = vector.shape_cast %parallel_loop3A_430 : vector<1x16xf32> to vector<16xf32>
        %parallel_loop3A_432 = arith.mulf %parallel_loop3A_431, %parallel_loop3A_175 : vector<16xf32>
        %parallel_loop3A_433 = arith.addf %parallel_loop3A_426, %parallel_loop3A_432 : vector<16xf32>
        %parallel_loop3A_434 = arith.constant 27 : i32
        %parallel_loop3A_435 = arith.index_cast %parallel_loop3A_434 : i32 to index
        %parallel_loop3A_436 = arith.index_cast %parallel_loop3A_140 : i32 to index
        %parallel_loop3A_437 = tpu.vector_load %arg8[%parallel_loop3A_435, %parallel_loop3A_436] {strides = array<i32>} : memref<160x256xf32, #tpu.memory_space<vmem>>, vector<1x16xf32>,
        %parallel_loop3A_438 = vector.shape_cast %parallel_loop3A_437 : vector<1x16xf32> to vector<16xf32>
        %parallel_loop3A_439 = arith.mulf %parallel_loop3A_438, %parallel_loop3A_180 : vector<16xf32>
        %parallel_loop3A_440 = arith.addf %parallel_loop3A_433, %parallel_loop3A_439 : vector<16xf32>
        %parallel_loop3A_441 = arith.constant 28 : i32
        %parallel_loop3A_442 = arith.index_cast %parallel_loop3A_441 : i32 to index
        %parallel_loop3A_443 = arith.index_cast %parallel_loop3A_140 : i32 to index
        %parallel_loop3A_444 = tpu.vector_load %arg8[%parallel_loop3A_442, %parallel_loop3A_443] {strides = array<i32>} : memref<160x256xf32, #tpu.memory_space<vmem>>, vector<1x16xf32>,
        %parallel_loop3A_445 = vector.shape_cast %parallel_loop3A_444 : vector<1x16xf32> to vector<16xf32>
        %parallel_loop3A_446 = arith.mulf %parallel_loop3A_445, %parallel_loop3A_185 : vector<16xf32>
        %parallel_loop3A_447 = arith.addf %parallel_loop3A_440, %parallel_loop3A_446 : vector<16xf32>
        %parallel_loop3A_448 = arith.constant 29 : i32
        %parallel_loop3A_449 = arith.index_cast %parallel_loop3A_448 : i32 to index
        %parallel_loop3A_450 = arith.index_cast %parallel_loop3A_140 : i32 to index
        %parallel_loop3A_451 = tpu.vector_load %arg8[%parallel_loop3A_449, %parallel_loop3A_450] {strides = array<i32>} : memref<160x256xf32, #tpu.memory_space<vmem>>, vector<1x16xf32>,
        %parallel_loop3A_452 = vector.shape_cast %parallel_loop3A_451 : vector<1x16xf32> to vector<16xf32>
        %parallel_loop3A_453 = arith.mulf %parallel_loop3A_452, %parallel_loop3A_190 : vector<16xf32>
        %parallel_loop3A_454 = arith.addf %parallel_loop3A_447, %parallel_loop3A_453 : vector<16xf32>
        %parallel_loop3A_455 = arith.constant 30 : i32
        %parallel_loop3A_456 = arith.index_cast %parallel_loop3A_455 : i32 to index
        %parallel_loop3A_457 = arith.index_cast %parallel_loop3A_140 : i32 to index
        %parallel_loop3A_458 = tpu.vector_load %arg8[%parallel_loop3A_456, %parallel_loop3A_457] {strides = array<i32>} : memref<160x256xf32, #tpu.memory_space<vmem>>, vector<1x16xf32>,
        %parallel_loop3A_459 = vector.shape_cast %parallel_loop3A_458 : vector<1x16xf32> to vector<16xf32>
        %parallel_loop3A_460 = arith.mulf %parallel_loop3A_459, %parallel_loop3A_195 : vector<16xf32>
        %parallel_loop3A_461 = arith.addf %parallel_loop3A_454, %parallel_loop3A_460 : vector<16xf32>
        %parallel_loop3A_462 = arith.constant 31 : i32
        %parallel_loop3A_463 = arith.index_cast %parallel_loop3A_462 : i32 to index
        %parallel_loop3A_464 = arith.index_cast %parallel_loop3A_140 : i32 to index
        %parallel_loop3A_465 = tpu.vector_load %arg8[%parallel_loop3A_463, %parallel_loop3A_464] {strides = array<i32>} : memref<160x256xf32, #tpu.memory_space<vmem>>, vector<1x16xf32>,
        %parallel_loop3A_466 = vector.shape_cast %parallel_loop3A_465 : vector<1x16xf32> to vector<16xf32>
        %parallel_loop3A_467 = arith.mulf %parallel_loop3A_466, %parallel_loop3A_200 : vector<16xf32>
        %parallel_loop3A_468 = arith.addf %parallel_loop3A_461, %parallel_loop3A_467 : vector<16xf32>
        %parallel_loop3A_469 = arith.constant 32 : i32
        %parallel_loop3A_470 = arith.index_cast %parallel_loop3A_469 : i32 to index
        %parallel_loop3A_471 = arith.index_cast %parallel_loop3A_140 : i32 to index
        %parallel_loop3A_472 = tpu.vector_load %arg8[%parallel_loop3A_470, %parallel_loop3A_471] {strides = array<i32>} : memref<160x256xf32, #tpu.memory_space<vmem>>, vector<1x16xf32>,
        %parallel_loop3A_473 = vector.shape_cast %parallel_loop3A_472 : vector<1x16xf32> to vector<16xf32>
        %parallel_loop3A_474 = arith.mulf %parallel_loop3A_473, %parallel_loop3A_205 : vector<16xf32>
        %parallel_loop3A_475 = arith.addf %parallel_loop3A_468, %parallel_loop3A_474 : vector<16xf32>
        %parallel_loop3A_476 = arith.constant 33 : i32
        %parallel_loop3A_477 = arith.index_cast %parallel_loop3A_476 : i32 to index
        %parallel_loop3A_478 = arith.index_cast %parallel_loop3A_140 : i32 to index
        %parallel_loop3A_479 = tpu.vector_load %arg8[%parallel_loop3A_477, %parallel_loop3A_478] {strides = array<i32>} : memref<160x256xf32, #tpu.memory_space<vmem>>, vector<1x16xf32>,
        %parallel_loop3A_480 = vector.shape_cast %parallel_loop3A_479 : vector<1x16xf32> to vector<16xf32>
        %parallel_loop3A_481 = arith.mulf %parallel_loop3A_480, %parallel_loop3A_210 : vector<16xf32>
        %parallel_loop3A_482 = arith.addf %parallel_loop3A_475, %parallel_loop3A_481 : vector<16xf32>
        %parallel_loop3A_483 = arith.constant 34 : i32
        %parallel_loop3A_484 = arith.index_cast %parallel_loop3A_483 : i32 to index
        %parallel_loop3A_485 = arith.index_cast %parallel_loop3A_140 : i32 to index
        %parallel_loop3A_486 = tpu.vector_load %arg8[%parallel_loop3A_484, %parallel_loop3A_485] {strides = array<i32>} : memref<160x256xf32, #tpu.memory_space<vmem>>, vector<1x16xf32>,
        %parallel_loop3A_487 = vector.shape_cast %parallel_loop3A_486 : vector<1x16xf32> to vector<16xf32>
        %parallel_loop3A_488 = arith.mulf %parallel_loop3A_487, %parallel_loop3A_215 : vector<16xf32>
        %parallel_loop3A_489 = arith.addf %parallel_loop3A_482, %parallel_loop3A_488 : vector<16xf32>
        %parallel_loop3A_490 = arith.constant 35 : i32
        %parallel_loop3A_491 = arith.index_cast %parallel_loop3A_490 : i32 to index
        %parallel_loop3A_492 = arith.index_cast %parallel_loop3A_140 : i32 to index
        %parallel_loop3A_493 = tpu.vector_load %arg8[%parallel_loop3A_491, %parallel_loop3A_492] {strides = array<i32>} : memref<160x256xf32, #tpu.memory_space<vmem>>, vector<1x16xf32>,
        %parallel_loop3A_494 = vector.shape_cast %parallel_loop3A_493 : vector<1x16xf32> to vector<16xf32>
        %parallel_loop3A_495 = arith.mulf %parallel_loop3A_494, %parallel_loop3A_220 : vector<16xf32>
        %parallel_loop3A_496 = arith.addf %parallel_loop3A_489, %parallel_loop3A_495 : vector<16xf32>
        %parallel_loop3A_497 = arith.constant 36 : i32
        %parallel_loop3A_498 = arith.index_cast %parallel_loop3A_497 : i32 to index
        %parallel_loop3A_499 = arith.index_cast %parallel_loop3A_140 : i32 to index
        %parallel_loop3A_500 = tpu.vector_load %arg8[%parallel_loop3A_498, %parallel_loop3A_499] {strides = array<i32>} : memref<160x256xf32, #tpu.memory_space<vmem>>, vector<1x16xf32>,
        %parallel_loop3A_501 = vector.shape_cast %parallel_loop3A_500 : vector<1x16xf32> to vector<16xf32>
        %parallel_loop3A_502 = arith.mulf %parallel_loop3A_501, %parallel_loop3A_225 : vector<16xf32>
        %parallel_loop3A_503 = arith.addf %parallel_loop3A_496, %parallel_loop3A_502 : vector<16xf32>
        %parallel_loop3A_504 = arith.constant 37 : i32
        %parallel_loop3A_505 = arith.index_cast %parallel_loop3A_504 : i32 to index
        %parallel_loop3A_506 = arith.index_cast %parallel_loop3A_140 : i32 to index
        %parallel_loop3A_507 = tpu.vector_load %arg8[%parallel_loop3A_505, %parallel_loop3A_506] {strides = array<i32>} : memref<160x256xf32, #tpu.memory_space<vmem>>, vector<1x16xf32>,
        %parallel_loop3A_508 = vector.shape_cast %parallel_loop3A_507 : vector<1x16xf32> to vector<16xf32>
        %parallel_loop3A_509 = arith.mulf %parallel_loop3A_508, %parallel_loop3A_230 : vector<16xf32>
        %parallel_loop3A_510 = arith.addf %parallel_loop3A_503, %parallel_loop3A_509 : vector<16xf32>
        %parallel_loop3A_511 = arith.constant 38 : i32
        %parallel_loop3A_512 = arith.index_cast %parallel_loop3A_511 : i32 to index
        %parallel_loop3A_513 = arith.index_cast %parallel_loop3A_140 : i32 to index
        %parallel_loop3A_514 = tpu.vector_load %arg8[%parallel_loop3A_512, %parallel_loop3A_513] {strides = array<i32>} : memref<160x256xf32, #tpu.memory_space<vmem>>, vector<1x16xf32>,
        %parallel_loop3A_515 = vector.shape_cast %parallel_loop3A_514 : vector<1x16xf32> to vector<16xf32>
        %parallel_loop3A_516 = arith.mulf %parallel_loop3A_515, %parallel_loop3A_235 : vector<16xf32>
        %parallel_loop3A_517 = arith.addf %parallel_loop3A_510, %parallel_loop3A_516 : vector<16xf32>
        %parallel_loop3A_518 = arith.constant 39 : i32
        %parallel_loop3A_519 = arith.index_cast %parallel_loop3A_518 : i32 to index
        %parallel_loop3A_520 = arith.index_cast %parallel_loop3A_140 : i32 to index
        %parallel_loop3A_521 = tpu.vector_load %arg8[%parallel_loop3A_519, %parallel_loop3A_520] {strides = array<i32>} : memref<160x256xf32, #tpu.memory_space<vmem>>, vector<1x16xf32>,
        %parallel_loop3A_522 = vector.shape_cast %parallel_loop3A_521 : vector<1x16xf32> to vector<16xf32>
        %parallel_loop3A_523 = arith.mulf %parallel_loop3A_522, %parallel_loop3A_240 : vector<16xf32>
        %parallel_loop3A_524 = arith.addf %parallel_loop3A_517, %parallel_loop3A_523 : vector<16xf32>
        %parallel_loop3A_525 = arith.constant 1 : i32
        %parallel_loop3A_526 = arith.index_cast %parallel_loop3A_525 : i32 to index
        %parallel_loop3A_527 = arith.index_cast %parallel_loop3A_140 : i32 to index
        %parallel_loop3A_528 = tpu.vector_load %arg11[%parallel_loop3A_526, %parallel_loop3A_527] {strides = array<i32>} : memref<8x256xf32, #tpu.memory_space<vmem>>, vector<1x16xf32>,
        %parallel_loop3A_529 = vector.shape_cast %parallel_loop3A_528 : vector<1x16xf32> to vector<16xf32>
        %parallel_loop3A_530 = vector.shape_cast %parallel_loop3A_524 : vector<16xf32> to vector<1x16xf32>
        tpu.vector_store %arg11[%parallel_loop3A_526, %parallel_loop3A_527], %parallel_loop3A_530 {strides = array<i32>} : memref<8x256xf32, #tpu.memory_space<vmem>>, vector<1x16xf32>,
        %parallel_loop3A_531 = arith.constant 40 : i32
        %parallel_loop3A_532 = arith.index_cast %parallel_loop3A_531 : i32 to index
        %parallel_loop3A_533 = arith.index_cast %parallel_loop3A_140 : i32 to index
        %parallel_loop3A_534 = tpu.vector_load %arg8[%parallel_loop3A_532, %parallel_loop3A_533] {strides = array<i32>} : memref<160x256xf32, #tpu.memory_space<vmem>>, vector<1x16xf32>,
        %parallel_loop3A_535 = vector.shape_cast %parallel_loop3A_534 : vector<1x16xf32> to vector<16xf32>
        %parallel_loop3A_536 = arith.mulf %parallel_loop3A_535, %parallel_loop3A_145 : vector<16xf32>
        %parallel_loop3A_537 = arith.constant 41 : i32
        %parallel_loop3A_538 = arith.index_cast %parallel_loop3A_537 : i32 to index
        %parallel_loop3A_539 = arith.index_cast %parallel_loop3A_140 : i32 to index
        %parallel_loop3A_540 = tpu.vector_load %arg8[%parallel_loop3A_538, %parallel_loop3A_539] {strides = array<i32>} : memref<160x256xf32, #tpu.memory_space<vmem>>, vector<1x16xf32>,
        %parallel_loop3A_541 = vector.shape_cast %parallel_loop3A_540 : vector<1x16xf32> to vector<16xf32>
        %parallel_loop3A_542 = arith.mulf %parallel_loop3A_541, %parallel_loop3A_150 : vector<16xf32>
        %parallel_loop3A_543 = arith.addf %parallel_loop3A_536, %parallel_loop3A_542 : vector<16xf32>
        %parallel_loop3A_544 = arith.constant 42 : i32
        %parallel_loop3A_545 = arith.index_cast %parallel_loop3A_544 : i32 to index
        %parallel_loop3A_546 = arith.index_cast %parallel_loop3A_140 : i32 to index
        %parallel_loop3A_547 = tpu.vector_load %arg8[%parallel_loop3A_545, %parallel_loop3A_546] {strides = array<i32>} : memref<160x256xf32, #tpu.memory_space<vmem>>, vector<1x16xf32>,
        %parallel_loop3A_548 = vector.shape_cast %parallel_loop3A_547 : vector<1x16xf32> to vector<16xf32>
        %parallel_loop3A_549 = arith.mulf %parallel_loop3A_548, %parallel_loop3A_155 : vector<16xf32>
        %parallel_loop3A_550 = arith.addf %parallel_loop3A_543, %parallel_loop3A_549 : vector<16xf32>
        %parallel_loop3A_551 = arith.constant 43 : i32
        %parallel_loop3A_552 = arith.index_cast %parallel_loop3A_551 : i32 to index
        %parallel_loop3A_553 = arith.index_cast %parallel_loop3A_140 : i32 to index
        %parallel_loop3A_554 = tpu.vector_load %arg8[%parallel_loop3A_552, %parallel_loop3A_553] {strides = array<i32>} : memref<160x256xf32, #tpu.memory_space<vmem>>, vector<1x16xf32>,
        %parallel_loop3A_555 = vector.shape_cast %parallel_loop3A_554 : vector<1x16xf32> to vector<16xf32>
        %parallel_loop3A_556 = arith.mulf %parallel_loop3A_555, %parallel_loop3A_160 : vector<16xf32>
        %parallel_loop3A_557 = arith.addf %parallel_loop3A_550, %parallel_loop3A_556 : vector<16xf32>
        %parallel_loop3A_558 = arith.constant 44 : i32
        %parallel_loop3A_559 = arith.index_cast %parallel_loop3A_558 : i32 to index
        %parallel_loop3A_560 = arith.index_cast %parallel_loop3A_140 : i32 to index
        %parallel_loop3A_561 = tpu.vector_load %arg8[%parallel_loop3A_559, %parallel_loop3A_560] {strides = array<i32>} : memref<160x256xf32, #tpu.memory_space<vmem>>, vector<1x16xf32>,
        %parallel_loop3A_562 = vector.shape_cast %parallel_loop3A_561 : vector<1x16xf32> to vector<16xf32>
        %parallel_loop3A_563 = arith.mulf %parallel_loop3A_562, %parallel_loop3A_165 : vector<16xf32>
        %parallel_loop3A_564 = arith.addf %parallel_loop3A_557, %parallel_loop3A_563 : vector<16xf32>
        %parallel_loop3A_565 = arith.constant 45 : i32
        %parallel_loop3A_566 = arith.index_cast %parallel_loop3A_565 : i32 to index
        %parallel_loop3A_567 = arith.index_cast %parallel_loop3A_140 : i32 to index
        %parallel_loop3A_568 = tpu.vector_load %arg8[%parallel_loop3A_566, %parallel_loop3A_567] {strides = array<i32>} : memref<160x256xf32, #tpu.memory_space<vmem>>, vector<1x16xf32>,
        %parallel_loop3A_569 = vector.shape_cast %parallel_loop3A_568 : vector<1x16xf32> to vector<16xf32>
        %parallel_loop3A_570 = arith.mulf %parallel_loop3A_569, %parallel_loop3A_170 : vector<16xf32>
        %parallel_loop3A_571 = arith.addf %parallel_loop3A_564, %parallel_loop3A_570 : vector<16xf32>
        %parallel_loop3A_572 = arith.constant 46 : i32
        %parallel_loop3A_573 = arith.index_cast %parallel_loop3A_572 : i32 to index
        %parallel_loop3A_574 = arith.index_cast %parallel_loop3A_140 : i32 to index
        %parallel_loop3A_575 = tpu.vector_load %arg8[%parallel_loop3A_573, %parallel_loop3A_574] {strides = array<i32>} : memref<160x256xf32, #tpu.memory_space<vmem>>, vector<1x16xf32>,
        %parallel_loop3A_576 = vector.shape_cast %parallel_loop3A_575 : vector<1x16xf32> to vector<16xf32>
        %parallel_loop3A_577 = arith.mulf %parallel_loop3A_576, %parallel_loop3A_175 : vector<16xf32>
        %parallel_loop3A_578 = arith.addf %parallel_loop3A_571, %parallel_loop3A_577 : vector<16xf32>
        %parallel_loop3A_579 = arith.constant 47 : i32
        %parallel_loop3A_580 = arith.index_cast %parallel_loop3A_579 : i32 to index
        %parallel_loop3A_581 = arith.index_cast %parallel_loop3A_140 : i32 to index
        %parallel_loop3A_582 = tpu.vector_load %arg8[%parallel_loop3A_580, %parallel_loop3A_581] {strides = array<i32>} : memref<160x256xf32, #tpu.memory_space<vmem>>, vector<1x16xf32>,
        %parallel_loop3A_583 = vector.shape_cast %parallel_loop3A_582 : vector<1x16xf32> to vector<16xf32>
        %parallel_loop3A_584 = arith.mulf %parallel_loop3A_583, %parallel_loop3A_180 : vector<16xf32>
        %parallel_loop3A_585 = arith.addf %parallel_loop3A_578, %parallel_loop3A_584 : vector<16xf32>
        %parallel_loop3A_586 = arith.constant 48 : i32
        %parallel_loop3A_587 = arith.index_cast %parallel_loop3A_586 : i32 to index
        %parallel_loop3A_588 = arith.index_cast %parallel_loop3A_140 : i32 to index
        %parallel_loop3A_589 = tpu.vector_load %arg8[%parallel_loop3A_587, %parallel_loop3A_588] {strides = array<i32>} : memref<160x256xf32, #tpu.memory_space<vmem>>, vector<1x16xf32>,
        %parallel_loop3A_590 = vector.shape_cast %parallel_loop3A_589 : vector<1x16xf32> to vector<16xf32>
        %parallel_loop3A_591 = arith.mulf %parallel_loop3A_590, %parallel_loop3A_185 : vector<16xf32>
        %parallel_loop3A_592 = arith.addf %parallel_loop3A_585, %parallel_loop3A_591 : vector<16xf32>
        %parallel_loop3A_593 = arith.constant 49 : i32
        %parallel_loop3A_594 = arith.index_cast %parallel_loop3A_593 : i32 to index
        %parallel_loop3A_595 = arith.index_cast %parallel_loop3A_140 : i32 to index
        %parallel_loop3A_596 = tpu.vector_load %arg8[%parallel_loop3A_594, %parallel_loop3A_595] {strides = array<i32>} : memref<160x256xf32, #tpu.memory_space<vmem>>, vector<1x16xf32>,
        %parallel_loop3A_597 = vector.shape_cast %parallel_loop3A_596 : vector<1x16xf32> to vector<16xf32>
        %parallel_loop3A_598 = arith.mulf %parallel_loop3A_597, %parallel_loop3A_190 : vector<16xf32>
        %parallel_loop3A_599 = arith.addf %parallel_loop3A_592, %parallel_loop3A_598 : vector<16xf32>
        %parallel_loop3A_600 = arith.constant 50 : i32
        %parallel_loop3A_601 = arith.index_cast %parallel_loop3A_600 : i32 to index
        %parallel_loop3A_602 = arith.index_cast %parallel_loop3A_140 : i32 to index
        %parallel_loop3A_603 = tpu.vector_load %arg8[%parallel_loop3A_601, %parallel_loop3A_602] {strides = array<i32>} : memref<160x256xf32, #tpu.memory_space<vmem>>, vector<1x16xf32>,
        %parallel_loop3A_604 = vector.shape_cast %parallel_loop3A_603 : vector<1x16xf32> to vector<16xf32>
        %parallel_loop3A_605 = arith.mulf %parallel_loop3A_604, %parallel_loop3A_195 : vector<16xf32>
        %parallel_loop3A_606 = arith.addf %parallel_loop3A_599, %parallel_loop3A_605 : vector<16xf32>
        %parallel_loop3A_607 = arith.constant 51 : i32
        %parallel_loop3A_608 = arith.index_cast %parallel_loop3A_607 : i32 to index
        %parallel_loop3A_609 = arith.index_cast %parallel_loop3A_140 : i32 to index
        %parallel_loop3A_610 = tpu.vector_load %arg8[%parallel_loop3A_608, %parallel_loop3A_609] {strides = array<i32>} : memref<160x256xf32, #tpu.memory_space<vmem>>, vector<1x16xf32>,
        %parallel_loop3A_611 = vector.shape_cast %parallel_loop3A_610 : vector<1x16xf32> to vector<16xf32>
        %parallel_loop3A_612 = arith.mulf %parallel_loop3A_611, %parallel_loop3A_200 : vector<16xf32>
        %parallel_loop3A_613 = arith.addf %parallel_loop3A_606, %parallel_loop3A_612 : vector<16xf32>
        %parallel_loop3A_614 = arith.constant 52 : i32
        %parallel_loop3A_615 = arith.index_cast %parallel_loop3A_614 : i32 to index
        %parallel_loop3A_616 = arith.index_cast %parallel_loop3A_140 : i32 to index
        %parallel_loop3A_617 = tpu.vector_load %arg8[%parallel_loop3A_615, %parallel_loop3A_616] {strides = array<i32>} : memref<160x256xf32, #tpu.memory_space<vmem>>, vector<1x16xf32>,
        %parallel_loop3A_618 = vector.shape_cast %parallel_loop3A_617 : vector<1x16xf32> to vector<16xf32>
        %parallel_loop3A_619 = arith.mulf %parallel_loop3A_618, %parallel_loop3A_205 : vector<16xf32>
        %parallel_loop3A_620 = arith.addf %parallel_loop3A_613, %parallel_loop3A_619 : vector<16xf32>
        %parallel_loop3A_621 = arith.constant 53 : i32
        %parallel_loop3A_622 = arith.index_cast %parallel_loop3A_621 : i32 to index
        %parallel_loop3A_623 = arith.index_cast %parallel_loop3A_140 : i32 to index
        %parallel_loop3A_624 = tpu.vector_load %arg8[%parallel_loop3A_622, %parallel_loop3A_623] {strides = array<i32>} : memref<160x256xf32, #tpu.memory_space<vmem>>, vector<1x16xf32>,
        %parallel_loop3A_625 = vector.shape_cast %parallel_loop3A_624 : vector<1x16xf32> to vector<16xf32>
        %parallel_loop3A_626 = arith.mulf %parallel_loop3A_625, %parallel_loop3A_210 : vector<16xf32>
        %parallel_loop3A_627 = arith.addf %parallel_loop3A_620, %parallel_loop3A_626 : vector<16xf32>
        %parallel_loop3A_628 = arith.constant 54 : i32
        %parallel_loop3A_629 = arith.index_cast %parallel_loop3A_628 : i32 to index
        %parallel_loop3A_630 = arith.index_cast %parallel_loop3A_140 : i32 to index
        %parallel_loop3A_631 = tpu.vector_load %arg8[%parallel_loop3A_629, %parallel_loop3A_630] {strides = array<i32>} : memref<160x256xf32, #tpu.memory_space<vmem>>, vector<1x16xf32>,
        %parallel_loop3A_632 = vector.shape_cast %parallel_loop3A_631 : vector<1x16xf32> to vector<16xf32>
        %parallel_loop3A_633 = arith.mulf %parallel_loop3A_632, %parallel_loop3A_215 : vector<16xf32>
        %parallel_loop3A_634 = arith.addf %parallel_loop3A_627, %parallel_loop3A_633 : vector<16xf32>
        %parallel_loop3A_635 = arith.constant 55 : i32
        %parallel_loop3A_636 = arith.index_cast %parallel_loop3A_635 : i32 to index
        %parallel_loop3A_637 = arith.index_cast %parallel_loop3A_140 : i32 to index
        %parallel_loop3A_638 = tpu.vector_load %arg8[%parallel_loop3A_636, %parallel_loop3A_637] {strides = array<i32>} : memref<160x256xf32, #tpu.memory_space<vmem>>, vector<1x16xf32>,
        %parallel_loop3A_639 = vector.shape_cast %parallel_loop3A_638 : vector<1x16xf32> to vector<16xf32>
        %parallel_loop3A_640 = arith.mulf %parallel_loop3A_639, %parallel_loop3A_220 : vector<16xf32>
        %parallel_loop3A_641 = arith.addf %parallel_loop3A_634, %parallel_loop3A_640 : vector<16xf32>
        %parallel_loop3A_642 = arith.constant 56 : i32
        %parallel_loop3A_643 = arith.index_cast %parallel_loop3A_642 : i32 to index
        %parallel_loop3A_644 = arith.index_cast %parallel_loop3A_140 : i32 to index
        %parallel_loop3A_645 = tpu.vector_load %arg8[%parallel_loop3A_643, %parallel_loop3A_644] {strides = array<i32>} : memref<160x256xf32, #tpu.memory_space<vmem>>, vector<1x16xf32>,
        %parallel_loop3A_646 = vector.shape_cast %parallel_loop3A_645 : vector<1x16xf32> to vector<16xf32>
        %parallel_loop3A_647 = arith.mulf %parallel_loop3A_646, %parallel_loop3A_225 : vector<16xf32>
        %parallel_loop3A_648 = arith.addf %parallel_loop3A_641, %parallel_loop3A_647 : vector<16xf32>
        %parallel_loop3A_649 = arith.constant 57 : i32
        %parallel_loop3A_650 = arith.index_cast %parallel_loop3A_649 : i32 to index
        %parallel_loop3A_651 = arith.index_cast %parallel_loop3A_140 : i32 to index
        %parallel_loop3A_652 = tpu.vector_load %arg8[%parallel_loop3A_650, %parallel_loop3A_651] {strides = array<i32>} : memref<160x256xf32, #tpu.memory_space<vmem>>, vector<1x16xf32>,
        %parallel_loop3A_653 = vector.shape_cast %parallel_loop3A_652 : vector<1x16xf32> to vector<16xf32>
        %parallel_loop3A_654 = arith.mulf %parallel_loop3A_653, %parallel_loop3A_230 : vector<16xf32>
        %parallel_loop3A_655 = arith.addf %parallel_loop3A_648, %parallel_loop3A_654 : vector<16xf32>
        %parallel_loop3A_656 = arith.constant 58 : i32
        %parallel_loop3A_657 = arith.index_cast %parallel_loop3A_656 : i32 to index
        %parallel_loop3A_658 = arith.index_cast %parallel_loop3A_140 : i32 to index
        %parallel_loop3A_659 = tpu.vector_load %arg8[%parallel_loop3A_657, %parallel_loop3A_658] {strides = array<i32>} : memref<160x256xf32, #tpu.memory_space<vmem>>, vector<1x16xf32>,
        %parallel_loop3A_660 = vector.shape_cast %parallel_loop3A_659 : vector<1x16xf32> to vector<16xf32>
        %parallel_loop3A_661 = arith.mulf %parallel_loop3A_660, %parallel_loop3A_235 : vector<16xf32>
        %parallel_loop3A_662 = arith.addf %parallel_loop3A_655, %parallel_loop3A_661 : vector<16xf32>
        %parallel_loop3A_663 = arith.constant 59 : i32
        %parallel_loop3A_664 = arith.index_cast %parallel_loop3A_663 : i32 to index
        %parallel_loop3A_665 = arith.index_cast %parallel_loop3A_140 : i32 to index
        %parallel_loop3A_666 = tpu.vector_load %arg8[%parallel_loop3A_664, %parallel_loop3A_665] {strides = array<i32>} : memref<160x256xf32, #tpu.memory_space<vmem>>, vector<1x16xf32>,
        %parallel_loop3A_667 = vector.shape_cast %parallel_loop3A_666 : vector<1x16xf32> to vector<16xf32>
        %parallel_loop3A_668 = arith.mulf %parallel_loop3A_667, %parallel_loop3A_240 : vector<16xf32>
        %parallel_loop3A_669 = arith.addf %parallel_loop3A_662, %parallel_loop3A_668 : vector<16xf32>
        %parallel_loop3A_670 = arith.constant 2 : i32
        %parallel_loop3A_671 = arith.index_cast %parallel_loop3A_670 : i32 to index
        %parallel_loop3A_672 = arith.index_cast %parallel_loop3A_140 : i32 to index
        %parallel_loop3A_673 = tpu.vector_load %arg11[%parallel_loop3A_671, %parallel_loop3A_672] {strides = array<i32>} : memref<8x256xf32, #tpu.memory_space<vmem>>, vector<1x16xf32>,
        %parallel_loop3A_674 = vector.shape_cast %parallel_loop3A_673 : vector<1x16xf32> to vector<16xf32>
        %parallel_loop3A_675 = vector.shape_cast %parallel_loop3A_669 : vector<16xf32> to vector<1x16xf32>
        tpu.vector_store %arg11[%parallel_loop3A_671, %parallel_loop3A_672], %parallel_loop3A_675 {strides = array<i32>} : memref<8x256xf32, #tpu.memory_space<vmem>>, vector<1x16xf32>,
        %parallel_loop3A_676 = arith.constant 60 : i32
        %parallel_loop3A_677 = arith.index_cast %parallel_loop3A_676 : i32 to index
        %parallel_loop3A_678 = arith.index_cast %parallel_loop3A_140 : i32 to index
        %parallel_loop3A_679 = tpu.vector_load %arg8[%parallel_loop3A_677, %parallel_loop3A_678] {strides = array<i32>} : memref<160x256xf32, #tpu.memory_space<vmem>>, vector<1x16xf32>,
        %parallel_loop3A_680 = vector.shape_cast %parallel_loop3A_679 : vector<1x16xf32> to vector<16xf32>
        %parallel_loop3A_681 = arith.mulf %parallel_loop3A_680, %parallel_loop3A_145 : vector<16xf32>
        %parallel_loop3A_682 = arith.constant 61 : i32
        %parallel_loop3A_683 = arith.index_cast %parallel_loop3A_682 : i32 to index
        %parallel_loop3A_684 = arith.index_cast %parallel_loop3A_140 : i32 to index
        %parallel_loop3A_685 = tpu.vector_load %arg8[%parallel_loop3A_683, %parallel_loop3A_684] {strides = array<i32>} : memref<160x256xf32, #tpu.memory_space<vmem>>, vector<1x16xf32>,
        %parallel_loop3A_686 = vector.shape_cast %parallel_loop3A_685 : vector<1x16xf32> to vector<16xf32>
        %parallel_loop3A_687 = arith.mulf %parallel_loop3A_686, %parallel_loop3A_150 : vector<16xf32>
        %parallel_loop3A_688 = arith.addf %parallel_loop3A_681, %parallel_loop3A_687 : vector<16xf32>
        %parallel_loop3A_689 = arith.constant 62 : i32
        %parallel_loop3A_690 = arith.index_cast %parallel_loop3A_689 : i32 to index
        %parallel_loop3A_691 = arith.index_cast %parallel_loop3A_140 : i32 to index
        %parallel_loop3A_692 = tpu.vector_load %arg8[%parallel_loop3A_690, %parallel_loop3A_691] {strides = array<i32>} : memref<160x256xf32, #tpu.memory_space<vmem>>, vector<1x16xf32>,
        %parallel_loop3A_693 = vector.shape_cast %parallel_loop3A_692 : vector<1x16xf32> to vector<16xf32>
        %parallel_loop3A_694 = arith.mulf %parallel_loop3A_693, %parallel_loop3A_155 : vector<16xf32>
        %parallel_loop3A_695 = arith.addf %parallel_loop3A_688, %parallel_loop3A_694 : vector<16xf32>
        %parallel_loop3A_696 = arith.constant 63 : i32
        %parallel_loop3A_697 = arith.index_cast %parallel_loop3A_696 : i32 to index
        %parallel_loop3A_698 = arith.index_cast %parallel_loop3A_140 : i32 to index
        %parallel_loop3A_699 = tpu.vector_load %arg8[%parallel_loop3A_697, %parallel_loop3A_698] {strides = array<i32>} : memref<160x256xf32, #tpu.memory_space<vmem>>, vector<1x16xf32>,
        %parallel_loop3A_700 = vector.shape_cast %parallel_loop3A_699 : vector<1x16xf32> to vector<16xf32>
        %parallel_loop3A_701 = arith.mulf %parallel_loop3A_700, %parallel_loop3A_160 : vector<16xf32>
        %parallel_loop3A_702 = arith.addf %parallel_loop3A_695, %parallel_loop3A_701 : vector<16xf32>
        %parallel_loop3A_703 = arith.constant 64 : i32
        %parallel_loop3A_704 = arith.index_cast %parallel_loop3A_703 : i32 to index
        %parallel_loop3A_705 = arith.index_cast %parallel_loop3A_140 : i32 to index
        %parallel_loop3A_706 = tpu.vector_load %arg8[%parallel_loop3A_704, %parallel_loop3A_705] {strides = array<i32>} : memref<160x256xf32, #tpu.memory_space<vmem>>, vector<1x16xf32>,
        %parallel_loop3A_707 = vector.shape_cast %parallel_loop3A_706 : vector<1x16xf32> to vector<16xf32>
        %parallel_loop3A_708 = arith.mulf %parallel_loop3A_707, %parallel_loop3A_165 : vector<16xf32>
        %parallel_loop3A_709 = arith.addf %parallel_loop3A_702, %parallel_loop3A_708 : vector<16xf32>
        %parallel_loop3A_710 = arith.constant 65 : i32
        %parallel_loop3A_711 = arith.index_cast %parallel_loop3A_710 : i32 to index
        %parallel_loop3A_712 = arith.index_cast %parallel_loop3A_140 : i32 to index
        %parallel_loop3A_713 = tpu.vector_load %arg8[%parallel_loop3A_711, %parallel_loop3A_712] {strides = array<i32>} : memref<160x256xf32, #tpu.memory_space<vmem>>, vector<1x16xf32>,
        %parallel_loop3A_714 = vector.shape_cast %parallel_loop3A_713 : vector<1x16xf32> to vector<16xf32>
        %parallel_loop3A_715 = arith.mulf %parallel_loop3A_714, %parallel_loop3A_170 : vector<16xf32>
        %parallel_loop3A_716 = arith.addf %parallel_loop3A_709, %parallel_loop3A_715 : vector<16xf32>
        %parallel_loop3A_717 = arith.constant 66 : i32
        %parallel_loop3A_718 = arith.index_cast %parallel_loop3A_717 : i32 to index
        %parallel_loop3A_719 = arith.index_cast %parallel_loop3A_140 : i32 to index
        %parallel_loop3A_720 = tpu.vector_load %arg8[%parallel_loop3A_718, %parallel_loop3A_719] {strides = array<i32>} : memref<160x256xf32, #tpu.memory_space<vmem>>, vector<1x16xf32>,
        %parallel_loop3A_721 = vector.shape_cast %parallel_loop3A_720 : vector<1x16xf32> to vector<16xf32>
        %parallel_loop3A_722 = arith.mulf %parallel_loop3A_721, %parallel_loop3A_175 : vector<16xf32>
        %parallel_loop3A_723 = arith.addf %parallel_loop3A_716, %parallel_loop3A_722 : vector<16xf32>
        %parallel_loop3A_724 = arith.constant 67 : i32
        %parallel_loop3A_725 = arith.index_cast %parallel_loop3A_724 : i32 to index
        %parallel_loop3A_726 = arith.index_cast %parallel_loop3A_140 : i32 to index
        %parallel_loop3A_727 = tpu.vector_load %arg8[%parallel_loop3A_725, %parallel_loop3A_726] {strides = array<i32>} : memref<160x256xf32, #tpu.memory_space<vmem>>, vector<1x16xf32>,
        %parallel_loop3A_728 = vector.shape_cast %parallel_loop3A_727 : vector<1x16xf32> to vector<16xf32>
        %parallel_loop3A_729 = arith.mulf %parallel_loop3A_728, %parallel_loop3A_180 : vector<16xf32>
        %parallel_loop3A_730 = arith.addf %parallel_loop3A_723, %parallel_loop3A_729 : vector<16xf32>
        %parallel_loop3A_731 = arith.constant 68 : i32
        %parallel_loop3A_732 = arith.index_cast %parallel_loop3A_731 : i32 to index
        %parallel_loop3A_733 = arith.index_cast %parallel_loop3A_140 : i32 to index
        %parallel_loop3A_734 = tpu.vector_load %arg8[%parallel_loop3A_732, %parallel_loop3A_733] {strides = array<i32>} : memref<160x256xf32, #tpu.memory_space<vmem>>, vector<1x16xf32>,
        %parallel_loop3A_735 = vector.shape_cast %parallel_loop3A_734 : vector<1x16xf32> to vector<16xf32>
        %parallel_loop3A_736 = arith.mulf %parallel_loop3A_735, %parallel_loop3A_185 : vector<16xf32>
        %parallel_loop3A_737 = arith.addf %parallel_loop3A_730, %parallel_loop3A_736 : vector<16xf32>
        %parallel_loop3A_738 = arith.constant 69 : i32
        %parallel_loop3A_739 = arith.index_cast %parallel_loop3A_738 : i32 to index
        %parallel_loop3A_740 = arith.index_cast %parallel_loop3A_140 : i32 to index
        %parallel_loop3A_741 = tpu.vector_load %arg8[%parallel_loop3A_739, %parallel_loop3A_740] {strides = array<i32>} : memref<160x256xf32, #tpu.memory_space<vmem>>, vector<1x16xf32>,
        %parallel_loop3A_742 = vector.shape_cast %parallel_loop3A_741 : vector<1x16xf32> to vector<16xf32>
        %parallel_loop3A_743 = arith.mulf %parallel_loop3A_742, %parallel_loop3A_190 : vector<16xf32>
        %parallel_loop3A_744 = arith.addf %parallel_loop3A_737, %parallel_loop3A_743 : vector<16xf32>
        %parallel_loop3A_745 = arith.constant 70 : i32
        %parallel_loop3A_746 = arith.index_cast %parallel_loop3A_745 : i32 to index
        %parallel_loop3A_747 = arith.index_cast %parallel_loop3A_140 : i32 to index
        %parallel_loop3A_748 = tpu.vector_load %arg8[%parallel_loop3A_746, %parallel_loop3A_747] {strides = array<i32>} : memref<160x256xf32, #tpu.memory_space<vmem>>, vector<1x16xf32>,
        %parallel_loop3A_749 = vector.shape_cast %parallel_loop3A_748 : vector<1x16xf32> to vector<16xf32>
        %parallel_loop3A_750 = arith.mulf %parallel_loop3A_749, %parallel_loop3A_195 : vector<16xf32>
        %parallel_loop3A_751 = arith.addf %parallel_loop3A_744, %parallel_loop3A_750 : vector<16xf32>
        %parallel_loop3A_752 = arith.constant 71 : i32
        %parallel_loop3A_753 = arith.index_cast %parallel_loop3A_752 : i32 to index
        %parallel_loop3A_754 = arith.index_cast %parallel_loop3A_140 : i32 to index
        %parallel_loop3A_755 = tpu.vector_load %arg8[%parallel_loop3A_753, %parallel_loop3A_754] {strides = array<i32>} : memref<160x256xf32, #tpu.memory_space<vmem>>, vector<1x16xf32>,
        %parallel_loop3A_756 = vector.shape_cast %parallel_loop3A_755 : vector<1x16xf32> to vector<16xf32>
        %parallel_loop3A_757 = arith.mulf %parallel_loop3A_756, %parallel_loop3A_200 : vector<16xf32>
        %parallel_loop3A_758 = arith.addf %parallel_loop3A_751, %parallel_loop3A_757 : vector<16xf32>
        %parallel_loop3A_759 = arith.constant 72 : i32
        %parallel_loop3A_760 = arith.index_cast %parallel_loop3A_759 : i32 to index
        %parallel_loop3A_761 = arith.index_cast %parallel_loop3A_140 : i32 to index
        %parallel_loop3A_762 = tpu.vector_load %arg8[%parallel_loop3A_760, %parallel_loop3A_761] {strides = array<i32>} : memref<160x256xf32, #tpu.memory_space<vmem>>, vector<1x16xf32>,
        %parallel_loop3A_763 = vector.shape_cast %parallel_loop3A_762 : vector<1x16xf32> to vector<16xf32>
        %parallel_loop3A_764 = arith.mulf %parallel_loop3A_763, %parallel_loop3A_205 : vector<16xf32>
        %parallel_loop3A_765 = arith.addf %parallel_loop3A_758, %parallel_loop3A_764 : vector<16xf32>
        %parallel_loop3A_766 = arith.constant 73 : i32
        %parallel_loop3A_767 = arith.index_cast %parallel_loop3A_766 : i32 to index
        %parallel_loop3A_768 = arith.index_cast %parallel_loop3A_140 : i32 to index
        %parallel_loop3A_769 = tpu.vector_load %arg8[%parallel_loop3A_767, %parallel_loop3A_768] {strides = array<i32>} : memref<160x256xf32, #tpu.memory_space<vmem>>, vector<1x16xf32>,
        %parallel_loop3A_770 = vector.shape_cast %parallel_loop3A_769 : vector<1x16xf32> to vector<16xf32>
        %parallel_loop3A_771 = arith.mulf %parallel_loop3A_770, %parallel_loop3A_210 : vector<16xf32>
        %parallel_loop3A_772 = arith.addf %parallel_loop3A_765, %parallel_loop3A_771 : vector<16xf32>
        %parallel_loop3A_773 = arith.constant 74 : i32
        %parallel_loop3A_774 = arith.index_cast %parallel_loop3A_773 : i32 to index
        %parallel_loop3A_775 = arith.index_cast %parallel_loop3A_140 : i32 to index
        %parallel_loop3A_776 = tpu.vector_load %arg8[%parallel_loop3A_774, %parallel_loop3A_775] {strides = array<i32>} : memref<160x256xf32, #tpu.memory_space<vmem>>, vector<1x16xf32>,
        %parallel_loop3A_777 = vector.shape_cast %parallel_loop3A_776 : vector<1x16xf32> to vector<16xf32>
        %parallel_loop3A_778 = arith.mulf %parallel_loop3A_777, %parallel_loop3A_215 : vector<16xf32>
        %parallel_loop3A_779 = arith.addf %parallel_loop3A_772, %parallel_loop3A_778 : vector<16xf32>
        %parallel_loop3A_780 = arith.constant 75 : i32
        %parallel_loop3A_781 = arith.index_cast %parallel_loop3A_780 : i32 to index
        %parallel_loop3A_782 = arith.index_cast %parallel_loop3A_140 : i32 to index
        %parallel_loop3A_783 = tpu.vector_load %arg8[%parallel_loop3A_781, %parallel_loop3A_782] {strides = array<i32>} : memref<160x256xf32, #tpu.memory_space<vmem>>, vector<1x16xf32>,
        %parallel_loop3A_784 = vector.shape_cast %parallel_loop3A_783 : vector<1x16xf32> to vector<16xf32>
        %parallel_loop3A_785 = arith.mulf %parallel_loop3A_784, %parallel_loop3A_220 : vector<16xf32>
        %parallel_loop3A_786 = arith.addf %parallel_loop3A_779, %parallel_loop3A_785 : vector<16xf32>
        %parallel_loop3A_787 = arith.constant 76 : i32
        %parallel_loop3A_788 = arith.index_cast %parallel_loop3A_787 : i32 to index
        %parallel_loop3A_789 = arith.index_cast %parallel_loop3A_140 : i32 to index
        %parallel_loop3A_790 = tpu.vector_load %arg8[%parallel_loop3A_788, %parallel_loop3A_789] {strides = array<i32>} : memref<160x256xf32, #tpu.memory_space<vmem>>, vector<1x16xf32>,
        %parallel_loop3A_791 = vector.shape_cast %parallel_loop3A_790 : vector<1x16xf32> to vector<16xf32>
        %parallel_loop3A_792 = arith.mulf %parallel_loop3A_791, %parallel_loop3A_225 : vector<16xf32>
        %parallel_loop3A_793 = arith.addf %parallel_loop3A_786, %parallel_loop3A_792 : vector<16xf32>
        %parallel_loop3A_794 = arith.constant 77 : i32
        %parallel_loop3A_795 = arith.index_cast %parallel_loop3A_794 : i32 to index
        %parallel_loop3A_796 = arith.index_cast %parallel_loop3A_140 : i32 to index
        %parallel_loop3A_797 = tpu.vector_load %arg8[%parallel_loop3A_795, %parallel_loop3A_796] {strides = array<i32>} : memref<160x256xf32, #tpu.memory_space<vmem>>, vector<1x16xf32>,
        %parallel_loop3A_798 = vector.shape_cast %parallel_loop3A_797 : vector<1x16xf32> to vector<16xf32>
        %parallel_loop3A_799 = arith.mulf %parallel_loop3A_798, %parallel_loop3A_230 : vector<16xf32>
        %parallel_loop3A_800 = arith.addf %parallel_loop3A_793, %parallel_loop3A_799 : vector<16xf32>
        %parallel_loop3A_801 = arith.constant 78 : i32
        %parallel_loop3A_802 = arith.index_cast %parallel_loop3A_801 : i32 to index
        %parallel_loop3A_803 = arith.index_cast %parallel_loop3A_140 : i32 to index
        %parallel_loop3A_804 = tpu.vector_load %arg8[%parallel_loop3A_802, %parallel_loop3A_803] {strides = array<i32>} : memref<160x256xf32, #tpu.memory_space<vmem>>, vector<1x16xf32>,
        %parallel_loop3A_805 = vector.shape_cast %parallel_loop3A_804 : vector<1x16xf32> to vector<16xf32>
        %parallel_loop3A_806 = arith.mulf %parallel_loop3A_805, %parallel_loop3A_235 : vector<16xf32>
        %parallel_loop3A_807 = arith.addf %parallel_loop3A_800, %parallel_loop3A_806 : vector<16xf32>
        %parallel_loop3A_808 = arith.constant 79 : i32
        %parallel_loop3A_809 = arith.index_cast %parallel_loop3A_808 : i32 to index
        %parallel_loop3A_810 = arith.index_cast %parallel_loop3A_140 : i32 to index
        %parallel_loop3A_811 = tpu.vector_load %arg8[%parallel_loop3A_809, %parallel_loop3A_810] {strides = array<i32>} : memref<160x256xf32, #tpu.memory_space<vmem>>, vector<1x16xf32>,
        %parallel_loop3A_812 = vector.shape_cast %parallel_loop3A_811 : vector<1x16xf32> to vector<16xf32>
        %parallel_loop3A_813 = arith.mulf %parallel_loop3A_812, %parallel_loop3A_240 : vector<16xf32>
        %parallel_loop3A_814 = arith.addf %parallel_loop3A_807, %parallel_loop3A_813 : vector<16xf32>
        %parallel_loop3A_815 = arith.constant 3 : i32
        %parallel_loop3A_816 = arith.index_cast %parallel_loop3A_815 : i32 to index
        %parallel_loop3A_817 = arith.index_cast %parallel_loop3A_140 : i32 to index
        %parallel_loop3A_818 = tpu.vector_load %arg11[%parallel_loop3A_816, %parallel_loop3A_817] {strides = array<i32>} : memref<8x256xf32, #tpu.memory_space<vmem>>, vector<1x16xf32>,
        %parallel_loop3A_819 = vector.shape_cast %parallel_loop3A_818 : vector<1x16xf32> to vector<16xf32>
        %parallel_loop3A_820 = vector.shape_cast %parallel_loop3A_814 : vector<16xf32> to vector<1x16xf32>
        tpu.vector_store %arg11[%parallel_loop3A_816, %parallel_loop3A_817], %parallel_loop3A_820 {strides = array<i32>} : memref<8x256xf32, #tpu.memory_space<vmem>>, vector<1x16xf32>,
        %parallel_loop3A_821 = arith.constant 80 : i32
        %parallel_loop3A_822 = arith.index_cast %parallel_loop3A_821 : i32 to index
        %parallel_loop3A_823 = arith.index_cast %parallel_loop3A_140 : i32 to index
        %parallel_loop3A_824 = tpu.vector_load %arg8[%parallel_loop3A_822, %parallel_loop3A_823] {strides = array<i32>} : memref<160x256xf32, #tpu.memory_space<vmem>>, vector<1x16xf32>,
        %parallel_loop3A_825 = vector.shape_cast %parallel_loop3A_824 : vector<1x16xf32> to vector<16xf32>
        %parallel_loop3A_826 = arith.mulf %parallel_loop3A_825, %parallel_loop3A_145 : vector<16xf32>
        %parallel_loop3A_827 = arith.constant 81 : i32
        %parallel_loop3A_828 = arith.index_cast %parallel_loop3A_827 : i32 to index
        %parallel_loop3A_829 = arith.index_cast %parallel_loop3A_140 : i32 to index
        %parallel_loop3A_830 = tpu.vector_load %arg8[%parallel_loop3A_828, %parallel_loop3A_829] {strides = array<i32>} : memref<160x256xf32, #tpu.memory_space<vmem>>, vector<1x16xf32>,
        %parallel_loop3A_831 = vector.shape_cast %parallel_loop3A_830 : vector<1x16xf32> to vector<16xf32>
        %parallel_loop3A_832 = arith.mulf %parallel_loop3A_831, %parallel_loop3A_150 : vector<16xf32>
        %parallel_loop3A_833 = arith.addf %parallel_loop3A_826, %parallel_loop3A_832 : vector<16xf32>
        %parallel_loop3A_834 = arith.constant 82 : i32
        %parallel_loop3A_835 = arith.index_cast %parallel_loop3A_834 : i32 to index
        %parallel_loop3A_836 = arith.index_cast %parallel_loop3A_140 : i32 to index
        %parallel_loop3A_837 = tpu.vector_load %arg8[%parallel_loop3A_835, %parallel_loop3A_836] {strides = array<i32>} : memref<160x256xf32, #tpu.memory_space<vmem>>, vector<1x16xf32>,
        %parallel_loop3A_838 = vector.shape_cast %parallel_loop3A_837 : vector<1x16xf32> to vector<16xf32>
        %parallel_loop3A_839 = arith.mulf %parallel_loop3A_838, %parallel_loop3A_155 : vector<16xf32>
        %parallel_loop3A_840 = arith.addf %parallel_loop3A_833, %parallel_loop3A_839 : vector<16xf32>
        %parallel_loop3A_841 = arith.constant 83 : i32
        %parallel_loop3A_842 = arith.index_cast %parallel_loop3A_841 : i32 to index
        %parallel_loop3A_843 = arith.index_cast %parallel_loop3A_140 : i32 to index
        %parallel_loop3A_844 = tpu.vector_load %arg8[%parallel_loop3A_842, %parallel_loop3A_843] {strides = array<i32>} : memref<160x256xf32, #tpu.memory_space<vmem>>, vector<1x16xf32>,
        %parallel_loop3A_845 = vector.shape_cast %parallel_loop3A_844 : vector<1x16xf32> to vector<16xf32>
        %parallel_loop3A_846 = arith.mulf %parallel_loop3A_845, %parallel_loop3A_160 : vector<16xf32>
        %parallel_loop3A_847 = arith.addf %parallel_loop3A_840, %parallel_loop3A_846 : vector<16xf32>
        %parallel_loop3A_848 = arith.constant 84 : i32
        %parallel_loop3A_849 = arith.index_cast %parallel_loop3A_848 : i32 to index
        %parallel_loop3A_850 = arith.index_cast %parallel_loop3A_140 : i32 to index
        %parallel_loop3A_851 = tpu.vector_load %arg8[%parallel_loop3A_849, %parallel_loop3A_850] {strides = array<i32>} : memref<160x256xf32, #tpu.memory_space<vmem>>, vector<1x16xf32>,
        %parallel_loop3A_852 = vector.shape_cast %parallel_loop3A_851 : vector<1x16xf32> to vector<16xf32>
        %parallel_loop3A_853 = arith.mulf %parallel_loop3A_852, %parallel_loop3A_165 : vector<16xf32>
        %parallel_loop3A_854 = arith.addf %parallel_loop3A_847, %parallel_loop3A_853 : vector<16xf32>
        %parallel_loop3A_855 = arith.constant 85 : i32
        %parallel_loop3A_856 = arith.index_cast %parallel_loop3A_855 : i32 to index
        %parallel_loop3A_857 = arith.index_cast %parallel_loop3A_140 : i32 to index
        %parallel_loop3A_858 = tpu.vector_load %arg8[%parallel_loop3A_856, %parallel_loop3A_857] {strides = array<i32>} : memref<160x256xf32, #tpu.memory_space<vmem>>, vector<1x16xf32>,
        %parallel_loop3A_859 = vector.shape_cast %parallel_loop3A_858 : vector<1x16xf32> to vector<16xf32>
        %parallel_loop3A_860 = arith.mulf %parallel_loop3A_859, %parallel_loop3A_170 : vector<16xf32>
        %parallel_loop3A_861 = arith.addf %parallel_loop3A_854, %parallel_loop3A_860 : vector<16xf32>
        %parallel_loop3A_862 = arith.constant 86 : i32
        %parallel_loop3A_863 = arith.index_cast %parallel_loop3A_862 : i32 to index
        %parallel_loop3A_864 = arith.index_cast %parallel_loop3A_140 : i32 to index
        %parallel_loop3A_865 = tpu.vector_load %arg8[%parallel_loop3A_863, %parallel_loop3A_864] {strides = array<i32>} : memref<160x256xf32, #tpu.memory_space<vmem>>, vector<1x16xf32>,
        %parallel_loop3A_866 = vector.shape_cast %parallel_loop3A_865 : vector<1x16xf32> to vector<16xf32>
        %parallel_loop3A_867 = arith.mulf %parallel_loop3A_866, %parallel_loop3A_175 : vector<16xf32>
        %parallel_loop3A_868 = arith.addf %parallel_loop3A_861, %parallel_loop3A_867 : vector<16xf32>
        %parallel_loop3A_869 = arith.constant 87 : i32
        %parallel_loop3A_870 = arith.index_cast %parallel_loop3A_869 : i32 to index
        %parallel_loop3A_871 = arith.index_cast %parallel_loop3A_140 : i32 to index
        %parallel_loop3A_872 = tpu.vector_load %arg8[%parallel_loop3A_870, %parallel_loop3A_871] {strides = array<i32>} : memref<160x256xf32, #tpu.memory_space<vmem>>, vector<1x16xf32>,
        %parallel_loop3A_873 = vector.shape_cast %parallel_loop3A_872 : vector<1x16xf32> to vector<16xf32>
        %parallel_loop3A_874 = arith.mulf %parallel_loop3A_873, %parallel_loop3A_180 : vector<16xf32>
        %parallel_loop3A_875 = arith.addf %parallel_loop3A_868, %parallel_loop3A_874 : vector<16xf32>
        %parallel_loop3A_876 = arith.constant 88 : i32
        %parallel_loop3A_877 = arith.index_cast %parallel_loop3A_876 : i32 to index
        %parallel_loop3A_878 = arith.index_cast %parallel_loop3A_140 : i32 to index
        %parallel_loop3A_879 = tpu.vector_load %arg8[%parallel_loop3A_877, %parallel_loop3A_878] {strides = array<i32>} : memref<160x256xf32, #tpu.memory_space<vmem>>, vector<1x16xf32>,
        %parallel_loop3A_880 = vector.shape_cast %parallel_loop3A_879 : vector<1x16xf32> to vector<16xf32>
        %parallel_loop3A_881 = arith.mulf %parallel_loop3A_880, %parallel_loop3A_185 : vector<16xf32>
        %parallel_loop3A_882 = arith.addf %parallel_loop3A_875, %parallel_loop3A_881 : vector<16xf32>
        %parallel_loop3A_883 = arith.constant 89 : i32
        %parallel_loop3A_884 = arith.index_cast %parallel_loop3A_883 : i32 to index
        %parallel_loop3A_885 = arith.index_cast %parallel_loop3A_140 : i32 to index
        %parallel_loop3A_886 = tpu.vector_load %arg8[%parallel_loop3A_884, %parallel_loop3A_885] {strides = array<i32>} : memref<160x256xf32, #tpu.memory_space<vmem>>, vector<1x16xf32>,
        %parallel_loop3A_887 = vector.shape_cast %parallel_loop3A_886 : vector<1x16xf32> to vector<16xf32>
        %parallel_loop3A_888 = arith.mulf %parallel_loop3A_887, %parallel_loop3A_190 : vector<16xf32>
        %parallel_loop3A_889 = arith.addf %parallel_loop3A_882, %parallel_loop3A_888 : vector<16xf32>
        %parallel_loop3A_890 = arith.constant 90 : i32
        %parallel_loop3A_891 = arith.index_cast %parallel_loop3A_890 : i32 to index
        %parallel_loop3A_892 = arith.index_cast %parallel_loop3A_140 : i32 to index
        %parallel_loop3A_893 = tpu.vector_load %arg8[%parallel_loop3A_891, %parallel_loop3A_892] {strides = array<i32>} : memref<160x256xf32, #tpu.memory_space<vmem>>, vector<1x16xf32>,
        %parallel_loop3A_894 = vector.shape_cast %parallel_loop3A_893 : vector<1x16xf32> to vector<16xf32>
        %parallel_loop3A_895 = arith.mulf %parallel_loop3A_894, %parallel_loop3A_195 : vector<16xf32>
        %parallel_loop3A_896 = arith.addf %parallel_loop3A_889, %parallel_loop3A_895 : vector<16xf32>
        %parallel_loop3A_897 = arith.constant 91 : i32
        %parallel_loop3A_898 = arith.index_cast %parallel_loop3A_897 : i32 to index
        %parallel_loop3A_899 = arith.index_cast %parallel_loop3A_140 : i32 to index
        %parallel_loop3A_900 = tpu.vector_load %arg8[%parallel_loop3A_898, %parallel_loop3A_899] {strides = array<i32>} : memref<160x256xf32, #tpu.memory_space<vmem>>, vector<1x16xf32>,
        %parallel_loop3A_901 = vector.shape_cast %parallel_loop3A_900 : vector<1x16xf32> to vector<16xf32>
        %parallel_loop3A_902 = arith.mulf %parallel_loop3A_901, %parallel_loop3A_200 : vector<16xf32>
        %parallel_loop3A_903 = arith.addf %parallel_loop3A_896, %parallel_loop3A_902 : vector<16xf32>
        %parallel_loop3A_904 = arith.constant 92 : i32
        %parallel_loop3A_905 = arith.index_cast %parallel_loop3A_904 : i32 to index
        %parallel_loop3A_906 = arith.index_cast %parallel_loop3A_140 : i32 to index
        %parallel_loop3A_907 = tpu.vector_load %arg8[%parallel_loop3A_905, %parallel_loop3A_906] {strides = array<i32>} : memref<160x256xf32, #tpu.memory_space<vmem>>, vector<1x16xf32>,
        %parallel_loop3A_908 = vector.shape_cast %parallel_loop3A_907 : vector<1x16xf32> to vector<16xf32>
        %parallel_loop3A_909 = arith.mulf %parallel_loop3A_908, %parallel_loop3A_205 : vector<16xf32>
        %parallel_loop3A_910 = arith.addf %parallel_loop3A_903, %parallel_loop3A_909 : vector<16xf32>
        %parallel_loop3A_911 = arith.constant 93 : i32
        %parallel_loop3A_912 = arith.index_cast %parallel_loop3A_911 : i32 to index
        %parallel_loop3A_913 = arith.index_cast %parallel_loop3A_140 : i32 to index
        %parallel_loop3A_914 = tpu.vector_load %arg8[%parallel_loop3A_912, %parallel_loop3A_913] {strides = array<i32>} : memref<160x256xf32, #tpu.memory_space<vmem>>, vector<1x16xf32>,
        %parallel_loop3A_915 = vector.shape_cast %parallel_loop3A_914 : vector<1x16xf32> to vector<16xf32>
        %parallel_loop3A_916 = arith.mulf %parallel_loop3A_915, %parallel_loop3A_210 : vector<16xf32>
        %parallel_loop3A_917 = arith.addf %parallel_loop3A_910, %parallel_loop3A_916 : vector<16xf32>
        %parallel_loop3A_918 = arith.constant 94 : i32
        %parallel_loop3A_919 = arith.index_cast %parallel_loop3A_918 : i32 to index
        %parallel_loop3A_920 = arith.index_cast %parallel_loop3A_140 : i32 to index
        %parallel_loop3A_921 = tpu.vector_load %arg8[%parallel_loop3A_919, %parallel_loop3A_920] {strides = array<i32>} : memref<160x256xf32, #tpu.memory_space<vmem>>, vector<1x16xf32>,
        %parallel_loop3A_922 = vector.shape_cast %parallel_loop3A_921 : vector<1x16xf32> to vector<16xf32>
        %parallel_loop3A_923 = arith.mulf %parallel_loop3A_922, %parallel_loop3A_215 : vector<16xf32>
        %parallel_loop3A_924 = arith.addf %parallel_loop3A_917, %parallel_loop3A_923 : vector<16xf32>
        %parallel_loop3A_925 = arith.constant 95 : i32
        %parallel_loop3A_926 = arith.index_cast %parallel_loop3A_925 : i32 to index
        %parallel_loop3A_927 = arith.index_cast %parallel_loop3A_140 : i32 to index
        %parallel_loop3A_928 = tpu.vector_load %arg8[%parallel_loop3A_926, %parallel_loop3A_927] {strides = array<i32>} : memref<160x256xf32, #tpu.memory_space<vmem>>, vector<1x16xf32>,
        %parallel_loop3A_929 = vector.shape_cast %parallel_loop3A_928 : vector<1x16xf32> to vector<16xf32>
        %parallel_loop3A_930 = arith.mulf %parallel_loop3A_929, %parallel_loop3A_220 : vector<16xf32>
        %parallel_loop3A_931 = arith.addf %parallel_loop3A_924, %parallel_loop3A_930 : vector<16xf32>
        %parallel_loop3A_932 = arith.constant 96 : i32
        %parallel_loop3A_933 = arith.index_cast %parallel_loop3A_932 : i32 to index
        %parallel_loop3A_934 = arith.index_cast %parallel_loop3A_140 : i32 to index
        %parallel_loop3A_935 = tpu.vector_load %arg8[%parallel_loop3A_933, %parallel_loop3A_934] {strides = array<i32>} : memref<160x256xf32, #tpu.memory_space<vmem>>, vector<1x16xf32>,
        %parallel_loop3A_936 = vector.shape_cast %parallel_loop3A_935 : vector<1x16xf32> to vector<16xf32>
        %parallel_loop3A_937 = arith.mulf %parallel_loop3A_936, %parallel_loop3A_225 : vector<16xf32>
        %parallel_loop3A_938 = arith.addf %parallel_loop3A_931, %parallel_loop3A_937 : vector<16xf32>
        %parallel_loop3A_939 = arith.constant 97 : i32
        %parallel_loop3A_940 = arith.index_cast %parallel_loop3A_939 : i32 to index
        %parallel_loop3A_941 = arith.index_cast %parallel_loop3A_140 : i32 to index
        %parallel_loop3A_942 = tpu.vector_load %arg8[%parallel_loop3A_940, %parallel_loop3A_941] {strides = array<i32>} : memref<160x256xf32, #tpu.memory_space<vmem>>, vector<1x16xf32>,
        %parallel_loop3A_943 = vector.shape_cast %parallel_loop3A_942 : vector<1x16xf32> to vector<16xf32>
        %parallel_loop3A_944 = arith.mulf %parallel_loop3A_943, %parallel_loop3A_230 : vector<16xf32>
        %parallel_loop3A_945 = arith.addf %parallel_loop3A_938, %parallel_loop3A_944 : vector<16xf32>
        %parallel_loop3A_946 = arith.constant 98 : i32
        %parallel_loop3A_947 = arith.index_cast %parallel_loop3A_946 : i32 to index
        %parallel_loop3A_948 = arith.index_cast %parallel_loop3A_140 : i32 to index
        %parallel_loop3A_949 = tpu.vector_load %arg8[%parallel_loop3A_947, %parallel_loop3A_948] {strides = array<i32>} : memref<160x256xf32, #tpu.memory_space<vmem>>, vector<1x16xf32>,
        %parallel_loop3A_950 = vector.shape_cast %parallel_loop3A_949 : vector<1x16xf32> to vector<16xf32>
        %parallel_loop3A_951 = arith.mulf %parallel_loop3A_950, %parallel_loop3A_235 : vector<16xf32>
        %parallel_loop3A_952 = arith.addf %parallel_loop3A_945, %parallel_loop3A_951 : vector<16xf32>
        %parallel_loop3A_953 = arith.constant 99 : i32
        %parallel_loop3A_954 = arith.index_cast %parallel_loop3A_953 : i32 to index
        %parallel_loop3A_955 = arith.index_cast %parallel_loop3A_140 : i32 to index
        %parallel_loop3A_956 = tpu.vector_load %arg8[%parallel_loop3A_954, %parallel_loop3A_955] {strides = array<i32>} : memref<160x256xf32, #tpu.memory_space<vmem>>, vector<1x16xf32>,
        %parallel_loop3A_957 = vector.shape_cast %parallel_loop3A_956 : vector<1x16xf32> to vector<16xf32>
        %parallel_loop3A_958 = arith.mulf %parallel_loop3A_957, %parallel_loop3A_240 : vector<16xf32>
        %parallel_loop3A_959 = arith.addf %parallel_loop3A_952, %parallel_loop3A_958 : vector<16xf32>
        %parallel_loop3A_960 = arith.constant 4 : i32
        %parallel_loop3A_961 = arith.index_cast %parallel_loop3A_960 : i32 to index
        %parallel_loop3A_962 = arith.index_cast %parallel_loop3A_140 : i32 to index
        %parallel_loop3A_963 = tpu.vector_load %arg11[%parallel_loop3A_961, %parallel_loop3A_962] {strides = array<i32>} : memref<8x256xf32, #tpu.memory_space<vmem>>, vector<1x16xf32>,
        %parallel_loop3A_964 = vector.shape_cast %parallel_loop3A_963 : vector<1x16xf32> to vector<16xf32>
        %parallel_loop3A_965 = vector.shape_cast %parallel_loop3A_959 : vector<16xf32> to vector<1x16xf32>
        tpu.vector_store %arg11[%parallel_loop3A_961, %parallel_loop3A_962], %parallel_loop3A_965 {strides = array<i32>} : memref<8x256xf32, #tpu.memory_space<vmem>>, vector<1x16xf32>,
        %parallel_loop3A_966 = arith.constant 100 : i32
        %parallel_loop3A_967 = arith.index_cast %parallel_loop3A_966 : i32 to index
        %parallel_loop3A_968 = arith.index_cast %parallel_loop3A_140 : i32 to index
        %parallel_loop3A_969 = tpu.vector_load %arg8[%parallel_loop3A_967, %parallel_loop3A_968] {strides = array<i32>} : memref<160x256xf32, #tpu.memory_space<vmem>>, vector<1x16xf32>,
        %parallel_loop3A_970 = vector.shape_cast %parallel_loop3A_969 : vector<1x16xf32> to vector<16xf32>
        %parallel_loop3A_971 = arith.mulf %parallel_loop3A_970, %parallel_loop3A_145 : vector<16xf32>
        %parallel_loop3A_972 = arith.constant 101 : i32
        %parallel_loop3A_973 = arith.index_cast %parallel_loop3A_972 : i32 to index
        %parallel_loop3A_974 = arith.index_cast %parallel_loop3A_140 : i32 to index
        %parallel_loop3A_975 = tpu.vector_load %arg8[%parallel_loop3A_973, %parallel_loop3A_974] {strides = array<i32>} : memref<160x256xf32, #tpu.memory_space<vmem>>, vector<1x16xf32>,
        %parallel_loop3A_976 = vector.shape_cast %parallel_loop3A_975 : vector<1x16xf32> to vector<16xf32>
        %parallel_loop3A_977 = arith.mulf %parallel_loop3A_976, %parallel_loop3A_150 : vector<16xf32>
        %parallel_loop3A_978 = arith.addf %parallel_loop3A_971, %parallel_loop3A_977 : vector<16xf32>
        %parallel_loop3A_979 = arith.constant 102 : i32
        %parallel_loop3A_980 = arith.index_cast %parallel_loop3A_979 : i32 to index
        %parallel_loop3A_981 = arith.index_cast %parallel_loop3A_140 : i32 to index
        %parallel_loop3A_982 = tpu.vector_load %arg8[%parallel_loop3A_980, %parallel_loop3A_981] {strides = array<i32>} : memref<160x256xf32, #tpu.memory_space<vmem>>, vector<1x16xf32>,
        %parallel_loop3A_983 = vector.shape_cast %parallel_loop3A_982 : vector<1x16xf32> to vector<16xf32>
        %parallel_loop3A_984 = arith.mulf %parallel_loop3A_983, %parallel_loop3A_155 : vector<16xf32>
        %parallel_loop3A_985 = arith.addf %parallel_loop3A_978, %parallel_loop3A_984 : vector<16xf32>
        %parallel_loop3A_986 = arith.constant 103 : i32
        %parallel_loop3A_987 = arith.index_cast %parallel_loop3A_986 : i32 to index
        %parallel_loop3A_988 = arith.index_cast %parallel_loop3A_140 : i32 to index
        %parallel_loop3A_989 = tpu.vector_load %arg8[%parallel_loop3A_987, %parallel_loop3A_988] {strides = array<i32>} : memref<160x256xf32, #tpu.memory_space<vmem>>, vector<1x16xf32>,
        %parallel_loop3A_990 = vector.shape_cast %parallel_loop3A_989 : vector<1x16xf32> to vector<16xf32>
        %parallel_loop3A_991 = arith.mulf %parallel_loop3A_990, %parallel_loop3A_160 : vector<16xf32>
        %parallel_loop3A_992 = arith.addf %parallel_loop3A_985, %parallel_loop3A_991 : vector<16xf32>
        %parallel_loop3A_993 = arith.constant 104 : i32
        %parallel_loop3A_994 = arith.index_cast %parallel_loop3A_993 : i32 to index
        %parallel_loop3A_995 = arith.index_cast %parallel_loop3A_140 : i32 to index
        %parallel_loop3A_996 = tpu.vector_load %arg8[%parallel_loop3A_994, %parallel_loop3A_995] {strides = array<i32>} : memref<160x256xf32, #tpu.memory_space<vmem>>, vector<1x16xf32>,
        %parallel_loop3A_997 = vector.shape_cast %parallel_loop3A_996 : vector<1x16xf32> to vector<16xf32>
        %parallel_loop3A_998 = arith.mulf %parallel_loop3A_997, %parallel_loop3A_165 : vector<16xf32>
        %parallel_loop3A_999 = arith.addf %parallel_loop3A_992, %parallel_loop3A_998 : vector<16xf32>
        %parallel_loop3A_1000 = arith.constant 105 : i32
        %parallel_loop3A_1001 = arith.index_cast %parallel_loop3A_1000 : i32 to index
        %parallel_loop3A_1002 = arith.index_cast %parallel_loop3A_140 : i32 to index
        %parallel_loop3A_1003 = tpu.vector_load %arg8[%parallel_loop3A_1001, %parallel_loop3A_1002] {strides = array<i32>} : memref<160x256xf32, #tpu.memory_space<vmem>>, vector<1x16xf32>,
        %parallel_loop3A_1004 = vector.shape_cast %parallel_loop3A_1003 : vector<1x16xf32> to vector<16xf32>
        %parallel_loop3A_1005 = arith.mulf %parallel_loop3A_1004, %parallel_loop3A_170 : vector<16xf32>
        %parallel_loop3A_1006 = arith.addf %parallel_loop3A_999, %parallel_loop3A_1005 : vector<16xf32>
        %parallel_loop3A_1007 = arith.constant 106 : i32
        %parallel_loop3A_1008 = arith.index_cast %parallel_loop3A_1007 : i32 to index
        %parallel_loop3A_1009 = arith.index_cast %parallel_loop3A_140 : i32 to index
        %parallel_loop3A_1010 = tpu.vector_load %arg8[%parallel_loop3A_1008, %parallel_loop3A_1009] {strides = array<i32>} : memref<160x256xf32, #tpu.memory_space<vmem>>, vector<1x16xf32>,
        %parallel_loop3A_1011 = vector.shape_cast %parallel_loop3A_1010 : vector<1x16xf32> to vector<16xf32>
        %parallel_loop3A_1012 = arith.mulf %parallel_loop3A_1011, %parallel_loop3A_175 : vector<16xf32>
        %parallel_loop3A_1013 = arith.addf %parallel_loop3A_1006, %parallel_loop3A_1012 : vector<16xf32>
        %parallel_loop3A_1014 = arith.constant 107 : i32
        %parallel_loop3A_1015 = arith.index_cast %parallel_loop3A_1014 : i32 to index
        %parallel_loop3A_1016 = arith.index_cast %parallel_loop3A_140 : i32 to index
        %parallel_loop3A_1017 = tpu.vector_load %arg8[%parallel_loop3A_1015, %parallel_loop3A_1016] {strides = array<i32>} : memref<160x256xf32, #tpu.memory_space<vmem>>, vector<1x16xf32>,
        %parallel_loop3A_1018 = vector.shape_cast %parallel_loop3A_1017 : vector<1x16xf32> to vector<16xf32>
        %parallel_loop3A_1019 = arith.mulf %parallel_loop3A_1018, %parallel_loop3A_180 : vector<16xf32>
        %parallel_loop3A_1020 = arith.addf %parallel_loop3A_1013, %parallel_loop3A_1019 : vector<16xf32>
        %parallel_loop3A_1021 = arith.constant 108 : i32
        %parallel_loop3A_1022 = arith.index_cast %parallel_loop3A_1021 : i32 to index
        %parallel_loop3A_1023 = arith.index_cast %parallel_loop3A_140 : i32 to index
        %parallel_loop3A_1024 = tpu.vector_load %arg8[%parallel_loop3A_1022, %parallel_loop3A_1023] {strides = array<i32>} : memref<160x256xf32, #tpu.memory_space<vmem>>, vector<1x16xf32>,
        %parallel_loop3A_1025 = vector.shape_cast %parallel_loop3A_1024 : vector<1x16xf32> to vector<16xf32>
        %parallel_loop3A_1026 = arith.mulf %parallel_loop3A_1025, %parallel_loop3A_185 : vector<16xf32>
        %parallel_loop3A_1027 = arith.addf %parallel_loop3A_1020, %parallel_loop3A_1026 : vector<16xf32>
        %parallel_loop3A_1028 = arith.constant 109 : i32
        %parallel_loop3A_1029 = arith.index_cast %parallel_loop3A_1028 : i32 to index
        %parallel_loop3A_1030 = arith.index_cast %parallel_loop3A_140 : i32 to index
        %parallel_loop3A_1031 = tpu.vector_load %arg8[%parallel_loop3A_1029, %parallel_loop3A_1030] {strides = array<i32>} : memref<160x256xf32, #tpu.memory_space<vmem>>, vector<1x16xf32>,
        %parallel_loop3A_1032 = vector.shape_cast %parallel_loop3A_1031 : vector<1x16xf32> to vector<16xf32>
        %parallel_loop3A_1033 = arith.mulf %parallel_loop3A_1032, %parallel_loop3A_190 : vector<16xf32>
        %parallel_loop3A_1034 = arith.addf %parallel_loop3A_1027, %parallel_loop3A_1033 : vector<16xf32>
        %parallel_loop3A_1035 = arith.constant 110 : i32
        %parallel_loop3A_1036 = arith.index_cast %parallel_loop3A_1035 : i32 to index
        %parallel_loop3A_1037 = arith.index_cast %parallel_loop3A_140 : i32 to index
        %parallel_loop3A_1038 = tpu.vector_load %arg8[%parallel_loop3A_1036, %parallel_loop3A_1037] {strides = array<i32>} : memref<160x256xf32, #tpu.memory_space<vmem>>, vector<1x16xf32>,
        %parallel_loop3A_1039 = vector.shape_cast %parallel_loop3A_1038 : vector<1x16xf32> to vector<16xf32>
        %parallel_loop3A_1040 = arith.mulf %parallel_loop3A_1039, %parallel_loop3A_195 : vector<16xf32>
        %parallel_loop3A_1041 = arith.addf %parallel_loop3A_1034, %parallel_loop3A_1040 : vector<16xf32>
        %parallel_loop3A_1042 = arith.constant 111 : i32
        %parallel_loop3A_1043 = arith.index_cast %parallel_loop3A_1042 : i32 to index
        %parallel_loop3A_1044 = arith.index_cast %parallel_loop3A_140 : i32 to index
        %parallel_loop3A_1045 = tpu.vector_load %arg8[%parallel_loop3A_1043, %parallel_loop3A_1044] {strides = array<i32>} : memref<160x256xf32, #tpu.memory_space<vmem>>, vector<1x16xf32>,
        %parallel_loop3A_1046 = vector.shape_cast %parallel_loop3A_1045 : vector<1x16xf32> to vector<16xf32>
        %parallel_loop3A_1047 = arith.mulf %parallel_loop3A_1046, %parallel_loop3A_200 : vector<16xf32>
        %parallel_loop3A_1048 = arith.addf %parallel_loop3A_1041, %parallel_loop3A_1047 : vector<16xf32>
        %parallel_loop3A_1049 = arith.constant 112 : i32
        %parallel_loop3A_1050 = arith.index_cast %parallel_loop3A_1049 : i32 to index
        %parallel_loop3A_1051 = arith.index_cast %parallel_loop3A_140 : i32 to index
        %parallel_loop3A_1052 = tpu.vector_load %arg8[%parallel_loop3A_1050, %parallel_loop3A_1051] {strides = array<i32>} : memref<160x256xf32, #tpu.memory_space<vmem>>, vector<1x16xf32>,
        %parallel_loop3A_1053 = vector.shape_cast %parallel_loop3A_1052 : vector<1x16xf32> to vector<16xf32>
        %parallel_loop3A_1054 = arith.mulf %parallel_loop3A_1053, %parallel_loop3A_205 : vector<16xf32>
        %parallel_loop3A_1055 = arith.addf %parallel_loop3A_1048, %parallel_loop3A_1054 : vector<16xf32>
        %parallel_loop3A_1056 = arith.constant 113 : i32
        %parallel_loop3A_1057 = arith.index_cast %parallel_loop3A_1056 : i32 to index
        %parallel_loop3A_1058 = arith.index_cast %parallel_loop3A_140 : i32 to index
        %parallel_loop3A_1059 = tpu.vector_load %arg8[%parallel_loop3A_1057, %parallel_loop3A_1058] {strides = array<i32>} : memref<160x256xf32, #tpu.memory_space<vmem>>, vector<1x16xf32>,
        %parallel_loop3A_1060 = vector.shape_cast %parallel_loop3A_1059 : vector<1x16xf32> to vector<16xf32>
        %parallel_loop3A_1061 = arith.mulf %parallel_loop3A_1060, %parallel_loop3A_210 : vector<16xf32>
        %parallel_loop3A_1062 = arith.addf %parallel_loop3A_1055, %parallel_loop3A_1061 : vector<16xf32>
        %parallel_loop3A_1063 = arith.constant 114 : i32
        %parallel_loop3A_1064 = arith.index_cast %parallel_loop3A_1063 : i32 to index
        %parallel_loop3A_1065 = arith.index_cast %parallel_loop3A_140 : i32 to index
        %parallel_loop3A_1066 = tpu.vector_load %arg8[%parallel_loop3A_1064, %parallel_loop3A_1065] {strides = array<i32>} : memref<160x256xf32, #tpu.memory_space<vmem>>, vector<1x16xf32>,
        %parallel_loop3A_1067 = vector.shape_cast %parallel_loop3A_1066 : vector<1x16xf32> to vector<16xf32>
        %parallel_loop3A_1068 = arith.mulf %parallel_loop3A_1067, %parallel_loop3A_215 : vector<16xf32>
        %parallel_loop3A_1069 = arith.addf %parallel_loop3A_1062, %parallel_loop3A_1068 : vector<16xf32>
        %parallel_loop3A_1070 = arith.constant 115 : i32
        %parallel_loop3A_1071 = arith.index_cast %parallel_loop3A_1070 : i32 to index
        %parallel_loop3A_1072 = arith.index_cast %parallel_loop3A_140 : i32 to index
        %parallel_loop3A_1073 = tpu.vector_load %arg8[%parallel_loop3A_1071, %parallel_loop3A_1072] {strides = array<i32>} : memref<160x256xf32, #tpu.memory_space<vmem>>, vector<1x16xf32>,
        %parallel_loop3A_1074 = vector.shape_cast %parallel_loop3A_1073 : vector<1x16xf32> to vector<16xf32>
        %parallel_loop3A_1075 = arith.mulf %parallel_loop3A_1074, %parallel_loop3A_220 : vector<16xf32>
        %parallel_loop3A_1076 = arith.addf %parallel_loop3A_1069, %parallel_loop3A_1075 : vector<16xf32>
        %parallel_loop3A_1077 = arith.constant 116 : i32
        %parallel_loop3A_1078 = arith.index_cast %parallel_loop3A_1077 : i32 to index
        %parallel_loop3A_1079 = arith.index_cast %parallel_loop3A_140 : i32 to index
        %parallel_loop3A_1080 = tpu.vector_load %arg8[%parallel_loop3A_1078, %parallel_loop3A_1079] {strides = array<i32>} : memref<160x256xf32, #tpu.memory_space<vmem>>, vector<1x16xf32>,
        %parallel_loop3A_1081 = vector.shape_cast %parallel_loop3A_1080 : vector<1x16xf32> to vector<16xf32>
        %parallel_loop3A_1082 = arith.mulf %parallel_loop3A_1081, %parallel_loop3A_225 : vector<16xf32>
        %parallel_loop3A_1083 = arith.addf %parallel_loop3A_1076, %parallel_loop3A_1082 : vector<16xf32>
        %parallel_loop3A_1084 = arith.constant 117 : i32
        %parallel_loop3A_1085 = arith.index_cast %parallel_loop3A_1084 : i32 to index
        %parallel_loop3A_1086 = arith.index_cast %parallel_loop3A_140 : i32 to index
        %parallel_loop3A_1087 = tpu.vector_load %arg8[%parallel_loop3A_1085, %parallel_loop3A_1086] {strides = array<i32>} : memref<160x256xf32, #tpu.memory_space<vmem>>, vector<1x16xf32>,
        %parallel_loop3A_1088 = vector.shape_cast %parallel_loop3A_1087 : vector<1x16xf32> to vector<16xf32>
        %parallel_loop3A_1089 = arith.mulf %parallel_loop3A_1088, %parallel_loop3A_230 : vector<16xf32>
        %parallel_loop3A_1090 = arith.addf %parallel_loop3A_1083, %parallel_loop3A_1089 : vector<16xf32>
        %parallel_loop3A_1091 = arith.constant 118 : i32
        %parallel_loop3A_1092 = arith.index_cast %parallel_loop3A_1091 : i32 to index
        %parallel_loop3A_1093 = arith.index_cast %parallel_loop3A_140 : i32 to index
        %parallel_loop3A_1094 = tpu.vector_load %arg8[%parallel_loop3A_1092, %parallel_loop3A_1093] {strides = array<i32>} : memref<160x256xf32, #tpu.memory_space<vmem>>, vector<1x16xf32>,
        %parallel_loop3A_1095 = vector.shape_cast %parallel_loop3A_1094 : vector<1x16xf32> to vector<16xf32>
        %parallel_loop3A_1096 = arith.mulf %parallel_loop3A_1095, %parallel_loop3A_235 : vector<16xf32>
        %parallel_loop3A_1097 = arith.addf %parallel_loop3A_1090, %parallel_loop3A_1096 : vector<16xf32>
        %parallel_loop3A_1098 = arith.constant 119 : i32
        %parallel_loop3A_1099 = arith.index_cast %parallel_loop3A_1098 : i32 to index
        %parallel_loop3A_1100 = arith.index_cast %parallel_loop3A_140 : i32 to index
        %parallel_loop3A_1101 = tpu.vector_load %arg8[%parallel_loop3A_1099, %parallel_loop3A_1100] {strides = array<i32>} : memref<160x256xf32, #tpu.memory_space<vmem>>, vector<1x16xf32>,
        %parallel_loop3A_1102 = vector.shape_cast %parallel_loop3A_1101 : vector<1x16xf32> to vector<16xf32>
        %parallel_loop3A_1103 = arith.mulf %parallel_loop3A_1102, %parallel_loop3A_240 : vector<16xf32>
        %parallel_loop3A_1104 = arith.addf %parallel_loop3A_1097, %parallel_loop3A_1103 : vector<16xf32>
        %parallel_loop3A_1105 = arith.constant 5 : i32
        %parallel_loop3A_1106 = arith.index_cast %parallel_loop3A_1105 : i32 to index
        %parallel_loop3A_1107 = arith.index_cast %parallel_loop3A_140 : i32 to index
        %parallel_loop3A_1108 = tpu.vector_load %arg11[%parallel_loop3A_1106, %parallel_loop3A_1107] {strides = array<i32>} : memref<8x256xf32, #tpu.memory_space<vmem>>, vector<1x16xf32>,
        %parallel_loop3A_1109 = vector.shape_cast %parallel_loop3A_1108 : vector<1x16xf32> to vector<16xf32>
        %parallel_loop3A_1110 = vector.shape_cast %parallel_loop3A_1104 : vector<16xf32> to vector<1x16xf32>
        tpu.vector_store %arg11[%parallel_loop3A_1106, %parallel_loop3A_1107], %parallel_loop3A_1110 {strides = array<i32>} : memref<8x256xf32, #tpu.memory_space<vmem>>, vector<1x16xf32>,
        %parallel_loop3A_1111 = arith.constant 120 : i32
        %parallel_loop3A_1112 = arith.index_cast %parallel_loop3A_1111 : i32 to index
        %parallel_loop3A_1113 = arith.index_cast %parallel_loop3A_140 : i32 to index
        %parallel_loop3A_1114 = tpu.vector_load %arg8[%parallel_loop3A_1112, %parallel_loop3A_1113] {strides = array<i32>} : memref<160x256xf32, #tpu.memory_space<vmem>>, vector<1x16xf32>,
        %parallel_loop3A_1115 = vector.shape_cast %parallel_loop3A_1114 : vector<1x16xf32> to vector<16xf32>
        %parallel_loop3A_1116 = arith.mulf %parallel_loop3A_1115, %parallel_loop3A_145 : vector<16xf32>
        %parallel_loop3A_1117 = arith.constant 121 : i32
        %parallel_loop3A_1118 = arith.index_cast %parallel_loop3A_1117 : i32 to index
        %parallel_loop3A_1119 = arith.index_cast %parallel_loop3A_140 : i32 to index
        %parallel_loop3A_1120 = tpu.vector_load %arg8[%parallel_loop3A_1118, %parallel_loop3A_1119] {strides = array<i32>} : memref<160x256xf32, #tpu.memory_space<vmem>>, vector<1x16xf32>,
        %parallel_loop3A_1121 = vector.shape_cast %parallel_loop3A_1120 : vector<1x16xf32> to vector<16xf32>
        %parallel_loop3A_1122 = arith.mulf %parallel_loop3A_1121, %parallel_loop3A_150 : vector<16xf32>
        %parallel_loop3A_1123 = arith.addf %parallel_loop3A_1116, %parallel_loop3A_1122 : vector<16xf32>
        %parallel_loop3A_1124 = arith.constant 122 : i32
        %parallel_loop3A_1125 = arith.index_cast %parallel_loop3A_1124 : i32 to index
        %parallel_loop3A_1126 = arith.index_cast %parallel_loop3A_140 : i32 to index
        %parallel_loop3A_1127 = tpu.vector_load %arg8[%parallel_loop3A_1125, %parallel_loop3A_1126] {strides = array<i32>} : memref<160x256xf32, #tpu.memory_space<vmem>>, vector<1x16xf32>,
        %parallel_loop3A_1128 = vector.shape_cast %parallel_loop3A_1127 : vector<1x16xf32> to vector<16xf32>
        %parallel_loop3A_1129 = arith.mulf %parallel_loop3A_1128, %parallel_loop3A_155 : vector<16xf32>
        %parallel_loop3A_1130 = arith.addf %parallel_loop3A_1123, %parallel_loop3A_1129 : vector<16xf32>
        %parallel_loop3A_1131 = arith.constant 123 : i32
        %parallel_loop3A_1132 = arith.index_cast %parallel_loop3A_1131 : i32 to index
        %parallel_loop3A_1133 = arith.index_cast %parallel_loop3A_140 : i32 to index
        %parallel_loop3A_1134 = tpu.vector_load %arg8[%parallel_loop3A_1132, %parallel_loop3A_1133] {strides = array<i32>} : memref<160x256xf32, #tpu.memory_space<vmem>>, vector<1x16xf32>,
        %parallel_loop3A_1135 = vector.shape_cast %parallel_loop3A_1134 : vector<1x16xf32> to vector<16xf32>
        %parallel_loop3A_1136 = arith.mulf %parallel_loop3A_1135, %parallel_loop3A_160 : vector<16xf32>
        %parallel_loop3A_1137 = arith.addf %parallel_loop3A_1130, %parallel_loop3A_1136 : vector<16xf32>
        %parallel_loop3A_1138 = arith.constant 124 : i32
        %parallel_loop3A_1139 = arith.index_cast %parallel_loop3A_1138 : i32 to index
        %parallel_loop3A_1140 = arith.index_cast %parallel_loop3A_140 : i32 to index
        %parallel_loop3A_1141 = tpu.vector_load %arg8[%parallel_loop3A_1139, %parallel_loop3A_1140] {strides = array<i32>} : memref<160x256xf32, #tpu.memory_space<vmem>>, vector<1x16xf32>,
        %parallel_loop3A_1142 = vector.shape_cast %parallel_loop3A_1141 : vector<1x16xf32> to vector<16xf32>
        %parallel_loop3A_1143 = arith.mulf %parallel_loop3A_1142, %parallel_loop3A_165 : vector<16xf32>
        %parallel_loop3A_1144 = arith.addf %parallel_loop3A_1137, %parallel_loop3A_1143 : vector<16xf32>
        %parallel_loop3A_1145 = arith.constant 125 : i32
        %parallel_loop3A_1146 = arith.index_cast %parallel_loop3A_1145 : i32 to index
        %parallel_loop3A_1147 = arith.index_cast %parallel_loop3A_140 : i32 to index
        %parallel_loop3A_1148 = tpu.vector_load %arg8[%parallel_loop3A_1146, %parallel_loop3A_1147] {strides = array<i32>} : memref<160x256xf32, #tpu.memory_space<vmem>>, vector<1x16xf32>,
        %parallel_loop3A_1149 = vector.shape_cast %parallel_loop3A_1148 : vector<1x16xf32> to vector<16xf32>
        %parallel_loop3A_1150 = arith.mulf %parallel_loop3A_1149, %parallel_loop3A_170 : vector<16xf32>
        %parallel_loop3A_1151 = arith.addf %parallel_loop3A_1144, %parallel_loop3A_1150 : vector<16xf32>
        %parallel_loop3A_1152 = arith.constant 126 : i32
        %parallel_loop3A_1153 = arith.index_cast %parallel_loop3A_1152 : i32 to index
        %parallel_loop3A_1154 = arith.index_cast %parallel_loop3A_140 : i32 to index
        %parallel_loop3A_1155 = tpu.vector_load %arg8[%parallel_loop3A_1153, %parallel_loop3A_1154] {strides = array<i32>} : memref<160x256xf32, #tpu.memory_space<vmem>>, vector<1x16xf32>,
        %parallel_loop3A_1156 = vector.shape_cast %parallel_loop3A_1155 : vector<1x16xf32> to vector<16xf32>
        %parallel_loop3A_1157 = arith.mulf %parallel_loop3A_1156, %parallel_loop3A_175 : vector<16xf32>
        %parallel_loop3A_1158 = arith.addf %parallel_loop3A_1151, %parallel_loop3A_1157 : vector<16xf32>
        %parallel_loop3A_1159 = arith.constant 127 : i32
        %parallel_loop3A_1160 = arith.index_cast %parallel_loop3A_1159 : i32 to index
        %parallel_loop3A_1161 = arith.index_cast %parallel_loop3A_140 : i32 to index
        %parallel_loop3A_1162 = tpu.vector_load %arg8[%parallel_loop3A_1160, %parallel_loop3A_1161] {strides = array<i32>} : memref<160x256xf32, #tpu.memory_space<vmem>>, vector<1x16xf32>,
        %parallel_loop3A_1163 = vector.shape_cast %parallel_loop3A_1162 : vector<1x16xf32> to vector<16xf32>
        %parallel_loop3A_1164 = arith.mulf %parallel_loop3A_1163, %parallel_loop3A_180 : vector<16xf32>
        %parallel_loop3A_1165 = arith.addf %parallel_loop3A_1158, %parallel_loop3A_1164 : vector<16xf32>
        %parallel_loop3A_1166 = arith.constant 128 : i32
        %parallel_loop3A_1167 = arith.index_cast %parallel_loop3A_1166 : i32 to index
        %parallel_loop3A_1168 = arith.index_cast %parallel_loop3A_140 : i32 to index
        %parallel_loop3A_1169 = tpu.vector_load %arg8[%parallel_loop3A_1167, %parallel_loop3A_1168] {strides = array<i32>} : memref<160x256xf32, #tpu.memory_space<vmem>>, vector<1x16xf32>,
        %parallel_loop3A_1170 = vector.shape_cast %parallel_loop3A_1169 : vector<1x16xf32> to vector<16xf32>
        %parallel_loop3A_1171 = arith.mulf %parallel_loop3A_1170, %parallel_loop3A_185 : vector<16xf32>
        %parallel_loop3A_1172 = arith.addf %parallel_loop3A_1165, %parallel_loop3A_1171 : vector<16xf32>
        %parallel_loop3A_1173 = arith.constant 129 : i32
        %parallel_loop3A_1174 = arith.index_cast %parallel_loop3A_1173 : i32 to index
        %parallel_loop3A_1175 = arith.index_cast %parallel_loop3A_140 : i32 to index
        %parallel_loop3A_1176 = tpu.vector_load %arg8[%parallel_loop3A_1174, %parallel_loop3A_1175] {strides = array<i32>} : memref<160x256xf32, #tpu.memory_space<vmem>>, vector<1x16xf32>,
        %parallel_loop3A_1177 = vector.shape_cast %parallel_loop3A_1176 : vector<1x16xf32> to vector<16xf32>
        %parallel_loop3A_1178 = arith.mulf %parallel_loop3A_1177, %parallel_loop3A_190 : vector<16xf32>
        %parallel_loop3A_1179 = arith.addf %parallel_loop3A_1172, %parallel_loop3A_1178 : vector<16xf32>
        %parallel_loop3A_1180 = arith.constant 130 : i32
        %parallel_loop3A_1181 = arith.index_cast %parallel_loop3A_1180 : i32 to index
        %parallel_loop3A_1182 = arith.index_cast %parallel_loop3A_140 : i32 to index
        %parallel_loop3A_1183 = tpu.vector_load %arg8[%parallel_loop3A_1181, %parallel_loop3A_1182] {strides = array<i32>} : memref<160x256xf32, #tpu.memory_space<vmem>>, vector<1x16xf32>,
        %parallel_loop3A_1184 = vector.shape_cast %parallel_loop3A_1183 : vector<1x16xf32> to vector<16xf32>
        %parallel_loop3A_1185 = arith.mulf %parallel_loop3A_1184, %parallel_loop3A_195 : vector<16xf32>
        %parallel_loop3A_1186 = arith.addf %parallel_loop3A_1179, %parallel_loop3A_1185 : vector<16xf32>
        %parallel_loop3A_1187 = arith.constant 131 : i32
        %parallel_loop3A_1188 = arith.index_cast %parallel_loop3A_1187 : i32 to index
        %parallel_loop3A_1189 = arith.index_cast %parallel_loop3A_140 : i32 to index
        %parallel_loop3A_1190 = tpu.vector_load %arg8[%parallel_loop3A_1188, %parallel_loop3A_1189] {strides = array<i32>} : memref<160x256xf32, #tpu.memory_space<vmem>>, vector<1x16xf32>,
        %parallel_loop3A_1191 = vector.shape_cast %parallel_loop3A_1190 : vector<1x16xf32> to vector<16xf32>
        %parallel_loop3A_1192 = arith.mulf %parallel_loop3A_1191, %parallel_loop3A_200 : vector<16xf32>
        %parallel_loop3A_1193 = arith.addf %parallel_loop3A_1186, %parallel_loop3A_1192 : vector<16xf32>
        %parallel_loop3A_1194 = arith.constant 132 : i32
        %parallel_loop3A_1195 = arith.index_cast %parallel_loop3A_1194 : i32 to index
        %parallel_loop3A_1196 = arith.index_cast %parallel_loop3A_140 : i32 to index
        %parallel_loop3A_1197 = tpu.vector_load %arg8[%parallel_loop3A_1195, %parallel_loop3A_1196] {strides = array<i32>} : memref<160x256xf32, #tpu.memory_space<vmem>>, vector<1x16xf32>,
        %parallel_loop3A_1198 = vector.shape_cast %parallel_loop3A_1197 : vector<1x16xf32> to vector<16xf32>
        %parallel_loop3A_1199 = arith.mulf %parallel_loop3A_1198, %parallel_loop3A_205 : vector<16xf32>
        %parallel_loop3A_1200 = arith.addf %parallel_loop3A_1193, %parallel_loop3A_1199 : vector<16xf32>
        %parallel_loop3A_1201 = arith.constant 133 : i32
        %parallel_loop3A_1202 = arith.index_cast %parallel_loop3A_1201 : i32 to index
        %parallel_loop3A_1203 = arith.index_cast %parallel_loop3A_140 : i32 to index
        %parallel_loop3A_1204 = tpu.vector_load %arg8[%parallel_loop3A_1202, %parallel_loop3A_1203] {strides = array<i32>} : memref<160x256xf32, #tpu.memory_space<vmem>>, vector<1x16xf32>,
        %parallel_loop3A_1205 = vector.shape_cast %parallel_loop3A_1204 : vector<1x16xf32> to vector<16xf32>
        %parallel_loop3A_1206 = arith.mulf %parallel_loop3A_1205, %parallel_loop3A_210 : vector<16xf32>
        %parallel_loop3A_1207 = arith.addf %parallel_loop3A_1200, %parallel_loop3A_1206 : vector<16xf32>
        %parallel_loop3A_1208 = arith.constant 134 : i32
        %parallel_loop3A_1209 = arith.index_cast %parallel_loop3A_1208 : i32 to index
        %parallel_loop3A_1210 = arith.index_cast %parallel_loop3A_140 : i32 to index
        %parallel_loop3A_1211 = tpu.vector_load %arg8[%parallel_loop3A_1209, %parallel_loop3A_1210] {strides = array<i32>} : memref<160x256xf32, #tpu.memory_space<vmem>>, vector<1x16xf32>,
        %parallel_loop3A_1212 = vector.shape_cast %parallel_loop3A_1211 : vector<1x16xf32> to vector<16xf32>
        %parallel_loop3A_1213 = arith.mulf %parallel_loop3A_1212, %parallel_loop3A_215 : vector<16xf32>
        %parallel_loop3A_1214 = arith.addf %parallel_loop3A_1207, %parallel_loop3A_1213 : vector<16xf32>
        %parallel_loop3A_1215 = arith.constant 135 : i32
        %parallel_loop3A_1216 = arith.index_cast %parallel_loop3A_1215 : i32 to index
        %parallel_loop3A_1217 = arith.index_cast %parallel_loop3A_140 : i32 to index
        %parallel_loop3A_1218 = tpu.vector_load %arg8[%parallel_loop3A_1216, %parallel_loop3A_1217] {strides = array<i32>} : memref<160x256xf32, #tpu.memory_space<vmem>>, vector<1x16xf32>,
        %parallel_loop3A_1219 = vector.shape_cast %parallel_loop3A_1218 : vector<1x16xf32> to vector<16xf32>
        %parallel_loop3A_1220 = arith.mulf %parallel_loop3A_1219, %parallel_loop3A_220 : vector<16xf32>
        %parallel_loop3A_1221 = arith.addf %parallel_loop3A_1214, %parallel_loop3A_1220 : vector<16xf32>
        %parallel_loop3A_1222 = arith.constant 136 : i32
        %parallel_loop3A_1223 = arith.index_cast %parallel_loop3A_1222 : i32 to index
        %parallel_loop3A_1224 = arith.index_cast %parallel_loop3A_140 : i32 to index
        %parallel_loop3A_1225 = tpu.vector_load %arg8[%parallel_loop3A_1223, %parallel_loop3A_1224] {strides = array<i32>} : memref<160x256xf32, #tpu.memory_space<vmem>>, vector<1x16xf32>,
        %parallel_loop3A_1226 = vector.shape_cast %parallel_loop3A_1225 : vector<1x16xf32> to vector<16xf32>
        %parallel_loop3A_1227 = arith.mulf %parallel_loop3A_1226, %parallel_loop3A_225 : vector<16xf32>
        %parallel_loop3A_1228 = arith.addf %parallel_loop3A_1221, %parallel_loop3A_1227 : vector<16xf32>
        %parallel_loop3A_1229 = arith.constant 137 : i32
        %parallel_loop3A_1230 = arith.index_cast %parallel_loop3A_1229 : i32 to index
        %parallel_loop3A_1231 = arith.index_cast %parallel_loop3A_140 : i32 to index
        %parallel_loop3A_1232 = tpu.vector_load %arg8[%parallel_loop3A_1230, %parallel_loop3A_1231] {strides = array<i32>} : memref<160x256xf32, #tpu.memory_space<vmem>>, vector<1x16xf32>,
        %parallel_loop3A_1233 = vector.shape_cast %parallel_loop3A_1232 : vector<1x16xf32> to vector<16xf32>
        %parallel_loop3A_1234 = arith.mulf %parallel_loop3A_1233, %parallel_loop3A_230 : vector<16xf32>
        %parallel_loop3A_1235 = arith.addf %parallel_loop3A_1228, %parallel_loop3A_1234 : vector<16xf32>
        %parallel_loop3A_1236 = arith.constant 138 : i32
        %parallel_loop3A_1237 = arith.index_cast %parallel_loop3A_1236 : i32 to index
        %parallel_loop3A_1238 = arith.index_cast %parallel_loop3A_140 : i32 to index
        %parallel_loop3A_1239 = tpu.vector_load %arg8[%parallel_loop3A_1237, %parallel_loop3A_1238] {strides = array<i32>} : memref<160x256xf32, #tpu.memory_space<vmem>>, vector<1x16xf32>,
        %parallel_loop3A_1240 = vector.shape_cast %parallel_loop3A_1239 : vector<1x16xf32> to vector<16xf32>
        %parallel_loop3A_1241 = arith.mulf %parallel_loop3A_1240, %parallel_loop3A_235 : vector<16xf32>
        %parallel_loop3A_1242 = arith.addf %parallel_loop3A_1235, %parallel_loop3A_1241 : vector<16xf32>
        %parallel_loop3A_1243 = arith.constant 139 : i32
        %parallel_loop3A_1244 = arith.index_cast %parallel_loop3A_1243 : i32 to index
        %parallel_loop3A_1245 = arith.index_cast %parallel_loop3A_140 : i32 to index
        %parallel_loop3A_1246 = tpu.vector_load %arg8[%parallel_loop3A_1244, %parallel_loop3A_1245] {strides = array<i32>} : memref<160x256xf32, #tpu.memory_space<vmem>>, vector<1x16xf32>,
        %parallel_loop3A_1247 = vector.shape_cast %parallel_loop3A_1246 : vector<1x16xf32> to vector<16xf32>
        %parallel_loop3A_1248 = arith.mulf %parallel_loop3A_1247, %parallel_loop3A_240 : vector<16xf32>
        %parallel_loop3A_1249 = arith.addf %parallel_loop3A_1242, %parallel_loop3A_1248 : vector<16xf32>
        %parallel_loop3A_1250 = arith.constant 6 : i32
        %parallel_loop3A_1251 = arith.index_cast %parallel_loop3A_1250 : i32 to index
        %parallel_loop3A_1252 = arith.index_cast %parallel_loop3A_140 : i32 to index
        %parallel_loop3A_1253 = tpu.vector_load %arg11[%parallel_loop3A_1251, %parallel_loop3A_1252] {strides = array<i32>} : memref<8x256xf32, #tpu.memory_space<vmem>>, vector<1x16xf32>,
        %parallel_loop3A_1254 = vector.shape_cast %parallel_loop3A_1253 : vector<1x16xf32> to vector<16xf32>
        %parallel_loop3A_1255 = vector.shape_cast %parallel_loop3A_1249 : vector<16xf32> to vector<1x16xf32>
        tpu.vector_store %arg11[%parallel_loop3A_1251, %parallel_loop3A_1252], %parallel_loop3A_1255 {strides = array<i32>} : memref<8x256xf32, #tpu.memory_space<vmem>>, vector<1x16xf32>,
        %parallel_loop3A_1256 = arith.constant 140 : i32
        %parallel_loop3A_1257 = arith.index_cast %parallel_loop3A_1256 : i32 to index
        %parallel_loop3A_1258 = arith.index_cast %parallel_loop3A_140 : i32 to index
        %parallel_loop3A_1259 = tpu.vector_load %arg8[%parallel_loop3A_1257, %parallel_loop3A_1258] {strides = array<i32>} : memref<160x256xf32, #tpu.memory_space<vmem>>, vector<1x16xf32>,
        %parallel_loop3A_1260 = vector.shape_cast %parallel_loop3A_1259 : vector<1x16xf32> to vector<16xf32>
        %parallel_loop3A_1261 = arith.mulf %parallel_loop3A_1260, %parallel_loop3A_145 : vector<16xf32>
        %parallel_loop3A_1262 = arith.constant 141 : i32
        %parallel_loop3A_1263 = arith.index_cast %parallel_loop3A_1262 : i32 to index
        %parallel_loop3A_1264 = arith.index_cast %parallel_loop3A_140 : i32 to index
        %parallel_loop3A_1265 = tpu.vector_load %arg8[%parallel_loop3A_1263, %parallel_loop3A_1264] {strides = array<i32>} : memref<160x256xf32, #tpu.memory_space<vmem>>, vector<1x16xf32>,
        %parallel_loop3A_1266 = vector.shape_cast %parallel_loop3A_1265 : vector<1x16xf32> to vector<16xf32>
        %parallel_loop3A_1267 = arith.mulf %parallel_loop3A_1266, %parallel_loop3A_150 : vector<16xf32>
        %parallel_loop3A_1268 = arith.addf %parallel_loop3A_1261, %parallel_loop3A_1267 : vector<16xf32>
        %parallel_loop3A_1269 = arith.constant 142 : i32
        %parallel_loop3A_1270 = arith.index_cast %parallel_loop3A_1269 : i32 to index
        %parallel_loop3A_1271 = arith.index_cast %parallel_loop3A_140 : i32 to index
        %parallel_loop3A_1272 = tpu.vector_load %arg8[%parallel_loop3A_1270, %parallel_loop3A_1271] {strides = array<i32>} : memref<160x256xf32, #tpu.memory_space<vmem>>, vector<1x16xf32>,
        %parallel_loop3A_1273 = vector.shape_cast %parallel_loop3A_1272 : vector<1x16xf32> to vector<16xf32>
        %parallel_loop3A_1274 = arith.mulf %parallel_loop3A_1273, %parallel_loop3A_155 : vector<16xf32>
        %parallel_loop3A_1275 = arith.addf %parallel_loop3A_1268, %parallel_loop3A_1274 : vector<16xf32>
        %parallel_loop3A_1276 = arith.constant 143 : i32
        %parallel_loop3A_1277 = arith.index_cast %parallel_loop3A_1276 : i32 to index
        %parallel_loop3A_1278 = arith.index_cast %parallel_loop3A_140 : i32 to index
        %parallel_loop3A_1279 = tpu.vector_load %arg8[%parallel_loop3A_1277, %parallel_loop3A_1278] {strides = array<i32>} : memref<160x256xf32, #tpu.memory_space<vmem>>, vector<1x16xf32>,
        %parallel_loop3A_1280 = vector.shape_cast %parallel_loop3A_1279 : vector<1x16xf32> to vector<16xf32>
        %parallel_loop3A_1281 = arith.mulf %parallel_loop3A_1280, %parallel_loop3A_160 : vector<16xf32>
        %parallel_loop3A_1282 = arith.addf %parallel_loop3A_1275, %parallel_loop3A_1281 : vector<16xf32>
        %parallel_loop3A_1283 = arith.constant 144 : i32
        %parallel_loop3A_1284 = arith.index_cast %parallel_loop3A_1283 : i32 to index
        %parallel_loop3A_1285 = arith.index_cast %parallel_loop3A_140 : i32 to index
        %parallel_loop3A_1286 = tpu.vector_load %arg8[%parallel_loop3A_1284, %parallel_loop3A_1285] {strides = array<i32>} : memref<160x256xf32, #tpu.memory_space<vmem>>, vector<1x16xf32>,
        %parallel_loop3A_1287 = vector.shape_cast %parallel_loop3A_1286 : vector<1x16xf32> to vector<16xf32>
        %parallel_loop3A_1288 = arith.mulf %parallel_loop3A_1287, %parallel_loop3A_165 : vector<16xf32>
        %parallel_loop3A_1289 = arith.addf %parallel_loop3A_1282, %parallel_loop3A_1288 : vector<16xf32>
        %parallel_loop3A_1290 = arith.constant 145 : i32
        %parallel_loop3A_1291 = arith.index_cast %parallel_loop3A_1290 : i32 to index
        %parallel_loop3A_1292 = arith.index_cast %parallel_loop3A_140 : i32 to index
        %parallel_loop3A_1293 = tpu.vector_load %arg8[%parallel_loop3A_1291, %parallel_loop3A_1292] {strides = array<i32>} : memref<160x256xf32, #tpu.memory_space<vmem>>, vector<1x16xf32>,
        %parallel_loop3A_1294 = vector.shape_cast %parallel_loop3A_1293 : vector<1x16xf32> to vector<16xf32>
        %parallel_loop3A_1295 = arith.mulf %parallel_loop3A_1294, %parallel_loop3A_170 : vector<16xf32>
        %parallel_loop3A_1296 = arith.addf %parallel_loop3A_1289, %parallel_loop3A_1295 : vector<16xf32>
        %parallel_loop3A_1297 = arith.constant 146 : i32
        %parallel_loop3A_1298 = arith.index_cast %parallel_loop3A_1297 : i32 to index
        %parallel_loop3A_1299 = arith.index_cast %parallel_loop3A_140 : i32 to index
        %parallel_loop3A_1300 = tpu.vector_load %arg8[%parallel_loop3A_1298, %parallel_loop3A_1299] {strides = array<i32>} : memref<160x256xf32, #tpu.memory_space<vmem>>, vector<1x16xf32>,
        %parallel_loop3A_1301 = vector.shape_cast %parallel_loop3A_1300 : vector<1x16xf32> to vector<16xf32>
        %parallel_loop3A_1302 = arith.mulf %parallel_loop3A_1301, %parallel_loop3A_175 : vector<16xf32>
        %parallel_loop3A_1303 = arith.addf %parallel_loop3A_1296, %parallel_loop3A_1302 : vector<16xf32>
        %parallel_loop3A_1304 = arith.constant 147 : i32
        %parallel_loop3A_1305 = arith.index_cast %parallel_loop3A_1304 : i32 to index
        %parallel_loop3A_1306 = arith.index_cast %parallel_loop3A_140 : i32 to index
        %parallel_loop3A_1307 = tpu.vector_load %arg8[%parallel_loop3A_1305, %parallel_loop3A_1306] {strides = array<i32>} : memref<160x256xf32, #tpu.memory_space<vmem>>, vector<1x16xf32>,
        %parallel_loop3A_1308 = vector.shape_cast %parallel_loop3A_1307 : vector<1x16xf32> to vector<16xf32>
        %parallel_loop3A_1309 = arith.mulf %parallel_loop3A_1308, %parallel_loop3A_180 : vector<16xf32>
        %parallel_loop3A_1310 = arith.addf %parallel_loop3A_1303, %parallel_loop3A_1309 : vector<16xf32>
        %parallel_loop3A_1311 = arith.constant 148 : i32
        %parallel_loop3A_1312 = arith.index_cast %parallel_loop3A_1311 : i32 to index
        %parallel_loop3A_1313 = arith.index_cast %parallel_loop3A_140 : i32 to index
        %parallel_loop3A_1314 = tpu.vector_load %arg8[%parallel_loop3A_1312, %parallel_loop3A_1313] {strides = array<i32>} : memref<160x256xf32, #tpu.memory_space<vmem>>, vector<1x16xf32>,
        %parallel_loop3A_1315 = vector.shape_cast %parallel_loop3A_1314 : vector<1x16xf32> to vector<16xf32>
        %parallel_loop3A_1316 = arith.mulf %parallel_loop3A_1315, %parallel_loop3A_185 : vector<16xf32>
        %parallel_loop3A_1317 = arith.addf %parallel_loop3A_1310, %parallel_loop3A_1316 : vector<16xf32>
        %parallel_loop3A_1318 = arith.constant 149 : i32
        %parallel_loop3A_1319 = arith.index_cast %parallel_loop3A_1318 : i32 to index
        %parallel_loop3A_1320 = arith.index_cast %parallel_loop3A_140 : i32 to index
        %parallel_loop3A_1321 = tpu.vector_load %arg8[%parallel_loop3A_1319, %parallel_loop3A_1320] {strides = array<i32>} : memref<160x256xf32, #tpu.memory_space<vmem>>, vector<1x16xf32>,
        %parallel_loop3A_1322 = vector.shape_cast %parallel_loop3A_1321 : vector<1x16xf32> to vector<16xf32>
        %parallel_loop3A_1323 = arith.mulf %parallel_loop3A_1322, %parallel_loop3A_190 : vector<16xf32>
        %parallel_loop3A_1324 = arith.addf %parallel_loop3A_1317, %parallel_loop3A_1323 : vector<16xf32>
        %parallel_loop3A_1325 = arith.constant 150 : i32
        %parallel_loop3A_1326 = arith.index_cast %parallel_loop3A_1325 : i32 to index
        %parallel_loop3A_1327 = arith.index_cast %parallel_loop3A_140 : i32 to index
        %parallel_loop3A_1328 = tpu.vector_load %arg8[%parallel_loop3A_1326, %parallel_loop3A_1327] {strides = array<i32>} : memref<160x256xf32, #tpu.memory_space<vmem>>, vector<1x16xf32>,
        %parallel_loop3A_1329 = vector.shape_cast %parallel_loop3A_1328 : vector<1x16xf32> to vector<16xf32>
        %parallel_loop3A_1330 = arith.mulf %parallel_loop3A_1329, %parallel_loop3A_195 : vector<16xf32>
        %parallel_loop3A_1331 = arith.addf %parallel_loop3A_1324, %parallel_loop3A_1330 : vector<16xf32>
        %parallel_loop3A_1332 = arith.constant 151 : i32
        %parallel_loop3A_1333 = arith.index_cast %parallel_loop3A_1332 : i32 to index
        %parallel_loop3A_1334 = arith.index_cast %parallel_loop3A_140 : i32 to index
        %parallel_loop3A_1335 = tpu.vector_load %arg8[%parallel_loop3A_1333, %parallel_loop3A_1334] {strides = array<i32>} : memref<160x256xf32, #tpu.memory_space<vmem>>, vector<1x16xf32>,
        %parallel_loop3A_1336 = vector.shape_cast %parallel_loop3A_1335 : vector<1x16xf32> to vector<16xf32>
        %parallel_loop3A_1337 = arith.mulf %parallel_loop3A_1336, %parallel_loop3A_200 : vector<16xf32>
        %parallel_loop3A_1338 = arith.addf %parallel_loop3A_1331, %parallel_loop3A_1337 : vector<16xf32>
        %parallel_loop3A_1339 = arith.constant 152 : i32
        %parallel_loop3A_1340 = arith.index_cast %parallel_loop3A_1339 : i32 to index
        %parallel_loop3A_1341 = arith.index_cast %parallel_loop3A_140 : i32 to index
        %parallel_loop3A_1342 = tpu.vector_load %arg8[%parallel_loop3A_1340, %parallel_loop3A_1341] {strides = array<i32>} : memref<160x256xf32, #tpu.memory_space<vmem>>, vector<1x16xf32>,
        %parallel_loop3A_1343 = vector.shape_cast %parallel_loop3A_1342 : vector<1x16xf32> to vector<16xf32>
        %parallel_loop3A_1344 = arith.mulf %parallel_loop3A_1343, %parallel_loop3A_205 : vector<16xf32>
        %parallel_loop3A_1345 = arith.addf %parallel_loop3A_1338, %parallel_loop3A_1344 : vector<16xf32>
        %parallel_loop3A_1346 = arith.constant 153 : i32
        %parallel_loop3A_1347 = arith.index_cast %parallel_loop3A_1346 : i32 to index
        %parallel_loop3A_1348 = arith.index_cast %parallel_loop3A_140 : i32 to index
        %parallel_loop3A_1349 = tpu.vector_load %arg8[%parallel_loop3A_1347, %parallel_loop3A_1348] {strides = array<i32>} : memref<160x256xf32, #tpu.memory_space<vmem>>, vector<1x16xf32>,
        %parallel_loop3A_1350 = vector.shape_cast %parallel_loop3A_1349 : vector<1x16xf32> to vector<16xf32>
        %parallel_loop3A_1351 = arith.mulf %parallel_loop3A_1350, %parallel_loop3A_210 : vector<16xf32>
        %parallel_loop3A_1352 = arith.addf %parallel_loop3A_1345, %parallel_loop3A_1351 : vector<16xf32>
        %parallel_loop3A_1353 = arith.constant 154 : i32
        %parallel_loop3A_1354 = arith.index_cast %parallel_loop3A_1353 : i32 to index
        %parallel_loop3A_1355 = arith.index_cast %parallel_loop3A_140 : i32 to index
        %parallel_loop3A_1356 = tpu.vector_load %arg8[%parallel_loop3A_1354, %parallel_loop3A_1355] {strides = array<i32>} : memref<160x256xf32, #tpu.memory_space<vmem>>, vector<1x16xf32>,
        %parallel_loop3A_1357 = vector.shape_cast %parallel_loop3A_1356 : vector<1x16xf32> to vector<16xf32>
        %parallel_loop3A_1358 = arith.mulf %parallel_loop3A_1357, %parallel_loop3A_215 : vector<16xf32>
        %parallel_loop3A_1359 = arith.addf %parallel_loop3A_1352, %parallel_loop3A_1358 : vector<16xf32>
        %parallel_loop3A_1360 = arith.constant 155 : i32
        %parallel_loop3A_1361 = arith.index_cast %parallel_loop3A_1360 : i32 to index
        %parallel_loop3A_1362 = arith.index_cast %parallel_loop3A_140 : i32 to index
        %parallel_loop3A_1363 = tpu.vector_load %arg8[%parallel_loop3A_1361, %parallel_loop3A_1362] {strides = array<i32>} : memref<160x256xf32, #tpu.memory_space<vmem>>, vector<1x16xf32>,
        %parallel_loop3A_1364 = vector.shape_cast %parallel_loop3A_1363 : vector<1x16xf32> to vector<16xf32>
        %parallel_loop3A_1365 = arith.mulf %parallel_loop3A_1364, %parallel_loop3A_220 : vector<16xf32>
        %parallel_loop3A_1366 = arith.addf %parallel_loop3A_1359, %parallel_loop3A_1365 : vector<16xf32>
        %parallel_loop3A_1367 = arith.constant 156 : i32
        %parallel_loop3A_1368 = arith.index_cast %parallel_loop3A_1367 : i32 to index
        %parallel_loop3A_1369 = arith.index_cast %parallel_loop3A_140 : i32 to index
        %parallel_loop3A_1370 = tpu.vector_load %arg8[%parallel_loop3A_1368, %parallel_loop3A_1369] {strides = array<i32>} : memref<160x256xf32, #tpu.memory_space<vmem>>, vector<1x16xf32>,
        %parallel_loop3A_1371 = vector.shape_cast %parallel_loop3A_1370 : vector<1x16xf32> to vector<16xf32>
        %parallel_loop3A_1372 = arith.mulf %parallel_loop3A_1371, %parallel_loop3A_225 : vector<16xf32>
        %parallel_loop3A_1373 = arith.addf %parallel_loop3A_1366, %parallel_loop3A_1372 : vector<16xf32>
        %parallel_loop3A_1374 = arith.constant 157 : i32
        %parallel_loop3A_1375 = arith.index_cast %parallel_loop3A_1374 : i32 to index
        %parallel_loop3A_1376 = arith.index_cast %parallel_loop3A_140 : i32 to index
        %parallel_loop3A_1377 = tpu.vector_load %arg8[%parallel_loop3A_1375, %parallel_loop3A_1376] {strides = array<i32>} : memref<160x256xf32, #tpu.memory_space<vmem>>, vector<1x16xf32>,
        %parallel_loop3A_1378 = vector.shape_cast %parallel_loop3A_1377 : vector<1x16xf32> to vector<16xf32>
        %parallel_loop3A_1379 = arith.mulf %parallel_loop3A_1378, %parallel_loop3A_230 : vector<16xf32>
        %parallel_loop3A_1380 = arith.addf %parallel_loop3A_1373, %parallel_loop3A_1379 : vector<16xf32>
        %parallel_loop3A_1381 = arith.constant 158 : i32
        %parallel_loop3A_1382 = arith.index_cast %parallel_loop3A_1381 : i32 to index
        %parallel_loop3A_1383 = arith.index_cast %parallel_loop3A_140 : i32 to index
        %parallel_loop3A_1384 = tpu.vector_load %arg8[%parallel_loop3A_1382, %parallel_loop3A_1383] {strides = array<i32>} : memref<160x256xf32, #tpu.memory_space<vmem>>, vector<1x16xf32>,
        %parallel_loop3A_1385 = vector.shape_cast %parallel_loop3A_1384 : vector<1x16xf32> to vector<16xf32>
        %parallel_loop3A_1386 = arith.mulf %parallel_loop3A_1385, %parallel_loop3A_235 : vector<16xf32>
        %parallel_loop3A_1387 = arith.addf %parallel_loop3A_1380, %parallel_loop3A_1386 : vector<16xf32>
        %parallel_loop3A_1388 = arith.constant 159 : i32
        %parallel_loop3A_1389 = arith.index_cast %parallel_loop3A_1388 : i32 to index
        %parallel_loop3A_1390 = arith.index_cast %parallel_loop3A_140 : i32 to index
        %parallel_loop3A_1391 = tpu.vector_load %arg8[%parallel_loop3A_1389, %parallel_loop3A_1390] {strides = array<i32>} : memref<160x256xf32, #tpu.memory_space<vmem>>, vector<1x16xf32>,
        %parallel_loop3A_1392 = vector.shape_cast %parallel_loop3A_1391 : vector<1x16xf32> to vector<16xf32>
        %parallel_loop3A_1393 = arith.mulf %parallel_loop3A_1392, %parallel_loop3A_240 : vector<16xf32>
        %parallel_loop3A_1394 = arith.addf %parallel_loop3A_1387, %parallel_loop3A_1393 : vector<16xf32>
        %parallel_loop3A_1395 = arith.constant 7 : i32
        %parallel_loop3A_1396 = arith.index_cast %parallel_loop3A_1395 : i32 to index
        %parallel_loop3A_1397 = arith.index_cast %parallel_loop3A_140 : i32 to index
        %parallel_loop3A_1398 = tpu.vector_load %arg11[%parallel_loop3A_1396, %parallel_loop3A_1397] {strides = array<i32>} : memref<8x256xf32, #tpu.memory_space<vmem>>, vector<1x16xf32>,
        %parallel_loop3A_1399 = vector.shape_cast %parallel_loop3A_1398 : vector<1x16xf32> to vector<16xf32>
        %parallel_loop3A_1400 = vector.shape_cast %parallel_loop3A_1394 : vector<16xf32> to vector<1x16xf32>
        tpu.vector_store %arg11[%parallel_loop3A_1396, %parallel_loop3A_1397], %parallel_loop3A_1400 {strides = array<i32>} : memref<8x256xf32, #tpu.memory_space<vmem>>, vector<1x16xf32>,
      } {sc.loop_unroll_factor = 2 : i64, sc.parallel_access}
      %mul3A_124 = arith.constant 8 : i32
      %mul3A_125 = arith.muli %add3A_95, %mul3A_124 : i32
      %add3A_126 = arith.addi %mul3A_2, %mul3A_125 : i32
      %dma_start3A_127 = arith.constant 0 : i32
      %dma_start3A_128 = tpu.memref_slice %arg5[%add3A_126, %dma_start3A_127] : memref<4096x256xf32, #tpu.memory_space<hbm>> -> memref<8x256xf32, #tpu.memory_space<hbm>>
      %dma_start3A_129 = arith.constant 0 : i32
      %dma_start3A_130 = tpu.memref_slice %arg5[%add3A_126, %dma_start3A_129] : memref<4096x256xf32, #tpu.memory_space<hbm>> -> memref<8x256xf32, #tpu.memory_space<hbm>>
      tpu.enqueue_dma source(%arg11 : memref<8x256xf32, #tpu.memory_space<vmem>>) target(%dma_start3A_130 : memref<8x256xf32, #tpu.memory_space<hbm>>) target_semaphore(%arg15 : memref<!tpu.dma_semaphore, #tpu.memory_space<semaphore_mem>>)
      %add3A_131 = arith.constant 2 : i32
      %add3A_132 = arith.addi %add3A_95, %add3A_131 : i32
      %lt3A_133 = arith.constant 16 : i32
      %lt3A_134 = arith.cmpi slt, %add3A_132, %lt3A_133 : i32
      %convert_element_type3A_135 = arith.extui %lt3A_134 : i1 to i32
      %cond3A_136 = arith.constant 0 : i32
      %cond3A_137 = arith.cmpi ne, %convert_element_type3A_135, %cond3A_136 : i32
      scf.if %cond3A_137 {
        %add3A_138 = arith.constant 2 : i32
        %add3A_139 = arith.addi %add3A_95, %add3A_138 : i32
        %mul3A_140 = arith.constant 160 : i32
        %mul3A_141 = arith.muli %add3A_139, %mul3A_140 : i32
        %dma_start3A_142 = arith.constant 0 : i32
        %dma_start3A_143 = arith.constant 0 : i32
        %dma_start3A_144 = tpu.memref_slice %arg8[%dma_start3A_142, %dma_start3A_143] : memref<160x256xf32, #tpu.memory_space<vmem>> -> memref<80x256xf32, #tpu.memory_space<vmem>>
        %dma_start3A_145 = tpu.memref_slice %arg6[%mul3A_141] : memref<2560xi32, #tpu.memory_space<vmem>> -> memref<80xi32, #tpu.memory_space<vmem>>
        %dma_start3A_146 = arith.constant 0 : i32
        %dma_start3A_147 = arith.constant 0 : i32
        %dma_start3A_148 = tpu.memref_slice %arg2[%dma_start3A_146, %dma_start3A_147] : memref<4096x256xf32, #tpu.memory_space<hbm>> -> memref<4096x256xf32, #tpu.memory_space<hbm>>
        tpu.enqueue_indirect_dma source(%dma_start3A_148 : memref<4096x256xf32, #tpu.memory_space<hbm>>) target(%dma_start3A_144 : memref<80x256xf32, #tpu.memory_space<vmem>>) offsets(%dma_start3A_145 : memref<80xi32, #tpu.memory_space<vmem>>) semaphore(%arg13 : memref<!tpu.dma_semaphore, #tpu.memory_space<semaphore_mem>>)
        %mul3A_149 = arith.constant 160 : i32
        %mul3A_150 = arith.muli %add3A_139, %mul3A_149 : i32
        %add3A_151 = arith.constant 80 : i32
        %add3A_152 = arith.addi %mul3A_150, %add3A_151 : i32
        %dma_start3A_153 = arith.constant 80 : i32
        %dma_start3A_154 = arith.constant 0 : i32
        %dma_start3A_155 = tpu.memref_slice %arg8[%dma_start3A_153, %dma_start3A_154] : memref<160x256xf32, #tpu.memory_space<vmem>> -> memref<80x256xf32, #tpu.memory_space<vmem>>
        %dma_start3A_156 = tpu.memref_slice %arg6[%add3A_152] : memref<2560xi32, #tpu.memory_space<vmem>> -> memref<80xi32, #tpu.memory_space<vmem>>
        %dma_start3A_157 = arith.constant 0 : i32
        %dma_start3A_158 = arith.constant 0 : i32
        %dma_start3A_159 = tpu.memref_slice %arg2[%dma_start3A_157, %dma_start3A_158] : memref<4096x256xf32, #tpu.memory_space<hbm>> -> memref<4096x256xf32, #tpu.memory_space<hbm>>
        tpu.enqueue_indirect_dma source(%dma_start3A_159 : memref<4096x256xf32, #tpu.memory_space<hbm>>) target(%dma_start3A_155 : memref<80x256xf32, #tpu.memory_space<vmem>>) offsets(%dma_start3A_156 : memref<80xi32, #tpu.memory_space<vmem>>) semaphore(%arg13 : memref<!tpu.dma_semaphore, #tpu.memory_space<semaphore_mem>>)
      } else {
      }
    }
    %scan3A_40 = arith.constant 8 : i32
    %add3A_41 = arith.constant 112 : i32
    %add3A_42 = arith.addi %mul3A_2, %add3A_41 : i32
    %dma_wait3A = arith.constant 0 : i32
    %dma_wait3A_43 = tpu.memref_slice %arg5[%add3A_42, %dma_wait3A] : memref<4096x256xf32, #tpu.memory_space<hbm>> -> memref<8x256xf32, #tpu.memory_space<hbm>>
    %dma_wait3A_44 = arith.constant 0 : i32
    %dma_wait3A_45 = tpu.memref_slice %arg5[%add3A_42, %dma_wait3A_44] : memref<4096x256xf32, #tpu.memory_space<hbm>> -> memref<8x256xf32, #tpu.memory_space<hbm>>
    tpu.wait_dma2 semaphore(%arg14 : memref<!tpu.dma_semaphore, #tpu.memory_space<semaphore_mem>>) src(%arg10 : memref<8x256xf32, #tpu.memory_space<vmem>>) dst(%dma_wait3A_45 : memref<8x256xf32, #tpu.memory_space<hbm>>)
    %add3A_46 = arith.constant 120 : i32
    %add3A_47 = arith.addi %mul3A_2, %add3A_46 : i32
    %dma_wait3A_48 = arith.constant 0 : i32
    %dma_wait3A_49 = tpu.memref_slice %arg5[%add3A_47, %dma_wait3A_48] : memref<4096x256xf32, #tpu.memory_space<hbm>> -> memref<8x256xf32, #tpu.memory_space<hbm>>
    %dma_wait3A_50 = arith.constant 0 : i32
    %dma_wait3A_51 = tpu.memref_slice %arg5[%add3A_47, %dma_wait3A_50] : memref<4096x256xf32, #tpu.memory_space<hbm>> -> memref<8x256xf32, #tpu.memory_space<hbm>>
    tpu.wait_dma2 semaphore(%arg15 : memref<!tpu.dma_semaphore, #tpu.memory_space<semaphore_mem>>) src(%arg11 : memref<8x256xf32, #tpu.memory_space<vmem>>) dst(%dma_wait3A_51 : memref<8x256xf32, #tpu.memory_space<hbm>>)
    return
  }
}

module attributes {stable_mosaic.version = 14 : i64} {
  func.func @_topk_body(%arg0: i32, %arg1: i32, %arg2: memref<1x1024x256xf32, #tpu.memory_space<vmem>>, %arg3: memref<64x20xf32, #tpu.memory_space<vmem>>, %arg4: memref<1x512x20xi32, #tpu.memory_space<vmem>>, %arg5: memref<20x256xf32, #tpu.memory_space<vmem>>, %arg6: memref<512x1024xf32, #tpu.memory_space<vmem>>) attributes {dimension_semantics = [#tpu.dimension_semantics<arbitrary>, #tpu.dimension_semantics<arbitrary>], iteration_bounds = array<i64: 4, 2>, scalar_prefetch = 0 : i64, scratch_operands = 1 : i64, tpu.core_type = #tpu.core_type<tc>, window_params = [{transform_indices = @transform_0, window_bounds = array<i64: 1, 1024, 256>}, {pipeline_mode = #tpu.pipeline_mode<synchronous>, transform_indices = @transform_1, window_bounds = array<i64: 64, 20>}, {transform_indices = @transform_2, window_bounds = array<i64: 1, 512, 20>}, {pipeline_mode = #tpu.pipeline_mode<synchronous>, transform_indices = @transform_3, window_bounds = array<i64: 20, 256>}]} {
    %get3A = arith.constant 0 : index
    %get3A_0 = arith.constant 0 : index
    %get3A_1 = arith.constant 0 : index
    %get3A_2 = vector.load %arg2[%get3A, %get3A_0, %get3A_1] : memref<1x1024x256xf32, #tpu.memory_space<vmem>>, vector<1x1024x256xf32>
    %get3A_3 = vector.shape_cast %get3A_2 : vector<1x1024x256xf32> to vector<1024x256xf32>
    %get3A_4 = arith.constant 0 : index
    %get3A_5 = arith.constant 0 : index
    %get3A_6 = vector.load %arg3[%get3A_4, %get3A_5] : memref<64x20xf32, #tpu.memory_space<vmem>>, vector<64x20xf32>
    %mul3A = arith.mulf %get3A_6, %get3A_6 : vector<64x20xf32>
    %mul3A_7 = arith.mulf %get3A_6, %get3A_6 : vector<64x20xf32>
    %reduce_sum3A = vector.shape_cast %mul3A_7 : vector<64x20xf32> to vector<1x64x20xf32>
    %reduce_sum3A_8 = arith.constant dense<0.000000e+00> : vector<1xf32>
    %reduce_sum3A_9 = vector.multi_reduction <add>, %reduce_sum3A, %reduce_sum3A_8 [1, 2] : vector<1x64x20xf32> to vector<1xf32>
    %reduce_sum3A_10 = vector.shape_cast %reduce_sum3A_9 : vector<1xf32> to vector<1x1x1xf32>
    %reduce_sum3A_11 = vector.extract %reduce_sum3A_10[0, 0, 0] : f32 from vector<1x1x1xf32>
    %div3A = vector.broadcast %reduce_sum3A_11 : f32 to vector<64x20xf32>
    %div3A_12 = arith.divf %mul3A, %div3A : vector<64x20xf32>
    %transpose3A = tpu.transpose %div3A_12, [1, 0] : vector<64x20xf32> -> vector<20x64xf32>
    %concatenate3A = tpu.concatenate %transpose3A, %transpose3A, %transpose3A, %transpose3A in 1 : vector<20x64xf32>, vector<20x64xf32>, vector<20x64xf32>, vector<20x64xf32> -> vector<20x256xf32>
    %swap3A = arith.constant 0 : index
    %swap3A_13 = arith.constant 0 : index
    %swap3A_14 = vector.load %arg5[%swap3A, %swap3A_13] : memref<20x256xf32, #tpu.memory_space<vmem>>, vector<20x256xf32>
    tpu.vector_store %arg5[%swap3A, %swap3A_13], %concatenate3A {strides = array<i32>} : memref<20x256xf32, #tpu.memory_space<vmem>>, vector<20x256xf32>,
    %mul3A_15 = arith.mulf %get3A_3, %get3A_3 : vector<1024x256xf32>
    %reduce_sum3A_16 = arith.constant dense<0.000000e+00> : vector<1024xf32>
    %reduce_sum3A_17 = vector.multi_reduction <add>, %mul3A_15, %reduce_sum3A_16 [1] : vector<1024x256xf32> to vector<1024xf32>
    %broadcast_in_dim3A = vector.shape_cast %reduce_sum3A_17 : vector<1024xf32> to vector<1024x1xf32>
    %mul3A_18 = arith.constant 512 : i32
    %mul3A_19 = arith.muli %arg1, %mul3A_18 : i32
    %multiple_of3A = tpu.assume_multiple %mul3A_19, 512 : i32
    %get3A_20 = arith.constant 0 : index
    %get3A_21 = arith.index_cast %multiple_of3A : i32 to index
    %get3A_22 = arith.constant 0 : index
    %get3A_23 = vector.load %arg2[%get3A_20, %get3A_21, %get3A_22] : memref<1x1024x256xf32, #tpu.memory_space<vmem>>, vector<1x512x256xf32>
    %get3A_24 = vector.shape_cast %get3A_23 : vector<1x512x256xf32> to vector<512x256xf32>
    %mul3A_25 = arith.mulf %get3A_24, %get3A_24 : vector<512x256xf32>
    %reduce_sum3A_26 = arith.constant dense<0.000000e+00> : vector<512xf32>
    %reduce_sum3A_27 = vector.multi_reduction <add>, %mul3A_25, %reduce_sum3A_26 [1] : vector<512x256xf32> to vector<512xf32>
    %broadcast_in_dim3A_28 = vector.shape_cast %reduce_sum3A_27 : vector<512xf32> to vector<512x1xf32>
    %dot_general3A = arith.constant dense<0.000000e+00> : vector<512x1024xf32>
    %dot_general3A_29 = tpu.matmul %get3A_24, %get3A_3, %dot_general3A {dimension_numbers = #tpu.dot_dimension_numbers<[1], [1], [0], [0], [0, 0, 1, 0], [], []>, transpose_lhs_hint = false} : vector<512x256xf32>, vector<1024x256xf32>, vector<512x1024xf32> -> vector<512x1024xf32>
    %mul3A_30 = arith.constant 2.000000e+00 : f32
    %mul3A_31 = vector.broadcast %mul3A_30 : f32 to vector<512x1024xf32>
    %mul3A_32 = arith.mulf %mul3A_31, %dot_general3A_29 : vector<512x1024xf32>
    %sub3A = vector.broadcast %broadcast_in_dim3A_28 : vector<512x1xf32> to vector<512x1024xf32>
    %sub3A_33 = arith.subf %sub3A, %mul3A_32 : vector<512x1024xf32>
    %transpose3A_34 = tpu.transpose %broadcast_in_dim3A, [1, 0] : vector<1024x1xf32> -> vector<1x1024xf32>
    %add3A = vector.broadcast %transpose3A_34 : vector<1x1024xf32> to vector<512x1024xf32>
    %add3A_35 = arith.addf %sub3A_33, %add3A : vector<512x1024xf32>
    %swap3A_36 = arith.constant 0 : index
    %swap3A_37 = arith.constant 0 : index
    %swap3A_38 = vector.load %arg6[%swap3A_36, %swap3A_37] : memref<512x1024xf32, #tpu.memory_space<vmem>>, vector<512x1024xf32>
    tpu.vector_store %arg6[%swap3A_36, %swap3A_37], %add3A_35 {strides = array<i32>} : memref<512x1024xf32, #tpu.memory_space<vmem>>, vector<512x1024xf32>,
    %iota3A = tpu.iota {dimensions = array<i32: 1>} : vector<512x1024xi32>
    %convert_element_type3A = arith.sitofp %iota3A : vector<512x1024xi32> to vector<512x1024xf32>
    %get3A_39 = arith.constant 0 : index
    %get3A_40 = arith.constant 0 : index
    %get3A_41 = vector.load %arg6[%get3A_39, %get3A_40] : memref<512x1024xf32, #tpu.memory_space<vmem>>, vector<512x1024xf32>
    %reduce_min3A = arith.constant dense<0x7F800000> : vector<512xf32>
    %reduce_min3A_42 = vector.multi_reduction <minimumf>, %get3A_41, %reduce_min3A [1] : vector<512x1024xf32> to vector<512xf32>
    %broadcast_in_dim3A_43 = vector.shape_cast %reduce_min3A_42 : vector<512xf32> to vector<512x1xf32>
    %le3A = vector.broadcast %broadcast_in_dim3A_43 : vector<512x1xf32> to vector<512x1024xf32>
    %le3A_44 = arith.cmpf ole, %get3A_41, %le3A : vector<512x1024xf32>
    %jit3A = arith.constant 1.024000e+03 : f32
    %broadcast_in_dim3A_45 = vector.broadcast %jit3A : f32 to vector<512x1024xf32>
    %select_n3A = arith.select %le3A_44, %convert_element_type3A, %broadcast_in_dim3A_45 : vector<512x1024xi1>, vector<512x1024xf32>
    %reduce_min3A_46 = arith.constant dense<0x7F800000> : vector<512xf32>
    %reduce_min3A_47 = vector.multi_reduction <minimumf>, %select_n3A, %reduce_min3A_46 [1] : vector<512x1024xf32> to vector<512xf32>
    %broadcast_in_dim3A_48 = vector.shape_cast %reduce_min3A_47 : vector<512xf32> to vector<512x1xf32>
    %eq3A = vector.broadcast %broadcast_in_dim3A_48 : vector<512x1xf32> to vector<512x1024xf32>
    %eq3A_49 = arith.cmpf oeq, %select_n3A, %eq3A : vector<512x1024xf32>
    %convert_element_type3A_50 = arith.fptosi %broadcast_in_dim3A_48 : vector<512x1xf32> to vector<512x1xi32>
    %mul3A_51 = arith.constant 1024 : i32
    %mul3A_52 = arith.muli %arg0, %mul3A_51 : i32
    %add3A_53 = vector.broadcast %mul3A_52 : i32 to vector<512x1xi32>
    %add3A_54 = arith.addi %convert_element_type3A_50, %add3A_53 : vector<512x1xi32>
    %swap3A_55 = arith.constant 0 : index
    %swap3A_56 = arith.constant 0 : index
    %swap3A_57 = arith.constant 0 : index
    %swap3A_58 = vector.load %arg4[%swap3A_55, %swap3A_56, %swap3A_57] : memref<1x512x20xi32, #tpu.memory_space<vmem>>, vector<1x512x1xi32>
    %swap3A_59 = vector.shape_cast %swap3A_58 : vector<1x512x1xi32> to vector<512x1xi32>
    %swap3A_60 = vector.shape_cast %add3A_54 : vector<512x1xi32> to vector<1x512x1xi32>
    tpu.vector_store %arg4[%swap3A_55, %swap3A_56, %swap3A_57], %swap3A_60 {strides = array<i32>} : memref<1x512x20xi32, #tpu.memory_space<vmem>>, vector<1x512x1xi32>,
    %jit3A_61 = arith.constant 3.000000e+38 : f32
    %broadcast_in_dim3A_62 = vector.broadcast %jit3A_61 : f32 to vector<512x1024xf32>
    %select_n3A_63 = arith.select %eq3A_49, %broadcast_in_dim3A_62, %get3A_41 : vector<512x1024xi1>, vector<512x1024xf32>
    %swap3A_64 = arith.constant 0 : index
    %swap3A_65 = arith.constant 0 : index
    %swap3A_66 = vector.load %arg6[%swap3A_64, %swap3A_65] : memref<512x1024xf32, #tpu.memory_space<vmem>>, vector<512x1024xf32>
    tpu.vector_store %arg6[%swap3A_64, %swap3A_65], %select_n3A_63 {strides = array<i32>} : memref<512x1024xf32, #tpu.memory_space<vmem>>, vector<512x1024xf32>,
    %get3A_67 = arith.constant 0 : index
    %get3A_68 = arith.constant 0 : index
    %get3A_69 = vector.load %arg6[%get3A_67, %get3A_68] : memref<512x1024xf32, #tpu.memory_space<vmem>>, vector<512x1024xf32>
    %reduce_min3A_70 = arith.constant dense<0x7F800000> : vector<512xf32>
    %reduce_min3A_71 = vector.multi_reduction <minimumf>, %get3A_69, %reduce_min3A_70 [1] : vector<512x1024xf32> to vector<512xf32>
    %broadcast_in_dim3A_72 = vector.shape_cast %reduce_min3A_71 : vector<512xf32> to vector<512x1xf32>
    %le3A_73 = vector.broadcast %broadcast_in_dim3A_72 : vector<512x1xf32> to vector<512x1024xf32>
    %le3A_74 = arith.cmpf ole, %get3A_69, %le3A_73 : vector<512x1024xf32>
    %jit3A_75 = arith.constant 1.024000e+03 : f32
    %broadcast_in_dim3A_76 = vector.broadcast %jit3A_75 : f32 to vector<512x1024xf32>
    %select_n3A_77 = arith.select %le3A_74, %convert_element_type3A, %broadcast_in_dim3A_76 : vector<512x1024xi1>, vector<512x1024xf32>
    %reduce_min3A_78 = arith.constant dense<0x7F800000> : vector<512xf32>
    %reduce_min3A_79 = vector.multi_reduction <minimumf>, %select_n3A_77, %reduce_min3A_78 [1] : vector<512x1024xf32> to vector<512xf32>
    %broadcast_in_dim3A_80 = vector.shape_cast %reduce_min3A_79 : vector<512xf32> to vector<512x1xf32>
    %eq3A_81 = vector.broadcast %broadcast_in_dim3A_80 : vector<512x1xf32> to vector<512x1024xf32>
    %eq3A_82 = arith.cmpf oeq, %select_n3A_77, %eq3A_81 : vector<512x1024xf32>
    %convert_element_type3A_83 = arith.fptosi %broadcast_in_dim3A_80 : vector<512x1xf32> to vector<512x1xi32>
    %mul3A_84 = arith.constant 1024 : i32
    %mul3A_85 = arith.muli %arg0, %mul3A_84 : i32
    %add3A_86 = vector.broadcast %mul3A_85 : i32 to vector<512x1xi32>
    %add3A_87 = arith.addi %convert_element_type3A_83, %add3A_86 : vector<512x1xi32>
    %swap3A_88 = arith.constant 0 : index
    %swap3A_89 = arith.constant 0 : index
    %swap3A_90 = arith.constant 1 : index
    %swap3A_91 = vector.load %arg4[%swap3A_88, %swap3A_89, %swap3A_90] : memref<1x512x20xi32, #tpu.memory_space<vmem>>, vector<1x512x1xi32>
    %swap3A_92 = vector.shape_cast %swap3A_91 : vector<1x512x1xi32> to vector<512x1xi32>
    %swap3A_93 = vector.shape_cast %add3A_87 : vector<512x1xi32> to vector<1x512x1xi32>
    tpu.vector_store %arg4[%swap3A_88, %swap3A_89, %swap3A_90], %swap3A_93 {strides = array<i32>} : memref<1x512x20xi32, #tpu.memory_space<vmem>>, vector<1x512x1xi32>,
    %jit3A_94 = arith.constant 3.000000e+38 : f32
    %broadcast_in_dim3A_95 = vector.broadcast %jit3A_94 : f32 to vector<512x1024xf32>
    %select_n3A_96 = arith.select %eq3A_82, %broadcast_in_dim3A_95, %get3A_69 : vector<512x1024xi1>, vector<512x1024xf32>
    %swap3A_97 = arith.constant 0 : index
    %swap3A_98 = arith.constant 0 : index
    %swap3A_99 = vector.load %arg6[%swap3A_97, %swap3A_98] : memref<512x1024xf32, #tpu.memory_space<vmem>>, vector<512x1024xf32>
    tpu.vector_store %arg6[%swap3A_97, %swap3A_98], %select_n3A_96 {strides = array<i32>} : memref<512x1024xf32, #tpu.memory_space<vmem>>, vector<512x1024xf32>,
    %get3A_100 = arith.constant 0 : index
    %get3A_101 = arith.constant 0 : index
    %get3A_102 = vector.load %arg6[%get3A_100, %get3A_101] : memref<512x1024xf32, #tpu.memory_space<vmem>>, vector<512x1024xf32>
    %reduce_min3A_103 = arith.constant dense<0x7F800000> : vector<512xf32>
    %reduce_min3A_104 = vector.multi_reduction <minimumf>, %get3A_102, %reduce_min3A_103 [1] : vector<512x1024xf32> to vector<512xf32>
    %broadcast_in_dim3A_105 = vector.shape_cast %reduce_min3A_104 : vector<512xf32> to vector<512x1xf32>
    %le3A_106 = vector.broadcast %broadcast_in_dim3A_105 : vector<512x1xf32> to vector<512x1024xf32>
    %le3A_107 = arith.cmpf ole, %get3A_102, %le3A_106 : vector<512x1024xf32>
    %jit3A_108 = arith.constant 1.024000e+03 : f32
    %broadcast_in_dim3A_109 = vector.broadcast %jit3A_108 : f32 to vector<512x1024xf32>
    %select_n3A_110 = arith.select %le3A_107, %convert_element_type3A, %broadcast_in_dim3A_109 : vector<512x1024xi1>, vector<512x1024xf32>
    %reduce_min3A_111 = arith.constant dense<0x7F800000> : vector<512xf32>
    %reduce_min3A_112 = vector.multi_reduction <minimumf>, %select_n3A_110, %reduce_min3A_111 [1] : vector<512x1024xf32> to vector<512xf32>
    %broadcast_in_dim3A_113 = vector.shape_cast %reduce_min3A_112 : vector<512xf32> to vector<512x1xf32>
    %eq3A_114 = vector.broadcast %broadcast_in_dim3A_113 : vector<512x1xf32> to vector<512x1024xf32>
    %eq3A_115 = arith.cmpf oeq, %select_n3A_110, %eq3A_114 : vector<512x1024xf32>
    %convert_element_type3A_116 = arith.fptosi %broadcast_in_dim3A_113 : vector<512x1xf32> to vector<512x1xi32>
    %mul3A_117 = arith.constant 1024 : i32
    %mul3A_118 = arith.muli %arg0, %mul3A_117 : i32
    %add3A_119 = vector.broadcast %mul3A_118 : i32 to vector<512x1xi32>
    %add3A_120 = arith.addi %convert_element_type3A_116, %add3A_119 : vector<512x1xi32>
    %swap3A_121 = arith.constant 0 : index
    %swap3A_122 = arith.constant 0 : index
    %swap3A_123 = arith.constant 2 : index
    %swap3A_124 = vector.load %arg4[%swap3A_121, %swap3A_122, %swap3A_123] : memref<1x512x20xi32, #tpu.memory_space<vmem>>, vector<1x512x1xi32>
    %swap3A_125 = vector.shape_cast %swap3A_124 : vector<1x512x1xi32> to vector<512x1xi32>
    %swap3A_126 = vector.shape_cast %add3A_120 : vector<512x1xi32> to vector<1x512x1xi32>
    tpu.vector_store %arg4[%swap3A_121, %swap3A_122, %swap3A_123], %swap3A_126 {strides = array<i32>} : memref<1x512x20xi32, #tpu.memory_space<vmem>>, vector<1x512x1xi32>,
    %jit3A_127 = arith.constant 3.000000e+38 : f32
    %broadcast_in_dim3A_128 = vector.broadcast %jit3A_127 : f32 to vector<512x1024xf32>
    %select_n3A_129 = arith.select %eq3A_115, %broadcast_in_dim3A_128, %get3A_102 : vector<512x1024xi1>, vector<512x1024xf32>
    %swap3A_130 = arith.constant 0 : index
    %swap3A_131 = arith.constant 0 : index
    %swap3A_132 = vector.load %arg6[%swap3A_130, %swap3A_131] : memref<512x1024xf32, #tpu.memory_space<vmem>>, vector<512x1024xf32>
    tpu.vector_store %arg6[%swap3A_130, %swap3A_131], %select_n3A_129 {strides = array<i32>} : memref<512x1024xf32, #tpu.memory_space<vmem>>, vector<512x1024xf32>,
    %get3A_133 = arith.constant 0 : index
    %get3A_134 = arith.constant 0 : index
    %get3A_135 = vector.load %arg6[%get3A_133, %get3A_134] : memref<512x1024xf32, #tpu.memory_space<vmem>>, vector<512x1024xf32>
    %reduce_min3A_136 = arith.constant dense<0x7F800000> : vector<512xf32>
    %reduce_min3A_137 = vector.multi_reduction <minimumf>, %get3A_135, %reduce_min3A_136 [1] : vector<512x1024xf32> to vector<512xf32>
    %broadcast_in_dim3A_138 = vector.shape_cast %reduce_min3A_137 : vector<512xf32> to vector<512x1xf32>
    %le3A_139 = vector.broadcast %broadcast_in_dim3A_138 : vector<512x1xf32> to vector<512x1024xf32>
    %le3A_140 = arith.cmpf ole, %get3A_135, %le3A_139 : vector<512x1024xf32>
    %jit3A_141 = arith.constant 1.024000e+03 : f32
    %broadcast_in_dim3A_142 = vector.broadcast %jit3A_141 : f32 to vector<512x1024xf32>
    %select_n3A_143 = arith.select %le3A_140, %convert_element_type3A, %broadcast_in_dim3A_142 : vector<512x1024xi1>, vector<512x1024xf32>
    %reduce_min3A_144 = arith.constant dense<0x7F800000> : vector<512xf32>
    %reduce_min3A_145 = vector.multi_reduction <minimumf>, %select_n3A_143, %reduce_min3A_144 [1] : vector<512x1024xf32> to vector<512xf32>
    %broadcast_in_dim3A_146 = vector.shape_cast %reduce_min3A_145 : vector<512xf32> to vector<512x1xf32>
    %eq3A_147 = vector.broadcast %broadcast_in_dim3A_146 : vector<512x1xf32> to vector<512x1024xf32>
    %eq3A_148 = arith.cmpf oeq, %select_n3A_143, %eq3A_147 : vector<512x1024xf32>
    %convert_element_type3A_149 = arith.fptosi %broadcast_in_dim3A_146 : vector<512x1xf32> to vector<512x1xi32>
    %mul3A_150 = arith.constant 1024 : i32
    %mul3A_151 = arith.muli %arg0, %mul3A_150 : i32
    %add3A_152 = vector.broadcast %mul3A_151 : i32 to vector<512x1xi32>
    %add3A_153 = arith.addi %convert_element_type3A_149, %add3A_152 : vector<512x1xi32>
    %swap3A_154 = arith.constant 0 : index
    %swap3A_155 = arith.constant 0 : index
    %swap3A_156 = arith.constant 3 : index
    %swap3A_157 = vector.load %arg4[%swap3A_154, %swap3A_155, %swap3A_156] : memref<1x512x20xi32, #tpu.memory_space<vmem>>, vector<1x512x1xi32>
    %swap3A_158 = vector.shape_cast %swap3A_157 : vector<1x512x1xi32> to vector<512x1xi32>
    %swap3A_159 = vector.shape_cast %add3A_153 : vector<512x1xi32> to vector<1x512x1xi32>
    tpu.vector_store %arg4[%swap3A_154, %swap3A_155, %swap3A_156], %swap3A_159 {strides = array<i32>} : memref<1x512x20xi32, #tpu.memory_space<vmem>>, vector<1x512x1xi32>,
    %jit3A_160 = arith.constant 3.000000e+38 : f32
    %broadcast_in_dim3A_161 = vector.broadcast %jit3A_160 : f32 to vector<512x1024xf32>
    %select_n3A_162 = arith.select %eq3A_148, %broadcast_in_dim3A_161, %get3A_135 : vector<512x1024xi1>, vector<512x1024xf32>
    %swap3A_163 = arith.constant 0 : index
    %swap3A_164 = arith.constant 0 : index
    %swap3A_165 = vector.load %arg6[%swap3A_163, %swap3A_164] : memref<512x1024xf32, #tpu.memory_space<vmem>>, vector<512x1024xf32>
    tpu.vector_store %arg6[%swap3A_163, %swap3A_164], %select_n3A_162 {strides = array<i32>} : memref<512x1024xf32, #tpu.memory_space<vmem>>, vector<512x1024xf32>,
    %get3A_166 = arith.constant 0 : index
    %get3A_167 = arith.constant 0 : index
    %get3A_168 = vector.load %arg6[%get3A_166, %get3A_167] : memref<512x1024xf32, #tpu.memory_space<vmem>>, vector<512x1024xf32>
    %reduce_min3A_169 = arith.constant dense<0x7F800000> : vector<512xf32>
    %reduce_min3A_170 = vector.multi_reduction <minimumf>, %get3A_168, %reduce_min3A_169 [1] : vector<512x1024xf32> to vector<512xf32>
    %broadcast_in_dim3A_171 = vector.shape_cast %reduce_min3A_170 : vector<512xf32> to vector<512x1xf32>
    %le3A_172 = vector.broadcast %broadcast_in_dim3A_171 : vector<512x1xf32> to vector<512x1024xf32>
    %le3A_173 = arith.cmpf ole, %get3A_168, %le3A_172 : vector<512x1024xf32>
    %jit3A_174 = arith.constant 1.024000e+03 : f32
    %broadcast_in_dim3A_175 = vector.broadcast %jit3A_174 : f32 to vector<512x1024xf32>
    %select_n3A_176 = arith.select %le3A_173, %convert_element_type3A, %broadcast_in_dim3A_175 : vector<512x1024xi1>, vector<512x1024xf32>
    %reduce_min3A_177 = arith.constant dense<0x7F800000> : vector<512xf32>
    %reduce_min3A_178 = vector.multi_reduction <minimumf>, %select_n3A_176, %reduce_min3A_177 [1] : vector<512x1024xf32> to vector<512xf32>
    %broadcast_in_dim3A_179 = vector.shape_cast %reduce_min3A_178 : vector<512xf32> to vector<512x1xf32>
    %eq3A_180 = vector.broadcast %broadcast_in_dim3A_179 : vector<512x1xf32> to vector<512x1024xf32>
    %eq3A_181 = arith.cmpf oeq, %select_n3A_176, %eq3A_180 : vector<512x1024xf32>
    %convert_element_type3A_182 = arith.fptosi %broadcast_in_dim3A_179 : vector<512x1xf32> to vector<512x1xi32>
    %mul3A_183 = arith.constant 1024 : i32
    %mul3A_184 = arith.muli %arg0, %mul3A_183 : i32
    %add3A_185 = vector.broadcast %mul3A_184 : i32 to vector<512x1xi32>
    %add3A_186 = arith.addi %convert_element_type3A_182, %add3A_185 : vector<512x1xi32>
    %swap3A_187 = arith.constant 0 : index
    %swap3A_188 = arith.constant 0 : index
    %swap3A_189 = arith.constant 4 : index
    %swap3A_190 = vector.load %arg4[%swap3A_187, %swap3A_188, %swap3A_189] : memref<1x512x20xi32, #tpu.memory_space<vmem>>, vector<1x512x1xi32>
    %swap3A_191 = vector.shape_cast %swap3A_190 : vector<1x512x1xi32> to vector<512x1xi32>
    %swap3A_192 = vector.shape_cast %add3A_186 : vector<512x1xi32> to vector<1x512x1xi32>
    tpu.vector_store %arg4[%swap3A_187, %swap3A_188, %swap3A_189], %swap3A_192 {strides = array<i32>} : memref<1x512x20xi32, #tpu.memory_space<vmem>>, vector<1x512x1xi32>,
    %jit3A_193 = arith.constant 3.000000e+38 : f32
    %broadcast_in_dim3A_194 = vector.broadcast %jit3A_193 : f32 to vector<512x1024xf32>
    %select_n3A_195 = arith.select %eq3A_181, %broadcast_in_dim3A_194, %get3A_168 : vector<512x1024xi1>, vector<512x1024xf32>
    %swap3A_196 = arith.constant 0 : index
    %swap3A_197 = arith.constant 0 : index
    %swap3A_198 = vector.load %arg6[%swap3A_196, %swap3A_197] : memref<512x1024xf32, #tpu.memory_space<vmem>>, vector<512x1024xf32>
    tpu.vector_store %arg6[%swap3A_196, %swap3A_197], %select_n3A_195 {strides = array<i32>} : memref<512x1024xf32, #tpu.memory_space<vmem>>, vector<512x1024xf32>,
    %get3A_199 = arith.constant 0 : index
    %get3A_200 = arith.constant 0 : index
    %get3A_201 = vector.load %arg6[%get3A_199, %get3A_200] : memref<512x1024xf32, #tpu.memory_space<vmem>>, vector<512x1024xf32>
    %reduce_min3A_202 = arith.constant dense<0x7F800000> : vector<512xf32>
    %reduce_min3A_203 = vector.multi_reduction <minimumf>, %get3A_201, %reduce_min3A_202 [1] : vector<512x1024xf32> to vector<512xf32>
    %broadcast_in_dim3A_204 = vector.shape_cast %reduce_min3A_203 : vector<512xf32> to vector<512x1xf32>
    %le3A_205 = vector.broadcast %broadcast_in_dim3A_204 : vector<512x1xf32> to vector<512x1024xf32>
    %le3A_206 = arith.cmpf ole, %get3A_201, %le3A_205 : vector<512x1024xf32>
    %jit3A_207 = arith.constant 1.024000e+03 : f32
    %broadcast_in_dim3A_208 = vector.broadcast %jit3A_207 : f32 to vector<512x1024xf32>
    %select_n3A_209 = arith.select %le3A_206, %convert_element_type3A, %broadcast_in_dim3A_208 : vector<512x1024xi1>, vector<512x1024xf32>
    %reduce_min3A_210 = arith.constant dense<0x7F800000> : vector<512xf32>
    %reduce_min3A_211 = vector.multi_reduction <minimumf>, %select_n3A_209, %reduce_min3A_210 [1] : vector<512x1024xf32> to vector<512xf32>
    %broadcast_in_dim3A_212 = vector.shape_cast %reduce_min3A_211 : vector<512xf32> to vector<512x1xf32>
    %eq3A_213 = vector.broadcast %broadcast_in_dim3A_212 : vector<512x1xf32> to vector<512x1024xf32>
    %eq3A_214 = arith.cmpf oeq, %select_n3A_209, %eq3A_213 : vector<512x1024xf32>
    %convert_element_type3A_215 = arith.fptosi %broadcast_in_dim3A_212 : vector<512x1xf32> to vector<512x1xi32>
    %mul3A_216 = arith.constant 1024 : i32
    %mul3A_217 = arith.muli %arg0, %mul3A_216 : i32
    %add3A_218 = vector.broadcast %mul3A_217 : i32 to vector<512x1xi32>
    %add3A_219 = arith.addi %convert_element_type3A_215, %add3A_218 : vector<512x1xi32>
    %swap3A_220 = arith.constant 0 : index
    %swap3A_221 = arith.constant 0 : index
    %swap3A_222 = arith.constant 5 : index
    %swap3A_223 = vector.load %arg4[%swap3A_220, %swap3A_221, %swap3A_222] : memref<1x512x20xi32, #tpu.memory_space<vmem>>, vector<1x512x1xi32>
    %swap3A_224 = vector.shape_cast %swap3A_223 : vector<1x512x1xi32> to vector<512x1xi32>
    %swap3A_225 = vector.shape_cast %add3A_219 : vector<512x1xi32> to vector<1x512x1xi32>
    tpu.vector_store %arg4[%swap3A_220, %swap3A_221, %swap3A_222], %swap3A_225 {strides = array<i32>} : memref<1x512x20xi32, #tpu.memory_space<vmem>>, vector<1x512x1xi32>,
    %jit3A_226 = arith.constant 3.000000e+38 : f32
    %broadcast_in_dim3A_227 = vector.broadcast %jit3A_226 : f32 to vector<512x1024xf32>
    %select_n3A_228 = arith.select %eq3A_214, %broadcast_in_dim3A_227, %get3A_201 : vector<512x1024xi1>, vector<512x1024xf32>
    %swap3A_229 = arith.constant 0 : index
    %swap3A_230 = arith.constant 0 : index
    %swap3A_231 = vector.load %arg6[%swap3A_229, %swap3A_230] : memref<512x1024xf32, #tpu.memory_space<vmem>>, vector<512x1024xf32>
    tpu.vector_store %arg6[%swap3A_229, %swap3A_230], %select_n3A_228 {strides = array<i32>} : memref<512x1024xf32, #tpu.memory_space<vmem>>, vector<512x1024xf32>,
    %get3A_232 = arith.constant 0 : index
    %get3A_233 = arith.constant 0 : index
    %get3A_234 = vector.load %arg6[%get3A_232, %get3A_233] : memref<512x1024xf32, #tpu.memory_space<vmem>>, vector<512x1024xf32>
    %reduce_min3A_235 = arith.constant dense<0x7F800000> : vector<512xf32>
    %reduce_min3A_236 = vector.multi_reduction <minimumf>, %get3A_234, %reduce_min3A_235 [1] : vector<512x1024xf32> to vector<512xf32>
    %broadcast_in_dim3A_237 = vector.shape_cast %reduce_min3A_236 : vector<512xf32> to vector<512x1xf32>
    %le3A_238 = vector.broadcast %broadcast_in_dim3A_237 : vector<512x1xf32> to vector<512x1024xf32>
    %le3A_239 = arith.cmpf ole, %get3A_234, %le3A_238 : vector<512x1024xf32>
    %jit3A_240 = arith.constant 1.024000e+03 : f32
    %broadcast_in_dim3A_241 = vector.broadcast %jit3A_240 : f32 to vector<512x1024xf32>
    %select_n3A_242 = arith.select %le3A_239, %convert_element_type3A, %broadcast_in_dim3A_241 : vector<512x1024xi1>, vector<512x1024xf32>
    %reduce_min3A_243 = arith.constant dense<0x7F800000> : vector<512xf32>
    %reduce_min3A_244 = vector.multi_reduction <minimumf>, %select_n3A_242, %reduce_min3A_243 [1] : vector<512x1024xf32> to vector<512xf32>
    %broadcast_in_dim3A_245 = vector.shape_cast %reduce_min3A_244 : vector<512xf32> to vector<512x1xf32>
    %eq3A_246 = vector.broadcast %broadcast_in_dim3A_245 : vector<512x1xf32> to vector<512x1024xf32>
    %eq3A_247 = arith.cmpf oeq, %select_n3A_242, %eq3A_246 : vector<512x1024xf32>
    %convert_element_type3A_248 = arith.fptosi %broadcast_in_dim3A_245 : vector<512x1xf32> to vector<512x1xi32>
    %mul3A_249 = arith.constant 1024 : i32
    %mul3A_250 = arith.muli %arg0, %mul3A_249 : i32
    %add3A_251 = vector.broadcast %mul3A_250 : i32 to vector<512x1xi32>
    %add3A_252 = arith.addi %convert_element_type3A_248, %add3A_251 : vector<512x1xi32>
    %swap3A_253 = arith.constant 0 : index
    %swap3A_254 = arith.constant 0 : index
    %swap3A_255 = arith.constant 6 : index
    %swap3A_256 = vector.load %arg4[%swap3A_253, %swap3A_254, %swap3A_255] : memref<1x512x20xi32, #tpu.memory_space<vmem>>, vector<1x512x1xi32>
    %swap3A_257 = vector.shape_cast %swap3A_256 : vector<1x512x1xi32> to vector<512x1xi32>
    %swap3A_258 = vector.shape_cast %add3A_252 : vector<512x1xi32> to vector<1x512x1xi32>
    tpu.vector_store %arg4[%swap3A_253, %swap3A_254, %swap3A_255], %swap3A_258 {strides = array<i32>} : memref<1x512x20xi32, #tpu.memory_space<vmem>>, vector<1x512x1xi32>,
    %jit3A_259 = arith.constant 3.000000e+38 : f32
    %broadcast_in_dim3A_260 = vector.broadcast %jit3A_259 : f32 to vector<512x1024xf32>
    %select_n3A_261 = arith.select %eq3A_247, %broadcast_in_dim3A_260, %get3A_234 : vector<512x1024xi1>, vector<512x1024xf32>
    %swap3A_262 = arith.constant 0 : index
    %swap3A_263 = arith.constant 0 : index
    %swap3A_264 = vector.load %arg6[%swap3A_262, %swap3A_263] : memref<512x1024xf32, #tpu.memory_space<vmem>>, vector<512x1024xf32>
    tpu.vector_store %arg6[%swap3A_262, %swap3A_263], %select_n3A_261 {strides = array<i32>} : memref<512x1024xf32, #tpu.memory_space<vmem>>, vector<512x1024xf32>,
    %get3A_265 = arith.constant 0 : index
    %get3A_266 = arith.constant 0 : index
    %get3A_267 = vector.load %arg6[%get3A_265, %get3A_266] : memref<512x1024xf32, #tpu.memory_space<vmem>>, vector<512x1024xf32>
    %reduce_min3A_268 = arith.constant dense<0x7F800000> : vector<512xf32>
    %reduce_min3A_269 = vector.multi_reduction <minimumf>, %get3A_267, %reduce_min3A_268 [1] : vector<512x1024xf32> to vector<512xf32>
    %broadcast_in_dim3A_270 = vector.shape_cast %reduce_min3A_269 : vector<512xf32> to vector<512x1xf32>
    %le3A_271 = vector.broadcast %broadcast_in_dim3A_270 : vector<512x1xf32> to vector<512x1024xf32>
    %le3A_272 = arith.cmpf ole, %get3A_267, %le3A_271 : vector<512x1024xf32>
    %jit3A_273 = arith.constant 1.024000e+03 : f32
    %broadcast_in_dim3A_274 = vector.broadcast %jit3A_273 : f32 to vector<512x1024xf32>
    %select_n3A_275 = arith.select %le3A_272, %convert_element_type3A, %broadcast_in_dim3A_274 : vector<512x1024xi1>, vector<512x1024xf32>
    %reduce_min3A_276 = arith.constant dense<0x7F800000> : vector<512xf32>
    %reduce_min3A_277 = vector.multi_reduction <minimumf>, %select_n3A_275, %reduce_min3A_276 [1] : vector<512x1024xf32> to vector<512xf32>
    %broadcast_in_dim3A_278 = vector.shape_cast %reduce_min3A_277 : vector<512xf32> to vector<512x1xf32>
    %eq3A_279 = vector.broadcast %broadcast_in_dim3A_278 : vector<512x1xf32> to vector<512x1024xf32>
    %eq3A_280 = arith.cmpf oeq, %select_n3A_275, %eq3A_279 : vector<512x1024xf32>
    %convert_element_type3A_281 = arith.fptosi %broadcast_in_dim3A_278 : vector<512x1xf32> to vector<512x1xi32>
    %mul3A_282 = arith.constant 1024 : i32
    %mul3A_283 = arith.muli %arg0, %mul3A_282 : i32
    %add3A_284 = vector.broadcast %mul3A_283 : i32 to vector<512x1xi32>
    %add3A_285 = arith.addi %convert_element_type3A_281, %add3A_284 : vector<512x1xi32>
    %swap3A_286 = arith.constant 0 : index
    %swap3A_287 = arith.constant 0 : index
    %swap3A_288 = arith.constant 7 : index
    %swap3A_289 = vector.load %arg4[%swap3A_286, %swap3A_287, %swap3A_288] : memref<1x512x20xi32, #tpu.memory_space<vmem>>, vector<1x512x1xi32>
    %swap3A_290 = vector.shape_cast %swap3A_289 : vector<1x512x1xi32> to vector<512x1xi32>
    %swap3A_291 = vector.shape_cast %add3A_285 : vector<512x1xi32> to vector<1x512x1xi32>
    tpu.vector_store %arg4[%swap3A_286, %swap3A_287, %swap3A_288], %swap3A_291 {strides = array<i32>} : memref<1x512x20xi32, #tpu.memory_space<vmem>>, vector<1x512x1xi32>,
    %jit3A_292 = arith.constant 3.000000e+38 : f32
    %broadcast_in_dim3A_293 = vector.broadcast %jit3A_292 : f32 to vector<512x1024xf32>
    %select_n3A_294 = arith.select %eq3A_280, %broadcast_in_dim3A_293, %get3A_267 : vector<512x1024xi1>, vector<512x1024xf32>
    %swap3A_295 = arith.constant 0 : index
    %swap3A_296 = arith.constant 0 : index
    %swap3A_297 = vector.load %arg6[%swap3A_295, %swap3A_296] : memref<512x1024xf32, #tpu.memory_space<vmem>>, vector<512x1024xf32>
    tpu.vector_store %arg6[%swap3A_295, %swap3A_296], %select_n3A_294 {strides = array<i32>} : memref<512x1024xf32, #tpu.memory_space<vmem>>, vector<512x1024xf32>,
    %get3A_298 = arith.constant 0 : index
    %get3A_299 = arith.constant 0 : index
    %get3A_300 = vector.load %arg6[%get3A_298, %get3A_299] : memref<512x1024xf32, #tpu.memory_space<vmem>>, vector<512x1024xf32>
    %reduce_min3A_301 = arith.constant dense<0x7F800000> : vector<512xf32>
    %reduce_min3A_302 = vector.multi_reduction <minimumf>, %get3A_300, %reduce_min3A_301 [1] : vector<512x1024xf32> to vector<512xf32>
    %broadcast_in_dim3A_303 = vector.shape_cast %reduce_min3A_302 : vector<512xf32> to vector<512x1xf32>
    %le3A_304 = vector.broadcast %broadcast_in_dim3A_303 : vector<512x1xf32> to vector<512x1024xf32>
    %le3A_305 = arith.cmpf ole, %get3A_300, %le3A_304 : vector<512x1024xf32>
    %jit3A_306 = arith.constant 1.024000e+03 : f32
    %broadcast_in_dim3A_307 = vector.broadcast %jit3A_306 : f32 to vector<512x1024xf32>
    %select_n3A_308 = arith.select %le3A_305, %convert_element_type3A, %broadcast_in_dim3A_307 : vector<512x1024xi1>, vector<512x1024xf32>
    %reduce_min3A_309 = arith.constant dense<0x7F800000> : vector<512xf32>
    %reduce_min3A_310 = vector.multi_reduction <minimumf>, %select_n3A_308, %reduce_min3A_309 [1] : vector<512x1024xf32> to vector<512xf32>
    %broadcast_in_dim3A_311 = vector.shape_cast %reduce_min3A_310 : vector<512xf32> to vector<512x1xf32>
    %eq3A_312 = vector.broadcast %broadcast_in_dim3A_311 : vector<512x1xf32> to vector<512x1024xf32>
    %eq3A_313 = arith.cmpf oeq, %select_n3A_308, %eq3A_312 : vector<512x1024xf32>
    %convert_element_type3A_314 = arith.fptosi %broadcast_in_dim3A_311 : vector<512x1xf32> to vector<512x1xi32>
    %mul3A_315 = arith.constant 1024 : i32
    %mul3A_316 = arith.muli %arg0, %mul3A_315 : i32
    %add3A_317 = vector.broadcast %mul3A_316 : i32 to vector<512x1xi32>
    %add3A_318 = arith.addi %convert_element_type3A_314, %add3A_317 : vector<512x1xi32>
    %swap3A_319 = arith.constant 0 : index
    %swap3A_320 = arith.constant 0 : index
    %swap3A_321 = arith.constant 8 : index
    %swap3A_322 = vector.load %arg4[%swap3A_319, %swap3A_320, %swap3A_321] : memref<1x512x20xi32, #tpu.memory_space<vmem>>, vector<1x512x1xi32>
    %swap3A_323 = vector.shape_cast %swap3A_322 : vector<1x512x1xi32> to vector<512x1xi32>
    %swap3A_324 = vector.shape_cast %add3A_318 : vector<512x1xi32> to vector<1x512x1xi32>
    tpu.vector_store %arg4[%swap3A_319, %swap3A_320, %swap3A_321], %swap3A_324 {strides = array<i32>} : memref<1x512x20xi32, #tpu.memory_space<vmem>>, vector<1x512x1xi32>,
    %jit3A_325 = arith.constant 3.000000e+38 : f32
    %broadcast_in_dim3A_326 = vector.broadcast %jit3A_325 : f32 to vector<512x1024xf32>
    %select_n3A_327 = arith.select %eq3A_313, %broadcast_in_dim3A_326, %get3A_300 : vector<512x1024xi1>, vector<512x1024xf32>
    %swap3A_328 = arith.constant 0 : index
    %swap3A_329 = arith.constant 0 : index
    %swap3A_330 = vector.load %arg6[%swap3A_328, %swap3A_329] : memref<512x1024xf32, #tpu.memory_space<vmem>>, vector<512x1024xf32>
    tpu.vector_store %arg6[%swap3A_328, %swap3A_329], %select_n3A_327 {strides = array<i32>} : memref<512x1024xf32, #tpu.memory_space<vmem>>, vector<512x1024xf32>,
    %get3A_331 = arith.constant 0 : index
    %get3A_332 = arith.constant 0 : index
    %get3A_333 = vector.load %arg6[%get3A_331, %get3A_332] : memref<512x1024xf32, #tpu.memory_space<vmem>>, vector<512x1024xf32>
    %reduce_min3A_334 = arith.constant dense<0x7F800000> : vector<512xf32>
    %reduce_min3A_335 = vector.multi_reduction <minimumf>, %get3A_333, %reduce_min3A_334 [1] : vector<512x1024xf32> to vector<512xf32>
    %broadcast_in_dim3A_336 = vector.shape_cast %reduce_min3A_335 : vector<512xf32> to vector<512x1xf32>
    %le3A_337 = vector.broadcast %broadcast_in_dim3A_336 : vector<512x1xf32> to vector<512x1024xf32>
    %le3A_338 = arith.cmpf ole, %get3A_333, %le3A_337 : vector<512x1024xf32>
    %jit3A_339 = arith.constant 1.024000e+03 : f32
    %broadcast_in_dim3A_340 = vector.broadcast %jit3A_339 : f32 to vector<512x1024xf32>
    %select_n3A_341 = arith.select %le3A_338, %convert_element_type3A, %broadcast_in_dim3A_340 : vector<512x1024xi1>, vector<512x1024xf32>
    %reduce_min3A_342 = arith.constant dense<0x7F800000> : vector<512xf32>
    %reduce_min3A_343 = vector.multi_reduction <minimumf>, %select_n3A_341, %reduce_min3A_342 [1] : vector<512x1024xf32> to vector<512xf32>
    %broadcast_in_dim3A_344 = vector.shape_cast %reduce_min3A_343 : vector<512xf32> to vector<512x1xf32>
    %eq3A_345 = vector.broadcast %broadcast_in_dim3A_344 : vector<512x1xf32> to vector<512x1024xf32>
    %eq3A_346 = arith.cmpf oeq, %select_n3A_341, %eq3A_345 : vector<512x1024xf32>
    %convert_element_type3A_347 = arith.fptosi %broadcast_in_dim3A_344 : vector<512x1xf32> to vector<512x1xi32>
    %mul3A_348 = arith.constant 1024 : i32
    %mul3A_349 = arith.muli %arg0, %mul3A_348 : i32
    %add3A_350 = vector.broadcast %mul3A_349 : i32 to vector<512x1xi32>
    %add3A_351 = arith.addi %convert_element_type3A_347, %add3A_350 : vector<512x1xi32>
    %swap3A_352 = arith.constant 0 : index
    %swap3A_353 = arith.constant 0 : index
    %swap3A_354 = arith.constant 9 : index
    %swap3A_355 = vector.load %arg4[%swap3A_352, %swap3A_353, %swap3A_354] : memref<1x512x20xi32, #tpu.memory_space<vmem>>, vector<1x512x1xi32>
    %swap3A_356 = vector.shape_cast %swap3A_355 : vector<1x512x1xi32> to vector<512x1xi32>
    %swap3A_357 = vector.shape_cast %add3A_351 : vector<512x1xi32> to vector<1x512x1xi32>
    tpu.vector_store %arg4[%swap3A_352, %swap3A_353, %swap3A_354], %swap3A_357 {strides = array<i32>} : memref<1x512x20xi32, #tpu.memory_space<vmem>>, vector<1x512x1xi32>,
    %jit3A_358 = arith.constant 3.000000e+38 : f32
    %broadcast_in_dim3A_359 = vector.broadcast %jit3A_358 : f32 to vector<512x1024xf32>
    %select_n3A_360 = arith.select %eq3A_346, %broadcast_in_dim3A_359, %get3A_333 : vector<512x1024xi1>, vector<512x1024xf32>
    %swap3A_361 = arith.constant 0 : index
    %swap3A_362 = arith.constant 0 : index
    %swap3A_363 = vector.load %arg6[%swap3A_361, %swap3A_362] : memref<512x1024xf32, #tpu.memory_space<vmem>>, vector<512x1024xf32>
    tpu.vector_store %arg6[%swap3A_361, %swap3A_362], %select_n3A_360 {strides = array<i32>} : memref<512x1024xf32, #tpu.memory_space<vmem>>, vector<512x1024xf32>,
    %get3A_364 = arith.constant 0 : index
    %get3A_365 = arith.constant 0 : index
    %get3A_366 = vector.load %arg6[%get3A_364, %get3A_365] : memref<512x1024xf32, #tpu.memory_space<vmem>>, vector<512x1024xf32>
    %reduce_min3A_367 = arith.constant dense<0x7F800000> : vector<512xf32>
    %reduce_min3A_368 = vector.multi_reduction <minimumf>, %get3A_366, %reduce_min3A_367 [1] : vector<512x1024xf32> to vector<512xf32>
    %broadcast_in_dim3A_369 = vector.shape_cast %reduce_min3A_368 : vector<512xf32> to vector<512x1xf32>
    %le3A_370 = vector.broadcast %broadcast_in_dim3A_369 : vector<512x1xf32> to vector<512x1024xf32>
    %le3A_371 = arith.cmpf ole, %get3A_366, %le3A_370 : vector<512x1024xf32>
    %jit3A_372 = arith.constant 1.024000e+03 : f32
    %broadcast_in_dim3A_373 = vector.broadcast %jit3A_372 : f32 to vector<512x1024xf32>
    %select_n3A_374 = arith.select %le3A_371, %convert_element_type3A, %broadcast_in_dim3A_373 : vector<512x1024xi1>, vector<512x1024xf32>
    %reduce_min3A_375 = arith.constant dense<0x7F800000> : vector<512xf32>
    %reduce_min3A_376 = vector.multi_reduction <minimumf>, %select_n3A_374, %reduce_min3A_375 [1] : vector<512x1024xf32> to vector<512xf32>
    %broadcast_in_dim3A_377 = vector.shape_cast %reduce_min3A_376 : vector<512xf32> to vector<512x1xf32>
    %eq3A_378 = vector.broadcast %broadcast_in_dim3A_377 : vector<512x1xf32> to vector<512x1024xf32>
    %eq3A_379 = arith.cmpf oeq, %select_n3A_374, %eq3A_378 : vector<512x1024xf32>
    %convert_element_type3A_380 = arith.fptosi %broadcast_in_dim3A_377 : vector<512x1xf32> to vector<512x1xi32>
    %mul3A_381 = arith.constant 1024 : i32
    %mul3A_382 = arith.muli %arg0, %mul3A_381 : i32
    %add3A_383 = vector.broadcast %mul3A_382 : i32 to vector<512x1xi32>
    %add3A_384 = arith.addi %convert_element_type3A_380, %add3A_383 : vector<512x1xi32>
    %swap3A_385 = arith.constant 0 : index
    %swap3A_386 = arith.constant 0 : index
    %swap3A_387 = arith.constant 10 : index
    %swap3A_388 = vector.load %arg4[%swap3A_385, %swap3A_386, %swap3A_387] : memref<1x512x20xi32, #tpu.memory_space<vmem>>, vector<1x512x1xi32>
    %swap3A_389 = vector.shape_cast %swap3A_388 : vector<1x512x1xi32> to vector<512x1xi32>
    %swap3A_390 = vector.shape_cast %add3A_384 : vector<512x1xi32> to vector<1x512x1xi32>
    tpu.vector_store %arg4[%swap3A_385, %swap3A_386, %swap3A_387], %swap3A_390 {strides = array<i32>} : memref<1x512x20xi32, #tpu.memory_space<vmem>>, vector<1x512x1xi32>,
    %jit3A_391 = arith.constant 3.000000e+38 : f32
    %broadcast_in_dim3A_392 = vector.broadcast %jit3A_391 : f32 to vector<512x1024xf32>
    %select_n3A_393 = arith.select %eq3A_379, %broadcast_in_dim3A_392, %get3A_366 : vector<512x1024xi1>, vector<512x1024xf32>
    %swap3A_394 = arith.constant 0 : index
    %swap3A_395 = arith.constant 0 : index
    %swap3A_396 = vector.load %arg6[%swap3A_394, %swap3A_395] : memref<512x1024xf32, #tpu.memory_space<vmem>>, vector<512x1024xf32>
    tpu.vector_store %arg6[%swap3A_394, %swap3A_395], %select_n3A_393 {strides = array<i32>} : memref<512x1024xf32, #tpu.memory_space<vmem>>, vector<512x1024xf32>,
    %get3A_397 = arith.constant 0 : index
    %get3A_398 = arith.constant 0 : index
    %get3A_399 = vector.load %arg6[%get3A_397, %get3A_398] : memref<512x1024xf32, #tpu.memory_space<vmem>>, vector<512x1024xf32>
    %reduce_min3A_400 = arith.constant dense<0x7F800000> : vector<512xf32>
    %reduce_min3A_401 = vector.multi_reduction <minimumf>, %get3A_399, %reduce_min3A_400 [1] : vector<512x1024xf32> to vector<512xf32>
    %broadcast_in_dim3A_402 = vector.shape_cast %reduce_min3A_401 : vector<512xf32> to vector<512x1xf32>
    %le3A_403 = vector.broadcast %broadcast_in_dim3A_402 : vector<512x1xf32> to vector<512x1024xf32>
    %le3A_404 = arith.cmpf ole, %get3A_399, %le3A_403 : vector<512x1024xf32>
    %jit3A_405 = arith.constant 1.024000e+03 : f32
    %broadcast_in_dim3A_406 = vector.broadcast %jit3A_405 : f32 to vector<512x1024xf32>
    %select_n3A_407 = arith.select %le3A_404, %convert_element_type3A, %broadcast_in_dim3A_406 : vector<512x1024xi1>, vector<512x1024xf32>
    %reduce_min3A_408 = arith.constant dense<0x7F800000> : vector<512xf32>
    %reduce_min3A_409 = vector.multi_reduction <minimumf>, %select_n3A_407, %reduce_min3A_408 [1] : vector<512x1024xf32> to vector<512xf32>
    %broadcast_in_dim3A_410 = vector.shape_cast %reduce_min3A_409 : vector<512xf32> to vector<512x1xf32>
    %eq3A_411 = vector.broadcast %broadcast_in_dim3A_410 : vector<512x1xf32> to vector<512x1024xf32>
    %eq3A_412 = arith.cmpf oeq, %select_n3A_407, %eq3A_411 : vector<512x1024xf32>
    %convert_element_type3A_413 = arith.fptosi %broadcast_in_dim3A_410 : vector<512x1xf32> to vector<512x1xi32>
    %mul3A_414 = arith.constant 1024 : i32
    %mul3A_415 = arith.muli %arg0, %mul3A_414 : i32
    %add3A_416 = vector.broadcast %mul3A_415 : i32 to vector<512x1xi32>
    %add3A_417 = arith.addi %convert_element_type3A_413, %add3A_416 : vector<512x1xi32>
    %swap3A_418 = arith.constant 0 : index
    %swap3A_419 = arith.constant 0 : index
    %swap3A_420 = arith.constant 11 : index
    %swap3A_421 = vector.load %arg4[%swap3A_418, %swap3A_419, %swap3A_420] : memref<1x512x20xi32, #tpu.memory_space<vmem>>, vector<1x512x1xi32>
    %swap3A_422 = vector.shape_cast %swap3A_421 : vector<1x512x1xi32> to vector<512x1xi32>
    %swap3A_423 = vector.shape_cast %add3A_417 : vector<512x1xi32> to vector<1x512x1xi32>
    tpu.vector_store %arg4[%swap3A_418, %swap3A_419, %swap3A_420], %swap3A_423 {strides = array<i32>} : memref<1x512x20xi32, #tpu.memory_space<vmem>>, vector<1x512x1xi32>,
    %jit3A_424 = arith.constant 3.000000e+38 : f32
    %broadcast_in_dim3A_425 = vector.broadcast %jit3A_424 : f32 to vector<512x1024xf32>
    %select_n3A_426 = arith.select %eq3A_412, %broadcast_in_dim3A_425, %get3A_399 : vector<512x1024xi1>, vector<512x1024xf32>
    %swap3A_427 = arith.constant 0 : index
    %swap3A_428 = arith.constant 0 : index
    %swap3A_429 = vector.load %arg6[%swap3A_427, %swap3A_428] : memref<512x1024xf32, #tpu.memory_space<vmem>>, vector<512x1024xf32>
    tpu.vector_store %arg6[%swap3A_427, %swap3A_428], %select_n3A_426 {strides = array<i32>} : memref<512x1024xf32, #tpu.memory_space<vmem>>, vector<512x1024xf32>,
    %get3A_430 = arith.constant 0 : index
    %get3A_431 = arith.constant 0 : index
    %get3A_432 = vector.load %arg6[%get3A_430, %get3A_431] : memref<512x1024xf32, #tpu.memory_space<vmem>>, vector<512x1024xf32>
    %reduce_min3A_433 = arith.constant dense<0x7F800000> : vector<512xf32>
    %reduce_min3A_434 = vector.multi_reduction <minimumf>, %get3A_432, %reduce_min3A_433 [1] : vector<512x1024xf32> to vector<512xf32>
    %broadcast_in_dim3A_435 = vector.shape_cast %reduce_min3A_434 : vector<512xf32> to vector<512x1xf32>
    %le3A_436 = vector.broadcast %broadcast_in_dim3A_435 : vector<512x1xf32> to vector<512x1024xf32>
    %le3A_437 = arith.cmpf ole, %get3A_432, %le3A_436 : vector<512x1024xf32>
    %jit3A_438 = arith.constant 1.024000e+03 : f32
    %broadcast_in_dim3A_439 = vector.broadcast %jit3A_438 : f32 to vector<512x1024xf32>
    %select_n3A_440 = arith.select %le3A_437, %convert_element_type3A, %broadcast_in_dim3A_439 : vector<512x1024xi1>, vector<512x1024xf32>
    %reduce_min3A_441 = arith.constant dense<0x7F800000> : vector<512xf32>
    %reduce_min3A_442 = vector.multi_reduction <minimumf>, %select_n3A_440, %reduce_min3A_441 [1] : vector<512x1024xf32> to vector<512xf32>
    %broadcast_in_dim3A_443 = vector.shape_cast %reduce_min3A_442 : vector<512xf32> to vector<512x1xf32>
    %eq3A_444 = vector.broadcast %broadcast_in_dim3A_443 : vector<512x1xf32> to vector<512x1024xf32>
    %eq3A_445 = arith.cmpf oeq, %select_n3A_440, %eq3A_444 : vector<512x1024xf32>
    %convert_element_type3A_446 = arith.fptosi %broadcast_in_dim3A_443 : vector<512x1xf32> to vector<512x1xi32>
    %mul3A_447 = arith.constant 1024 : i32
    %mul3A_448 = arith.muli %arg0, %mul3A_447 : i32
    %add3A_449 = vector.broadcast %mul3A_448 : i32 to vector<512x1xi32>
    %add3A_450 = arith.addi %convert_element_type3A_446, %add3A_449 : vector<512x1xi32>
    %swap3A_451 = arith.constant 0 : index
    %swap3A_452 = arith.constant 0 : index
    %swap3A_453 = arith.constant 12 : index
    %swap3A_454 = vector.load %arg4[%swap3A_451, %swap3A_452, %swap3A_453] : memref<1x512x20xi32, #tpu.memory_space<vmem>>, vector<1x512x1xi32>
    %swap3A_455 = vector.shape_cast %swap3A_454 : vector<1x512x1xi32> to vector<512x1xi32>
    %swap3A_456 = vector.shape_cast %add3A_450 : vector<512x1xi32> to vector<1x512x1xi32>
    tpu.vector_store %arg4[%swap3A_451, %swap3A_452, %swap3A_453], %swap3A_456 {strides = array<i32>} : memref<1x512x20xi32, #tpu.memory_space<vmem>>, vector<1x512x1xi32>,
    %jit3A_457 = arith.constant 3.000000e+38 : f32
    %broadcast_in_dim3A_458 = vector.broadcast %jit3A_457 : f32 to vector<512x1024xf32>
    %select_n3A_459 = arith.select %eq3A_445, %broadcast_in_dim3A_458, %get3A_432 : vector<512x1024xi1>, vector<512x1024xf32>
    %swap3A_460 = arith.constant 0 : index
    %swap3A_461 = arith.constant 0 : index
    %swap3A_462 = vector.load %arg6[%swap3A_460, %swap3A_461] : memref<512x1024xf32, #tpu.memory_space<vmem>>, vector<512x1024xf32>
    tpu.vector_store %arg6[%swap3A_460, %swap3A_461], %select_n3A_459 {strides = array<i32>} : memref<512x1024xf32, #tpu.memory_space<vmem>>, vector<512x1024xf32>,
    %get3A_463 = arith.constant 0 : index
    %get3A_464 = arith.constant 0 : index
    %get3A_465 = vector.load %arg6[%get3A_463, %get3A_464] : memref<512x1024xf32, #tpu.memory_space<vmem>>, vector<512x1024xf32>
    %reduce_min3A_466 = arith.constant dense<0x7F800000> : vector<512xf32>
    %reduce_min3A_467 = vector.multi_reduction <minimumf>, %get3A_465, %reduce_min3A_466 [1] : vector<512x1024xf32> to vector<512xf32>
    %broadcast_in_dim3A_468 = vector.shape_cast %reduce_min3A_467 : vector<512xf32> to vector<512x1xf32>
    %le3A_469 = vector.broadcast %broadcast_in_dim3A_468 : vector<512x1xf32> to vector<512x1024xf32>
    %le3A_470 = arith.cmpf ole, %get3A_465, %le3A_469 : vector<512x1024xf32>
    %jit3A_471 = arith.constant 1.024000e+03 : f32
    %broadcast_in_dim3A_472 = vector.broadcast %jit3A_471 : f32 to vector<512x1024xf32>
    %select_n3A_473 = arith.select %le3A_470, %convert_element_type3A, %broadcast_in_dim3A_472 : vector<512x1024xi1>, vector<512x1024xf32>
    %reduce_min3A_474 = arith.constant dense<0x7F800000> : vector<512xf32>
    %reduce_min3A_475 = vector.multi_reduction <minimumf>, %select_n3A_473, %reduce_min3A_474 [1] : vector<512x1024xf32> to vector<512xf32>
    %broadcast_in_dim3A_476 = vector.shape_cast %reduce_min3A_475 : vector<512xf32> to vector<512x1xf32>
    %eq3A_477 = vector.broadcast %broadcast_in_dim3A_476 : vector<512x1xf32> to vector<512x1024xf32>
    %eq3A_478 = arith.cmpf oeq, %select_n3A_473, %eq3A_477 : vector<512x1024xf32>
    %convert_element_type3A_479 = arith.fptosi %broadcast_in_dim3A_476 : vector<512x1xf32> to vector<512x1xi32>
    %mul3A_480 = arith.constant 1024 : i32
    %mul3A_481 = arith.muli %arg0, %mul3A_480 : i32
    %add3A_482 = vector.broadcast %mul3A_481 : i32 to vector<512x1xi32>
    %add3A_483 = arith.addi %convert_element_type3A_479, %add3A_482 : vector<512x1xi32>
    %swap3A_484 = arith.constant 0 : index
    %swap3A_485 = arith.constant 0 : index
    %swap3A_486 = arith.constant 13 : index
    %swap3A_487 = vector.load %arg4[%swap3A_484, %swap3A_485, %swap3A_486] : memref<1x512x20xi32, #tpu.memory_space<vmem>>, vector<1x512x1xi32>
    %swap3A_488 = vector.shape_cast %swap3A_487 : vector<1x512x1xi32> to vector<512x1xi32>
    %swap3A_489 = vector.shape_cast %add3A_483 : vector<512x1xi32> to vector<1x512x1xi32>
    tpu.vector_store %arg4[%swap3A_484, %swap3A_485, %swap3A_486], %swap3A_489 {strides = array<i32>} : memref<1x512x20xi32, #tpu.memory_space<vmem>>, vector<1x512x1xi32>,
    %jit3A_490 = arith.constant 3.000000e+38 : f32
    %broadcast_in_dim3A_491 = vector.broadcast %jit3A_490 : f32 to vector<512x1024xf32>
    %select_n3A_492 = arith.select %eq3A_478, %broadcast_in_dim3A_491, %get3A_465 : vector<512x1024xi1>, vector<512x1024xf32>
    %swap3A_493 = arith.constant 0 : index
    %swap3A_494 = arith.constant 0 : index
    %swap3A_495 = vector.load %arg6[%swap3A_493, %swap3A_494] : memref<512x1024xf32, #tpu.memory_space<vmem>>, vector<512x1024xf32>
    tpu.vector_store %arg6[%swap3A_493, %swap3A_494], %select_n3A_492 {strides = array<i32>} : memref<512x1024xf32, #tpu.memory_space<vmem>>, vector<512x1024xf32>,
    %get3A_496 = arith.constant 0 : index
    %get3A_497 = arith.constant 0 : index
    %get3A_498 = vector.load %arg6[%get3A_496, %get3A_497] : memref<512x1024xf32, #tpu.memory_space<vmem>>, vector<512x1024xf32>
    %reduce_min3A_499 = arith.constant dense<0x7F800000> : vector<512xf32>
    %reduce_min3A_500 = vector.multi_reduction <minimumf>, %get3A_498, %reduce_min3A_499 [1] : vector<512x1024xf32> to vector<512xf32>
    %broadcast_in_dim3A_501 = vector.shape_cast %reduce_min3A_500 : vector<512xf32> to vector<512x1xf32>
    %le3A_502 = vector.broadcast %broadcast_in_dim3A_501 : vector<512x1xf32> to vector<512x1024xf32>
    %le3A_503 = arith.cmpf ole, %get3A_498, %le3A_502 : vector<512x1024xf32>
    %jit3A_504 = arith.constant 1.024000e+03 : f32
    %broadcast_in_dim3A_505 = vector.broadcast %jit3A_504 : f32 to vector<512x1024xf32>
    %select_n3A_506 = arith.select %le3A_503, %convert_element_type3A, %broadcast_in_dim3A_505 : vector<512x1024xi1>, vector<512x1024xf32>
    %reduce_min3A_507 = arith.constant dense<0x7F800000> : vector<512xf32>
    %reduce_min3A_508 = vector.multi_reduction <minimumf>, %select_n3A_506, %reduce_min3A_507 [1] : vector<512x1024xf32> to vector<512xf32>
    %broadcast_in_dim3A_509 = vector.shape_cast %reduce_min3A_508 : vector<512xf32> to vector<512x1xf32>
    %eq3A_510 = vector.broadcast %broadcast_in_dim3A_509 : vector<512x1xf32> to vector<512x1024xf32>
    %eq3A_511 = arith.cmpf oeq, %select_n3A_506, %eq3A_510 : vector<512x1024xf32>
    %convert_element_type3A_512 = arith.fptosi %broadcast_in_dim3A_509 : vector<512x1xf32> to vector<512x1xi32>
    %mul3A_513 = arith.constant 1024 : i32
    %mul3A_514 = arith.muli %arg0, %mul3A_513 : i32
    %add3A_515 = vector.broadcast %mul3A_514 : i32 to vector<512x1xi32>
    %add3A_516 = arith.addi %convert_element_type3A_512, %add3A_515 : vector<512x1xi32>
    %swap3A_517 = arith.constant 0 : index
    %swap3A_518 = arith.constant 0 : index
    %swap3A_519 = arith.constant 14 : index
    %swap3A_520 = vector.load %arg4[%swap3A_517, %swap3A_518, %swap3A_519] : memref<1x512x20xi32, #tpu.memory_space<vmem>>, vector<1x512x1xi32>
    %swap3A_521 = vector.shape_cast %swap3A_520 : vector<1x512x1xi32> to vector<512x1xi32>
    %swap3A_522 = vector.shape_cast %add3A_516 : vector<512x1xi32> to vector<1x512x1xi32>
    tpu.vector_store %arg4[%swap3A_517, %swap3A_518, %swap3A_519], %swap3A_522 {strides = array<i32>} : memref<1x512x20xi32, #tpu.memory_space<vmem>>, vector<1x512x1xi32>,
    %jit3A_523 = arith.constant 3.000000e+38 : f32
    %broadcast_in_dim3A_524 = vector.broadcast %jit3A_523 : f32 to vector<512x1024xf32>
    %select_n3A_525 = arith.select %eq3A_511, %broadcast_in_dim3A_524, %get3A_498 : vector<512x1024xi1>, vector<512x1024xf32>
    %swap3A_526 = arith.constant 0 : index
    %swap3A_527 = arith.constant 0 : index
    %swap3A_528 = vector.load %arg6[%swap3A_526, %swap3A_527] : memref<512x1024xf32, #tpu.memory_space<vmem>>, vector<512x1024xf32>
    tpu.vector_store %arg6[%swap3A_526, %swap3A_527], %select_n3A_525 {strides = array<i32>} : memref<512x1024xf32, #tpu.memory_space<vmem>>, vector<512x1024xf32>,
    %get3A_529 = arith.constant 0 : index
    %get3A_530 = arith.constant 0 : index
    %get3A_531 = vector.load %arg6[%get3A_529, %get3A_530] : memref<512x1024xf32, #tpu.memory_space<vmem>>, vector<512x1024xf32>
    %reduce_min3A_532 = arith.constant dense<0x7F800000> : vector<512xf32>
    %reduce_min3A_533 = vector.multi_reduction <minimumf>, %get3A_531, %reduce_min3A_532 [1] : vector<512x1024xf32> to vector<512xf32>
    %broadcast_in_dim3A_534 = vector.shape_cast %reduce_min3A_533 : vector<512xf32> to vector<512x1xf32>
    %le3A_535 = vector.broadcast %broadcast_in_dim3A_534 : vector<512x1xf32> to vector<512x1024xf32>
    %le3A_536 = arith.cmpf ole, %get3A_531, %le3A_535 : vector<512x1024xf32>
    %jit3A_537 = arith.constant 1.024000e+03 : f32
    %broadcast_in_dim3A_538 = vector.broadcast %jit3A_537 : f32 to vector<512x1024xf32>
    %select_n3A_539 = arith.select %le3A_536, %convert_element_type3A, %broadcast_in_dim3A_538 : vector<512x1024xi1>, vector<512x1024xf32>
    %reduce_min3A_540 = arith.constant dense<0x7F800000> : vector<512xf32>
    %reduce_min3A_541 = vector.multi_reduction <minimumf>, %select_n3A_539, %reduce_min3A_540 [1] : vector<512x1024xf32> to vector<512xf32>
    %broadcast_in_dim3A_542 = vector.shape_cast %reduce_min3A_541 : vector<512xf32> to vector<512x1xf32>
    %eq3A_543 = vector.broadcast %broadcast_in_dim3A_542 : vector<512x1xf32> to vector<512x1024xf32>
    %eq3A_544 = arith.cmpf oeq, %select_n3A_539, %eq3A_543 : vector<512x1024xf32>
    %convert_element_type3A_545 = arith.fptosi %broadcast_in_dim3A_542 : vector<512x1xf32> to vector<512x1xi32>
    %mul3A_546 = arith.constant 1024 : i32
    %mul3A_547 = arith.muli %arg0, %mul3A_546 : i32
    %add3A_548 = vector.broadcast %mul3A_547 : i32 to vector<512x1xi32>
    %add3A_549 = arith.addi %convert_element_type3A_545, %add3A_548 : vector<512x1xi32>
    %swap3A_550 = arith.constant 0 : index
    %swap3A_551 = arith.constant 0 : index
    %swap3A_552 = arith.constant 15 : index
    %swap3A_553 = vector.load %arg4[%swap3A_550, %swap3A_551, %swap3A_552] : memref<1x512x20xi32, #tpu.memory_space<vmem>>, vector<1x512x1xi32>
    %swap3A_554 = vector.shape_cast %swap3A_553 : vector<1x512x1xi32> to vector<512x1xi32>
    %swap3A_555 = vector.shape_cast %add3A_549 : vector<512x1xi32> to vector<1x512x1xi32>
    tpu.vector_store %arg4[%swap3A_550, %swap3A_551, %swap3A_552], %swap3A_555 {strides = array<i32>} : memref<1x512x20xi32, #tpu.memory_space<vmem>>, vector<1x512x1xi32>,
    %jit3A_556 = arith.constant 3.000000e+38 : f32
    %broadcast_in_dim3A_557 = vector.broadcast %jit3A_556 : f32 to vector<512x1024xf32>
    %select_n3A_558 = arith.select %eq3A_544, %broadcast_in_dim3A_557, %get3A_531 : vector<512x1024xi1>, vector<512x1024xf32>
    %swap3A_559 = arith.constant 0 : index
    %swap3A_560 = arith.constant 0 : index
    %swap3A_561 = vector.load %arg6[%swap3A_559, %swap3A_560] : memref<512x1024xf32, #tpu.memory_space<vmem>>, vector<512x1024xf32>
    tpu.vector_store %arg6[%swap3A_559, %swap3A_560], %select_n3A_558 {strides = array<i32>} : memref<512x1024xf32, #tpu.memory_space<vmem>>, vector<512x1024xf32>,
    %get3A_562 = arith.constant 0 : index
    %get3A_563 = arith.constant 0 : index
    %get3A_564 = vector.load %arg6[%get3A_562, %get3A_563] : memref<512x1024xf32, #tpu.memory_space<vmem>>, vector<512x1024xf32>
    %reduce_min3A_565 = arith.constant dense<0x7F800000> : vector<512xf32>
    %reduce_min3A_566 = vector.multi_reduction <minimumf>, %get3A_564, %reduce_min3A_565 [1] : vector<512x1024xf32> to vector<512xf32>
    %broadcast_in_dim3A_567 = vector.shape_cast %reduce_min3A_566 : vector<512xf32> to vector<512x1xf32>
    %le3A_568 = vector.broadcast %broadcast_in_dim3A_567 : vector<512x1xf32> to vector<512x1024xf32>
    %le3A_569 = arith.cmpf ole, %get3A_564, %le3A_568 : vector<512x1024xf32>
    %jit3A_570 = arith.constant 1.024000e+03 : f32
    %broadcast_in_dim3A_571 = vector.broadcast %jit3A_570 : f32 to vector<512x1024xf32>
    %select_n3A_572 = arith.select %le3A_569, %convert_element_type3A, %broadcast_in_dim3A_571 : vector<512x1024xi1>, vector<512x1024xf32>
    %reduce_min3A_573 = arith.constant dense<0x7F800000> : vector<512xf32>
    %reduce_min3A_574 = vector.multi_reduction <minimumf>, %select_n3A_572, %reduce_min3A_573 [1] : vector<512x1024xf32> to vector<512xf32>
    %broadcast_in_dim3A_575 = vector.shape_cast %reduce_min3A_574 : vector<512xf32> to vector<512x1xf32>
    %eq3A_576 = vector.broadcast %broadcast_in_dim3A_575 : vector<512x1xf32> to vector<512x1024xf32>
    %eq3A_577 = arith.cmpf oeq, %select_n3A_572, %eq3A_576 : vector<512x1024xf32>
    %convert_element_type3A_578 = arith.fptosi %broadcast_in_dim3A_575 : vector<512x1xf32> to vector<512x1xi32>
    %mul3A_579 = arith.constant 1024 : i32
    %mul3A_580 = arith.muli %arg0, %mul3A_579 : i32
    %add3A_581 = vector.broadcast %mul3A_580 : i32 to vector<512x1xi32>
    %add3A_582 = arith.addi %convert_element_type3A_578, %add3A_581 : vector<512x1xi32>
    %swap3A_583 = arith.constant 0 : index
    %swap3A_584 = arith.constant 0 : index
    %swap3A_585 = arith.constant 16 : index
    %swap3A_586 = vector.load %arg4[%swap3A_583, %swap3A_584, %swap3A_585] : memref<1x512x20xi32, #tpu.memory_space<vmem>>, vector<1x512x1xi32>
    %swap3A_587 = vector.shape_cast %swap3A_586 : vector<1x512x1xi32> to vector<512x1xi32>
    %swap3A_588 = vector.shape_cast %add3A_582 : vector<512x1xi32> to vector<1x512x1xi32>
    tpu.vector_store %arg4[%swap3A_583, %swap3A_584, %swap3A_585], %swap3A_588 {strides = array<i32>} : memref<1x512x20xi32, #tpu.memory_space<vmem>>, vector<1x512x1xi32>,
    %jit3A_589 = arith.constant 3.000000e+38 : f32
    %broadcast_in_dim3A_590 = vector.broadcast %jit3A_589 : f32 to vector<512x1024xf32>
    %select_n3A_591 = arith.select %eq3A_577, %broadcast_in_dim3A_590, %get3A_564 : vector<512x1024xi1>, vector<512x1024xf32>
    %swap3A_592 = arith.constant 0 : index
    %swap3A_593 = arith.constant 0 : index
    %swap3A_594 = vector.load %arg6[%swap3A_592, %swap3A_593] : memref<512x1024xf32, #tpu.memory_space<vmem>>, vector<512x1024xf32>
    tpu.vector_store %arg6[%swap3A_592, %swap3A_593], %select_n3A_591 {strides = array<i32>} : memref<512x1024xf32, #tpu.memory_space<vmem>>, vector<512x1024xf32>,
    %get3A_595 = arith.constant 0 : index
    %get3A_596 = arith.constant 0 : index
    %get3A_597 = vector.load %arg6[%get3A_595, %get3A_596] : memref<512x1024xf32, #tpu.memory_space<vmem>>, vector<512x1024xf32>
    %reduce_min3A_598 = arith.constant dense<0x7F800000> : vector<512xf32>
    %reduce_min3A_599 = vector.multi_reduction <minimumf>, %get3A_597, %reduce_min3A_598 [1] : vector<512x1024xf32> to vector<512xf32>
    %broadcast_in_dim3A_600 = vector.shape_cast %reduce_min3A_599 : vector<512xf32> to vector<512x1xf32>
    %le3A_601 = vector.broadcast %broadcast_in_dim3A_600 : vector<512x1xf32> to vector<512x1024xf32>
    %le3A_602 = arith.cmpf ole, %get3A_597, %le3A_601 : vector<512x1024xf32>
    %jit3A_603 = arith.constant 1.024000e+03 : f32
    %broadcast_in_dim3A_604 = vector.broadcast %jit3A_603 : f32 to vector<512x1024xf32>
    %select_n3A_605 = arith.select %le3A_602, %convert_element_type3A, %broadcast_in_dim3A_604 : vector<512x1024xi1>, vector<512x1024xf32>
    %reduce_min3A_606 = arith.constant dense<0x7F800000> : vector<512xf32>
    %reduce_min3A_607 = vector.multi_reduction <minimumf>, %select_n3A_605, %reduce_min3A_606 [1] : vector<512x1024xf32> to vector<512xf32>
    %broadcast_in_dim3A_608 = vector.shape_cast %reduce_min3A_607 : vector<512xf32> to vector<512x1xf32>
    %eq3A_609 = vector.broadcast %broadcast_in_dim3A_608 : vector<512x1xf32> to vector<512x1024xf32>
    %eq3A_610 = arith.cmpf oeq, %select_n3A_605, %eq3A_609 : vector<512x1024xf32>
    %convert_element_type3A_611 = arith.fptosi %broadcast_in_dim3A_608 : vector<512x1xf32> to vector<512x1xi32>
    %mul3A_612 = arith.constant 1024 : i32
    %mul3A_613 = arith.muli %arg0, %mul3A_612 : i32
    %add3A_614 = vector.broadcast %mul3A_613 : i32 to vector<512x1xi32>
    %add3A_615 = arith.addi %convert_element_type3A_611, %add3A_614 : vector<512x1xi32>
    %swap3A_616 = arith.constant 0 : index
    %swap3A_617 = arith.constant 0 : index
    %swap3A_618 = arith.constant 17 : index
    %swap3A_619 = vector.load %arg4[%swap3A_616, %swap3A_617, %swap3A_618] : memref<1x512x20xi32, #tpu.memory_space<vmem>>, vector<1x512x1xi32>
    %swap3A_620 = vector.shape_cast %swap3A_619 : vector<1x512x1xi32> to vector<512x1xi32>
    %swap3A_621 = vector.shape_cast %add3A_615 : vector<512x1xi32> to vector<1x512x1xi32>
    tpu.vector_store %arg4[%swap3A_616, %swap3A_617, %swap3A_618], %swap3A_621 {strides = array<i32>} : memref<1x512x20xi32, #tpu.memory_space<vmem>>, vector<1x512x1xi32>,
    %jit3A_622 = arith.constant 3.000000e+38 : f32
    %broadcast_in_dim3A_623 = vector.broadcast %jit3A_622 : f32 to vector<512x1024xf32>
    %select_n3A_624 = arith.select %eq3A_610, %broadcast_in_dim3A_623, %get3A_597 : vector<512x1024xi1>, vector<512x1024xf32>
    %swap3A_625 = arith.constant 0 : index
    %swap3A_626 = arith.constant 0 : index
    %swap3A_627 = vector.load %arg6[%swap3A_625, %swap3A_626] : memref<512x1024xf32, #tpu.memory_space<vmem>>, vector<512x1024xf32>
    tpu.vector_store %arg6[%swap3A_625, %swap3A_626], %select_n3A_624 {strides = array<i32>} : memref<512x1024xf32, #tpu.memory_space<vmem>>, vector<512x1024xf32>,
    %get3A_628 = arith.constant 0 : index
    %get3A_629 = arith.constant 0 : index
    %get3A_630 = vector.load %arg6[%get3A_628, %get3A_629] : memref<512x1024xf32, #tpu.memory_space<vmem>>, vector<512x1024xf32>
    %reduce_min3A_631 = arith.constant dense<0x7F800000> : vector<512xf32>
    %reduce_min3A_632 = vector.multi_reduction <minimumf>, %get3A_630, %reduce_min3A_631 [1] : vector<512x1024xf32> to vector<512xf32>
    %broadcast_in_dim3A_633 = vector.shape_cast %reduce_min3A_632 : vector<512xf32> to vector<512x1xf32>
    %le3A_634 = vector.broadcast %broadcast_in_dim3A_633 : vector<512x1xf32> to vector<512x1024xf32>
    %le3A_635 = arith.cmpf ole, %get3A_630, %le3A_634 : vector<512x1024xf32>
    %jit3A_636 = arith.constant 1.024000e+03 : f32
    %broadcast_in_dim3A_637 = vector.broadcast %jit3A_636 : f32 to vector<512x1024xf32>
    %select_n3A_638 = arith.select %le3A_635, %convert_element_type3A, %broadcast_in_dim3A_637 : vector<512x1024xi1>, vector<512x1024xf32>
    %reduce_min3A_639 = arith.constant dense<0x7F800000> : vector<512xf32>
    %reduce_min3A_640 = vector.multi_reduction <minimumf>, %select_n3A_638, %reduce_min3A_639 [1] : vector<512x1024xf32> to vector<512xf32>
    %broadcast_in_dim3A_641 = vector.shape_cast %reduce_min3A_640 : vector<512xf32> to vector<512x1xf32>
    %eq3A_642 = vector.broadcast %broadcast_in_dim3A_641 : vector<512x1xf32> to vector<512x1024xf32>
    %eq3A_643 = arith.cmpf oeq, %select_n3A_638, %eq3A_642 : vector<512x1024xf32>
    %convert_element_type3A_644 = arith.fptosi %broadcast_in_dim3A_641 : vector<512x1xf32> to vector<512x1xi32>
    %mul3A_645 = arith.constant 1024 : i32
    %mul3A_646 = arith.muli %arg0, %mul3A_645 : i32
    %add3A_647 = vector.broadcast %mul3A_646 : i32 to vector<512x1xi32>
    %add3A_648 = arith.addi %convert_element_type3A_644, %add3A_647 : vector<512x1xi32>
    %swap3A_649 = arith.constant 0 : index
    %swap3A_650 = arith.constant 0 : index
    %swap3A_651 = arith.constant 18 : index
    %swap3A_652 = vector.load %arg4[%swap3A_649, %swap3A_650, %swap3A_651] : memref<1x512x20xi32, #tpu.memory_space<vmem>>, vector<1x512x1xi32>
    %swap3A_653 = vector.shape_cast %swap3A_652 : vector<1x512x1xi32> to vector<512x1xi32>
    %swap3A_654 = vector.shape_cast %add3A_648 : vector<512x1xi32> to vector<1x512x1xi32>
    tpu.vector_store %arg4[%swap3A_649, %swap3A_650, %swap3A_651], %swap3A_654 {strides = array<i32>} : memref<1x512x20xi32, #tpu.memory_space<vmem>>, vector<1x512x1xi32>,
    %jit3A_655 = arith.constant 3.000000e+38 : f32
    %broadcast_in_dim3A_656 = vector.broadcast %jit3A_655 : f32 to vector<512x1024xf32>
    %select_n3A_657 = arith.select %eq3A_643, %broadcast_in_dim3A_656, %get3A_630 : vector<512x1024xi1>, vector<512x1024xf32>
    %swap3A_658 = arith.constant 0 : index
    %swap3A_659 = arith.constant 0 : index
    %swap3A_660 = vector.load %arg6[%swap3A_658, %swap3A_659] : memref<512x1024xf32, #tpu.memory_space<vmem>>, vector<512x1024xf32>
    tpu.vector_store %arg6[%swap3A_658, %swap3A_659], %select_n3A_657 {strides = array<i32>} : memref<512x1024xf32, #tpu.memory_space<vmem>>, vector<512x1024xf32>,
    %get3A_661 = arith.constant 0 : index
    %get3A_662 = arith.constant 0 : index
    %get3A_663 = vector.load %arg6[%get3A_661, %get3A_662] : memref<512x1024xf32, #tpu.memory_space<vmem>>, vector<512x1024xf32>
    %reduce_min3A_664 = arith.constant dense<0x7F800000> : vector<512xf32>
    %reduce_min3A_665 = vector.multi_reduction <minimumf>, %get3A_663, %reduce_min3A_664 [1] : vector<512x1024xf32> to vector<512xf32>
    %broadcast_in_dim3A_666 = vector.shape_cast %reduce_min3A_665 : vector<512xf32> to vector<512x1xf32>
    %le3A_667 = vector.broadcast %broadcast_in_dim3A_666 : vector<512x1xf32> to vector<512x1024xf32>
    %le3A_668 = arith.cmpf ole, %get3A_663, %le3A_667 : vector<512x1024xf32>
    %jit3A_669 = arith.constant 1.024000e+03 : f32
    %broadcast_in_dim3A_670 = vector.broadcast %jit3A_669 : f32 to vector<512x1024xf32>
    %select_n3A_671 = arith.select %le3A_668, %convert_element_type3A, %broadcast_in_dim3A_670 : vector<512x1024xi1>, vector<512x1024xf32>
    %reduce_min3A_672 = arith.constant dense<0x7F800000> : vector<512xf32>
    %reduce_min3A_673 = vector.multi_reduction <minimumf>, %select_n3A_671, %reduce_min3A_672 [1] : vector<512x1024xf32> to vector<512xf32>
    %broadcast_in_dim3A_674 = vector.shape_cast %reduce_min3A_673 : vector<512xf32> to vector<512x1xf32>
    %eq3A_675 = vector.broadcast %broadcast_in_dim3A_674 : vector<512x1xf32> to vector<512x1024xf32>
    %eq3A_676 = arith.cmpf oeq, %select_n3A_671, %eq3A_675 : vector<512x1024xf32>
    %convert_element_type3A_677 = arith.fptosi %broadcast_in_dim3A_674 : vector<512x1xf32> to vector<512x1xi32>
    %mul3A_678 = arith.constant 1024 : i32
    %mul3A_679 = arith.muli %arg0, %mul3A_678 : i32
    %add3A_680 = vector.broadcast %mul3A_679 : i32 to vector<512x1xi32>
    %add3A_681 = arith.addi %convert_element_type3A_677, %add3A_680 : vector<512x1xi32>
    %swap3A_682 = arith.constant 0 : index
    %swap3A_683 = arith.constant 0 : index
    %swap3A_684 = arith.constant 19 : index
    %swap3A_685 = vector.load %arg4[%swap3A_682, %swap3A_683, %swap3A_684] : memref<1x512x20xi32, #tpu.memory_space<vmem>>, vector<1x512x1xi32>
    %swap3A_686 = vector.shape_cast %swap3A_685 : vector<1x512x1xi32> to vector<512x1xi32>
    %swap3A_687 = vector.shape_cast %add3A_681 : vector<512x1xi32> to vector<1x512x1xi32>
    tpu.vector_store %arg4[%swap3A_682, %swap3A_683, %swap3A_684], %swap3A_687 {strides = array<i32>} : memref<1x512x20xi32, #tpu.memory_space<vmem>>, vector<1x512x1xi32>,
    %jit3A_688 = arith.constant 3.000000e+38 : f32
    %broadcast_in_dim3A_689 = vector.broadcast %jit3A_688 : f32 to vector<512x1024xf32>
    %select_n3A_690 = arith.select %eq3A_676, %broadcast_in_dim3A_689, %get3A_663 : vector<512x1024xi1>, vector<512x1024xf32>
    %swap3A_691 = arith.constant 0 : index
    %swap3A_692 = arith.constant 0 : index
    %swap3A_693 = vector.load %arg6[%swap3A_691, %swap3A_692] : memref<512x1024xf32, #tpu.memory_space<vmem>>, vector<512x1024xf32>
    tpu.vector_store %arg6[%swap3A_691, %swap3A_692], %select_n3A_690 {strides = array<i32>} : memref<512x1024xf32, #tpu.memory_space<vmem>>, vector<512x1024xf32>,
    return
  }
  func.func @transform_0(%arg0: i32, %arg1: i32) -> (i32, i32, i32) {
    %c0_i32 = arith.constant 0 : i32
    %c0_i32_0 = arith.constant 0 : i32
    %c0_i32_1 = arith.constant 0 : i32
    return %arg0, %c0_i32, %c0_i32_0 : i32, i32, i32
  }
  func.func @transform_1(%arg0: i32, %arg1: i32) -> (i32, i32) {
    %c0_i32 = arith.constant 0 : i32
    %c0_i32_0 = arith.constant 0 : i32
    %c0_i32_1 = arith.constant 0 : i32
    return %c0_i32, %c0_i32_0 : i32, i32
  }
  func.func @transform_2(%arg0: i32, %arg1: i32) -> (i32, i32, i32) {
    %c0_i32 = arith.constant 0 : i32
    %c0_i32_0 = arith.constant 0 : i32
    return %arg0, %arg1, %c0_i32 : i32, i32, i32
  }
  func.func @transform_3(%arg0: i32, %arg1: i32) -> (i32, i32) {
    %c0_i32 = arith.constant 0 : i32
    %c0_i32_0 = arith.constant 0 : i32
    %c0_i32_1 = arith.constant 0 : i32
    return %c0_i32, %c0_i32_0 : i32, i32
  }
}

module attributes {stable_mosaic.version = 14 : i64} {
  func.func @_proj_body(%arg0: memref<4096x256xf32, #tpu.memory_space<vmem>>, %arg1: memref<128x64xf32, #tpu.memory_space<vmem>>, %arg2: memref<4096x512xf32, #tpu.memory_space<vmem>>) attributes {dimension_semantics = [], scalar_prefetch = 0 : i64, scratch_operands = 0 : i64, tpu.core_type = #tpu.core_type<tc>} {
    %get3A = arith.constant 0 : index
    %get3A_0 = arith.constant 0 : index
    %get3A_1 = vector.load %arg1[%get3A, %get3A_0] : memref<128x64xf32, #tpu.memory_space<vmem>>, vector<128x64xf32>
    %mul3A = arith.mulf %get3A_1, %get3A_1 : vector<128x64xf32>
    %mul3A_2 = arith.mulf %get3A_1, %get3A_1 : vector<128x64xf32>
    %reduce_sum3A = vector.shape_cast %mul3A_2 : vector<128x64xf32> to vector<1x128x64xf32>
    %reduce_sum3A_3 = arith.constant dense<0.000000e+00> : vector<1xf32>
    %reduce_sum3A_4 = vector.multi_reduction <add>, %reduce_sum3A, %reduce_sum3A_3 [1, 2] : vector<1x128x64xf32> to vector<1xf32>
    %reduce_sum3A_5 = vector.shape_cast %reduce_sum3A_4 : vector<1xf32> to vector<1x1x1xf32>
    %reduce_sum3A_6 = vector.extract %reduce_sum3A_5[0, 0, 0] : f32 from vector<1x1x1xf32>
    %div3A = vector.broadcast %reduce_sum3A_6 : f32 to vector<128x64xf32>
    %div3A_7 = arith.divf %mul3A, %div3A : vector<128x64xf32>
    %get3A_8 = arith.constant 0 : index
    %get3A_9 = arith.constant 0 : index
    %get3A_10 = vector.load %arg0[%get3A_8, %get3A_9] : memref<4096x256xf32, #tpu.memory_space<vmem>>, vector<4096x256xf32>
    %slice3A = vector.extract_strided_slice %get3A_10 {offsets = [0, 0], sizes = [4096, 64], strides = [1, 1]} : vector<4096x256xf32> to vector<4096x64xf32>
    %dot_general3A = arith.constant dense<0.000000e+00> : vector<4096x128xf32>
    %dot_general3A_11 = tpu.matmul %slice3A, %div3A_7, %dot_general3A {dimension_numbers = #tpu.dot_dimension_numbers<[1], [1], [0], [0], [0, 0, 1, 0], [], []>, transpose_lhs_hint = false} : vector<4096x64xf32>, vector<128x64xf32>, vector<4096x128xf32> -> vector<4096x128xf32>
    %swap3A = arith.constant 0 : index
    %swap3A_12 = arith.constant 0 : index
    %swap3A_13 = vector.load %arg2[%swap3A, %swap3A_12] : memref<4096x512xf32, #tpu.memory_space<vmem>>, vector<4096x128xf32>
    tpu.vector_store %arg2[%swap3A, %swap3A_12], %dot_general3A_11 {strides = array<i32>} : memref<4096x512xf32, #tpu.memory_space<vmem>>, vector<4096x128xf32>,
    %slice3A_14 = vector.extract_strided_slice %get3A_10 {offsets = [0, 64], sizes = [4096, 64], strides = [1, 1]} : vector<4096x256xf32> to vector<4096x64xf32>
    %dot_general3A_15 = arith.constant dense<0.000000e+00> : vector<4096x128xf32>
    %dot_general3A_16 = tpu.matmul %slice3A_14, %div3A_7, %dot_general3A_15 {dimension_numbers = #tpu.dot_dimension_numbers<[1], [1], [0], [0], [0, 0, 1, 0], [], []>, transpose_lhs_hint = false} : vector<4096x64xf32>, vector<128x64xf32>, vector<4096x128xf32> -> vector<4096x128xf32>
    %swap3A_17 = arith.constant 0 : index
    %swap3A_18 = arith.constant 128 : index
    %swap3A_19 = vector.load %arg2[%swap3A_17, %swap3A_18] : memref<4096x512xf32, #tpu.memory_space<vmem>>, vector<4096x128xf32>
    tpu.vector_store %arg2[%swap3A_17, %swap3A_18], %dot_general3A_16 {strides = array<i32>} : memref<4096x512xf32, #tpu.memory_space<vmem>>, vector<4096x128xf32>,
    %slice3A_20 = vector.extract_strided_slice %get3A_10 {offsets = [0, 128], sizes = [4096, 64], strides = [1, 1]} : vector<4096x256xf32> to vector<4096x64xf32>
    %dot_general3A_21 = arith.constant dense<0.000000e+00> : vector<4096x128xf32>
    %dot_general3A_22 = tpu.matmul %slice3A_20, %div3A_7, %dot_general3A_21 {dimension_numbers = #tpu.dot_dimension_numbers<[1], [1], [0], [0], [0, 0, 1, 0], [], []>, transpose_lhs_hint = false} : vector<4096x64xf32>, vector<128x64xf32>, vector<4096x128xf32> -> vector<4096x128xf32>
    %swap3A_23 = arith.constant 0 : index
    %swap3A_24 = arith.constant 256 : index
    %swap3A_25 = vector.load %arg2[%swap3A_23, %swap3A_24] : memref<4096x512xf32, #tpu.memory_space<vmem>>, vector<4096x128xf32>
    tpu.vector_store %arg2[%swap3A_23, %swap3A_24], %dot_general3A_22 {strides = array<i32>} : memref<4096x512xf32, #tpu.memory_space<vmem>>, vector<4096x128xf32>,
    %slice3A_26 = vector.extract_strided_slice %get3A_10 {offsets = [0, 192], sizes = [4096, 64], strides = [1, 1]} : vector<4096x256xf32> to vector<4096x64xf32>
    %dot_general3A_27 = arith.constant dense<0.000000e+00> : vector<4096x128xf32>
    %dot_general3A_28 = tpu.matmul %slice3A_26, %div3A_7, %dot_general3A_27 {dimension_numbers = #tpu.dot_dimension_numbers<[1], [1], [0], [0], [0, 0, 1, 0], [], []>, transpose_lhs_hint = false} : vector<4096x64xf32>, vector<128x64xf32>, vector<4096x128xf32> -> vector<4096x128xf32>
    %swap3A_29 = arith.constant 0 : index
    %swap3A_30 = arith.constant 384 : index
    %swap3A_31 = vector.load %arg2[%swap3A_29, %swap3A_30] : memref<4096x512xf32, #tpu.memory_space<vmem>>, vector<4096x128xf32>
    tpu.vector_store %arg2[%swap3A_29, %swap3A_30], %dot_general3A_28 {strides = array<i32>} : memref<4096x512xf32, #tpu.memory_space<vmem>>, vector<4096x128xf32>,
    return
  }
}

</mosaic_0001>

<sc_bundles>
// kernel: kernel.5.cloned.1.call-start
scs
__scs_entry_jumppad:
0x0: {  	(pc) =	sbr.rel $0x88, $3  }
0x1: {  	(tag) =	ssettag $0x0;
	lr =	simm.s32 $0x1  }
0x2: {  	[smem:$0x3F9E] =	sst lr;
	_ =	strace $0xD0000000  }
0x3: {  	_ = 	snop  }
0x4: {  	_ = 	snop  }
0x5: {  	_ = 	snop  }
0x6: {  	_ = 	snop  }
0x7: {  	_ = 	snop  }
__scs_overlays_trampoline_lowered:
0x8: {  	[smem:$0x3FAD] =	sst s0  }
0x9: {  	[smem:$0x3FAE] =	sst s1  }
0xa: {  	[smem:$0x3FAF] =	sst s2  }
0xb: {  	[smem:$0x3FB0] =	sst s3  }
0xc: {  	[smem:$0x3FB1] =	sst s4  }
0xd: {  	[smem:$0x3FB2] =	sst s5  }
0xe: {  	[smem:$0x3FB3] =	sst s6  }
0xf: {  	[smem:$0x3FB4] =	sst s7  }
0x10: {  	[smem:$0x3FB5] =	sst s8  }
0x11: {  	[smem:$0x3FB6] =	sst s9;
	s0 =	simm.s32 @!p0 $0x0  }
0x12: {  	s1 =	sld [smem:$0x3F9C];
	s0 =	simm.s32 @p0 $0x1  }
0x13: {  	[smem:$0x3FB7] =	sst s0;
	s0 =	simm.s32 @!p1 $0x0  }
0x14: {  	s2 =	sld [smem:$0x3F9B];
	s0 =	simm.s32 @p1 $0x1  }
0x15: {  	[smem:$0x3FB8] =	sst s0;
	s0 =	simm.s32 @!p2 $0x0  }
0x16: {  	s3 =	sld [smem:$0x3FDB];
	s0 =	simm.s32 @p2 $0x1  }
0x17: {  	s4 =	simm.s32 $0x1BF5;
	[smem:$0x3FBA] =	sst s0  }
0x18: {  	s0 =	sld [smem:$0x3F9D];
	_ =	swait.ge [sflag:s4], $0x0  }
0x19: {  	s7 =	sld [smem:$0x3F9E]  }
0x1a: {  	s8 =	sadd.s32 $0xFFFFE003, lr  }
0x1b: {  	s9 =	sadd.s32 $0xFFFFFEF7, lr;
	s5 =	simm.s32 $0xFFFFFFFF;
	p2 =	slt.u32 s8, $0xFFFFF086  }
0x1c: {  	p1 =	slt.u32 s9, $0xF7A;
	s5 =	simm.s32 @!p2 $0x0  }
0x1d: {  	s5 =	simm.s32 @p1 $0x1;
	p0 =	seq.s32 s7, s2  }
0x1e: {  	s7 =	smul.u32 @!p0 $0xF7A, s2;
	p2 =	seq.s32 @!p0 s5, $0x0  }
0x1f: {  	s9 =	smul.u32 $0xF7A, s1;
	s8 =	simm.s32 @!p0 $0x1BF5;
	p2 =	por !p2, p0  }
0x20: {  	[sflag:s8] =	ssyncset.s32 @!p0 $0xFFFFF086;
	s6 =	sadd.s32 @!p0 s3, s7;
	s7 =	simm.s32 @!p0 $0x108  }
0x21: {  	s3 =	sadd.s32 s3, s9;
	s6 =	sadd.s32 @!p0 $0x88, s6;
	s7 =	simm.s32 @p2 $0x1082  }
0x22: {  	[simem:s7], [sflag:s8] =	dma.local @!p0 [hbm:s6], $0xF7A  }
0x23: {  	s9 =	sor.u32 $0xD0000000, s2;
	s6 =	simm.s32 $0x108;
	_ =	swait.ge @!p0 [sflag:s8], $0x0  }
0x24: {  	s3 =	sadd.s32 $0x88, s3;
	s6 =	simm.s32 @!p1 $0x1082;
	[sflag:s4] =	ssyncset.s32 $0xFFFFF086  }
0x25: {  	[simem:s6], [sflag:s4] =	dma.local [hbm:s3], $0xF7A  }
0x26: {  	[smem:$0x3F9E] =	sst s1;
	(tag) =	ssettag s2;
	_ =	strace s9  }
0x27: {  	s1 =	sld [smem:$0x3FAE]  }
0x28: {  	s2 =	sld [smem:$0x3FAF]  }
0x29: {  	s4 =	sld [smem:$0x3FB1]  }
0x2a: {  	p0 =	seq.s32 s5, $0x0;
	s5 =	sld [smem:$0x3FB2]  }
0x2b: {  	s6 =	sld [smem:$0x3FB3]  }
0x2c: {  	s7 =	sld [smem:$0x3FB4]  }
0x2d: {  	s3 =	simm.s32 $0x108;
	s8 =	sld [smem:$0x3FB5]  }
0x2e: {  	s3 =	simm.s32 @!p0 $0x1082;
	s9 =	sld [smem:$0x3FB6]  }
0x2f: {  	lr =	sadd.s32 s0, s3;
	s0 =	sld [smem:$0x3FAD]  }
0x30: {  	s3 =	sld [smem:$0x3FB0]  }
0x31: {  	[smem:$0x3FB9] =	sst s10  }
0x32: {  	s10 =	sld [smem:$0x3FB7];
	_ =	sdelay $0x3  }
0x33: {  	p0 =	seq.s32 s10, $0x1;
	s10 =	sld [smem:$0x3FB9];
	_ =	sdelay $0x3  }
0x34: {  	[smem:$0x3FB9] =	sst s10  }
0x35: {  	s10 =	sld [smem:$0x3FB8];
	_ =	sdelay $0x3  }
0x36: {  	p1 =	seq.s32 s10, $0x1;
	s10 =	sld [smem:$0x3FB9];
	_ =	sdelay $0x3  }
0x37: {  	[smem:$0x3FB9] =	sst s10  }
0x38: {  	s10 =	sld [smem:$0x3FBA]  }
0x39: {  	_ = 	snop;
	(pc) =	sbr.ind lr, $3  }
0x3a: {  	_ = 	snop  }
0x3b: {  	_ = 	snop  }
0x3c: {  	p2 =	seq.s32 s10, $0x1;
	s10 =	sld [smem:$0x3FB9]  }
0x3d: {  	_ =	shalt  }
0x3e: {  	_ =	shalt  }
0x3f: {  	_ =	shalt  }
0x40: {  	_ =	shalt  }
0x41: {  	_ =	shalt  }
0x42: {  	_ =	shalt  }
0x43: {  	_ =	shalt  }
0x44: {  	_ =	shalt  }
0x45: {  	_ =	shalt  }
0x46: {  	_ =	shalt  }
0x47: {  	_ =	shalt  }
0x48: {  	_ =	shalt  }
0x49: {  	_ =	shalt  }
0x4a: {  	_ =	shalt  }
0x4b: {  	_ =	shalt  }
0x4c: {  	_ =	shalt  }
0x4d: {  	_ =	shalt  }
0x4e: {  	_ =	shalt  }
0x4f: {  	_ =	shalt  }
0x50: {  	_ =	shalt  }
0x51: {  	_ =	shalt  }
0x52: {  	_ =	shalt  }
0x53: {  	_ =	shalt  }
0x54: {  	_ =	shalt  }
0x55: {  	_ =	shalt  }
0x56: {  	_ =	shalt  }
0x57: {  	_ =	shalt  }
0x58: {  	_ =	shalt  }
0x59: {  	_ =	shalt  }
0x5a: {  	_ =	shalt  }
0x5b: {  	_ =	shalt  }
0x5c: {  	_ =	shalt  }
0x5d: {  	_ =	shalt  }
0x5e: {  	_ =	shalt  }
0x5f: {  	_ =	shalt  }
0x60: {  	_ =	shalt  }
0x61: {  	_ =	shalt  }
0x62: {  	_ =	shalt  }
0x63: {  	_ =	shalt  }
0x64: {  	_ =	shalt  }
0x65: {  	_ =	shalt  }
0x66: {  	_ =	shalt  }
0x67: {  	_ =	shalt  }
0x68: {  	_ =	shalt  }
0x69: {  	_ =	shalt  }
0x6a: {  	_ =	shalt  }
0x6b: {  	_ =	shalt  }
0x6c: {  	_ =	shalt  }
0x6d: {  	_ =	shalt  }
0x6e: {  	_ =	shalt  }
0x6f: {  	_ =	shalt  }
0x70: {  	_ =	shalt  }
0x71: {  	_ =	shalt  }
0x72: {  	_ =	shalt  }
0x73: {  	_ =	shalt  }
0x74: {  	_ =	shalt  }
0x75: {  	_ =	shalt  }
0x76: {  	_ =	shalt  }
0x77: {  	_ =	shalt  }
0x78: {  	_ =	shalt  }
0x79: {  	_ =	shalt  }
0x7a: {  	_ =	shalt  }
0x7b: {  	_ =	shalt  }
0x7c: {  	_ =	shalt  }
0x7d: {  	_ =	shalt  }
0x7e: {  	_ =	shalt  }
0x7f: {  	_ =	shalt  }
0x80: {  	_ =	shalt  }
0x81: {  	_ =	shalt  }
0x82: {  	_ =	shalt  }
0x83: {  	_ =	shalt  }
0x84: {  	_ =	shalt  }
0x85: {  	_ =	shalt  }
0x86: {  	_ =	shalt  }
0x87: {  	_ =	shalt  }
.Lfunc_end0:
.L_simem_size_0:
called_computation_lowered:
.L_overlay_start_0:
0x88: {  	s2 =	sld [smem:$0x3FD9]  }
0x89: {  	s3 =	sld [smem:$0x3FFE];
	_ =	sdelay $0x1  }
0x8a: {  	s1 =	srdreg.scid  }
0x8b: {  	s0 =	sand.u32 $0x1, s1  }
0x8c: {  	s17 =	sshll.u32 s0, $0xA;
	s2 =	sadd.s32 s3, s2  }
0x8d: {  	s2 =	sadd.s32 s2, s17  }
0x8e: {  	[smem:$0x3FC5] =	sst s2  }
0x8f: {  	_ = 	snop  }
0x90: {  	s2 =	sld [smem:$0x3FD0];
	(tm) =	ssettm $0x1  }
0x91: {  	s18 =	sld [smem:$0x3FFB];
	_ =	sdelay $0x3  }
0x92: {  	_ =	strace s18  }
0x93: {  	s3 =	sld [smem:$0x3FFC];
	_ =	sdelay $0x3  }
0x94: {  	_ =	strace s3  }
0x95: {  	s3 =	sld [smem:$0x3FFD];
	_ =	sdelay $0x3  }
0x96: {  	_ =	strace s3  }
0x97: {  	_ =	strace $0x8FFFFFFF  }
0x98: {  	s19 =	sld [smem:$0x3FDB];
	_ =	sdelay $0x1  }
0x99: {  	s4 =	simm.s32 $_scs_section_size  }
0x9a: {  	s5 =	simm.s32 $_size__tile_overlayer_lowered;
	s6 =	simm.s32 $_tile_overlayer_lowered  }
0x9b: {  	s22 =	simm.s32 $0x1BFF;
	s21 =	sshll.u32 s6, $0x1;
	s3 =	sadd.s32 s4, s19  }
0x9c: {  	s7 =	simm.s32 $0x0;
	s20 =	sshll.u32 s5, $0x1;
	s5 =	sadd.s32 s21, s3  }
0x9d: {  	[timem:s7], [sflag:s22] =	dma.local [hbm:s5], s20  }
0x9e: {  	_ =	swait.ge [sflag:s22], s20  }
0x9f: {  	s4 =	ssub.s32 $0x0, s20;
	[sflag:s22] =	ssyncset.done $0x0  }
0xa0: {  	[sflag:s22] =	ssyncadd.s32 s4;
	_ =	sdelay $0x1  }
0xa1: {  	s23 =	simm.s32 $0x1B8B  }
0xa2: {  	_ =	swait.ge [sflag:s23], $0x1  }
0xa3: {  	[sflag:s23] =	ssyncset.done $0x0  }
0xa4: {  	s25 =	simm.s32 $0x1B8E;
	s24 =	sld [smem:$0x3FFE];
	[sflag:s23] =	ssyncadd.s32 $0xFFFFFFFF  }
0xa5: {  	s26 =	simm.s32 $execute0_lowered;
	[smem:$0x3FD2] =	sst s25  }
0xa6: {  	s5 =	sshll.u32 s26, $0x1;
	_ =	strace $0x80000046;
	[dreg:$0x1] =	wrdreg $0xFFFFFFFF  }
0xa7: {  	s28 =	simm.s32 $_size_execute0_lowered;
	s3 =	sadd.s32 s3, s5;
	[dreg:$0x0] =	wrdreg $0x0  }
0xa8: {  	s5 =	sshll.u32 s28, $0x1;
	[dreg:$0x2] =	wrdreg s3  }
0xa9: {  	[dreg:$0x3] =	wrdreg s5  }
0xaa: {  	[dreg:$0x4] =	wrdreg $0xC0  }
0xab: {  	_ =	task [dreg:s7], $0x5FFFF  }
0xac: {  	[dreg:$0x1] =	wrdreg $0xFFFFFFFF  }
0xad: {  	[dreg:$0x0] =	wrdreg $0x60  }
0xae: {  	[dreg:$0x2] =	wrdreg s2  }
0xaf: {  	[dreg:$0x3] =	wrdreg s24  }
0xb0: {  	[dreg:$0x4] =	wrdreg $0x9  }
0xb1: {  	_ =	task.clear_ibuf [dreg:s7], $0x5FFFF;
	_ =	strace $0x90000046  }
0xb2: {  	s29 =	simm.s32 $0x9;
	_ =	strace $0x80000048  }
0xb3: {  	_ =	swait.ge [sflag:s29], $0x1  }
0xb4: {  	[sflag:s29] =	ssyncadd.s32 $0xFFFFFFFF  }
0xb5: {  	_ =	strace $0x90000048  }
0xb6: {  	_ =	sfence  }
0xb7: {  	s30 =	sld [smem:$0x0];
	_ =	sdelay $0x2  }
0xb8: {  	s31 =	sshll.u32 s1, $0xD;
	s1 =	sshrl.u32 s1, $0x2  }
0xb9: {  	s3 =	sand.u32 $0x4000, s31;
	s1 =	sadd.s32 s1, s30  }
0xba: {  	s0 =	sor.u32 s3, s0;
	s1 =	sshll.u32 s1, $0x11  }
0xbb: {  	s0 =	sor.u32 s1, s0  }
0xbc: {  	s0 =	sadd.s32 $0x8F2B, s0  }
0xbd: {  	[sflag:s0] =	ssyncadd.remote.s32 $0x1  }
0xbe: {  	_ =	sfence.sel $0xFFFF  }
0xbf: {  	[dreg:$0x0] =	wrdreg $0xFFFFFFFF;
	(pc) =	sbr.abs _section_cstart, $3  }
0xc0: {  	[dreg:$0x1] =	wrdreg $0xFFFFFFFF  }
0xc1: {  	_ =	task.clear_ibuf [dreg:s7], $0x2FFFF;
	_ =	strace $0x9FFFFFFF  }
0xc2: {  	(tm) =	ssettm $0x7FFFFFFF  }
0xc3: {  	_ =	shalt  }
tec
execute0_lowered:
.L_overlay_start_1:
0x0: {  	(tag) =	ssettag $0x1  }
0x1: {  	s0 =	srdreg.scid  }
0x2: {  	s1 =	stileid.u32;
	s2 =	rddreg [dreg:$0x0]  }
0x3: {  	s4 =	rddreg [dreg:$0x1];
	s3 =	simm.s32 $0x0;
	s22 =	simm.s32 $0x1  }
0x4: {  	s23 =	simm.s32 $0x16200;
	s0 =	sand.u32 $0x1, s0;
	s1 =	sshll.u32 s1, $0x1  }
0x5: {  	s24 =	simm.s32 $0x2;
	s25 =	simm.s32 $0x16A00;
	s1 =	sor.u32 s0, s1  }
0x6: {  	[smem:$0x7FF] =	sst s3;
	s0 =	ssub.s32 $0x2, s0;
	s5 =	smul.u32 $0x140, s1  }
.Ltmp0:
0x7: {  	s6 =	sadd.s32 $0xE00, s4;
	s30 =	sshrl.u32 s0, $0x1;
	(pc) =	sbr.rel .LBB2_1-.Ltmp0, $4  }
0x8: {  	_ =	strace $0x80000047;
	[dreg:$0x3] =	wrdreg s6;
	s0 =	ssub.s32 s0, s30  }
0x9: {  	v2 =	vlaneseq.u32;
	s1 =	sshll.u32 s1, $0xC;
	s5 =	sadd.s32 s5, s4;
	s0 =	smax.u32 s0, $0x1  }
0xa: {  	vm0 =	vmmov $0xffff;
	v1 =	vshrl.u32 v2, $0x3;
	s1 =	sadd.s32 s1, s4;
	s31 =	sadd.s32 $0x1200, s5;
	[dreg:$0x5] =	wrdreg s0  }
0xb: {  	v0 =	vand.u32 $0x7, v2;
	v2 =	vor.u32 $0x8, v2;
	v1 =	vmul.u32 $0x8, v1;
	s6 =	sadd.s32 $0x3A00, s1;
	s4 =	simm.s32 $0x0;
	[dreg:$0x4] =	wrdreg s31  }
.LBB2_10:
0xc: {  	s0 =	simm.s32 $0x3  }
0xd: {  	_ =	swait.ge [sflag:s0], $0x800  }
0xe: {  	[sflag:s0] =	ssyncset.done $0x0  }
0xf: {  	s1 =	simm.s32 $0x4;
	[sflag:s0] =	ssyncadd.s32 $0xFFFFF800  }
0x10: {  	_ =	swait.ge [sflag:s1], $0x800  }
0x11: {  	s4 =	rddreg [dreg:$0x6]  }
0x12: {  	s31 =	rddreg [dreg:$0x5];
	s4 =	sadd.s32 $0x1, s4  }
0x13: {  	p0 =	sne.s32 s4, s31  }
.Ltmp1:
0x14: {  	_ = 	snop;
	(pc) =	sbr.rel @!p0 .LBB2_11-.Ltmp1, $3  }
0x15: {  	_ =	sdelay $0x1  }
0x16: {  	[sflag:s1] =	ssyncset.done $0x0  }
0x17: {  	[sflag:s1] =	ssyncadd.s32 $0xFFFFF800  }
.LBB2_1:
0x18: {  	[dreg:$0x6] =	wrdreg s4  }
0x19: {  	s0 =	rddreg [dreg:$0x3];
	s1 =	simm.s32 $0x14A00;
	s8 =	simm.s32 $0x5  }
0x1a: {  	[tilespmem:s1], [sflag:$0x5] =	stream.linear.gather [hbm4b:s0+s3], $0x1800, $0x38;
	[tilespmem:$0x17200] =	vst v63  }
0x1b: {  	_ =	swait.ge [sflag:s8], $0x1800  }
0x1c: {  	[sflag:s8] =	ssyncset.done $0x0  }
0x1d: {  	s9 =	rddreg [dreg:$0x4];
	[sflag:s8] =	ssyncadd.s32 $0xFFFFE800  }
0x1e: {  	[tilespmem:s3], [sflag:$0x5] =	stream.linear.gather [hbm4b:s9+s3], $0xA00, $0x38;
	[tilespmem:$0x17200] =	vst v63  }
0x1f: {  	_ =	swait.ge [sflag:s8], $0xA00  }
0x20: {  	[sflag:s8] =	ssyncset.done $0x0  }
0x21: {  	[sflag:s8] =	ssyncadd.s32 $0xFFFFF600  }
0x22: {  	v3 =	vld [tilespmem:$0x0];
	_ =	sdelay $0x4  }
0x23: {  	v4 =	vshll.u32 v3, $0x1  }
0x24: {  	v3 =	vand.u32 $0x7, v3;
	v4 =	vand.u32 $0xFFFFFFF0, v4  }
0x25: {  	v3 =	vor.u32 v3, v4  }
0x26: {  	v4 =	vperm.xlane v3, v0;
	_ =	sdelay $0x1  }
0x27: {  	v3 =	vperm.xlane v3, v2;
	v4 =	vadd.s32 v1, v4;
	_ =	sdelay $0x1  }
0x28: {  	v3 =	vadd.s32 v1, v3;
	_ =	sdelay $0x1  }
0x29: {  	s10 =	simm.s32 $0xA00  }
0x2a: {  	[tilespmem:s10], [sflag:$0x1] =	stream.indirect_vreg.gather [hbm4b:s2+s3], $0x80, v4, vm0, $0xb8;
	[tilespmem:$0x17200] =	vst v63  }
0x2b: {  	s11 =	simm.s32 $0x1200  }
0x2c: {  	[tilespmem:s11], [sflag:$0x1] =	stream.indirect_vreg.gather [hbm4b:s2+s3], $0x80, v3, vm0, $0xb8;
	[tilespmem:$0x17200] =	vst v63  }
0x2d: {  	v3 =	vld [tilespmem:$0x10];
	_ =	sdelay $0x4  }
0x2e: {  	v45 =	vshll.u32 v3, $0x1  }
0x2f: {  	v3 =	vand.u32 $0x7, v3;
	v4 =	vand.u32 $0xFFFFFFF0, v45  }
0x30: {  	v3 =	vor.u32 v3, v4  }
0x31: {  	v4 =	vperm.xlane v3, v0;
	_ =	sdelay $0x1  }
0x32: {  	v3 =	vperm.xlane v3, v2;
	v4 =	vadd.s32 v1, v4;
	_ =	sdelay $0x1  }
0x33: {  	v3 =	vadd.s32 v1, v3;
	_ =	sdelay $0x1  }
0x34: {  	s12 =	simm.s32 $0x1A00  }
0x35: {  	[tilespmem:s12], [sflag:$0x1] =	stream.indirect_vreg.gather [hbm4b:s2+s3], $0x80, v4, vm0, $0xb8;
	[tilespmem:$0x17200] =	vst v63  }
0x36: {  	s13 =	simm.s32 $0x2200  }
0x37: {  	[tilespmem:s13], [sflag:$0x1] =	stream.indirect_vreg.gather [hbm4b:s2+s3], $0x80, v3, vm0, $0xb8;
	[tilespmem:$0x17200] =	vst v63  }
0x38: {  	v3 =	vld [tilespmem:$0x20];
	_ =	sdelay $0x4  }
0x39: {  	v46 =	vshll.u32 v3, $0x1  }
0x3a: {  	v3 =	vand.u32 $0x7, v3;
	v4 =	vand.u32 $0xFFFFFFF0, v46  }
0x3b: {  	v3 =	vor.u32 v3, v4  }
0x3c: {  	v4 =	vperm.xlane v3, v0;
	_ =	sdelay $0x1  }
0x3d: {  	v3 =	vperm.xlane v3, v2;
	v4 =	vadd.s32 v1, v4;
	_ =	sdelay $0x1  }
0x3e: {  	v3 =	vadd.s32 v1, v3;
	_ =	sdelay $0x1  }
0x3f: {  	s14 =	simm.s32 $0x2A00  }
0x40: {  	[tilespmem:s14], [sflag:$0x1] =	stream.indirect_vreg.gather [hbm4b:s2+s3], $0x80, v4, vm0, $0xb8;
	[tilespmem:$0x17200] =	vst v63  }
0x41: {  	s15 =	simm.s32 $0x3200  }
0x42: {  	[tilespmem:s15], [sflag:$0x1] =	stream.indirect_vreg.gather [hbm4b:s2+s3], $0x80, v3, vm0, $0xb8;
	[tilespmem:$0x17200] =	vst v63  }
0x43: {  	v3 =	vld [tilespmem:$0x30];
	_ =	sdelay $0x4  }
0x44: {  	v47 =	vshll.u32 v3, $0x1  }
0x45: {  	v3 =	vand.u32 $0x7, v3;
	v4 =	vand.u32 $0xFFFFFFF0, v47  }
0x46: {  	v3 =	vor.u32 v3, v4  }
0x47: {  	v4 =	vperm.xlane v3, v0;
	_ =	sdelay $0x1  }
0x48: {  	v3 =	vperm.xlane v3, v2;
	v4 =	vadd.s32 v1, v4;
	_ =	sdelay $0x1  }
0x49: {  	v3 =	vadd.s32 v1, v3;
	_ =	sdelay $0x1  }
0x4a: {  	s16 =	simm.s32 $0x3A00  }
0x4b: {  	[tilespmem:s16], [sflag:$0x1] =	stream.indirect_vreg.gather [hbm4b:s2+s3], $0x80, v4, vm0, $0xb8;
	[tilespmem:$0x17200] =	vst v63  }
0x4c: {  	s17 =	simm.s32 $0x4200  }
0x4d: {  	[tilespmem:s17], [sflag:$0x1] =	stream.indirect_vreg.gather [hbm4b:s2+s3], $0x80, v3, vm0, $0xb8;
	[tilespmem:$0x17200] =	vst v63  }
0x4e: {  	v3 =	vld [tilespmem:$0x40];
	_ =	sdelay $0x4  }
0x4f: {  	v48 =	vshll.u32 v3, $0x1  }
0x50: {  	v3 =	vand.u32 $0x7, v3;
	v4 =	vand.u32 $0xFFFFFFF0, v48  }
0x51: {  	v3 =	vor.u32 v3, v4  }
0x52: {  	v4 =	vperm.xlane v3, v0;
	_ =	sdelay $0x1  }
0x53: {  	v3 =	vperm.xlane v3, v2;
	v4 =	vadd.s32 v1, v4;
	_ =	sdelay $0x1  }
0x54: {  	v3 =	vadd.s32 v1, v3;
	_ =	sdelay $0x1  }
0x55: {  	s18 =	simm.s32 $0x4A00  }
0x56: {  	[tilespmem:s18], [sflag:$0x1] =	stream.indirect_vreg.gather [hbm4b:s2+s3], $0x80, v4, vm0, $0xb8;
	[tilespmem:$0x17200] =	vst v63  }
0x57: {  	s19 =	simm.s32 $0x5200  }
0x58: {  	[tilespmem:s19], [sflag:$0x1] =	stream.indirect_vreg.gather [hbm4b:s2+s3], $0x80, v3, vm0, $0xb8;
	[tilespmem:$0x17200] =	vst v63  }
0x59: {  	v3 =	vld [tilespmem:$0x50];
	_ =	sdelay $0x4  }
0x5a: {  	v49 =	vshll.u32 v3, $0x1  }
0x5b: {  	v3 =	vand.u32 $0x7, v3;
	v4 =	vand.u32 $0xFFFFFFF0, v49  }
0x5c: {  	v3 =	vor.u32 v3, v4  }
0x5d: {  	v4 =	vperm.xlane v3, v0;
	_ =	sdelay $0x1  }
0x5e: {  	v3 =	vperm.xlane v3, v2;
	v4 =	vadd.s32 v1, v4;
	_ =	sdelay $0x1  }
0x5f: {  	v3 =	vadd.s32 v1, v3;
	_ =	sdelay $0x1  }
0x60: {  	s20 =	simm.s32 $0x5A00  }
0x61: {  	[tilespmem:s20], [sflag:$0x1] =	stream.indirect_vreg.gather [hbm4b:s2+s3], $0x80, v4, vm0, $0xb8;
	[tilespmem:$0x17200] =	vst v63  }
0x62: {  	s21 =	simm.s32 $0x6200  }
0x63: {  	[tilespmem:s21], [sflag:$0x1] =	stream.indirect_vreg.gather [hbm4b:s2+s3], $0x80, v3, vm0, $0xb8;
	[tilespmem:$0x17200] =	vst v63  }
0x64: {  	v3 =	vld [tilespmem:$0x60];
	_ =	sdelay $0x4  }
0x65: {  	v50 =	vshll.u32 v3, $0x1  }
0x66: {  	v3 =	vand.u32 $0x7, v3;
	v4 =	vand.u32 $0xFFFFFFF0, v50  }
0x67: {  	v3 =	vor.u32 v3, v4  }
0x68: {  	v4 =	vperm.xlane v3, v0;
	_ =	sdelay $0x1  }
0x69: {  	v3 =	vperm.xlane v3, v2;
	v4 =	vadd.s32 v1, v4;
	_ =	sdelay $0x1  }
0x6a: {  	v3 =	vadd.s32 v1, v3;
	_ =	sdelay $0x1  }
0x6b: {  	s26 =	simm.s32 $0x6A00  }
0x6c: {  	[tilespmem:s26], [sflag:$0x1] =	stream.indirect_vreg.gather [hbm4b:s2+s3], $0x80, v4, vm0, $0xb8;
	[tilespmem:$0x17200] =	vst v63  }
0x6d: {  	s28 =	simm.s32 $0x7200  }
0x6e: {  	[tilespmem:s28], [sflag:$0x1] =	stream.indirect_vreg.gather [hbm4b:s2+s3], $0x80, v3, vm0, $0xb8;
	[tilespmem:$0x17200] =	vst v63  }
0x6f: {  	v3 =	vld [tilespmem:$0x70];
	_ =	sdelay $0x4  }
0x70: {  	v51 =	vshll.u32 v3, $0x1  }
0x71: {  	v3 =	vand.u32 $0x7, v3;
	v4 =	vand.u32 $0xFFFFFFF0, v51  }
0x72: {  	v3 =	vor.u32 v3, v4  }
0x73: {  	v4 =	vperm.xlane v3, v0;
	_ =	sdelay $0x1  }
0x74: {  	v3 =	vperm.xlane v3, v2;
	v4 =	vadd.s32 v1, v4;
	_ =	sdelay $0x1  }
0x75: {  	v3 =	vadd.s32 v1, v3;
	_ =	sdelay $0x1  }
0x76: {  	s29 =	simm.s32 $0x7A00  }
0x77: {  	[tilespmem:s29], [sflag:$0x1] =	stream.indirect_vreg.gather [hbm4b:s2+s3], $0x80, v4, vm0, $0xb8;
	[tilespmem:$0x17200] =	vst v63  }
0x78: {  	s30 =	simm.s32 $0x8200  }
0x79: {  	[tilespmem:s30], [sflag:$0x1] =	stream.indirect_vreg.gather [hbm4b:s2+s3], $0x80, v3, vm0, $0xb8;
	[tilespmem:$0x17200] =	vst v63  }
0x7a: {  	v3 =	vld [tilespmem:$0x80];
	_ =	sdelay $0x4  }
0x7b: {  	v52 =	vshll.u32 v3, $0x1  }
0x7c: {  	v3 =	vand.u32 $0x7, v3;
	v4 =	vand.u32 $0xFFFFFFF0, v52  }
0x7d: {  	v3 =	vor.u32 v3, v4  }
0x7e: {  	v4 =	vperm.xlane v3, v0;
	_ =	sdelay $0x1  }
0x7f: {  	v3 =	vperm.xlane v3, v2;
	v4 =	vadd.s32 v1, v4;
	_ =	sdelay $0x1  }
0x80: {  	v3 =	vadd.s32 v1, v3;
	_ =	sdelay $0x1  }
0x81: {  	s31 =	simm.s32 $0x8A00  }
0x82: {  	[tilespmem:s31], [sflag:$0x1] =	stream.indirect_vreg.gather [hbm4b:s2+s3], $0x80, v4, vm0, $0xb8;
	[tilespmem:$0x17200] =	vst v63  }
0x83: {  	s1 =	simm.s32 $0x9200  }
0x84: {  	[tilespmem:s1], [sflag:$0x1] =	stream.indirect_vreg.gather [hbm4b:s2+s3], $0x80, v3, vm0, $0xb8;
	[tilespmem:$0x17200] =	vst v63  }
0x85: {  	v3 =	vld [tilespmem:$0x90];
	_ =	sdelay $0x4  }
0x86: {  	v53 =	vshll.u32 v3, $0x1  }
0x87: {  	v3 =	vand.u32 $0x7, v3;
	v4 =	vand.u32 $0xFFFFFFF0, v53  }
0x88: {  	v3 =	vor.u32 v3, v4  }
0x89: {  	v4 =	vperm.xlane v3, v0;
	_ =	sdelay $0x1  }
0x8a: {  	v3 =	vperm.xlane v3, v2;
	v4 =	vadd.s32 v1, v4;
	_ =	sdelay $0x1  }
0x8b: {  	v3 =	vadd.s32 v1, v3;
	_ =	sdelay $0x1  }
0x8c: {  	s4 =	simm.s32 $0x9A00  }
0x8d: {  	[tilespmem:s4], [sflag:$0x1] =	stream.indirect_vreg.gather [hbm4b:s2+s3], $0x80, v4, vm0, $0xb8;
	[tilespmem:$0x17200] =	vst v63  }
0x8e: {  	s5 =	simm.s32 $0xA200  }
0x8f: {  	[tilespmem:s5], [sflag:$0x1] =	stream.indirect_vreg.gather [hbm4b:s2+s3], $0x80, v3, vm0, $0xb8;
	[tilespmem:$0x17200] =	vst v63  }
0x90: {  	v3 =	vld [tilespmem:$0xA0];
	_ =	sdelay $0x4  }
0x91: {  	v54 =	vshll.u32 v3, $0x1  }
0x92: {  	v3 =	vand.u32 $0x7, v3;
	v4 =	vand.u32 $0xFFFFFFF0, v54  }
0x93: {  	v3 =	vor.u32 v3, v4  }
0x94: {  	v4 =	vperm.xlane v3, v0;
	_ =	sdelay $0x1  }
0x95: {  	v3 =	vperm.xlane v3, v2;
	v4 =	vadd.s32 v1, v4;
	_ =	sdelay $0x1  }
0x96: {  	v3 =	vadd.s32 v1, v3;
	_ =	sdelay $0x1  }
0x97: {  	s7 =	simm.s32 $0xAA00  }
0x98: {  	[tilespmem:s7], [sflag:$0x2] =	stream.indirect_vreg.gather [hbm4b:s2+s3], $0x80, v4, vm0, $0xb8;
	[tilespmem:$0x17200] =	vst v63  }
0x99: {  	s8 =	simm.s32 $0xB200  }
0x9a: {  	[tilespmem:s8], [sflag:$0x2] =	stream.indirect_vreg.gather [hbm4b:s2+s3], $0x80, v3, vm0, $0xb8;
	[tilespmem:$0x17200] =	vst v63  }
0x9b: {  	v3 =	vld [tilespmem:$0xB0];
	_ =	sdelay $0x4  }
0x9c: {  	v55 =	vshll.u32 v3, $0x1  }
0x9d: {  	v3 =	vand.u32 $0x7, v3;
	v4 =	vand.u32 $0xFFFFFFF0, v55  }
0x9e: {  	v3 =	vor.u32 v3, v4  }
0x9f: {  	v4 =	vperm.xlane v3, v0;
	_ =	sdelay $0x1  }
0xa0: {  	v3 =	vperm.xlane v3, v2;
	v4 =	vadd.s32 v1, v4;
	_ =	sdelay $0x1  }
0xa1: {  	v3 =	vadd.s32 v1, v3;
	_ =	sdelay $0x1  }
0xa2: {  	s9 =	simm.s32 $0xBA00  }
0xa3: {  	[tilespmem:s9], [sflag:$0x2] =	stream.indirect_vreg.gather [hbm4b:s2+s3], $0x80, v4, vm0, $0xb8;
	[tilespmem:$0x17200] =	vst v63  }
0xa4: {  	s10 =	simm.s32 $0xC200  }
0xa5: {  	[tilespmem:s10], [sflag:$0x2] =	stream.indirect_vreg.gather [hbm4b:s2+s3], $0x80, v3, vm0, $0xb8;
	[tilespmem:$0x17200] =	vst v63  }
0xa6: {  	v3 =	vld [tilespmem:$0xC0];
	_ =	sdelay $0x4  }
0xa7: {  	v56 =	vshll.u32 v3, $0x1  }
0xa8: {  	v3 =	vand.u32 $0x7, v3;
	v4 =	vand.u32 $0xFFFFFFF0, v56  }
0xa9: {  	v3 =	vor.u32 v3, v4  }
0xaa: {  	v4 =	vperm.xlane v3, v0;
	_ =	sdelay $0x1  }
0xab: {  	v3 =	vperm.xlane v3, v2;
	v4 =	vadd.s32 v1, v4;
	_ =	sdelay $0x1  }
0xac: {  	v3 =	vadd.s32 v1, v3;
	_ =	sdelay $0x1  }
0xad: {  	s11 =	simm.s32 $0xCA00  }
0xae: {  	[tilespmem:s11], [sflag:$0x2] =	stream.indirect_vreg.gather [hbm4b:s2+s3], $0x80, v4, vm0, $0xb8;
	[tilespmem:$0x17200] =	vst v63  }
0xaf: {  	s12 =	simm.s32 $0xD200  }
0xb0: {  	[tilespmem:s12], [sflag:$0x2] =	stream.indirect_vreg.gather [hbm4b:s2+s3], $0x80, v3, vm0, $0xb8;
	[tilespmem:$0x17200] =	vst v63  }
0xb1: {  	v3 =	vld [tilespmem:$0xD0];
	_ =	sdelay $0x4  }
0xb2: {  	v57 =	vshll.u32 v3, $0x1  }
0xb3: {  	v3 =	vand.u32 $0x7, v3;
	v4 =	vand.u32 $0xFFFFFFF0, v57  }
0xb4: {  	v3 =	vor.u32 v3, v4  }
0xb5: {  	v4 =	vperm.xlane v3, v0;
	_ =	sdelay $0x1  }
0xb6: {  	v3 =	vperm.xlane v3, v2;
	v4 =	vadd.s32 v1, v4;
	_ =	sdelay $0x1  }
0xb7: {  	v3 =	vadd.s32 v1, v3;
	_ =	sdelay $0x1  }
0xb8: {  	s13 =	simm.s32 $0xDA00  }
0xb9: {  	[tilespmem:s13], [sflag:$0x2] =	stream.indirect_vreg.gather [hbm4b:s2+s3], $0x80, v4, vm0, $0xb8;
	[tilespmem:$0x17200] =	vst v63  }
0xba: {  	s14 =	simm.s32 $0xE200  }
0xbb: {  	[tilespmem:s14], [sflag:$0x2] =	stream.indirect_vreg.gather [hbm4b:s2+s3], $0x80, v3, vm0, $0xb8;
	[tilespmem:$0x17200] =	vst v63  }
0xbc: {  	v3 =	vld [tilespmem:$0xE0];
	_ =	sdelay $0x4  }
0xbd: {  	v58 =	vshll.u32 v3, $0x1  }
0xbe: {  	v3 =	vand.u32 $0x7, v3;
	v4 =	vand.u32 $0xFFFFFFF0, v58  }
0xbf: {  	v3 =	vor.u32 v3, v4  }
0xc0: {  	v4 =	vperm.xlane v3, v0;
	_ =	sdelay $0x1  }
0xc1: {  	v3 =	vperm.xlane v3, v2;
	v4 =	vadd.s32 v1, v4;
	_ =	sdelay $0x1  }
0xc2: {  	v3 =	vadd.s32 v1, v3;
	_ =	sdelay $0x1  }
0xc3: {  	s15 =	simm.s32 $0xEA00  }
0xc4: {  	[tilespmem:s15], [sflag:$0x2] =	stream.indirect_vreg.gather [hbm4b:s2+s3], $0x80, v4, vm0, $0xb8;
	[tilespmem:$0x17200] =	vst v63  }
0xc5: {  	s16 =	simm.s32 $0xF200  }
0xc6: {  	[tilespmem:s16], [sflag:$0x2] =	stream.indirect_vreg.gather [hbm4b:s2+s3], $0x80, v3, vm0, $0xb8;
	[tilespmem:$0x17200] =	vst v63  }
0xc7: {  	v3 =	vld [tilespmem:$0xF0];
	_ =	sdelay $0x4  }
0xc8: {  	v59 =	vshll.u32 v3, $0x1  }
0xc9: {  	v3 =	vand.u32 $0x7, v3;
	v4 =	vand.u32 $0xFFFFFFF0, v59  }
0xca: {  	v3 =	vor.u32 v3, v4  }
0xcb: {  	v4 =	vperm.xlane v3, v0;
	_ =	sdelay $0x1  }
0xcc: {  	v3 =	vperm.xlane v3, v2;
	v4 =	vadd.s32 v1, v4;
	_ =	sdelay $0x1  }
0xcd: {  	v3 =	vadd.s32 v1, v3;
	_ =	sdelay $0x1  }
0xce: {  	s17 =	simm.s32 $0xFA00  }
0xcf: {  	[tilespmem:s17], [sflag:$0x2] =	stream.indirect_vreg.gather [hbm4b:s2+s3], $0x80, v4, vm0, $0xb8;
	[tilespmem:$0x17200] =	vst v63  }
0xd0: {  	s18 =	simm.s32 $0x10200  }
0xd1: {  	[tilespmem:s18], [sflag:$0x2] =	stream.indirect_vreg.gather [hbm4b:s2+s3], $0x80, v3, vm0, $0xb8;
	[tilespmem:$0x17200] =	vst v63  }
0xd2: {  	v3 =	vld [tilespmem:$0x100];
	_ =	sdelay $0x4  }
0xd3: {  	v60 =	vshll.u32 v3, $0x1  }
0xd4: {  	v3 =	vand.u32 $0x7, v3;
	v4 =	vand.u32 $0xFFFFFFF0, v60  }
0xd5: {  	v3 =	vor.u32 v3, v4  }
0xd6: {  	v4 =	vperm.xlane v3, v0;
	_ =	sdelay $0x1  }
0xd7: {  	v3 =	vperm.xlane v3, v2;
	v4 =	vadd.s32 v1, v4;
	_ =	sdelay $0x1  }
0xd8: {  	v3 =	vadd.s32 v1, v3;
	_ =	sdelay $0x1  }
0xd9: {  	s19 =	simm.s32 $0x10A00  }
0xda: {  	[tilespmem:s19], [sflag:$0x2] =	stream.indirect_vreg.gather [hbm4b:s2+s3], $0x80, v4, vm0, $0xb8;
	[tilespmem:$0x17200] =	vst v63  }
0xdb: {  	s20 =	simm.s32 $0x11200  }
0xdc: {  	[tilespmem:s20], [sflag:$0x2] =	stream.indirect_vreg.gather [hbm4b:s2+s3], $0x80, v3, vm0, $0xb8;
	[tilespmem:$0x17200] =	vst v63  }
0xdd: {  	v3 =	vld [tilespmem:$0x110];
	_ =	sdelay $0x4  }
0xde: {  	v61 =	vshll.u32 v3, $0x1  }
0xdf: {  	v3 =	vand.u32 $0x7, v3;
	v4 =	vand.u32 $0xFFFFFFF0, v61  }
0xe0: {  	v3 =	vor.u32 v3, v4  }
0xe1: {  	v4 =	vperm.xlane v3, v0;
	_ =	sdelay $0x1  }
0xe2: {  	v3 =	vperm.xlane v3, v2;
	v4 =	vadd.s32 v1, v4;
	_ =	sdelay $0x1  }
0xe3: {  	v3 =	vadd.s32 v1, v3;
	_ =	sdelay $0x1  }
0xe4: {  	s21 =	simm.s32 $0x11A00  }
0xe5: {  	[tilespmem:s21], [sflag:$0x2] =	stream.indirect_vreg.gather [hbm4b:s2+s3], $0x80, v4, vm0, $0xb8;
	[tilespmem:$0x17200] =	vst v63  }
0xe6: {  	s26 =	simm.s32 $0x12200  }
0xe7: {  	[tilespmem:s26], [sflag:$0x2] =	stream.indirect_vreg.gather [hbm4b:s2+s3], $0x80, v3, vm0, $0xb8;
	[tilespmem:$0x17200] =	vst v63  }
0xe8: {  	v3 =	vld [tilespmem:$0x120];
	_ =	sdelay $0x4  }
0xe9: {  	v62 =	vshll.u32 v3, $0x1  }
0xea: {  	v3 =	vand.u32 $0x7, v3;
	v4 =	vand.u32 $0xFFFFFFF0, v62  }
0xeb: {  	v3 =	vor.u32 v3, v4  }
0xec: {  	v4 =	vperm.xlane v3, v0;
	_ =	sdelay $0x1  }
0xed: {  	v3 =	vperm.xlane v3, v2;
	v4 =	vadd.s32 v1, v4;
	_ =	sdelay $0x1  }
0xee: {  	v3 =	vadd.s32 v1, v3;
	_ =	sdelay $0x1  }
0xef: {  	s28 =	simm.s32 $0x12A00  }
0xf0: {  	[tilespmem:s28], [sflag:$0x2] =	stream.indirect_vreg.gather [hbm4b:s2+s3], $0x80, v4, vm0, $0xb8;
	[tilespmem:$0x17200] =	vst v63  }
0xf1: {  	s29 =	simm.s32 $0x13200  }
0xf2: {  	[tilespmem:s29], [sflag:$0x2] =	stream.indirect_vreg.gather [hbm4b:s2+s3], $0x80, v3, vm0, $0xb8;
	[tilespmem:$0x17200] =	vst v63  }
0xf3: {  	v3 =	vld [tilespmem:$0x130];
	_ =	sdelay $0x4  }
0xf4: {  	v63 =	vshll.u32 v3, $0x1  }
0xf5: {  	v3 =	vand.u32 $0x7, v3;
	v4 =	vand.u32 $0xFFFFFFF0, v63  }
0xf6: {  	v3 =	vor.u32 v3, v4  }
0xf7: {  	v4 =	vperm.xlane v3, v0;
	_ =	sdelay $0x1  }
0xf8: {  	v3 =	vperm.xlane v3, v2;
	v4 =	vadd.s32 v1, v4;
	_ =	sdelay $0x1  }
0xf9: {  	v3 =	vadd.s32 v1, v3;
	_ =	sdelay $0x1  }
0xfa: {  	s30 =	simm.s32 $0x13A00  }
0xfb: {  	[tilespmem:s30], [sflag:$0x2] =	stream.indirect_vreg.gather [hbm4b:s2+s3], $0x80, v4, vm0, $0xb8;
	[tilespmem:$0x17200] =	vst v63  }
0xfc: {  	s31 =	simm.s32 $0x14200;
	s26 =	simm.s32 $0x0  }
0xfd: {  	[tilespmem:s31], [sflag:$0x2] =	stream.indirect_vreg.gather [hbm4b:s2+s3], $0x80, v3, vm0, $0xb8;
	[tilespmem:$0x17200] =	vst v63  }
.LBB2_2:
0xfe: {  	_ =	swait.ge [sflag:s22], $0x5000  }
0xff: {  	[sflag:s22] =	ssyncset.done $0x0  }
0x100: {  	[sflag:s22] =	ssyncadd.s32 $0xFFFFB000  }
0x101: {  	_ =	swait.ge [sflag:s22], $0x5000  }
0x102: {  	p0 =	seq.s32 s26, $0x0;
	[sflag:s22] =	ssyncset.done $0x0  }
0x103: {  	s0 =	simm.s32 @!p0 $0x3;
	[sflag:s22] =	ssyncadd.s32 $0xFFFFB000  }
0x104: {  	s28 =	simm.s32 $0xFFFFFFFE;
	_ =	swait.ge @!p0 [sflag:s0], $0x800  }
0x105: {  	s29 =	simm.s32 $0x0;
	s30 =	simm.s32 $0x0;
	[sflag:s0] =	ssyncset.done @!p0 $0x0  }
0x106: {  	s31 =	simm.s32 $0x0;
	s1 =	simm.s32 $0x0;
	[sflag:s0] =	ssyncadd.s32 @!p0 $0xFFFFF800  }
.LBB2_3:
0x107: {  	s18 =	sor.u32 $0xB80, s30  }
0x108: {  	s8 =	sand.u32 $0x60, s29;
	s4 =	sand.u32 $0x400, s1;
	v7 =	vld [tilespmem:s18+$0x14A00]  }
0x109: {  	s13 =	sor.u32 s8, s4;
	v49 =	vld [tilespmem:s18+$0xA00]  }
0x10a: {  	v21 =	vld [tilespmem:s13+$0x14A00]  }
0x10b: {  	v20 =	vld [tilespmem:s13+$0x14B00]  }
0x10c: {  	v18 =	vld [tilespmem:s13+$0x14C00]  }
0x10d: {  	v14 =	vld [tilespmem:s13+$0x15200]  }
0x10e: {  	v12 =	vld [tilespmem:s13+$0x15300]  }
0x10f: {  	v10 =	vld [tilespmem:s13+$0x15400]  }
0x110: {  	v6 =	vld [tilespmem:s13+$0x15A00]  }
0x111: {  	v4 =	vld [tilespmem:s13+$0x15B00]  }
0x112: {  	v23 =	vld [tilespmem:s13+$0xA00]  }
0x113: {  	v25 =	vld [tilespmem:s13+$0xB00]  }
0x114: {  	v27 =	vld [tilespmem:s13+$0xC00]  }
0x115: {  	v31 =	vld [tilespmem:s13+$0x1200]  }
0x116: {  	v44 =	vld [tilespmem:s13+$0x1300]  }
0x117: {  	s0 =	sand.u32 $0xFFFFFC00, s1;
	v46 =	vld [tilespmem:s13+$0x1400]  }
0x118: {  	s5 =	sadd.s32 s0, s29;
	v50 =	vld [tilespmem:s13+$0x1A00]  }
0x119: {  	s15 =	sor.u32 $0x80, s5;
	v52 =	vld [tilespmem:s13+$0x1B00]  }
0x11a: {  	s16 =	sand.u32 $0x3, s31;
	s14 =	sor.u32 $0x180, s5;
	v22 =	vld [tilespmem:s15+$0x14A00]  }
0x11b: {  	s0 =	sshll.u32 s16, $0x5;
	s11 =	sor.u32 $0x280, s5;
	v19 =	vld [tilespmem:s14+$0x14A00]  }
0x11c: {  	s7 =	sadd.s32 s0, s1;
	s0 =	sor.u32 $0x380, s30;
	v17 =	vld [tilespmem:s11+$0x14A00]  }
0x11d: {  	s10 =	sor.u32 $0x880, s5;
	v15 =	vld [tilespmem:s0+$0x14A00]  }
0x11e: {  	s12 =	sor.u32 $0x980, s5;
	v13 =	vld [tilespmem:s10+$0x14A00]  }
0x11f: {  	s16 =	sor.u32 $0xA80, s5;
	v11 =	vld [tilespmem:s12+$0x14A00]  }
0x120: {  	s19 =	sor.u32 $0x1080, s5;
	v9 =	vld [tilespmem:s16+$0x14A00]  }
0x121: {  	s20 =	sor.u32 $0x1180, s5;
	v5 =	vld [tilespmem:s19+$0x14A00]  }
0x122: {  	v3 =	vld [tilespmem:s20+$0x14A00]  }
0x123: {  	v24 =	vld [tilespmem:s15+$0xA00]  }
0x124: {  	v26 =	vld [tilespmem:s14+$0xA00]  }
0x125: {  	v28 =	vld [tilespmem:s11+$0xA00]  }
0x126: {  	v30 =	vld [tilespmem:s0+$0xA00]  }
0x127: {  	v43 =	vld [tilespmem:s10+$0xA00]  }
0x128: {  	v45 =	vld [tilespmem:s12+$0xA00]  }
0x129: {  	v47 =	vld [tilespmem:s16+$0xA00]  }
0x12a: {  	s9 =	sor.u32 $0x300, s7;
	v51 =	vld [tilespmem:s19+$0xA00]  }
0x12b: {  	s17 =	sor.u32 $0xB00, s7;
	v16 =	vld [tilespmem:s9+$0x14A00]  }
0x12c: {  	v8 =	vld [tilespmem:s17+$0x14A00]  }
0x12d: {  	s5 =	sor.u32 $0x10, s8;
	v29 =	vld [tilespmem:s9+$0xA00]  }
0x12e: {  	s12 =	sor.u32 s4, s5;
	v48 =	vld [tilespmem:s17+$0xA00]  }
0x12f: {  	v41 =	vld [tilespmem:s12+$0x14A00]  }
0x130: {  	v42 =	vld [tilespmem:s12+$0x14A80]  }
0x131: {  	v32 =	vld [tilespmem:s12+$0xA00]  }
0x132: {  	v33 =	vld [tilespmem:s12+$0xA80]  }
0x133: {  	v40 =	vld [tilespmem:s12+$0x14B00]  }
0x134: {  	v34 =	vld [tilespmem:s12+$0xB00]  }
0x135: {  	v39 =	vld [tilespmem:s12+$0x14B80]  }
0x136: {  	v61 =	vld [tilespmem:s12+$0xB80];
	v23 =	vmul.f32 v23, v21;
	v24 =	vmul.f32 v24, v22  }
0x137: {  	v38 =	vld [tilespmem:s12+$0x14C00];
	v60 =	vmul.f32 v25, v20  }
0x138: {  	v63 =	vld [tilespmem:s12+$0xC00];
	v32 =	vmul.f32 v32, v41;
	v33 =	vmul.f32 v33, v42;
	v23 =	vadd.f32 v24, v23  }
0x139: {  	v37 =	vld [tilespmem:s12+$0x14C80];
	s17 =	sadd.s32 $0x10, s7;
	v62 =	vmul.f32 v26, v19  }
0x13a: {  	v56 =	vld [tilespmem:s12+$0xC80];
	s10 =	sor.u32 $0x300, s17;
	v54 =	vmul.f32 v34, v40;
	v32 =	vadd.f32 v33, v32;
	v23 =	vadd.f32 v60, v23  }
0x13b: {  	v36 =	vld [tilespmem:s10+$0x14A00];
	v55 =	vmul.f32 v27, v18  }
0x13c: {  	s7 =	sor.u32 $0x380, s17;
	v58 =	vld [tilespmem:s10+$0xA00];
	v25 =	vmul.f32 v61, v39;
	v32 =	vadd.f32 v54, v32;
	v23 =	vadd.f32 v62, v23  }
0x13d: {  	v35 =	vld [tilespmem:s7+$0x14A00];
	v57 =	vmul.f32 v28, v17  }
0x13e: {  	v26 =	vmul.f32 v63, v38;
	v34 =	vld [tilespmem:s12+$0x15200];
	v25 =	vadd.f32 v25, v32;
	v23 =	vadd.f32 v55, v23  }
0x13f: {  	v59 =	vmul.f32 v29, v16;
	v60 =	vld [tilespmem:s7+$0xA00]  }
0x140: {  	v61 =	vmul.f32 v56, v37;
	v63 =	vld [tilespmem:s12+$0x1200];
	v25 =	vadd.f32 v26, v25;
	v23 =	vadd.f32 v57, v23  }
0x141: {  	v56 =	vld [tilespmem:s12+$0x1280];
	v54 =	vmul.f32 v58, v36  }
0x142: {  	v33 =	vld [tilespmem:s12+$0x15280];
	v62 =	vmul.f32 v30, v15;
	v25 =	vadd.f32 v61, v25;
	v23 =	vadd.f32 v59, v23  }
0x143: {  	v53 =	vld [tilespmem:s20+$0xA00];
	v55 =	vmul.f32 v31, v14  }
0x144: {  	v32 =	vld [tilespmem:s12+$0x15300];
	v57 =	vmul.f32 v60, v35;
	v25 =	vadd.f32 v54, v25;
	v23 =	vadd.f32 v62, v23  }
0x145: {  	v58 =	vmul.f32 v43, v13;
	v59 =	vld [tilespmem:s12+$0x1300]  }
0x146: {  	v31 =	vld [tilespmem:s12+$0x15380];
	v60 =	vmul.f32 v63, v34;
	v25 =	vadd.f32 v57, v25;
	v23 =	vadd.f32 v55, v23  }
0x147: {  	v63 =	vmul.f32 v56, v33;
	v62 =	vld [tilespmem:s12+$0x1380]  }
0x148: {  	v30 =	vld [tilespmem:s12+$0x15400];
	v61 =	vmul.f32 v44, v12;
	v25 =	vadd.f32 v60, v25;
	v23 =	vadd.f32 v58, v23  }
0x149: {  	v54 =	vmul.f32 v45, v11;
	v55 =	vld [tilespmem:s12+$0x1400]  }
0x14a: {  	v29 =	vld [tilespmem:s12+$0x15480];
	v56 =	vmul.f32 v59, v32;
	v25 =	vadd.f32 v63, v25;
	v23 =	vadd.f32 v61, v23  }
0x14b: {  	s18 =	sor.u32 $0xB00, s17;
	v57 =	vmul.f32 v46, v10;
	v58 =	vld [tilespmem:s12+$0x1480]  }
0x14c: {  	v27 =	vld [tilespmem:s18+$0x14A00];
	v44 =	vmul.f32 v62, v31;
	v26 =	vadd.f32 v56, v25;
	v23 =	vadd.f32 v54, v23  }
0x14d: {  	s16 =	sor.u32 $0xB80, s17;
	v59 =	vmul.f32 v47, v9;
	v60 =	vld [tilespmem:s18+$0xA00]  }
0x14e: {  	v62 =	vld [tilespmem:s16+$0xA00];
	v28 =	vmul.f32 v55, v30;
	v26 =	vadd.f32 v44, v26;
	v23 =	vadd.f32 v57, v23  }
0x14f: {  	v61 =	vmul.f32 v48, v8;
	v25 =	vld [tilespmem:s16+$0x14A00]  }
0x150: {  	v55 =	vld [tilespmem:s12+$0x1A00];
	v63 =	vmul.f32 v58, v29;
	v26 =	vadd.f32 v28, v26;
	v24 =	vadd.f32 v59, v23  }
0x151: {  	v54 =	vmul.f32 v49, v7;
	v23 =	vld [tilespmem:s12+$0x15A00]  }
0x152: {  	v45 =	vmul.f32 v60, v27;
	v57 =	vld [tilespmem:s12+$0x1A80];
	v28 =	vadd.f32 v63, v26;
	v48 =	vadd.f32 v61, v24  }
0x153: {  	v56 =	vmul.f32 v50, v6;
	v24 =	vld [tilespmem:s12+$0x15A80]  }
0x154: {  	v46 =	vmul.f32 v62, v25;
	v59 =	vld [tilespmem:s12+$0x1B00];
	v45 =	vadd.f32 v45, v28;
	v43 =	vadd.f32 v54, v48  }
0x155: {  	v58 =	vmul.f32 v51, v5;
	v26 =	vld [tilespmem:s12+$0x15B00]  }
0x156: {  	v62 =	vld [tilespmem:s12+$0x1B80];
	v45 =	vadd.f32 v46, v45;
	v60 =	vmul.f32 v55, v23;
	v43 =	vadd.f32 v56, v43  }
0x157: {  	v61 =	vmul.f32 v52, v4;
	v28 =	vld [tilespmem:s12+$0x15B80]  }
0x158: {  	v45 =	vadd.f32 v60, v45;
	v63 =	vmul.f32 v57, v24;
	v43 =	vadd.f32 v58, v43  }
0x159: {  	v48 =	vmul.f32 v53, v3  }
0x15a: {  	v49 =	vmul.f32 v59, v26;
	v45 =	vadd.f32 v63, v45;
	v43 =	vadd.f32 v61, v43;
	_ =	sdelay $0x1  }
0x15b: {  	v51 =	vmul.f32 v62, v28;
	v50 =	vadd.f32 v49, v45;
	v43 =	vadd.f32 v48, v43  }
0x15c: {  	s16 =	sadd.s32 $0x1C00, s4  }
0x15d: {  	s18 =	sadd.s32 $0x1C80, s4;
	s19 =	sor.u32 s8, s16;
	v44 =	vadd.f32 v51, v50;
	[tilespmem:s13+$0x16200] =	vst v43  }
0x15e: {  	s20 =	sor.u32 s8, s18;
	v43 =	vld [tilespmem:s19+$0x0]  }
0x15f: {  	s16 =	sor.u32 s5, s16;
	s19 =	sadd.s32 $0x1D00, s4;
	v52 =	vld [tilespmem:s20+$0x0];
	[tilespmem:s12+$0x16200] =	vst v44  }
0x160: {  	s21 =	sor.u32 s8, s19;
	v44 =	vld [tilespmem:s16+$0x0]  }
0x161: {  	s18 =	sor.u32 s5, s18;
	s16 =	sadd.s32 $0x1D80, s4;
	v53 =	vld [tilespmem:s21+$0x0]  }
0x162: {  	v54 =	vld [tilespmem:s18+$0x0];
	s20 =	sor.u32 s8, s16  }
0x163: {  	s17 =	sor.u32 $0x2200, s4;
	s21 =	sor.u32 s5, s19;
	v55 =	vld [tilespmem:s20+$0x0]  }
0x164: {  	s19 =	sor.u32 s8, s17;
	v56 =	vld [tilespmem:s21+$0x0];
	v43 =	vmul.f32 v43, v21;
	v45 =	vmul.f32 v52, v22  }
0x165: {  	s18 =	sor.u32 $0x2280, s4;
	s16 =	sor.u32 s5, s16;
	v57 =	vld [tilespmem:s19+$0x0]  }
0x166: {  	v59 =	vld [tilespmem:s16+$0x0];
	s20 =	sor.u32 s8, s18;
	v43 =	vadd.f32 v45, v43;
	v58 =	vmul.f32 v53, v20  }
0x167: {  	s17 =	sor.u32 s5, s17;
	s16 =	sor.u32 $0x2300, s4;
	v60 =	vld [tilespmem:s20+$0x0];
	v44 =	vmul.f32 v44, v41;
	v47 =	vmul.f32 v54, v42  }
0x168: {  	v62 =	vld [tilespmem:s17+$0x0];
	s21 =	sor.u32 s8, s16;
	v61 =	vmul.f32 v55, v19;
	v43 =	vadd.f32 v58, v43  }
0x169: {  	s19 =	sor.u32 $0x2380, s4;
	s18 =	sor.u32 s5, s18;
	v63 =	vld [tilespmem:s21+$0x0];
	v44 =	vadd.f32 v47, v44;
	v54 =	vmul.f32 v56, v40  }
0x16a: {  	v49 =	vld [tilespmem:s18+$0x0];
	s20 =	sor.u32 s8, s19;
	v55 =	vmul.f32 v57, v18;
	v43 =	vadd.f32 v61, v43  }
0x16b: {  	s18 =	sadd.s32 $0x2400, s4;
	s16 =	sor.u32 s5, s16;
	v56 =	vld [tilespmem:s20+$0x0];
	v46 =	vmul.f32 v59, v39;
	v44 =	vadd.f32 v54, v44  }
0x16c: {  	s21 =	sor.u32 s8, s18;
	v57 =	vmul.f32 v60, v17;
	v58 =	vld [tilespmem:s16+$0x0];
	v43 =	vadd.f32 v55, v43  }
0x16d: {  	s17 =	sor.u32 s5, s19;
	v59 =	vld [tilespmem:s21+$0x0];
	s16 =	sadd.s32 $0x2480, s4;
	v60 =	vmul.f32 v62, v38;
	v44 =	vadd.f32 v46, v44  }
0x16e: {  	v62 =	vld [tilespmem:s17+$0x0];
	s19 =	sor.u32 s8, s16;
	v61 =	vmul.f32 v63, v16;
	v43 =	vadd.f32 v57, v43  }
0x16f: {  	s18 =	sor.u32 s5, s18;
	s20 =	sadd.s32 $0x2500, s4;
	v54 =	vmul.f32 v49, v37;
	v63 =	vld [tilespmem:s19+$0x0];
	v44 =	vadd.f32 v60, v44  }
0x170: {  	s21 =	sor.u32 s8, s20;
	v49 =	vld [tilespmem:s18+$0x0];
	v55 =	vmul.f32 v56, v15;
	v43 =	vadd.f32 v61, v43  }
0x171: {  	v50 =	vld [tilespmem:s21+$0x0];
	s18 =	sadd.s32 $0x2580, s4;
	s16 =	sor.u32 s5, s16;
	v56 =	vmul.f32 v58, v36;
	v44 =	vadd.f32 v54, v44  }
0x172: {  	s19 =	sor.u32 s8, s18;
	v58 =	vld [tilespmem:s16+$0x0];
	v57 =	vmul.f32 v59, v14;
	v43 =	vadd.f32 v55, v43  }
0x173: {  	s17 =	sor.u32 s5, s20;
	s16 =	sor.u32 $0x2A00, s4;
	v60 =	vmul.f32 v62, v35;
	v59 =	vld [tilespmem:s19+$0x0];
	v44 =	vadd.f32 v56, v44  }
0x174: {  	v62 =	vld [tilespmem:s17+$0x0];
	s20 =	sor.u32 s8, s16;
	v61 =	vmul.f32 v63, v13;
	v43 =	vadd.f32 v57, v43  }
0x175: {  	s21 =	sor.u32 $0x2A80, s4;
	s18 =	sor.u32 s5, s18;
	v54 =	vmul.f32 v49, v34;
	v63 =	vld [tilespmem:s20+$0x0];
	v44 =	vadd.f32 v60, v44  }
0x176: {  	s19 =	sor.u32 s8, s21;
	v49 =	vld [tilespmem:s18+$0x0];
	v55 =	vmul.f32 v50, v12;
	v43 =	vadd.f32 v61, v43  }
0x177: {  	s16 =	sor.u32 s5, s16;
	s18 =	sor.u32 $0x2B00, s4;
	v50 =	vld [tilespmem:s19+$0x0];
	v56 =	vmul.f32 v58, v33;
	v44 =	vadd.f32 v54, v44  }
0x178: {  	s20 =	sor.u32 s8, s18;
	v58 =	vld [tilespmem:s16+$0x0];
	v57 =	vmul.f32 v59, v11;
	v43 =	vadd.f32 v55, v43  }
0x179: {  	s17 =	sor.u32 s5, s21;
	s16 =	sor.u32 $0x2B80, s4;
	v60 =	vmul.f32 v62, v32;
	v59 =	vld [tilespmem:s20+$0x0];
	v44 =	vadd.f32 v56, v44  }
0x17a: {  	v62 =	vld [tilespmem:s17+$0x0];
	s21 =	sor.u32 s8, s16;
	v61 =	vmul.f32 v63, v10;
	v43 =	vadd.f32 v57, v43  }
0x17b: {  	s18 =	sor.u32 s5, s18;
	s19 =	sadd.s32 $0x2C00, s4;
	v54 =	vmul.f32 v49, v31;
	v63 =	vld [tilespmem:s21+$0x0];
	v44 =	vadd.f32 v60, v44  }
0x17c: {  	s20 =	sor.u32 s8, s19;
	v49 =	vld [tilespmem:s18+$0x0];
	v55 =	vmul.f32 v50, v9;
	v43 =	vadd.f32 v61, v43  }
0x17d: {  	s16 =	sor.u32 s5, s16;
	s18 =	sadd.s32 $0x2C80, s4;
	v56 =	vmul.f32 v58, v30;
	v50 =	vld [tilespmem:s20+$0x0];
	v44 =	vadd.f32 v54, v44  }
0x17e: {  	s21 =	sor.u32 s8, s18;
	v58 =	vld [tilespmem:s16+$0x0];
	v57 =	vmul.f32 v59, v8;
	v43 =	vadd.f32 v55, v43  }
0x17f: {  	s17 =	sor.u32 s5, s19;
	s16 =	sadd.s32 $0x2D00, s4;
	v60 =	vmul.f32 v62, v29;
	v59 =	vld [tilespmem:s21+$0x0];
	v44 =	vadd.f32 v56, v44  }
0x180: {  	s19 =	sor.u32 s8, s16;
	v62 =	vld [tilespmem:s17+$0x0];
	v61 =	vmul.f32 v63, v7;
	v43 =	vadd.f32 v57, v43  }
0x181: {  	s18 =	sor.u32 s5, s18;
	s20 =	sadd.s32 $0x2D80, s4;
	v53 =	vmul.f32 v49, v27;
	v63 =	vld [tilespmem:s19+$0x0];
	v44 =	vadd.f32 v60, v44  }
0x182: {  	s21 =	sor.u32 s8, s20;
	v54 =	vmul.f32 v50, v6;
	v55 =	vld [tilespmem:s18+$0x0];
	v43 =	vadd.f32 v61, v43  }
0x183: {  	s16 =	sor.u32 s5, s16;
	v56 =	vld [tilespmem:s21+$0x0];
	v57 =	vmul.f32 v58, v25;
	v44 =	vadd.f32 v53, v44  }
0x184: {  	v58 =	vmul.f32 v59, v5;
	v59 =	vld [tilespmem:s16+$0x0];
	v43 =	vadd.f32 v54, v43  }
0x185: {  	s18 =	sor.u32 s5, s20;
	v60 =	vmul.f32 v62, v23;
	v44 =	vadd.f32 v57, v44  }
0x186: {  	v62 =	vld [tilespmem:s18+$0x0];
	v61 =	vmul.f32 v63, v4;
	v43 =	vadd.f32 v58, v43  }
0x187: {  	v63 =	vmul.f32 v55, v24;
	v44 =	vadd.f32 v60, v44  }
0x188: {  	v49 =	vmul.f32 v56, v3;
	v43 =	vadd.f32 v61, v43  }
0x189: {  	v50 =	vmul.f32 v59, v26;
	v44 =	vadd.f32 v63, v44  }
0x18a: {  	v43 =	vadd.f32 v49, v43  }
0x18b: {  	s16 =	sor.u32 $0x3200, s4;
	v51 =	vmul.f32 v62, v28;
	v44 =	vadd.f32 v50, v44  }
0x18c: {  	s17 =	sor.u32 $0x3280, s4;
	s19 =	sor.u32 s8, s16;
	[tilespmem:s15+$0x16200] =	vst v43  }
0x18d: {  	s20 =	sor.u32 s8, s17;
	s18 =	sor.u32 $0x3300, s4;
	v44 =	vadd.f32 v51, v44;
	v43 =	vld [tilespmem:s19+$0x0]  }
0x18e: {  	s21 =	sor.u32 s8, s18;
	v52 =	vld [tilespmem:s20+$0x0]  }
0x18f: {  	v53 =	vld [tilespmem:s21+$0x0];
	[tilespmem:s12+$0x16280] =	vst v44;
	s19 =	sor.u32 s5, s16  }
0x190: {  	s16 =	sor.u32 $0x3380, s4;
	s20 =	sor.u32 s5, s17;
	v44 =	vld [tilespmem:s19+$0x0]  }
0x191: {  	s21 =	sor.u32 s8, s16;
	v54 =	vld [tilespmem:s20+$0x0]  }
0x192: {  	s15 =	sadd.s32 $0x3400, s4;
	s19 =	sor.u32 s5, s18;
	v55 =	vld [tilespmem:s21+$0x0]  }
0x193: {  	s20 =	sor.u32 s8, s15;
	v56 =	vld [tilespmem:s19+$0x0];
	v43 =	vmul.f32 v43, v21;
	v45 =	vmul.f32 v52, v22  }
0x194: {  	s17 =	sadd.s32 $0x3480, s4;
	s16 =	sor.u32 s5, s16;
	v57 =	vld [tilespmem:s20+$0x0]  }
0x195: {  	s21 =	sor.u32 s8, s17;
	v59 =	vld [tilespmem:s16+$0x0];
	v58 =	vmul.f32 v53, v20;
	v43 =	vadd.f32 v45, v43  }
0x196: {  	s15 =	sor.u32 s5, s15;
	s16 =	sadd.s32 $0x3500, s4;
	v60 =	vld [tilespmem:s21+$0x0];
	v44 =	vmul.f32 v44, v41;
	v47 =	vmul.f32 v54, v42  }
0x197: {  	v62 =	vld [tilespmem:s15+$0x0];
	s19 =	sor.u32 s8, s16;
	v61 =	vmul.f32 v55, v19;
	v43 =	vadd.f32 v58, v43  }
0x198: {  	s20 =	sadd.s32 $0x3580, s4;
	s17 =	sor.u32 s5, s17;
	v63 =	vld [tilespmem:s19+$0x0];
	v54 =	vmul.f32 v56, v40;
	v44 =	vadd.f32 v47, v44  }
0x199: {  	s21 =	sor.u32 s8, s20;
	v49 =	vld [tilespmem:s17+$0x0];
	v55 =	vmul.f32 v57, v18;
	v43 =	vadd.f32 v61, v43  }
0x19a: {  	s17 =	sor.u32 $0x3A00, s4;
	s16 =	sor.u32 s5, s16;
	v56 =	vld [tilespmem:s21+$0x0];
	v46 =	vmul.f32 v59, v39;
	v44 =	vadd.f32 v54, v44  }
0x19b: {  	s19 =	sor.u32 s8, s17;
	v57 =	vmul.f32 v60, v17;
	v58 =	vld [tilespmem:s16+$0x0];
	v43 =	vadd.f32 v55, v43  }
0x19c: {  	s15 =	sor.u32 s5, s20;
	v59 =	vld [tilespmem:s19+$0x0];
	v60 =	vmul.f32 v62, v38;
	s16 =	sor.u32 $0x3A80, s4;
	v44 =	vadd.f32 v46, v44  }
0x19d: {  	v62 =	vld [tilespmem:s15+$0x0];
	s20 =	sor.u32 s8, s16;
	v61 =	vmul.f32 v63, v16;
	v43 =	vadd.f32 v57, v43  }
0x19e: {  	s17 =	sor.u32 s5, s17;
	s21 =	sor.u32 $0x3B00, s4;
	v54 =	vmul.f32 v49, v37;
	v63 =	vld [tilespmem:s20+$0x0];
	v44 =	vadd.f32 v60, v44  }
0x19f: {  	s19 =	sor.u32 s8, s21;
	v49 =	vld [tilespmem:s17+$0x0];
	v55 =	vmul.f32 v56, v15;
	v43 =	vadd.f32 v61, v43  }
0x1a0: {  	v50 =	vld [tilespmem:s19+$0x0];
	s17 =	sor.u32 $0x3B80, s4;
	s16 =	sor.u32 s5, s16;
	v56 =	vmul.f32 v58, v36;
	v44 =	vadd.f32 v54, v44  }
0x1a1: {  	s20 =	sor.u32 s8, s17;
	v58 =	vld [tilespmem:s16+$0x0];
	v57 =	vmul.f32 v59, v14;
	v43 =	vadd.f32 v55, v43  }
0x1a2: {  	s15 =	sor.u32 s5, s21;
	s16 =	sadd.s32 $0x3C00, s4;
	v60 =	vmul.f32 v62, v35;
	v59 =	vld [tilespmem:s20+$0x0];
	v44 =	vadd.f32 v56, v44  }
0x1a3: {  	v62 =	vld [tilespmem:s15+$0x0];
	s21 =	sor.u32 s8, s16;
	v61 =	vmul.f32 v63, v13;
	v43 =	vadd.f32 v57, v43  }
0x1a4: {  	s19 =	sadd.s32 $0x3C80, s4;
	s17 =	sor.u32 s5, s17;
	v54 =	vmul.f32 v49, v34;
	v63 =	vld [tilespmem:s21+$0x0];
	v44 =	vadd.f32 v60, v44  }
0x1a5: {  	s20 =	sor.u32 s8, s19;
	v49 =	vld [tilespmem:s17+$0x0];
	v55 =	vmul.f32 v50, v12;
	v43 =	vadd.f32 v61, v43  }
0x1a6: {  	s16 =	sor.u32 s5, s16;
	s17 =	sadd.s32 $0x3D00, s4;
	v50 =	vld [tilespmem:s20+$0x0];
	v56 =	vmul.f32 v58, v33;
	v44 =	vadd.f32 v54, v44  }
0x1a7: {  	s21 =	sor.u32 s8, s17;
	v58 =	vld [tilespmem:s16+$0x0];
	v57 =	vmul.f32 v59, v11;
	v43 =	vadd.f32 v55, v43  }
0x1a8: {  	s15 =	sor.u32 s5, s19;
	s16 =	sadd.s32 $0x3D80, s4;
	v60 =	vmul.f32 v62, v32;
	v59 =	vld [tilespmem:s21+$0x0];
	v44 =	vadd.f32 v56, v44  }
0x1a9: {  	s19 =	sor.u32 s8, s16;
	v62 =	vld [tilespmem:s15+$0x0];
	v61 =	vmul.f32 v63, v10;
	v43 =	vadd.f32 v57, v43  }
0x1aa: {  	s17 =	sor.u32 s5, s17;
	s20 =	sor.u32 $0x4200, s4;
	v54 =	vmul.f32 v49, v31;
	v63 =	vld [tilespmem:s19+$0x0];
	v44 =	vadd.f32 v60, v44  }
0x1ab: {  	s21 =	sor.u32 s8, s20;
	v49 =	vld [tilespmem:s17+$0x0];
	v55 =	vmul.f32 v50, v9;
	v43 =	vadd.f32 v61, v43  }
0x1ac: {  	s16 =	sor.u32 s5, s16;
	s17 =	sor.u32 $0x4280, s4;
	v56 =	vmul.f32 v58, v30;
	v50 =	vld [tilespmem:s21+$0x0];
	v44 =	vadd.f32 v54, v44  }
0x1ad: {  	s19 =	sor.u32 s8, s17;
	v58 =	vld [tilespmem:s16+$0x0];
	v57 =	vmul.f32 v59, v8;
	v43 =	vadd.f32 v55, v43  }
0x1ae: {  	s15 =	sor.u32 s5, s20;
	s16 =	sor.u32 $0x4300, s4;
	v60 =	vmul.f32 v62, v29;
	v59 =	vld [tilespmem:s19+$0x0];
	v44 =	vadd.f32 v56, v44  }
0x1af: {  	s20 =	sor.u32 s8, s16;
	v62 =	vld [tilespmem:s15+$0x0];
	v61 =	vmul.f32 v63, v7;
	v43 =	vadd.f32 v57, v43  }
0x1b0: {  	s17 =	sor.u32 s5, s17;
	s21 =	sor.u32 $0x4380, s4;
	v53 =	vmul.f32 v49, v27;
	v63 =	vld [tilespmem:s20+$0x0];
	v44 =	vadd.f32 v60, v44  }
0x1b1: {  	s19 =	sor.u32 s8, s21;
	v54 =	vmul.f32 v50, v6;
	v55 =	vld [tilespmem:s17+$0x0];
	v43 =	vadd.f32 v61, v43  }
0x1b2: {  	s16 =	sor.u32 s5, s16;
	v56 =	vld [tilespmem:s19+$0x0];
	v57 =	vmul.f32 v58, v25;
	v44 =	vadd.f32 v53, v44  }
0x1b3: {  	v58 =	vmul.f32 v59, v5;
	v59 =	vld [tilespmem:s16+$0x0];
	v43 =	vadd.f32 v54, v43  }
0x1b4: {  	s15 =	sor.u32 s5, s21;
	v60 =	vmul.f32 v62, v23;
	v44 =	vadd.f32 v57, v44  }
0x1b5: {  	v62 =	vld [tilespmem:s15+$0x0];
	v61 =	vmul.f32 v63, v4;
	v43 =	vadd.f32 v58, v43  }
0x1b6: {  	v63 =	vmul.f32 v55, v24;
	v44 =	vadd.f32 v60, v44  }
0x1b7: {  	v49 =	vmul.f32 v56, v3;
	v43 =	vadd.f32 v61, v43  }
0x1b8: {  	v50 =	vmul.f32 v59, v26;
	v44 =	vadd.f32 v63, v44  }
0x1b9: {  	v43 =	vadd.f32 v49, v43  }
0x1ba: {  	s15 =	sadd.s32 $0x4400, s4;
	v51 =	vmul.f32 v62, v28;
	v44 =	vadd.f32 v50, v44  }
0x1bb: {  	s17 =	sadd.s32 $0x4480, s4;
	s20 =	sor.u32 s8, s15;
	[tilespmem:s13+$0x16300] =	vst v43  }
0x1bc: {  	s18 =	sadd.s32 $0x4500, s4;
	s21 =	sor.u32 s8, s17;
	v44 =	vadd.f32 v51, v44;
	v43 =	vld [tilespmem:s20+$0x0]  }
0x1bd: {  	s19 =	sor.u32 s8, s18;
	v52 =	vld [tilespmem:s21+$0x0]  }
0x1be: {  	s15 =	sor.u32 s5, s15;
	v53 =	vld [tilespmem:s19+$0x0];
	[tilespmem:s12+$0x16300] =	vst v44  }
0x1bf: {  	s20 =	sadd.s32 $0x4580, s4;
	s21 =	sor.u32 s5, s17;
	v44 =	vld [tilespmem:s15+$0x0]  }
0x1c0: {  	v54 =	vld [tilespmem:s21+$0x0];
	s17 =	sor.u32 s8, s20  }
0x1c1: {  	s18 =	sor.u32 s5, s18;
	s16 =	sor.u32 $0x4A00, s4;
	v55 =	vld [tilespmem:s17+$0x0]  }
0x1c2: {  	s19 =	sor.u32 s8, s16;
	v56 =	vld [tilespmem:s18+$0x0];
	v43 =	vmul.f32 v43, v21;
	v45 =	vmul.f32 v52, v22  }
0x1c3: {  	v57 =	vld [tilespmem:s19+$0x0];
	s15 =	sor.u32 s5, s20;
	s17 =	sor.u32 $0x4A80, s4  }
0x1c4: {  	v59 =	vld [tilespmem:s15+$0x0];
	s20 =	sor.u32 s8, s17;
	v58 =	vmul.f32 v53, v20;
	v43 =	vadd.f32 v45, v43  }
0x1c5: {  	s16 =	sor.u32 s5, s16;
	s21 =	sor.u32 $0x4B00, s4;
	v60 =	vld [tilespmem:s20+$0x0];
	v44 =	vmul.f32 v44, v41;
	v47 =	vmul.f32 v54, v42  }
0x1c6: {  	v62 =	vld [tilespmem:s16+$0x0];
	s18 =	sor.u32 s8, s21;
	v61 =	vmul.f32 v55, v19;
	v43 =	vadd.f32 v58, v43  }
0x1c7: {  	s19 =	sor.u32 $0x4B80, s4;
	v63 =	vld [tilespmem:s18+$0x0];
	s17 =	sor.u32 s5, s17;
	v54 =	vmul.f32 v56, v40;
	v44 =	vadd.f32 v47, v44  }
0x1c8: {  	v49 =	vld [tilespmem:s17+$0x0];
	s20 =	sor.u32 s8, s19;
	v55 =	vmul.f32 v57, v18;
	v43 =	vadd.f32 v61, v43  }
0x1c9: {  	s15 =	sor.u32 s5, s21;
	s17 =	sadd.s32 $0x4C00, s4;
	v56 =	vld [tilespmem:s20+$0x0];
	v46 =	vmul.f32 v59, v39;
	v44 =	vadd.f32 v54, v44  }
0x1ca: {  	s21 =	sor.u32 s8, s17;
	v57 =	vmul.f32 v60, v17;
	v58 =	vld [tilespmem:s15+$0x0];
	v43 =	vadd.f32 v55, v43  }
0x1cb: {  	s16 =	sor.u32 s5, s19;
	s18 =	sadd.s32 $0x4C80, s4;
	v59 =	vld [tilespmem:s21+$0x0];
	v60 =	vmul.f32 v62, v38;
	v44 =	vadd.f32 v46, v44  }
0x1cc: {  	s19 =	sor.u32 s8, s18;
	v62 =	vld [tilespmem:s16+$0x0];
	v61 =	vmul.f32 v63, v16;
	v43 =	vadd.f32 v57, v43  }
0x1cd: {  	s17 =	sor.u32 s5, s17;
	s20 =	sadd.s32 $0x4D00, s4;
	v54 =	vmul.f32 v49, v37;
	v63 =	vld [tilespmem:s19+$0x0];
	v44 =	vadd.f32 v60, v44  }
0x1ce: {  	s21 =	sor.u32 s8, s20;
	v49 =	vld [tilespmem:s17+$0x0];
	v55 =	vmul.f32 v56, v15;
	v43 =	vadd.f32 v61, v43  }
0x1cf: {  	v50 =	vld [tilespmem:s21+$0x0];
	s15 =	sor.u32 s5, s18;
	s17 =	sadd.s32 $0x4D80, s4;
	v56 =	vmul.f32 v58, v36;
	v44 =	vadd.f32 v54, v44  }
0x1d0: {  	s18 =	sor.u32 s8, s17;
	v58 =	vld [tilespmem:s15+$0x0];
	v57 =	vmul.f32 v59, v14;
	v43 =	vadd.f32 v55, v43  }
0x1d1: {  	s16 =	sor.u32 s5, s20;
	s19 =	sor.u32 $0x5200, s4;
	v60 =	vmul.f32 v62, v35;
	v59 =	vld [tilespmem:s18+$0x0];
	v44 =	vadd.f32 v56, v44  }
0x1d2: {  	s20 =	sor.u32 s8, s19;
	v62 =	vld [tilespmem:s16+$0x0];
	v61 =	vmul.f32 v63, v13;
	v43 =	vadd.f32 v57, v43  }
0x1d3: {  	s21 =	sor.u32 $0x5280, s4;
	s17 =	sor.u32 s5, s17;
	v54 =	vmul.f32 v49, v34;
	v63 =	vld [tilespmem:s20+$0x0];
	v44 =	vadd.f32 v60, v44  }
0x1d4: {  	s18 =	sor.u32 s8, s21;
	v49 =	vld [tilespmem:s17+$0x0];
	v55 =	vmul.f32 v50, v12;
	v43 =	vadd.f32 v61, v43  }
0x1d5: {  	s15 =	sor.u32 s5, s19;
	s17 =	sor.u32 $0x5300, s4;
	v50 =	vld [tilespmem:s18+$0x0];
	v56 =	vmul.f32 v58, v33;
	v44 =	vadd.f32 v54, v44  }
0x1d6: {  	s19 =	sor.u32 s8, s17;
	v58 =	vld [tilespmem:s15+$0x0];
	v57 =	vmul.f32 v59, v11;
	v43 =	vadd.f32 v55, v43  }
0x1d7: {  	s16 =	sor.u32 s5, s21;
	s20 =	sor.u32 $0x5380, s4;
	v60 =	vmul.f32 v62, v32;
	v59 =	vld [tilespmem:s19+$0x0];
	v44 =	vadd.f32 v56, v44  }
0x1d8: {  	s21 =	sor.u32 s8, s20;
	v62 =	vld [tilespmem:s16+$0x0];
	v61 =	vmul.f32 v63, v10;
	v43 =	vadd.f32 v57, v43  }
0x1d9: {  	s17 =	sor.u32 s5, s17;
	s18 =	sadd.s32 $0x5400, s4;
	v54 =	vmul.f32 v49, v31;
	v63 =	vld [tilespmem:s21+$0x0];
	v44 =	vadd.f32 v60, v44  }
0x1da: {  	s19 =	sor.u32 s8, s18;
	v49 =	vld [tilespmem:s17+$0x0];
	v55 =	vmul.f32 v50, v9;
	v43 =	vadd.f32 v61, v43  }
0x1db: {  	s15 =	sor.u32 s5, s20;
	s17 =	sadd.s32 $0x5480, s4;
	v56 =	vmul.f32 v58, v30;
	v50 =	vld [tilespmem:s19+$0x0];
	v44 =	vadd.f32 v54, v44  }
0x1dc: {  	s20 =	sor.u32 s8, s17;
	v58 =	vld [tilespmem:s15+$0x0];
	v57 =	vmul.f32 v59, v8;
	v43 =	vadd.f32 v55, v43  }
0x1dd: {  	s16 =	sor.u32 s5, s18;
	s21 =	sadd.s32 $0x5500, s4;
	v60 =	vmul.f32 v62, v29;
	v59 =	vld [tilespmem:s20+$0x0];
	v44 =	vadd.f32 v56, v44  }
0x1de: {  	s18 =	sor.u32 s8, s21;
	v62 =	vld [tilespmem:s16+$0x0];
	v61 =	vmul.f32 v63, v7;
	v43 =	vadd.f32 v57, v43  }
0x1df: {  	s17 =	sor.u32 s5, s17;
	s19 =	sadd.s32 $0x5580, s4;
	v53 =	vmul.f32 v49, v27;
	v63 =	vld [tilespmem:s18+$0x0];
	v44 =	vadd.f32 v60, v44  }
0x1e0: {  	s20 =	sor.u32 s8, s19;
	v54 =	vmul.f32 v50, v6;
	v55 =	vld [tilespmem:s17+$0x0];
	v43 =	vadd.f32 v61, v43  }
0x1e1: {  	s15 =	sor.u32 s5, s21;
	v56 =	vld [tilespmem:s20+$0x0];
	v57 =	vmul.f32 v58, v25;
	v44 =	vadd.f32 v53, v44  }
0x1e2: {  	v58 =	vmul.f32 v59, v5;
	v59 =	vld [tilespmem:s15+$0x0];
	v43 =	vadd.f32 v54, v43  }
0x1e3: {  	s21 =	sor.u32 s5, s19;
	v60 =	vmul.f32 v62, v23;
	v44 =	vadd.f32 v57, v44  }
0x1e4: {  	v62 =	vld [tilespmem:s21+$0x0];
	v61 =	vmul.f32 v63, v4;
	v43 =	vadd.f32 v58, v43  }
0x1e5: {  	v63 =	vmul.f32 v55, v24;
	v44 =	vadd.f32 v60, v44  }
0x1e6: {  	v49 =	vmul.f32 v56, v3;
	v43 =	vadd.f32 v61, v43  }
0x1e7: {  	v50 =	vmul.f32 v59, v26;
	v44 =	vadd.f32 v63, v44  }
0x1e8: {  	v43 =	vadd.f32 v49, v43  }
0x1e9: {  	s16 =	sor.u32 $0x5A00, s4;
	v51 =	vmul.f32 v62, v28;
	v44 =	vadd.f32 v50, v44  }
0x1ea: {  	s18 =	sor.u32 $0x5A80, s4;
	s17 =	sor.u32 s8, s16;
	[tilespmem:s14+$0x16200] =	vst v43  }
0x1eb: {  	s19 =	sor.u32 s8, s18;
	s20 =	sor.u32 $0x5B00, s4;
	v44 =	vadd.f32 v51, v44;
	v43 =	vld [tilespmem:s17+$0x0]  }
0x1ec: {  	s21 =	sor.u32 s8, s20;
	v52 =	vld [tilespmem:s19+$0x0]  }
0x1ed: {  	s15 =	sor.u32 s5, s16;
	v53 =	vld [tilespmem:s21+$0x0];
	[tilespmem:s12+$0x16380] =	vst v44  }
0x1ee: {  	s18 =	sor.u32 s5, s18;
	s14 =	sor.u32 $0x5B80, s4;
	v44 =	vld [tilespmem:s15+$0x0]  }
0x1ef: {  	s19 =	sor.u32 s8, s14;
	v54 =	vld [tilespmem:s18+$0x0]  }
0x1f0: {  	s20 =	sor.u32 s5, s20;
	v55 =	vld [tilespmem:s19+$0x0];
	s15 =	sadd.s32 $0x5C00, s4  }
0x1f1: {  	v56 =	vld [tilespmem:s20+$0x0];
	s21 =	sor.u32 s8, s15;
	v43 =	vmul.f32 v43, v21;
	v45 =	vmul.f32 v52, v22  }
0x1f2: {  	s17 =	sadd.s32 $0x5C80, s4;
	s14 =	sor.u32 s5, s14;
	v57 =	vld [tilespmem:s21+$0x0]  }
0x1f3: {  	v59 =	vld [tilespmem:s14+$0x0];
	s18 =	sor.u32 s8, s17;
	v58 =	vmul.f32 v53, v20;
	v43 =	vadd.f32 v45, v43  }
0x1f4: {  	s19 =	sadd.s32 $0x5D00, s4;
	v60 =	vld [tilespmem:s18+$0x0];
	s15 =	sor.u32 s5, s15;
	v44 =	vmul.f32 v44, v41;
	v47 =	vmul.f32 v54, v42  }
0x1f5: {  	s20 =	sor.u32 s8, s19;
	v62 =	vld [tilespmem:s15+$0x0];
	v61 =	vmul.f32 v55, v19;
	v43 =	vadd.f32 v58, v43  }
0x1f6: {  	s16 =	sor.u32 s5, s17;
	v63 =	vld [tilespmem:s20+$0x0];
	s21 =	sadd.s32 $0x5D80, s4;
	v54 =	vmul.f32 v56, v40;
	v44 =	vadd.f32 v47, v44  }
0x1f7: {  	v49 =	vld [tilespmem:s16+$0x0];
	s17 =	sor.u32 s8, s21;
	v55 =	vmul.f32 v57, v18;
	v43 =	vadd.f32 v61, v43  }
0x1f8: {  	s18 =	sor.u32 $0x6200, s4;
	s14 =	sor.u32 s5, s19;
	v56 =	vld [tilespmem:s17+$0x0];
	v46 =	vmul.f32 v59, v39;
	v44 =	vadd.f32 v54, v44  }
0x1f9: {  	s19 =	sor.u32 s8, s18;
	v57 =	vmul.f32 v60, v17;
	v58 =	vld [tilespmem:s14+$0x0];
	v43 =	vadd.f32 v55, v43  }
0x1fa: {  	s20 =	sor.u32 $0x6280, s4;
	s15 =	sor.u32 s5, s21;
	v59 =	vld [tilespmem:s19+$0x0];
	v60 =	vmul.f32 v62, v38;
	v44 =	vadd.f32 v46, v44  }
0x1fb: {  	s21 =	sor.u32 s8, s20;
	v62 =	vld [tilespmem:s15+$0x0];
	v61 =	vmul.f32 v63, v16;
	v43 =	vadd.f32 v57, v43  }
0x1fc: {  	s16 =	sor.u32 s5, s18;
	s17 =	sor.u32 $0x6300, s4;
	v54 =	vmul.f32 v49, v37;
	v63 =	vld [tilespmem:s21+$0x0];
	v44 =	vadd.f32 v60, v44  }
0x1fd: {  	s18 =	sor.u32 s8, s17;
	v49 =	vld [tilespmem:s16+$0x0];
	v55 =	vmul.f32 v56, v15;
	v43 =	vadd.f32 v61, v43  }
0x1fe: {  	s19 =	sor.u32 $0x6380, s4;
	v50 =	vld [tilespmem:s18+$0x0];
	s14 =	sor.u32 s5, s20;
	v56 =	vmul.f32 v58, v36;
	v44 =	vadd.f32 v54, v44  }
0x1ff: {  	s20 =	sor.u32 s8, s19;
	v58 =	vld [tilespmem:s14+$0x0];
	v57 =	vmul.f32 v59, v14;
	v43 =	vadd.f32 v55, v43  }
0x200: {  	s15 =	sor.u32 s5, s17;
	s21 =	sadd.s32 $0x6400, s4;
	v60 =	vmul.f32 v62, v35;
	v59 =	vld [tilespmem:s20+$0x0];
	v44 =	vadd.f32 v56, v44  }
0x201: {  	s17 =	sor.u32 s8, s21;
	v62 =	vld [tilespmem:s15+$0x0];
	v61 =	vmul.f32 v63, v13;
	v43 =	vadd.f32 v57, v43  }
0x202: {  	s18 =	sadd.s32 $0x6480, s4;
	s16 =	sor.u32 s5, s19;
	v54 =	vmul.f32 v49, v34;
	v63 =	vld [tilespmem:s17+$0x0];
	v44 =	vadd.f32 v60, v44  }
0x203: {  	s19 =	sor.u32 s8, s18;
	v49 =	vld [tilespmem:s16+$0x0];
	v55 =	vmul.f32 v50, v12;
	v43 =	vadd.f32 v61, v43  }
0x204: {  	s14 =	sor.u32 s5, s21;
	s20 =	sadd.s32 $0x6500, s4;
	v50 =	vld [tilespmem:s19+$0x0];
	v56 =	vmul.f32 v58, v33;
	v44 =	vadd.f32 v54, v44  }
0x205: {  	s21 =	sor.u32 s8, s20;
	v58 =	vld [tilespmem:s14+$0x0];
	v57 =	vmul.f32 v59, v11;
	v43 =	vadd.f32 v55, v43  }
0x206: {  	s15 =	sor.u32 s5, s18;
	s17 =	sadd.s32 $0x6580, s4;
	v60 =	vmul.f32 v62, v32;
	v59 =	vld [tilespmem:s21+$0x0];
	v44 =	vadd.f32 v56, v44  }
0x207: {  	s18 =	sor.u32 s8, s17;
	v62 =	vld [tilespmem:s15+$0x0];
	v61 =	vmul.f32 v63, v10;
	v43 =	vadd.f32 v57, v43  }
0x208: {  	s16 =	sor.u32 s5, s20;
	s19 =	sor.u32 $0x6A00, s4;
	v54 =	vmul.f32 v49, v31;
	v63 =	vld [tilespmem:s18+$0x0];
	v44 =	vadd.f32 v60, v44  }
0x209: {  	s20 =	sor.u32 s8, s19;
	v49 =	vld [tilespmem:s16+$0x0];
	v55 =	vmul.f32 v50, v9;
	v43 =	vadd.f32 v61, v43  }
0x20a: {  	s14 =	sor.u32 s5, s17;
	s21 =	sor.u32 $0x6A80, s4;
	v56 =	vmul.f32 v58, v30;
	v50 =	vld [tilespmem:s20+$0x0];
	v44 =	vadd.f32 v54, v44  }
0x20b: {  	s17 =	sor.u32 s8, s21;
	v58 =	vld [tilespmem:s14+$0x0];
	v57 =	vmul.f32 v59, v8;
	v43 =	vadd.f32 v55, v43  }
0x20c: {  	s15 =	sor.u32 s5, s19;
	s18 =	sor.u32 $0x6B00, s4;
	v60 =	vmul.f32 v62, v29;
	v59 =	vld [tilespmem:s17+$0x0];
	v44 =	vadd.f32 v56, v44  }
0x20d: {  	s19 =	sor.u32 s8, s18;
	v62 =	vld [tilespmem:s15+$0x0];
	v61 =	vmul.f32 v63, v7;
	v43 =	vadd.f32 v57, v43  }
0x20e: {  	s16 =	sor.u32 s5, s21;
	s20 =	sor.u32 $0x6B80, s4;
	v53 =	vmul.f32 v49, v27;
	v63 =	vld [tilespmem:s19+$0x0];
	v44 =	vadd.f32 v60, v44  }
0x20f: {  	s21 =	sor.u32 s8, s20;
	v54 =	vmul.f32 v50, v6;
	v55 =	vld [tilespmem:s16+$0x0];
	v43 =	vadd.f32 v61, v43  }
0x210: {  	s14 =	sor.u32 s5, s18;
	v56 =	vld [tilespmem:s21+$0x0];
	v57 =	vmul.f32 v58, v25;
	v44 =	vadd.f32 v53, v44  }
0x211: {  	v58 =	vmul.f32 v59, v5;
	v59 =	vld [tilespmem:s14+$0x0];
	v43 =	vadd.f32 v54, v43  }
0x212: {  	s16 =	sor.u32 s5, s20;
	v60 =	vmul.f32 v62, v23;
	v44 =	vadd.f32 v57, v44  }
0x213: {  	v62 =	vld [tilespmem:s16+$0x0];
	v61 =	vmul.f32 v63, v4;
	v43 =	vadd.f32 v58, v43  }
0x214: {  	v63 =	vmul.f32 v55, v24;
	v44 =	vadd.f32 v60, v44  }
0x215: {  	v49 =	vmul.f32 v56, v3;
	v43 =	vadd.f32 v61, v43  }
0x216: {  	v50 =	vmul.f32 v59, v26;
	v44 =	vadd.f32 v63, v44  }
0x217: {  	v43 =	vadd.f32 v49, v43  }
0x218: {  	s17 =	sadd.s32 $0x6C00, s4;
	v51 =	vmul.f32 v62, v28;
	v44 =	vadd.f32 v50, v44  }
0x219: {  	s18 =	sor.u32 s8, s17;
	s19 =	sadd.s32 $0x6C80, s4;
	[tilespmem:s13+$0x16400] =	vst v43  }
0x21a: {  	s20 =	sor.u32 s8, s19;
	s16 =	sadd.s32 $0x6D00, s4;
	v44 =	vadd.f32 v51, v44;
	v43 =	vld [tilespmem:s18+$0x0]  }
0x21b: {  	s21 =	sor.u32 s8, s16;
	v52 =	vld [tilespmem:s20+$0x0]  }
0x21c: {  	s17 =	sor.u32 s5, s17;
	v53 =	vld [tilespmem:s21+$0x0];
	[tilespmem:s12+$0x16400] =	vst v44  }
0x21d: {  	s13 =	sadd.s32 $0x6D80, s4;
	s18 =	sor.u32 s5, s19;
	v44 =	vld [tilespmem:s17+$0x0]  }
0x21e: {  	s19 =	sor.u32 s8, s13;
	v54 =	vld [tilespmem:s18+$0x0]  }
0x21f: {  	s20 =	sor.u32 $0x7200, s4;
	s21 =	sor.u32 s5, s16;
	v55 =	vld [tilespmem:s19+$0x0]  }
0x220: {  	v56 =	vld [tilespmem:s21+$0x0];
	s16 =	sor.u32 s8, s20;
	v43 =	vmul.f32 v43, v21;
	v45 =	vmul.f32 v52, v22  }
0x221: {  	s13 =	sor.u32 s5, s13;
	s17 =	sor.u32 $0x7280, s4;
	v57 =	vld [tilespmem:s16+$0x0]  }
0x222: {  	v59 =	vld [tilespmem:s13+$0x0];
	s18 =	sor.u32 s8, s17;
	v58 =	vmul.f32 v53, v20;
	v43 =	vadd.f32 v45, v43  }
0x223: {  	s19 =	sor.u32 $0x7300, s4;
	s14 =	sor.u32 s5, s20;
	v60 =	vld [tilespmem:s18+$0x0];
	v44 =	vmul.f32 v44, v41;
	v47 =	vmul.f32 v54, v42  }
0x224: {  	v62 =	vld [tilespmem:s14+$0x0];
	s20 =	sor.u32 s8, s19;
	v61 =	vmul.f32 v55, v19;
	v43 =	vadd.f32 v58, v43  }
0x225: {  	s21 =	sor.u32 $0x7380, s4;
	s15 =	sor.u32 s5, s17;
	v63 =	vld [tilespmem:s20+$0x0];
	v54 =	vmul.f32 v56, v40;
	v44 =	vadd.f32 v47, v44  }
0x226: {  	s16 =	sor.u32 s8, s21;
	v49 =	vld [tilespmem:s15+$0x0];
	v55 =	vmul.f32 v57, v18;
	v43 =	vadd.f32 v61, v43  }
0x227: {  	s17 =	sadd.s32 $0x7400, s4;
	s13 =	sor.u32 s5, s19;
	v56 =	vld [tilespmem:s16+$0x0];
	v46 =	vmul.f32 v59, v39;
	v44 =	vadd.f32 v54, v44  }
0x228: {  	s18 =	sor.u32 s8, s17;
	v57 =	vmul.f32 v60, v17;
	v58 =	vld [tilespmem:s13+$0x0];
	v43 =	vadd.f32 v55, v43  }
0x229: {  	s19 =	sadd.s32 $0x7480, s4;
	s14 =	sor.u32 s5, s21;
	v59 =	vld [tilespmem:s18+$0x0];
	v60 =	vmul.f32 v62, v38;
	v44 =	vadd.f32 v46, v44  }
0x22a: {  	s20 =	sor.u32 s8, s19;
	v62 =	vld [tilespmem:s14+$0x0];
	v61 =	vmul.f32 v63, v16;
	v43 =	vadd.f32 v57, v43  }
0x22b: {  	s21 =	sadd.s32 $0x7500, s4;
	s15 =	sor.u32 s5, s17;
	v54 =	vmul.f32 v49, v37;
	v63 =	vld [tilespmem:s20+$0x0];
	v44 =	vadd.f32 v60, v44  }
0x22c: {  	s16 =	sor.u32 s8, s21;
	v49 =	vld [tilespmem:s15+$0x0];
	v55 =	vmul.f32 v56, v15;
	v43 =	vadd.f32 v61, v43  }
0x22d: {  	s17 =	sadd.s32 $0x7580, s4;
	v50 =	vld [tilespmem:s16+$0x0];
	s13 =	sor.u32 s5, s19;
	v56 =	vmul.f32 v58, v36;
	v44 =	vadd.f32 v54, v44  }
0x22e: {  	s18 =	sor.u32 s8, s17;
	v58 =	vld [tilespmem:s13+$0x0];
	v57 =	vmul.f32 v59, v14;
	v43 =	vadd.f32 v55, v43  }
0x22f: {  	s14 =	sor.u32 s5, s21;
	s19 =	sor.u32 $0x7A00, s4;
	v60 =	vmul.f32 v62, v35;
	v59 =	vld [tilespmem:s18+$0x0];
	v44 =	vadd.f32 v56, v44  }
0x230: {  	s20 =	sor.u32 s8, s19;
	v62 =	vld [tilespmem:s14+$0x0];
	v61 =	vmul.f32 v63, v13;
	v43 =	vadd.f32 v57, v43  }
0x231: {  	s21 =	sor.u32 $0x7A80, s4;
	s15 =	sor.u32 s5, s17;
	v54 =	vmul.f32 v49, v34;
	v63 =	vld [tilespmem:s20+$0x0];
	v44 =	vadd.f32 v60, v44  }
0x232: {  	s16 =	sor.u32 s8, s21;
	v49 =	vld [tilespmem:s15+$0x0];
	v55 =	vmul.f32 v50, v12;
	v43 =	vadd.f32 v61, v43  }
0x233: {  	s17 =	sor.u32 $0x7B00, s4;
	s13 =	sor.u32 s5, s19;
	v50 =	vld [tilespmem:s16+$0x0];
	v56 =	vmul.f32 v58, v33;
	v44 =	vadd.f32 v54, v44  }
0x234: {  	s18 =	sor.u32 s8, s17;
	v58 =	vld [tilespmem:s13+$0x0];
	v57 =	vmul.f32 v59, v11;
	v43 =	vadd.f32 v55, v43  }
0x235: {  	s19 =	sor.u32 $0x7B80, s4;
	s14 =	sor.u32 s5, s21;
	v60 =	vmul.f32 v62, v32;
	v59 =	vld [tilespmem:s18+$0x0];
	v44 =	vadd.f32 v56, v44  }
0x236: {  	s20 =	sor.u32 s8, s19;
	v62 =	vld [tilespmem:s14+$0x0];
	v61 =	vmul.f32 v63, v10;
	v43 =	vadd.f32 v57, v43  }
0x237: {  	s21 =	sadd.s32 $0x7C00, s4;
	s15 =	sor.u32 s5, s17;
	v54 =	vmul.f32 v49, v31;
	v63 =	vld [tilespmem:s20+$0x0];
	v44 =	vadd.f32 v60, v44  }
0x238: {  	s16 =	sor.u32 s8, s21;
	v49 =	vld [tilespmem:s15+$0x0];
	v55 =	vmul.f32 v50, v9;
	v43 =	vadd.f32 v61, v43  }
0x239: {  	s17 =	sadd.s32 $0x7C80, s4;
	s13 =	sor.u32 s5, s19;
	v56 =	vmul.f32 v58, v30;
	v50 =	vld [tilespmem:s16+$0x0];
	v44 =	vadd.f32 v54, v44  }
0x23a: {  	s18 =	sor.u32 s8, s17;
	v58 =	vld [tilespmem:s13+$0x0];
	v57 =	vmul.f32 v59, v8;
	v43 =	vadd.f32 v55, v43  }
0x23b: {  	s19 =	sadd.s32 $0x7D00, s4;
	s14 =	sor.u32 s5, s21;
	v60 =	vmul.f32 v62, v29;
	v59 =	vld [tilespmem:s18+$0x0];
	v44 =	vadd.f32 v56, v44  }
0x23c: {  	s20 =	sor.u32 s8, s19;
	v62 =	vld [tilespmem:s14+$0x0];
	v61 =	vmul.f32 v63, v7;
	v43 =	vadd.f32 v57, v43  }
0x23d: {  	s21 =	sadd.s32 $0x7D80, s4;
	s15 =	sor.u32 s5, s17;
	v53 =	vmul.f32 v49, v27;
	v63 =	vld [tilespmem:s20+$0x0];
	v44 =	vadd.f32 v60, v44  }
0x23e: {  	s16 =	sor.u32 s8, s21;
	v54 =	vmul.f32 v50, v6;
	v55 =	vld [tilespmem:s15+$0x0];
	v43 =	vadd.f32 v61, v43  }
0x23f: {  	s13 =	sor.u32 s5, s19;
	v56 =	vld [tilespmem:s16+$0x0];
	v57 =	vmul.f32 v58, v25;
	v44 =	vadd.f32 v53, v44  }
0x240: {  	v58 =	vmul.f32 v59, v5;
	v59 =	vld [tilespmem:s13+$0x0];
	v43 =	vadd.f32 v54, v43  }
0x241: {  	s17 =	sor.u32 s5, s21;
	v60 =	vmul.f32 v62, v23;
	v44 =	vadd.f32 v57, v44  }
0x242: {  	v62 =	vld [tilespmem:s17+$0x0];
	v61 =	vmul.f32 v63, v4;
	v43 =	vadd.f32 v58, v43  }
0x243: {  	v63 =	vmul.f32 v55, v24;
	v44 =	vadd.f32 v60, v44  }
0x244: {  	v49 =	vmul.f32 v56, v3;
	v43 =	vadd.f32 v61, v43  }
0x245: {  	v50 =	vmul.f32 v59, v26;
	v44 =	vadd.f32 v63, v44  }
0x246: {  	v43 =	vadd.f32 v49, v43  }
0x247: {  	s18 =	sor.u32 $0x8200, s4;
	v51 =	vmul.f32 v62, v28;
	v44 =	vadd.f32 v50, v44  }
0x248: {  	s19 =	sor.u32 s8, s18;
	s20 =	sor.u32 $0x8280, s4;
	[tilespmem:s11+$0x16200] =	vst v43  }
0x249: {  	s21 =	sor.u32 s8, s20;
	s15 =	sor.u32 $0x8300, s4;
	v44 =	vadd.f32 v51, v44;
	v43 =	vld [tilespmem:s19+$0x0]  }
0x24a: {  	s16 =	sor.u32 s8, s15;
	v52 =	vld [tilespmem:s21+$0x0]  }
0x24b: {  	s17 =	sor.u32 s5, s18;
	v53 =	vld [tilespmem:s16+$0x0];
	[tilespmem:s12+$0x16480] =	vst v44  }
0x24c: {  	s18 =	sor.u32 $0x8380, s4;
	s19 =	sor.u32 s5, s20;
	v44 =	vld [tilespmem:s17+$0x0]  }
0x24d: {  	s20 =	sor.u32 s8, s18;
	v54 =	vld [tilespmem:s19+$0x0]  }
0x24e: {  	s14 =	sor.u32 s5, s15;
	v55 =	vld [tilespmem:s20+$0x0]  }
0x24f: {  	s11 =	sor.u32 s5, s18;
	s21 =	sadd.s32 $0x8400, s4;
	v56 =	vld [tilespmem:s14+$0x0]  }
0x250: {  	s16 =	sadd.s32 $0x8480, s4;
	s15 =	sor.u32 s8, s21;
	v59 =	vld [tilespmem:s11+$0x0];
	v43 =	vmul.f32 v43, v21;
	v45 =	vmul.f32 v52, v22  }
0x251: {  	s17 =	sor.u32 s8, s16;
	v57 =	vld [tilespmem:s15+$0x0];
	v58 =	vmul.f32 v53, v20  }
0x252: {  	s12 =	sor.u32 s5, s21;
	v60 =	vld [tilespmem:s17+$0x0];
	v44 =	vmul.f32 v44, v41;
	v47 =	vmul.f32 v54, v42;
	v43 =	vadd.f32 v45, v43  }
0x253: {  	s18 =	sadd.s32 $0x8500, s4;
	s13 =	sor.u32 s5, s16;
	v62 =	vld [tilespmem:s12+$0x0];
	v61 =	vmul.f32 v55, v19  }
0x254: {  	s19 =	sor.u32 s8, s18;
	s20 =	sadd.s32 $0x8580, s4;
	v49 =	vld [tilespmem:s13+$0x0];
	v54 =	vmul.f32 v56, v40;
	v44 =	vadd.f32 v47, v44;
	v43 =	vadd.f32 v58, v43  }
0x255: {  	v63 =	vld [tilespmem:s19+$0x0];
	s21 =	sor.u32 s8, s20;
	v46 =	vmul.f32 v59, v39  }
0x256: {  	s11 =	sor.u32 s5, s18;
	v56 =	vld [tilespmem:s21+$0x0];
	v55 =	vmul.f32 v57, v18;
	v44 =	vadd.f32 v54, v44;
	v43 =	vadd.f32 v61, v43  }
0x257: {  	s14 =	sor.u32 $0x8A00, s4;
	s12 =	sor.u32 s5, s20;
	v57 =	vmul.f32 v60, v17;
	v58 =	vld [tilespmem:s11+$0x0]  }
0x258: {  	s15 =	sor.u32 s8, s14;
	v60 =	vmul.f32 v62, v38;
	v62 =	vld [tilespmem:s12+$0x0];
	v44 =	vadd.f32 v46, v44;
	v43 =	vadd.f32 v55, v43  }
0x259: {  	s16 =	sor.u32 $0x8A80, s4;
	s13 =	sor.u32 s5, s14;
	v59 =	vld [tilespmem:s15+$0x0];
	v54 =	vmul.f32 v49, v37  }
0x25a: {  	s18 =	sor.u32 $0x8B00, s4;
	s17 =	sor.u32 s8, s16;
	v49 =	vld [tilespmem:s13+$0x0];
	v61 =	vmul.f32 v63, v16;
	v44 =	vadd.f32 v60, v44;
	v43 =	vadd.f32 v57, v43  }
0x25b: {  	s19 =	sor.u32 s8, s18;
	v63 =	vld [tilespmem:s17+$0x0];
	v55 =	vmul.f32 v56, v15  }
0x25c: {  	v50 =	vld [tilespmem:s19+$0x0];
	s11 =	sor.u32 s5, s16;
	v56 =	vmul.f32 v58, v36;
	v44 =	vadd.f32 v54, v44;
	v43 =	vadd.f32 v61, v43  }
0x25d: {  	s20 =	sor.u32 $0x8B80, s4;
	s12 =	sor.u32 s5, s18;
	v58 =	vld [tilespmem:s11+$0x0];
	v60 =	vmul.f32 v62, v35  }
0x25e: {  	s21 =	sor.u32 s8, s20;
	v62 =	vld [tilespmem:s12+$0x0];
	v57 =	vmul.f32 v59, v14;
	v44 =	vadd.f32 v56, v44;
	v43 =	vadd.f32 v55, v43  }
0x25f: {  	s14 =	sadd.s32 $0x8C00, s4;
	s13 =	sor.u32 s5, s20;
	v59 =	vld [tilespmem:s21+$0x0];
	v54 =	vmul.f32 v49, v34  }
0x260: {  	s15 =	sor.u32 s8, s14;
	s16 =	sadd.s32 $0x8C80, s4;
	v49 =	vld [tilespmem:s13+$0x0];
	v61 =	vmul.f32 v63, v13;
	v44 =	vadd.f32 v60, v44;
	v43 =	vadd.f32 v57, v43  }
0x261: {  	s17 =	sor.u32 s8, s16;
	v63 =	vld [tilespmem:s15+$0x0];
	v55 =	vmul.f32 v50, v12  }
0x262: {  	s18 =	sadd.s32 $0x8D00, s4;
	s11 =	sor.u32 s5, s14;
	v50 =	vld [tilespmem:s17+$0x0];
	v56 =	vmul.f32 v58, v33;
	v44 =	vadd.f32 v54, v44;
	v43 =	vadd.f32 v61, v43  }
0x263: {  	s19 =	sor.u32 s8, s18;
	v58 =	vld [tilespmem:s11+$0x0];
	v60 =	vmul.f32 v62, v32  }
0x264: {  	s20 =	sadd.s32 $0x8D80, s4;
	s12 =	sor.u32 s5, s16;
	v57 =	vmul.f32 v59, v11;
	v59 =	vld [tilespmem:s19+$0x0];
	v44 =	vadd.f32 v56, v44;
	v43 =	vadd.f32 v55, v43  }
0x265: {  	s21 =	sor.u32 s8, s20;
	v62 =	vld [tilespmem:s12+$0x0];
	v54 =	vmul.f32 v49, v31  }
0x266: {  	s14 =	sor.u32 $0x9200, s4;
	s13 =	sor.u32 s5, s18;
	v61 =	vmul.f32 v63, v10;
	v63 =	vld [tilespmem:s21+$0x0];
	v44 =	vadd.f32 v60, v44;
	v43 =	vadd.f32 v57, v43  }
0x267: {  	s15 =	sor.u32 s8, s14;
	v49 =	vld [tilespmem:s13+$0x0];
	v55 =	vmul.f32 v50, v9  }
0x268: {  	s11 =	sor.u32 s5, s20;
	v56 =	vld [tilespmem:s15+$0x0];
	v57 =	vmul.f32 v58, v30;
	v44 =	vadd.f32 v54, v44;
	v43 =	vadd.f32 v61, v43  }
0x269: {  	s16 =	sor.u32 $0x9280, s4;
	s12 =	sor.u32 s5, s14;
	v58 =	vmul.f32 v59, v8;
	v59 =	vld [tilespmem:s11+$0x0]  }
0x26a: {  	s18 =	sor.u32 $0x9300, s4;
	s17 =	sor.u32 s8, s16;
	v60 =	vmul.f32 v62, v29;
	v62 =	vld [tilespmem:s12+$0x0];
	v44 =	vadd.f32 v57, v44;
	v43 =	vadd.f32 v55, v43  }
0x26b: {  	v51 =	vld [tilespmem:s17+$0x0];
	s19 =	sor.u32 s8, s18;
	v61 =	vmul.f32 v63, v7  }
0x26c: {  	s20 =	sor.u32 $0x9380, s4;
	s13 =	sor.u32 s5, s16;
	v63 =	vld [tilespmem:s19+$0x0];
	v55 =	vmul.f32 v49, v27;
	v44 =	vadd.f32 v60, v44;
	v43 =	vadd.f32 v58, v43  }
0x26d: {  	s21 =	sor.u32 s8, s20;
	v56 =	vmul.f32 v56, v6;
	v57 =	vld [tilespmem:s13+$0x0]  }
0x26e: {  	s11 =	sor.u32 s5, s18;
	v59 =	vmul.f32 v59, v25;
	v58 =	vld [tilespmem:s21+$0x0];
	v44 =	vadd.f32 v55, v44;
	v43 =	vadd.f32 v61, v43  }
0x26f: {  	v62 =	vmul.f32 v62, v23;
	v61 =	vld [tilespmem:s11+$0x0]  }
0x270: {  	s14 =	sor.u32 s5, s20;
	v60 =	vmul.f32 v51, v5;
	v44 =	vadd.f32 v59, v44;
	v43 =	vadd.f32 v56, v43  }
0x271: {  	v52 =	vld [tilespmem:s14+$0x0];
	v63 =	vmul.f32 v63, v4  }
0x272: {  	v53 =	vmul.f32 v57, v24;
	v44 =	vadd.f32 v62, v44;
	v43 =	vadd.f32 v60, v43  }
0x273: {  	v54 =	vmul.f32 v58, v3  }
0x274: {  	v44 =	vadd.f32 v53, v44;
	v55 =	vmul.f32 v61, v26;
	v43 =	vadd.f32 v63, v43;
	_ =	sdelay $0x1  }
0x275: {  	v56 =	vmul.f32 v52, v28;
	v44 =	vadd.f32 v55, v44;
	v43 =	vadd.f32 v54, v43  }
0x276: {  	s15 =	sadd.s32 $0x9400, s4  }
0x277: {  	s17 =	sadd.s32 $0x9480, s4;
	s16 =	sor.u32 s8, s15;
	v57 =	vadd.f32 v56, v44;
	[tilespmem:s9+$0x16200] =	vst v43  }
0x278: {  	s18 =	sor.u32 s8, s17;
	v58 =	vld [tilespmem:s16+$0x0]  }
0x279: {  	s19 =	sor.u32 s5, s15;
	v59 =	vld [tilespmem:s18+$0x0];
	[tilespmem:s10+$0x16200] =	vst v57  }
0x27a: {  	s20 =	sadd.s32 $0x9500, s4;
	s21 =	sor.u32 s5, s17;
	v43 =	vld [tilespmem:s19+$0x0]  }
0x27b: {  	s11 =	sor.u32 s8, s20;
	v60 =	vld [tilespmem:s21+$0x0]  }
0x27c: {  	s12 =	sadd.s32 $0x9580, s4;
	s9 =	sor.u32 s5, s20;
	v61 =	vld [tilespmem:s11+$0x0]  }
0x27d: {  	s13 =	sor.u32 s8, s12;
	v62 =	vld [tilespmem:s9+$0x0]  }
0x27e: {  	s14 =	sor.u32 $0x9A00, s4;
	v63 =	vld [tilespmem:s13+$0x0];
	s10 =	sor.u32 s5, s12  }
0x27f: {  	s15 =	sor.u32 s8, s14;
	v52 =	vld [tilespmem:s10+$0x0];
	v21 =	vmul.f32 v58, v21;
	v22 =	vmul.f32 v59, v22  }
0x280: {  	v53 =	vld [tilespmem:s15+$0x0];
	s16 =	sor.u32 $0x9A80, s4;
	s9 =	sor.u32 s5, s14;
	v41 =	vmul.f32 v43, v41;
	v42 =	vmul.f32 v60, v42  }
0x281: {  	s17 =	sor.u32 s8, s16;
	v54 =	vld [tilespmem:s9+$0x0];
	v20 =	vmul.f32 v61, v20;
	v21 =	vadd.f32 v22, v21  }
0x282: {  	s18 =	sor.u32 $0x9B00, s4;
	s10 =	sor.u32 s5, s16;
	v55 =	vld [tilespmem:s17+$0x0];
	v40 =	vmul.f32 v62, v40;
	v41 =	vadd.f32 v42, v41  }
0x283: {  	s19 =	sor.u32 s8, s18;
	v56 =	vld [tilespmem:s10+$0x0];
	v19 =	vmul.f32 v63, v19;
	v20 =	vadd.f32 v20, v21  }
0x284: {  	s20 =	sor.u32 $0x9B80, s4;
	v57 =	vld [tilespmem:s19+$0x0];
	s9 =	sor.u32 s5, s18;
	v39 =	vmul.f32 v52, v39;
	v40 =	vadd.f32 v40, v41  }
0x285: {  	s21 =	sor.u32 s8, s20;
	v18 =	vmul.f32 v53, v18;
	v58 =	vld [tilespmem:s9+$0x0];
	v19 =	vadd.f32 v19, v20  }
0x286: {  	s11 =	sadd.s32 $0x9C00, s4;
	s10 =	sor.u32 s5, s20;
	v59 =	vld [tilespmem:s21+$0x0];
	v22 =	vmul.f32 v54, v38;
	v39 =	vadd.f32 v39, v40  }
0x287: {  	s12 =	sor.u32 s8, s11;
	v60 =	vld [tilespmem:s10+$0x0];
	v17 =	vmul.f32 v55, v17;
	v18 =	vadd.f32 v18, v19  }
0x288: {  	s13 =	sadd.s32 $0x9C80, s4;
	v61 =	vld [tilespmem:s12+$0x0];
	s9 =	sor.u32 s5, s11;
	v21 =	vmul.f32 v56, v37;
	v22 =	vadd.f32 v22, v39  }
0x289: {  	s14 =	sor.u32 s8, s13;
	v62 =	vld [tilespmem:s9+$0x0];
	v16 =	vmul.f32 v57, v16;
	v17 =	vadd.f32 v17, v18  }
0x28a: {  	s15 =	sadd.s32 $0x9D00, s4;
	v63 =	vld [tilespmem:s14+$0x0];
	s10 =	sor.u32 s5, s13;
	v20 =	vmul.f32 v58, v36;
	v21 =	vadd.f32 v21, v22  }
0x28b: {  	s16 =	sor.u32 s8, s15;
	v15 =	vmul.f32 v59, v15;
	v36 =	vld [tilespmem:s10+$0x0];
	v16 =	vadd.f32 v16, v17  }
0x28c: {  	s17 =	sadd.s32 $0x9D80, s4;
	s9 =	sor.u32 s5, s15;
	v38 =	vld [tilespmem:s16+$0x0];
	v19 =	vmul.f32 v60, v35;
	v20 =	vadd.f32 v20, v21  }
0x28d: {  	s18 =	sor.u32 s8, s17;
	v14 =	vmul.f32 v61, v14;
	v39 =	vld [tilespmem:s9+$0x0];
	v15 =	vadd.f32 v15, v16  }
0x28e: {  	s19 =	sor.u32 $0xA200, s4;
	s10 =	sor.u32 s5, s17;
	v40 =	vld [tilespmem:s18+$0x0];
	v18 =	vmul.f32 v62, v34;
	v19 =	vadd.f32 v19, v20  }
0x28f: {  	s20 =	sor.u32 s8, s19;
	v13 =	vmul.f32 v63, v13;
	v41 =	vld [tilespmem:s10+$0x0];
	v14 =	vadd.f32 v14, v15  }
0x290: {  	s21 =	sor.u32 $0xA280, s4;
	v42 =	vld [tilespmem:s20+$0x0];
	s9 =	sor.u32 s5, s19;
	v17 =	vmul.f32 v36, v33;
	v18 =	vadd.f32 v18, v19  }
0x291: {  	s11 =	sor.u32 s8, s21;
	v12 =	vmul.f32 v38, v12;
	v43 =	vld [tilespmem:s9+$0x0];
	v13 =	vadd.f32 v13, v14  }
0x292: {  	s12 =	sor.u32 $0xA300, s4;
	v44 =	vld [tilespmem:s11+$0x0];
	s10 =	sor.u32 s5, s21;
	v16 =	vmul.f32 v39, v32;
	v17 =	vadd.f32 v17, v18  }
0x293: {  	s13 =	sor.u32 s8, s12;
	v45 =	vld [tilespmem:s10+$0x0];
	v11 =	vmul.f32 v40, v11;
	v12 =	vadd.f32 v12, v13  }
0x294: {  	s14 =	sor.u32 $0xA380, s4;
	v46 =	vld [tilespmem:s13+$0x0];
	s9 =	sor.u32 s5, s12;
	v15 =	vmul.f32 v41, v31;
	v16 =	vadd.f32 v16, v17  }
0x295: {  	s15 =	sor.u32 s8, s14;
	v10 =	vmul.f32 v42, v10;
	v47 =	vld [tilespmem:s9+$0x0];
	v11 =	vadd.f32 v11, v12  }
0x296: {  	v48 =	vld [tilespmem:s15+$0x0];
	s16 =	sadd.s32 $0xA400, s4;
	s10 =	sor.u32 s5, s14;
	v14 =	vmul.f32 v43, v30;
	v15 =	vadd.f32 v15, v16  }
0x297: {  	s17 =	sor.u32 s8, s16;
	v9 =	vmul.f32 v44, v9;
	v49 =	vld [tilespmem:s10+$0x0];
	v10 =	vadd.f32 v10, v11  }
0x298: {  	v50 =	vld [tilespmem:s17+$0x0];
	s18 =	sadd.s32 $0xA480, s4;
	s9 =	sor.u32 s5, s16;
	v13 =	vmul.f32 v45, v29;
	v14 =	vadd.f32 v14, v15  }
0x299: {  	v8 =	vmul.f32 v46, v8;
	s19 =	sor.u32 s8, s18;
	v51 =	vld [tilespmem:s9+$0x0];
	v9 =	vadd.f32 v9, v10  }
0x29a: {  	s20 =	sadd.s32 $0xA500, s4;
	s10 =	sor.u32 s5, s18;
	v52 =	vld [tilespmem:s19+$0x0];
	v12 =	vmul.f32 v47, v27;
	v13 =	vadd.f32 v13, v14  }
0x29b: {  	v7 =	vmul.f32 v48, v7;
	s21 =	sor.u32 s8, s20;
	v53 =	vld [tilespmem:s10+$0x0];
	v8 =	vadd.f32 v8, v9  }
0x29c: {  	s4 =	sadd.s32 $0xA580, s4;
	v54 =	vld [tilespmem:s21+$0x0];
	s9 =	sor.u32 s5, s20;
	v11 =	vmul.f32 v49, v25;
	v12 =	vadd.f32 v12, v13  }
0x29d: {  	s8 =	sor.u32 s8, s4;
	v6 =	vmul.f32 v50, v6;
	v55 =	vld [tilespmem:s9+$0x0];
	v7 =	vadd.f32 v7, v8  }
0x29e: {  	s4 =	sor.u32 s5, s4;
	v56 =	vld [tilespmem:s8+$0x0];
	v10 =	vmul.f32 v51, v23;
	v11 =	vadd.f32 v11, v12  }
0x29f: {  	v57 =	vld [tilespmem:s4+$0x0];
	v5 =	vmul.f32 v52, v5;
	v6 =	vadd.f32 v6, v7  }
0x2a0: {  	v9 =	vmul.f32 v53, v24;
	v58 =	vadd.f32 v10, v11  }
0x2a1: {  	v4 =	vmul.f32 v54, v4;
	v5 =	vadd.f32 v5, v6  }
0x2a2: {  	s28 =	sadd.s32 $0x2, s28;
	v60 =	vmul.f32 v55, v26;
	v59 =	vadd.f32 v9, v58  }
0x2a3: {  	p1 =	slt.u32 s28, $0xE;
	v3 =	vmul.f32 v56, v3;
	v4 =	vadd.f32 v4, v5  }
.Ltmp2:
0x2a4: {  	v62 =	vmul.f32 v57, v28;
	v61 =	vadd.f32 v60, v59;
	(pc) =	sbr.rel @p1 .LBB2_3-.Ltmp2, $4  }
0x2a5: {  	v3 =	vadd.f32 v3, v4  }
0x2a6: {  	v63 =	vadd.f32 v62, v61  }
0x2a7: {  	s31 =	sadd.s32 $0x1, s31;
	[tilespmem:s0+$0x16200] =	vst v3  }
0x2a8: {  	s29 =	sadd.s32 $0x20, s29;
	s1 =	sadd.s32 $0x100, s1;
	s30 =	sadd.s32 $0x120, s30;
	[tilespmem:s7+$0x16200] =	vst v63  }
0x2a9: {  	p1 =	seq.s32 s26, $0x7  }
.Ltmp3:
0x2aa: {  	_ = 	snop;
	(pc) =	sbr.rel @p1 .LBB2_6-.Ltmp3, $4  }
0x2ab: {  	_ = 	snop  }
0x2ac: {  	s0 =	sshll.u32 s26, $0x9  }
0x2ad: {  	s28 =	sadd.s32 s0, s6  }
0x2ae: {  	[hbm4b:s28+s3] =	stream.linear.scatter [tilespmem:s23], [sflag:$0x3], $0x800, $0x38;
	[tilespmem:$0x17200] =	vst v63  }
0x2af: {  	s0 =	smul.u32 $0x500, s26;
	_ =	sdelay $0x1  }
0x2b0: {  	s0 =	sshra.s32 s0, $0x2  }
0x2b1: {  	v3 =	vld [tilespmem:s0+$0x140];
	_ =	sdelay $0x4  }
0x2b2: {  	v4 =	vshll.u32 v3, $0x1  }
0x2b3: {  	v3 =	vand.u32 $0x7, v3;
	v4 =	vand.u32 $0xFFFFFFF0, v4  }
0x2b4: {  	v3 =	vor.u32 v3, v4  }
0x2b5: {  	v4 =	vperm.xlane v3, v0;
	_ =	sdelay $0x1  }
0x2b6: {  	v3 =	vperm.xlane v3, v2;
	v4 =	vadd.s32 v1, v4;
	_ =	sdelay $0x1  }
0x2b7: {  	v3 =	vadd.s32 v1, v3;
	_ =	sdelay $0x1  }
0x2b8: {  	s1 =	simm.s32 $0xA00  }
0x2b9: {  	[tilespmem:s1], [sflag:$0x1] =	stream.indirect_vreg.gather [hbm4b:s2+s3], $0x80, v4, vm0, $0xb8;
	[tilespmem:$0x17200] =	vst v63  }
0x2ba: {  	s5 =	simm.s32 $0x1200  }
0x2bb: {  	[tilespmem:s5], [sflag:$0x1] =	stream.indirect_vreg.gather [hbm4b:s2+s3], $0x80, v3, vm0, $0xb8;
	[tilespmem:$0x17200] =	vst v63  }
0x2bc: {  	v3 =	vld [tilespmem:s0+$0x150];
	_ =	sdelay $0x4  }
0x2bd: {  	v55 =	vshll.u32 v3, $0x1  }
0x2be: {  	v3 =	vand.u32 $0x7, v3;
	v4 =	vand.u32 $0xFFFFFFF0, v55  }
0x2bf: {  	v3 =	vor.u32 v3, v4  }
0x2c0: {  	v4 =	vperm.xlane v3, v0;
	_ =	sdelay $0x1  }
0x2c1: {  	v3 =	vperm.xlane v3, v2;
	v4 =	vadd.s32 v1, v4;
	_ =	sdelay $0x1  }
0x2c2: {  	v3 =	vadd.s32 v1, v3;
	_ =	sdelay $0x1  }
0x2c3: {  	s7 =	simm.s32 $0x1A00  }
0x2c4: {  	[tilespmem:s7], [sflag:$0x1] =	stream.indirect_vreg.gather [hbm4b:s2+s3], $0x80, v4, vm0, $0xb8;
	[tilespmem:$0x17200] =	vst v63  }
0x2c5: {  	s8 =	simm.s32 $0x2200  }
0x2c6: {  	[tilespmem:s8], [sflag:$0x1] =	stream.indirect_vreg.gather [hbm4b:s2+s3], $0x80, v3, vm0, $0xb8;
	[tilespmem:$0x17200] =	vst v63  }
0x2c7: {  	v3 =	vld [tilespmem:s0+$0x160];
	_ =	sdelay $0x4  }
0x2c8: {  	v56 =	vshll.u32 v3, $0x1  }
0x2c9: {  	v3 =	vand.u32 $0x7, v3;
	v4 =	vand.u32 $0xFFFFFFF0, v56  }
0x2ca: {  	v3 =	vor.u32 v3, v4  }
0x2cb: {  	v4 =	vperm.xlane v3, v0;
	_ =	sdelay $0x1  }
0x2cc: {  	v3 =	vperm.xlane v3, v2;
	v4 =	vadd.s32 v1, v4;
	_ =	sdelay $0x1  }
0x2cd: {  	v3 =	vadd.s32 v1, v3;
	_ =	sdelay $0x1  }
0x2ce: {  	s9 =	simm.s32 $0x2A00  }
0x2cf: {  	[tilespmem:s9], [sflag:$0x1] =	stream.indirect_vreg.gather [hbm4b:s2+s3], $0x80, v4, vm0, $0xb8;
	[tilespmem:$0x17200] =	vst v63  }
0x2d0: {  	s10 =	simm.s32 $0x3200  }
0x2d1: {  	[tilespmem:s10], [sflag:$0x1] =	stream.indirect_vreg.gather [hbm4b:s2+s3], $0x80, v3, vm0, $0xb8;
	[tilespmem:$0x17200] =	vst v63  }
0x2d2: {  	v3 =	vld [tilespmem:s0+$0x170];
	_ =	sdelay $0x4  }
0x2d3: {  	v57 =	vshll.u32 v3, $0x1  }
0x2d4: {  	v3 =	vand.u32 $0x7, v3;
	v4 =	vand.u32 $0xFFFFFFF0, v57  }
0x2d5: {  	v3 =	vor.u32 v3, v4  }
0x2d6: {  	v4 =	vperm.xlane v3, v0;
	_ =	sdelay $0x1  }
0x2d7: {  	v3 =	vperm.xlane v3, v2;
	v4 =	vadd.s32 v1, v4;
	_ =	sdelay $0x1  }
0x2d8: {  	v3 =	vadd.s32 v1, v3;
	_ =	sdelay $0x1  }
0x2d9: {  	s11 =	simm.s32 $0x3A00  }
0x2da: {  	[tilespmem:s11], [sflag:$0x1] =	stream.indirect_vreg.gather [hbm4b:s2+s3], $0x80, v4, vm0, $0xb8;
	[tilespmem:$0x17200] =	vst v63  }
0x2db: {  	s12 =	simm.s32 $0x4200  }
0x2dc: {  	[tilespmem:s12], [sflag:$0x1] =	stream.indirect_vreg.gather [hbm4b:s2+s3], $0x80, v3, vm0, $0xb8;
	[tilespmem:$0x17200] =	vst v63  }
0x2dd: {  	v3 =	vld [tilespmem:s0+$0x180];
	_ =	sdelay $0x4  }
0x2de: {  	v58 =	vshll.u32 v3, $0x1  }
0x2df: {  	v3 =	vand.u32 $0x7, v3;
	v4 =	vand.u32 $0xFFFFFFF0, v58  }
0x2e0: {  	v3 =	vor.u32 v3, v4  }
0x2e1: {  	v4 =	vperm.xlane v3, v0;
	_ =	sdelay $0x1  }
0x2e2: {  	v3 =	vperm.xlane v3, v2;
	v4 =	vadd.s32 v1, v4;
	_ =	sdelay $0x1  }
0x2e3: {  	v3 =	vadd.s32 v1, v3;
	_ =	sdelay $0x1  }
0x2e4: {  	s13 =	simm.s32 $0x4A00  }
0x2e5: {  	[tilespmem:s13], [sflag:$0x1] =	stream.indirect_vreg.gather [hbm4b:s2+s3], $0x80, v4, vm0, $0xb8;
	[tilespmem:$0x17200] =	vst v63  }
0x2e6: {  	s14 =	simm.s32 $0x5200  }
0x2e7: {  	[tilespmem:s14], [sflag:$0x1] =	stream.indirect_vreg.gather [hbm4b:s2+s3], $0x80, v3, vm0, $0xb8;
	[tilespmem:$0x17200] =	vst v63  }
0x2e8: {  	v3 =	vld [tilespmem:s0+$0x190];
	_ =	sdelay $0x4  }
0x2e9: {  	v59 =	vshll.u32 v3, $0x1  }
0x2ea: {  	v3 =	vand.u32 $0x7, v3;
	v4 =	vand.u32 $0xFFFFFFF0, v59  }
0x2eb: {  	v3 =	vor.u32 v3, v4  }
0x2ec: {  	v4 =	vperm.xlane v3, v0;
	_ =	sdelay $0x1  }
0x2ed: {  	v3 =	vperm.xlane v3, v2;
	v4 =	vadd.s32 v1, v4;
	_ =	sdelay $0x1  }
0x2ee: {  	v3 =	vadd.s32 v1, v3;
	_ =	sdelay $0x1  }
0x2ef: {  	s15 =	simm.s32 $0x5A00  }
0x2f0: {  	[tilespmem:s15], [sflag:$0x1] =	stream.indirect_vreg.gather [hbm4b:s2+s3], $0x80, v4, vm0, $0xb8;
	[tilespmem:$0x17200] =	vst v63  }
0x2f1: {  	s16 =	simm.s32 $0x6200  }
0x2f2: {  	[tilespmem:s16], [sflag:$0x1] =	stream.indirect_vreg.gather [hbm4b:s2+s3], $0x80, v3, vm0, $0xb8;
	[tilespmem:$0x17200] =	vst v63  }
0x2f3: {  	v3 =	vld [tilespmem:s0+$0x1A0];
	_ =	sdelay $0x4  }
0x2f4: {  	v60 =	vshll.u32 v3, $0x1  }
0x2f5: {  	v3 =	vand.u32 $0x7, v3;
	v4 =	vand.u32 $0xFFFFFFF0, v60  }
0x2f6: {  	v3 =	vor.u32 v3, v4  }
0x2f7: {  	v4 =	vperm.xlane v3, v0;
	_ =	sdelay $0x1  }
0x2f8: {  	v3 =	vperm.xlane v3, v2;
	v4 =	vadd.s32 v1, v4;
	_ =	sdelay $0x1  }
0x2f9: {  	v3 =	vadd.s32 v1, v3;
	_ =	sdelay $0x1  }
0x2fa: {  	s17 =	simm.s32 $0x6A00  }
0x2fb: {  	[tilespmem:s17], [sflag:$0x1] =	stream.indirect_vreg.gather [hbm4b:s2+s3], $0x80, v4, vm0, $0xb8;
	[tilespmem:$0x17200] =	vst v63  }
0x2fc: {  	s18 =	simm.s32 $0x7200  }
0x2fd: {  	[tilespmem:s18], [sflag:$0x1] =	stream.indirect_vreg.gather [hbm4b:s2+s3], $0x80, v3, vm0, $0xb8;
	[tilespmem:$0x17200] =	vst v63  }
0x2fe: {  	v3 =	vld [tilespmem:s0+$0x1B0];
	_ =	sdelay $0x4  }
0x2ff: {  	v61 =	vshll.u32 v3, $0x1  }
0x300: {  	v3 =	vand.u32 $0x7, v3;
	v4 =	vand.u32 $0xFFFFFFF0, v61  }
0x301: {  	v3 =	vor.u32 v3, v4  }
0x302: {  	v4 =	vperm.xlane v3, v0;
	_ =	sdelay $0x1  }
0x303: {  	v3 =	vperm.xlane v3, v2;
	v4 =	vadd.s32 v1, v4;
	_ =	sdelay $0x1  }
0x304: {  	v3 =	vadd.s32 v1, v3;
	_ =	sdelay $0x1  }
0x305: {  	s19 =	simm.s32 $0x7A00  }
0x306: {  	[tilespmem:s19], [sflag:$0x1] =	stream.indirect_vreg.gather [hbm4b:s2+s3], $0x80, v4, vm0, $0xb8;
	[tilespmem:$0x17200] =	vst v63  }
0x307: {  	s20 =	simm.s32 $0x8200  }
0x308: {  	[tilespmem:s20], [sflag:$0x1] =	stream.indirect_vreg.gather [hbm4b:s2+s3], $0x80, v3, vm0, $0xb8;
	[tilespmem:$0x17200] =	vst v63  }
0x309: {  	v3 =	vld [tilespmem:s0+$0x1C0];
	_ =	sdelay $0x4  }
0x30a: {  	v62 =	vshll.u32 v3, $0x1  }
0x30b: {  	v3 =	vand.u32 $0x7, v3;
	v4 =	vand.u32 $0xFFFFFFF0, v62  }
0x30c: {  	v3 =	vor.u32 v3, v4  }
0x30d: {  	v4 =	vperm.xlane v3, v0;
	_ =	sdelay $0x1  }
0x30e: {  	v3 =	vperm.xlane v3, v2;
	v4 =	vadd.s32 v1, v4;
	_ =	sdelay $0x1  }
0x30f: {  	v3 =	vadd.s32 v1, v3;
	_ =	sdelay $0x1  }
0x310: {  	s21 =	simm.s32 $0x8A00  }
0x311: {  	[tilespmem:s21], [sflag:$0x1] =	stream.indirect_vreg.gather [hbm4b:s2+s3], $0x80, v4, vm0, $0xb8;
	[tilespmem:$0x17200] =	vst v63  }
0x312: {  	s29 =	simm.s32 $0x9200  }
0x313: {  	[tilespmem:s29], [sflag:$0x1] =	stream.indirect_vreg.gather [hbm4b:s2+s3], $0x80, v3, vm0, $0xb8;
	[tilespmem:$0x17200] =	vst v63  }
0x314: {  	v3 =	vld [tilespmem:s0+$0x1D0];
	_ =	sdelay $0x4  }
0x315: {  	v63 =	vshll.u32 v3, $0x1  }
0x316: {  	v3 =	vand.u32 $0x7, v3;
	v4 =	vand.u32 $0xFFFFFFF0, v63  }
0x317: {  	v3 =	vor.u32 v3, v4  }
0x318: {  	v4 =	vperm.xlane v3, v0;
	_ =	sdelay $0x1  }
0x319: {  	v3 =	vperm.xlane v3, v2;
	v4 =	vadd.s32 v1, v4;
	_ =	sdelay $0x1  }
0x31a: {  	v3 =	vadd.s32 v1, v3;
	_ =	sdelay $0x1  }
0x31b: {  	s30 =	simm.s32 $0x9A00  }
0x31c: {  	[tilespmem:s30], [sflag:$0x1] =	stream.indirect_vreg.gather [hbm4b:s2+s3], $0x80, v4, vm0, $0xb8;
	[tilespmem:$0x17200] =	vst v63  }
0x31d: {  	s31 =	simm.s32 $0xA200  }
0x31e: {  	[tilespmem:s31], [sflag:$0x1] =	stream.indirect_vreg.gather [hbm4b:s2+s3], $0x80, v3, vm0, $0xb8;
	[tilespmem:$0x17200] =	vst v63  }
.LBB2_6:
0x31f: {  	_ =	swait.ge [sflag:s24], $0x5000  }
0x320: {  	[sflag:s24] =	ssyncset.done $0x0  }
0x321: {  	[sflag:s24] =	ssyncadd.s32 $0xFFFFB000  }
0x322: {  	_ =	swait.ge [sflag:s24], $0x5000  }
0x323: {  	[sflag:s24] =	ssyncset.done $0x0  }
0x324: {  	s0 =	simm.s32 @!p0 $0x4;
	[sflag:s24] =	ssyncadd.s32 $0xFFFFB000  }
0x325: {  	s29 =	simm.s32 $0xFFFFFFFE;
	_ =	swait.ge @!p0 [sflag:s0], $0x800  }
0x326: {  	s30 =	simm.s32 $0x0;
	s31 =	simm.s32 $0x0;
	[sflag:s0] =	ssyncset.done @!p0 $0x0  }
0x327: {  	s1 =	simm.s32 $0x0;
	[sflag:s0] =	ssyncadd.s32 @!p0 $0xFFFFF800;
	s0 =	simm.s32 $0x0  }
.LBB2_7:
0x328: {  	s19 =	sor.u32 $0xB80, s31  }
0x329: {  	s4 =	sand.u32 $0x60, s30;
	s5 =	sand.u32 $0x400, s0;
	v7 =	vld [tilespmem:s19+$0x14A00]  }
0x32a: {  	s14 =	sor.u32 s4, s5;
	v49 =	vld [tilespmem:s19+$0xAA00]  }
0x32b: {  	v21 =	vld [tilespmem:s14+$0x14A00]  }
0x32c: {  	v20 =	vld [tilespmem:s14+$0x14B00]  }
0x32d: {  	v18 =	vld [tilespmem:s14+$0x14C00]  }
0x32e: {  	v14 =	vld [tilespmem:s14+$0x15200]  }
0x32f: {  	v12 =	vld [tilespmem:s14+$0x15300]  }
0x330: {  	v10 =	vld [tilespmem:s14+$0x15400]  }
0x331: {  	v6 =	vld [tilespmem:s14+$0x15A00]  }
0x332: {  	v4 =	vld [tilespmem:s14+$0x15B00]  }
0x333: {  	v23 =	vld [tilespmem:s14+$0xAA00]  }
0x334: {  	v25 =	vld [tilespmem:s14+$0xAB00]  }
0x335: {  	v27 =	vld [tilespmem:s14+$0xAC00]  }
0x336: {  	v31 =	vld [tilespmem:s14+$0xB200]  }
0x337: {  	v44 =	vld [tilespmem:s14+$0xB300]  }
0x338: {  	s7 =	sand.u32 $0xFFFFFC00, s0;
	v46 =	vld [tilespmem:s14+$0xB400]  }
0x339: {  	s7 =	sadd.s32 s7, s30;
	v50 =	vld [tilespmem:s14+$0xBA00]  }
0x33a: {  	s16 =	sor.u32 $0x80, s7;
	v52 =	vld [tilespmem:s14+$0xBB00]  }
0x33b: {  	s8 =	sand.u32 $0x3, s1;
	s15 =	sor.u32 $0x180, s7;
	v22 =	vld [tilespmem:s16+$0x14A00]  }
0x33c: {  	s8 =	sshll.u32 s8, $0x5;
	s12 =	sor.u32 $0x280, s7;
	v19 =	vld [tilespmem:s15+$0x14A00]  }
0x33d: {  	s9 =	sadd.s32 s8, s0;
	s8 =	sor.u32 $0x380, s31;
	v17 =	vld [tilespmem:s12+$0x14A00]  }
0x33e: {  	s11 =	sor.u32 $0x880, s7;
	v15 =	vld [tilespmem:s8+$0x14A00]  }
0x33f: {  	s13 =	sor.u32 $0x980, s7;
	v13 =	vld [tilespmem:s11+$0x14A00]  }
0x340: {  	s17 =	sor.u32 $0xA80, s7;
	v11 =	vld [tilespmem:s13+$0x14A00]  }
0x341: {  	s20 =	sor.u32 $0x1080, s7;
	v9 =	vld [tilespmem:s17+$0x14A00]  }
0x342: {  	s21 =	sor.u32 $0x1180, s7;
	v5 =	vld [tilespmem:s20+$0x14A00]  }
0x343: {  	v3 =	vld [tilespmem:s21+$0x14A00]  }
0x344: {  	v24 =	vld [tilespmem:s16+$0xAA00]  }
0x345: {  	v26 =	vld [tilespmem:s15+$0xAA00]  }
0x346: {  	v28 =	vld [tilespmem:s12+$0xAA00]  }
0x347: {  	v30 =	vld [tilespmem:s8+$0xAA00]  }
0x348: {  	v43 =	vld [tilespmem:s11+$0xAA00]  }
0x349: {  	v45 =	vld [tilespmem:s13+$0xAA00]  }
0x34a: {  	v47 =	vld [tilespmem:s17+$0xAA00]  }
0x34b: {  	s10 =	sor.u32 $0x300, s9;
	v51 =	vld [tilespmem:s20+$0xAA00]  }
0x34c: {  	s18 =	sor.u32 $0xB00, s9;
	v16 =	vld [tilespmem:s10+$0x14A00]  }
0x34d: {  	v8 =	vld [tilespmem:s18+$0x14A00]  }
0x34e: {  	s7 =	sor.u32 $0x10, s4;
	v29 =	vld [tilespmem:s10+$0xAA00]  }
0x34f: {  	s13 =	sor.u32 s5, s7;
	v48 =	vld [tilespmem:s18+$0xAA00]  }
0x350: {  	v41 =	vld [tilespmem:s13+$0x14A00]  }
0x351: {  	v42 =	vld [tilespmem:s13+$0x14A80]  }
0x352: {  	v32 =	vld [tilespmem:s13+$0xAA00]  }
0x353: {  	v33 =	vld [tilespmem:s13+$0xAA80]  }
0x354: {  	v40 =	vld [tilespmem:s13+$0x14B00]  }
0x355: {  	v34 =	vld [tilespmem:s13+$0xAB00]  }
0x356: {  	v39 =	vld [tilespmem:s13+$0x14B80]  }
0x357: {  	v61 =	vld [tilespmem:s13+$0xAB80];
	v23 =	vmul.f32 v23, v21;
	v24 =	vmul.f32 v24, v22  }
0x358: {  	v38 =	vld [tilespmem:s13+$0x14C00];
	v60 =	vmul.f32 v25, v20  }
0x359: {  	v63 =	vld [tilespmem:s13+$0xAC00];
	v32 =	vmul.f32 v32, v41;
	v33 =	vmul.f32 v33, v42;
	v23 =	vadd.f32 v24, v23  }
0x35a: {  	v37 =	vld [tilespmem:s13+$0x14C80];
	s18 =	sadd.s32 $0x10, s9;
	v62 =	vmul.f32 v26, v19  }
0x35b: {  	v56 =	vld [tilespmem:s13+$0xAC80];
	s11 =	sor.u32 $0x300, s18;
	v54 =	vmul.f32 v34, v40;
	v32 =	vadd.f32 v33, v32;
	v23 =	vadd.f32 v60, v23  }
0x35c: {  	v36 =	vld [tilespmem:s11+$0x14A00];
	v55 =	vmul.f32 v27, v18  }
0x35d: {  	s9 =	sor.u32 $0x380, s18;
	v58 =	vld [tilespmem:s11+$0xAA00];
	v25 =	vmul.f32 v61, v39;
	v32 =	vadd.f32 v54, v32;
	v23 =	vadd.f32 v62, v23  }
0x35e: {  	v35 =	vld [tilespmem:s9+$0x14A00];
	v57 =	vmul.f32 v28, v17  }
0x35f: {  	v26 =	vmul.f32 v63, v38;
	v34 =	vld [tilespmem:s13+$0x15200];
	v25 =	vadd.f32 v25, v32;
	v23 =	vadd.f32 v55, v23  }
0x360: {  	v59 =	vmul.f32 v29, v16;
	v60 =	vld [tilespmem:s9+$0xAA00]  }
0x361: {  	v61 =	vmul.f32 v56, v37;
	v63 =	vld [tilespmem:s13+$0xB200];
	v25 =	vadd.f32 v26, v25;
	v23 =	vadd.f32 v57, v23  }
0x362: {  	v56 =	vld [tilespmem:s13+$0xB280];
	v54 =	vmul.f32 v58, v36  }
0x363: {  	v33 =	vld [tilespmem:s13+$0x15280];
	v62 =	vmul.f32 v30, v15;
	v25 =	vadd.f32 v61, v25;
	v23 =	vadd.f32 v59, v23  }
0x364: {  	v53 =	vld [tilespmem:s21+$0xAA00];
	v55 =	vmul.f32 v31, v14  }
0x365: {  	v32 =	vld [tilespmem:s13+$0x15300];
	v57 =	vmul.f32 v60, v35;
	v25 =	vadd.f32 v54, v25;
	v23 =	vadd.f32 v62, v23  }
0x366: {  	v58 =	vmul.f32 v43, v13;
	v59 =	vld [tilespmem:s13+$0xB300]  }
0x367: {  	v31 =	vld [tilespmem:s13+$0x15380];
	v60 =	vmul.f32 v63, v34;
	v25 =	vadd.f32 v57, v25;
	v23 =	vadd.f32 v55, v23  }
0x368: {  	v63 =	vmul.f32 v56, v33;
	v62 =	vld [tilespmem:s13+$0xB380]  }
0x369: {  	v30 =	vld [tilespmem:s13+$0x15400];
	v61 =	vmul.f32 v44, v12;
	v25 =	vadd.f32 v60, v25;
	v23 =	vadd.f32 v58, v23  }
0x36a: {  	v54 =	vmul.f32 v45, v11;
	v55 =	vld [tilespmem:s13+$0xB400]  }
0x36b: {  	v29 =	vld [tilespmem:s13+$0x15480];
	v56 =	vmul.f32 v59, v32;
	v25 =	vadd.f32 v63, v25;
	v23 =	vadd.f32 v61, v23  }
0x36c: {  	s19 =	sor.u32 $0xB00, s18;
	v57 =	vmul.f32 v46, v10;
	v58 =	vld [tilespmem:s13+$0xB480]  }
0x36d: {  	v27 =	vld [tilespmem:s19+$0x14A00];
	v44 =	vmul.f32 v62, v31;
	v26 =	vadd.f32 v56, v25;
	v23 =	vadd.f32 v54, v23  }
0x36e: {  	s17 =	sor.u32 $0xB80, s18;
	v59 =	vmul.f32 v47, v9;
	v60 =	vld [tilespmem:s19+$0xAA00]  }
0x36f: {  	v62 =	vld [tilespmem:s17+$0xAA00];
	v28 =	vmul.f32 v55, v30;
	v26 =	vadd.f32 v44, v26;
	v23 =	vadd.f32 v57, v23  }
0x370: {  	v61 =	vmul.f32 v48, v8;
	v25 =	vld [tilespmem:s17+$0x14A00]  }
0x371: {  	v55 =	vld [tilespmem:s13+$0xBA00];
	v63 =	vmul.f32 v58, v29;
	v26 =	vadd.f32 v28, v26;
	v24 =	vadd.f32 v59, v23  }
0x372: {  	v54 =	vmul.f32 v49, v7;
	v23 =	vld [tilespmem:s13+$0x15A00]  }
0x373: {  	v45 =	vmul.f32 v60, v27;
	v57 =	vld [tilespmem:s13+$0xBA80];
	v28 =	vadd.f32 v63, v26;
	v48 =	vadd.f32 v61, v24  }
0x374: {  	v56 =	vmul.f32 v50, v6;
	v24 =	vld [tilespmem:s13+$0x15A80]  }
0x375: {  	v46 =	vmul.f32 v62, v25;
	v59 =	vld [tilespmem:s13+$0xBB00];
	v45 =	vadd.f32 v45, v28;
	v43 =	vadd.f32 v54, v48  }
0x376: {  	v58 =	vmul.f32 v51, v5;
	v26 =	vld [tilespmem:s13+$0x15B00]  }
0x377: {  	v62 =	vld [tilespmem:s13+$0xBB80];
	v45 =	vadd.f32 v46, v45;
	v60 =	vmul.f32 v55, v23;
	v43 =	vadd.f32 v56, v43  }
0x378: {  	v61 =	vmul.f32 v52, v4;
	v28 =	vld [tilespmem:s13+$0x15B80]  }
0x379: {  	v45 =	vadd.f32 v60, v45;
	v63 =	vmul.f32 v57, v24;
	v43 =	vadd.f32 v58, v43  }
0x37a: {  	v48 =	vmul.f32 v53, v3  }
0x37b: {  	v49 =	vmul.f32 v59, v26;
	v45 =	vadd.f32 v63, v45;
	v43 =	vadd.f32 v61, v43;
	_ =	sdelay $0x1  }
0x37c: {  	v51 =	vmul.f32 v62, v28;
	v50 =	vadd.f32 v49, v45;
	v43 =	vadd.f32 v48, v43  }
0x37d: {  	s17 =	sadd.s32 $0xBC00, s5  }
0x37e: {  	s19 =	sadd.s32 $0xBC80, s5;
	s20 =	sor.u32 s4, s17;
	v44 =	vadd.f32 v51, v50;
	[tilespmem:s14+$0x16A00] =	vst v43  }
0x37f: {  	s21 =	sor.u32 s4, s19;
	v43 =	vld [tilespmem:s20+$0x0]  }
0x380: {  	s17 =	sor.u32 s7, s17;
	s20 =	sadd.s32 $0xBD00, s5;
	v52 =	vld [tilespmem:s21+$0x0];
	[tilespmem:s13+$0x16A00] =	vst v44  }
0x381: {  	s21 =	sor.u32 s4, s20;
	v44 =	vld [tilespmem:s17+$0x0]  }
0x382: {  	s17 =	sadd.s32 $0xBD80, s5;
	v53 =	vld [tilespmem:s21+$0x0];
	s21 =	sor.u32 s7, s19  }
0x383: {  	s19 =	sor.u32 s4, s17;
	v54 =	vld [tilespmem:s21+$0x0]  }
0x384: {  	s18 =	sor.u32 $0xC200, s5;
	s20 =	sor.u32 s7, s20;
	v55 =	vld [tilespmem:s19+$0x0]  }
0x385: {  	v56 =	vld [tilespmem:s20+$0x0];
	s21 =	sor.u32 s4, s18;
	v43 =	vmul.f32 v43, v21;
	v45 =	vmul.f32 v52, v22  }
0x386: {  	s17 =	sor.u32 s7, s17;
	s19 =	sor.u32 $0xC280, s5;
	v57 =	vld [tilespmem:s21+$0x0]  }
0x387: {  	v59 =	vld [tilespmem:s17+$0x0];
	s20 =	sor.u32 s4, s19;
	v43 =	vadd.f32 v45, v43;
	v58 =	vmul.f32 v53, v20  }
0x388: {  	s17 =	sor.u32 $0xC300, s5;
	s18 =	sor.u32 s7, s18;
	v60 =	vld [tilespmem:s20+$0x0];
	v44 =	vmul.f32 v44, v41;
	v47 =	vmul.f32 v54, v42  }
0x389: {  	v62 =	vld [tilespmem:s18+$0x0];
	s21 =	sor.u32 s4, s17;
	v61 =	vmul.f32 v55, v19;
	v43 =	vadd.f32 v58, v43  }
0x38a: {  	s18 =	sor.u32 $0xC380, s5;
	s19 =	sor.u32 s7, s19;
	v63 =	vld [tilespmem:s21+$0x0];
	v54 =	vmul.f32 v56, v40;
	v44 =	vadd.f32 v47, v44  }
0x38b: {  	v49 =	vld [tilespmem:s19+$0x0];
	s20 =	sor.u32 s4, s18;
	v55 =	vmul.f32 v57, v18;
	v43 =	vadd.f32 v61, v43  }
0x38c: {  	s17 =	sor.u32 s7, s17;
	s19 =	sadd.s32 $0xC400, s5;
	v56 =	vld [tilespmem:s20+$0x0];
	v46 =	vmul.f32 v59, v39;
	v44 =	vadd.f32 v54, v44  }
0x38d: {  	s21 =	sor.u32 s4, s19;
	v58 =	vld [tilespmem:s17+$0x0];
	v57 =	vmul.f32 v60, v17;
	v43 =	vadd.f32 v55, v43  }
0x38e: {  	s18 =	sor.u32 s7, s18;
	v59 =	vld [tilespmem:s21+$0x0];
	s17 =	sadd.s32 $0xC480, s5;
	v60 =	vmul.f32 v62, v38;
	v44 =	vadd.f32 v46, v44  }
0x38f: {  	v62 =	vld [tilespmem:s18+$0x0];
	s20 =	sor.u32 s4, s17;
	v61 =	vmul.f32 v63, v16;
	v43 =	vadd.f32 v57, v43  }
0x390: {  	s19 =	sor.u32 s7, s19;
	s18 =	sadd.s32 $0xC500, s5;
	v63 =	vld [tilespmem:s20+$0x0];
	v54 =	vmul.f32 v49, v37;
	v44 =	vadd.f32 v60, v44  }
0x391: {  	s21 =	sor.u32 s4, s18;
	v49 =	vld [tilespmem:s19+$0x0];
	v55 =	vmul.f32 v56, v15;
	v43 =	vadd.f32 v61, v43  }
0x392: {  	s17 =	sor.u32 s7, s17;
	v50 =	vld [tilespmem:s21+$0x0];
	s19 =	sadd.s32 $0xC580, s5;
	v56 =	vmul.f32 v58, v36;
	v44 =	vadd.f32 v54, v44  }
0x393: {  	s20 =	sor.u32 s4, s19;
	v58 =	vld [tilespmem:s17+$0x0];
	v57 =	vmul.f32 v59, v14;
	v43 =	vadd.f32 v55, v43  }
0x394: {  	s18 =	sor.u32 s7, s18;
	s17 =	sor.u32 $0xCA00, s5;
	v59 =	vld [tilespmem:s20+$0x0];
	v60 =	vmul.f32 v62, v35;
	v44 =	vadd.f32 v56, v44  }
0x395: {  	s21 =	sor.u32 s4, s17;
	v62 =	vld [tilespmem:s18+$0x0];
	v61 =	vmul.f32 v63, v13;
	v43 =	vadd.f32 v57, v43  }
0x396: {  	s19 =	sor.u32 s7, s19;
	s18 =	sor.u32 $0xCA80, s5;
	v63 =	vld [tilespmem:s21+$0x0];
	v54 =	vmul.f32 v49, v34;
	v44 =	vadd.f32 v60, v44  }
0x397: {  	s20 =	sor.u32 s4, s18;
	v49 =	vld [tilespmem:s19+$0x0];
	v55 =	vmul.f32 v50, v12;
	v43 =	vadd.f32 v61, v43  }
0x398: {  	s17 =	sor.u32 s7, s17;
	s19 =	sor.u32 $0xCB00, s5;
	v50 =	vld [tilespmem:s20+$0x0];
	v56 =	vmul.f32 v58, v33;
	v44 =	vadd.f32 v54, v44  }
0x399: {  	s21 =	sor.u32 s4, s19;
	v58 =	vld [tilespmem:s17+$0x0];
	v57 =	vmul.f32 v59, v11;
	v43 =	vadd.f32 v55, v43  }
0x39a: {  	s18 =	sor.u32 s7, s18;
	s17 =	sor.u32 $0xCB80, s5;
	v59 =	vld [tilespmem:s21+$0x0];
	v60 =	vmul.f32 v62, v32;
	v44 =	vadd.f32 v56, v44  }
0x39b: {  	s20 =	sor.u32 s4, s17;
	v62 =	vld [tilespmem:s18+$0x0];
	v61 =	vmul.f32 v63, v10;
	v43 =	vadd.f32 v57, v43  }
0x39c: {  	s19 =	sor.u32 s7, s19;
	s18 =	sadd.s32 $0xCC00, s5;
	v63 =	vld [tilespmem:s20+$0x0];
	v54 =	vmul.f32 v49, v31;
	v44 =	vadd.f32 v60, v44  }
0x39d: {  	s21 =	sor.u32 s4, s18;
	v49 =	vld [tilespmem:s19+$0x0];
	v55 =	vmul.f32 v50, v9;
	v43 =	vadd.f32 v61, v43  }
0x39e: {  	s17 =	sor.u32 s7, s17;
	s19 =	sadd.s32 $0xCC80, s5;
	v50 =	vld [tilespmem:s21+$0x0];
	v56 =	vmul.f32 v58, v30;
	v44 =	vadd.f32 v54, v44  }
0x39f: {  	s20 =	sor.u32 s4, s19;
	v58 =	vld [tilespmem:s17+$0x0];
	v57 =	vmul.f32 v59, v8;
	v43 =	vadd.f32 v55, v43  }
0x3a0: {  	s18 =	sor.u32 s7, s18;
	s17 =	sadd.s32 $0xCD00, s5;
	v59 =	vld [tilespmem:s20+$0x0];
	v60 =	vmul.f32 v62, v29;
	v44 =	vadd.f32 v56, v44  }
0x3a1: {  	s21 =	sor.u32 s4, s17;
	v62 =	vld [tilespmem:s18+$0x0];
	v61 =	vmul.f32 v63, v7;
	v43 =	vadd.f32 v57, v43  }
0x3a2: {  	s19 =	sor.u32 s7, s19;
	s20 =	sadd.s32 $0xCD80, s5;
	v63 =	vld [tilespmem:s21+$0x0];
	v53 =	vmul.f32 v49, v27;
	v44 =	vadd.f32 v60, v44  }
0x3a3: {  	s21 =	sor.u32 s4, s20;
	v54 =	vmul.f32 v50, v6;
	v55 =	vld [tilespmem:s19+$0x0];
	v43 =	vadd.f32 v61, v43  }
0x3a4: {  	s17 =	sor.u32 s7, s17;
	v56 =	vld [tilespmem:s21+$0x0];
	v57 =	vmul.f32 v58, v25;
	v44 =	vadd.f32 v53, v44  }
0x3a5: {  	v58 =	vmul.f32 v59, v5;
	v59 =	vld [tilespmem:s17+$0x0];
	v43 =	vadd.f32 v54, v43  }
0x3a6: {  	s19 =	sor.u32 s7, s20;
	v60 =	vmul.f32 v62, v23;
	v44 =	vadd.f32 v57, v44  }
0x3a7: {  	v62 =	vld [tilespmem:s19+$0x0];
	v61 =	vmul.f32 v63, v4;
	v43 =	vadd.f32 v58, v43  }
0x3a8: {  	v63 =	vmul.f32 v55, v24;
	v44 =	vadd.f32 v60, v44  }
0x3a9: {  	v49 =	vmul.f32 v56, v3;
	v43 =	vadd.f32 v61, v43  }
0x3aa: {  	v50 =	vmul.f32 v59, v26;
	v44 =	vadd.f32 v63, v44  }
0x3ab: {  	v43 =	vadd.f32 v49, v43  }
0x3ac: {  	s17 =	sor.u32 $0xD200, s5;
	v51 =	vmul.f32 v62, v28;
	v44 =	vadd.f32 v50, v44  }
0x3ad: {  	s18 =	sor.u32 $0xD280, s5;
	s20 =	sor.u32 s4, s17;
	[tilespmem:s16+$0x16A00] =	vst v43  }
0x3ae: {  	s21 =	sor.u32 s4, s18;
	s19 =	sor.u32 $0xD300, s5;
	v43 =	vld [tilespmem:s20+$0x0];
	v44 =	vadd.f32 v51, v44  }
0x3af: {  	v52 =	vld [tilespmem:s21+$0x0];
	s20 =	sor.u32 s4, s19  }
0x3b0: {  	s21 =	sor.u32 s7, s17;
	v53 =	vld [tilespmem:s20+$0x0];
	[tilespmem:s13+$0x16A80] =	vst v44  }
0x3b1: {  	s17 =	sor.u32 $0xD380, s5;
	s20 =	sor.u32 s7, s18;
	v44 =	vld [tilespmem:s21+$0x0]  }
0x3b2: {  	s21 =	sor.u32 s4, s17;
	v54 =	vld [tilespmem:s20+$0x0]  }
0x3b3: {  	s16 =	sadd.s32 $0xD400, s5;
	s20 =	sor.u32 s7, s19;
	v55 =	vld [tilespmem:s21+$0x0]  }
0x3b4: {  	s21 =	sor.u32 s4, s16;
	v56 =	vld [tilespmem:s20+$0x0];
	v43 =	vmul.f32 v43, v21;
	v45 =	vmul.f32 v52, v22  }
0x3b5: {  	s18 =	sadd.s32 $0xD480, s5;
	s17 =	sor.u32 s7, s17;
	v57 =	vld [tilespmem:s21+$0x0]  }
0x3b6: {  	s20 =	sor.u32 s4, s18;
	v59 =	vld [tilespmem:s17+$0x0];
	v58 =	vmul.f32 v53, v20;
	v43 =	vadd.f32 v45, v43  }
0x3b7: {  	s17 =	sadd.s32 $0xD500, s5;
	s16 =	sor.u32 s7, s16;
	v60 =	vld [tilespmem:s20+$0x0];
	v44 =	vmul.f32 v44, v41;
	v47 =	vmul.f32 v54, v42  }
0x3b8: {  	s21 =	sor.u32 s4, s17;
	v62 =	vld [tilespmem:s16+$0x0];
	v43 =	vadd.f32 v58, v43;
	v61 =	vmul.f32 v55, v19  }
0x3b9: {  	s18 =	sor.u32 s7, s18;
	s16 =	sadd.s32 $0xD580, s5;
	v63 =	vld [tilespmem:s21+$0x0];
	v54 =	vmul.f32 v56, v40;
	v44 =	vadd.f32 v47, v44  }
0x3ba: {  	v49 =	vld [tilespmem:s18+$0x0];
	s20 =	sor.u32 s4, s16;
	v55 =	vmul.f32 v57, v18;
	v43 =	vadd.f32 v61, v43  }
0x3bb: {  	s18 =	sor.u32 $0xDA00, s5;
	s17 =	sor.u32 s7, s17;
	v56 =	vld [tilespmem:s20+$0x0];
	v46 =	vmul.f32 v59, v39;
	v44 =	vadd.f32 v54, v44  }
0x3bc: {  	s21 =	sor.u32 s4, s18;
	v58 =	vld [tilespmem:s17+$0x0];
	v57 =	vmul.f32 v60, v17;
	v43 =	vadd.f32 v55, v43  }
0x3bd: {  	s16 =	sor.u32 s7, s16;
	v59 =	vld [tilespmem:s21+$0x0];
	s17 =	sor.u32 $0xDA80, s5;
	v60 =	vmul.f32 v62, v38;
	v44 =	vadd.f32 v46, v44  }
0x3be: {  	s20 =	sor.u32 s4, s17;
	v62 =	vld [tilespmem:s16+$0x0];
	v61 =	vmul.f32 v63, v16;
	v43 =	vadd.f32 v57, v43  }
0x3bf: {  	s18 =	sor.u32 s7, s18;
	s16 =	sor.u32 $0xDB00, s5;
	v63 =	vld [tilespmem:s20+$0x0];
	v54 =	vmul.f32 v49, v37;
	v44 =	vadd.f32 v60, v44  }
0x3c0: {  	s21 =	sor.u32 s4, s16;
	v49 =	vld [tilespmem:s18+$0x0];
	v55 =	vmul.f32 v56, v15;
	v43 =	vadd.f32 v61, v43  }
0x3c1: {  	s17 =	sor.u32 s7, s17;
	v50 =	vld [tilespmem:s21+$0x0];
	s18 =	sor.u32 $0xDB80, s5;
	v56 =	vmul.f32 v58, v36;
	v44 =	vadd.f32 v54, v44  }
0x3c2: {  	s20 =	sor.u32 s4, s18;
	v58 =	vld [tilespmem:s17+$0x0];
	v57 =	vmul.f32 v59, v14;
	v43 =	vadd.f32 v55, v43  }
0x3c3: {  	s16 =	sor.u32 s7, s16;
	s17 =	sadd.s32 $0xDC00, s5;
	v59 =	vld [tilespmem:s20+$0x0];
	v60 =	vmul.f32 v62, v35;
	v44 =	vadd.f32 v56, v44  }
0x3c4: {  	s21 =	sor.u32 s4, s17;
	v62 =	vld [tilespmem:s16+$0x0];
	v61 =	vmul.f32 v63, v13;
	v43 =	vadd.f32 v57, v43  }
0x3c5: {  	s18 =	sor.u32 s7, s18;
	s16 =	sadd.s32 $0xDC80, s5;
	v63 =	vld [tilespmem:s21+$0x0];
	v54 =	vmul.f32 v49, v34;
	v44 =	vadd.f32 v60, v44  }
0x3c6: {  	s20 =	sor.u32 s4, s16;
	v49 =	vld [tilespmem:s18+$0x0];
	v55 =	vmul.f32 v50, v12;
	v43 =	vadd.f32 v61, v43  }
0x3c7: {  	s17 =	sor.u32 s7, s17;
	s18 =	sadd.s32 $0xDD00, s5;
	v50 =	vld [tilespmem:s20+$0x0];
	v56 =	vmul.f32 v58, v33;
	v44 =	vadd.f32 v54, v44  }
0x3c8: {  	s21 =	sor.u32 s4, s18;
	v58 =	vld [tilespmem:s17+$0x0];
	v57 =	vmul.f32 v59, v11;
	v43 =	vadd.f32 v55, v43  }
0x3c9: {  	s16 =	sor.u32 s7, s16;
	s17 =	sadd.s32 $0xDD80, s5;
	v59 =	vld [tilespmem:s21+$0x0];
	v60 =	vmul.f32 v62, v32;
	v44 =	vadd.f32 v56, v44  }
0x3ca: {  	s20 =	sor.u32 s4, s17;
	v62 =	vld [tilespmem:s16+$0x0];
	v61 =	vmul.f32 v63, v10;
	v43 =	vadd.f32 v57, v43  }
0x3cb: {  	s18 =	sor.u32 s7, s18;
	s16 =	sor.u32 $0xE200, s5;
	v63 =	vld [tilespmem:s20+$0x0];
	v54 =	vmul.f32 v49, v31;
	v44 =	vadd.f32 v60, v44  }
0x3cc: {  	s21 =	sor.u32 s4, s16;
	v49 =	vld [tilespmem:s18+$0x0];
	v55 =	vmul.f32 v50, v9;
	v43 =	vadd.f32 v61, v43  }
0x3cd: {  	s17 =	sor.u32 s7, s17;
	s18 =	sor.u32 $0xE280, s5;
	v50 =	vld [tilespmem:s21+$0x0];
	v56 =	vmul.f32 v58, v30;
	v44 =	vadd.f32 v54, v44  }
0x3ce: {  	s20 =	sor.u32 s4, s18;
	v58 =	vld [tilespmem:s17+$0x0];
	v57 =	vmul.f32 v59, v8;
	v43 =	vadd.f32 v55, v43  }
0x3cf: {  	s16 =	sor.u32 s7, s16;
	s17 =	sor.u32 $0xE300, s5;
	v59 =	vld [tilespmem:s20+$0x0];
	v60 =	vmul.f32 v62, v29;
	v44 =	vadd.f32 v56, v44  }
0x3d0: {  	s21 =	sor.u32 s4, s17;
	v62 =	vld [tilespmem:s16+$0x0];
	v61 =	vmul.f32 v63, v7;
	v43 =	vadd.f32 v57, v43  }
0x3d1: {  	s18 =	sor.u32 s7, s18;
	s20 =	sor.u32 $0xE380, s5;
	v63 =	vld [tilespmem:s21+$0x0];
	v53 =	vmul.f32 v49, v27;
	v44 =	vadd.f32 v60, v44  }
0x3d2: {  	s21 =	sor.u32 s4, s20;
	v54 =	vmul.f32 v50, v6;
	v55 =	vld [tilespmem:s18+$0x0];
	v43 =	vadd.f32 v61, v43  }
0x3d3: {  	s17 =	sor.u32 s7, s17;
	v56 =	vld [tilespmem:s21+$0x0];
	v57 =	vmul.f32 v58, v25;
	v44 =	vadd.f32 v53, v44  }
0x3d4: {  	v58 =	vmul.f32 v59, v5;
	v59 =	vld [tilespmem:s17+$0x0];
	v43 =	vadd.f32 v54, v43  }
0x3d5: {  	s16 =	sor.u32 s7, s20;
	v60 =	vmul.f32 v62, v23;
	v44 =	vadd.f32 v57, v44  }
0x3d6: {  	v62 =	vld [tilespmem:s16+$0x0];
	v61 =	vmul.f32 v63, v4;
	v43 =	vadd.f32 v58, v43  }
0x3d7: {  	v63 =	vmul.f32 v55, v24;
	v44 =	vadd.f32 v60, v44  }
0x3d8: {  	v49 =	vmul.f32 v56, v3;
	v43 =	vadd.f32 v61, v43  }
0x3d9: {  	v50 =	vmul.f32 v59, v26;
	v44 =	vadd.f32 v63, v44  }
0x3da: {  	v43 =	vadd.f32 v49, v43  }
0x3db: {  	s16 =	sadd.s32 $0xE400, s5;
	v51 =	vmul.f32 v62, v28;
	v44 =	vadd.f32 v50, v44  }
0x3dc: {  	s18 =	sadd.s32 $0xE480, s5;
	s19 =	sor.u32 s4, s16;
	[tilespmem:s14+$0x16B00] =	vst v43  }
0x3dd: {  	s20 =	sor.u32 s4, s18;
	v43 =	vld [tilespmem:s19+$0x0];
	s19 =	sadd.s32 $0xE500, s5;
	v44 =	vadd.f32 v51, v44  }
0x3de: {  	v52 =	vld [tilespmem:s20+$0x0];
	s21 =	sor.u32 s4, s19  }
0x3df: {  	s16 =	sor.u32 s7, s16;
	v53 =	vld [tilespmem:s21+$0x0];
	[tilespmem:s13+$0x16B00] =	vst v44  }
0x3e0: {  	s18 =	sor.u32 s7, s18;
	v44 =	vld [tilespmem:s16+$0x0];
	s16 =	sadd.s32 $0xE580, s5  }
0x3e1: {  	v54 =	vld [tilespmem:s18+$0x0];
	s20 =	sor.u32 s4, s16  }
0x3e2: {  	s17 =	sor.u32 $0xEA00, s5;
	s21 =	sor.u32 s7, s19;
	v55 =	vld [tilespmem:s20+$0x0]  }
0x3e3: {  	s19 =	sor.u32 s4, s17;
	v56 =	vld [tilespmem:s21+$0x0];
	v43 =	vmul.f32 v43, v21;
	v45 =	vmul.f32 v52, v22  }
0x3e4: {  	v57 =	vld [tilespmem:s19+$0x0];
	s18 =	sor.u32 $0xEA80, s5;
	s16 =	sor.u32 s7, s16  }
0x3e5: {  	v59 =	vld [tilespmem:s16+$0x0];
	s20 =	sor.u32 s4, s18;
	v43 =	vadd.f32 v45, v43;
	v58 =	vmul.f32 v53, v20  }
0x3e6: {  	s17 =	sor.u32 s7, s17;
	s16 =	sor.u32 $0xEB00, s5;
	v60 =	vld [tilespmem:s20+$0x0];
	v44 =	vmul.f32 v44, v41;
	v47 =	vmul.f32 v54, v42  }
0x3e7: {  	v62 =	vld [tilespmem:s17+$0x0];
	s21 =	sor.u32 s4, s16;
	v43 =	vadd.f32 v58, v43;
	v61 =	vmul.f32 v55, v19  }
0x3e8: {  	s19 =	sor.u32 $0xEB80, s5;
	s18 =	sor.u32 s7, s18;
	v63 =	vld [tilespmem:s21+$0x0];
	v54 =	vmul.f32 v56, v40;
	v44 =	vadd.f32 v47, v44  }
0x3e9: {  	v49 =	vld [tilespmem:s18+$0x0];
	s20 =	sor.u32 s4, s19;
	v55 =	vmul.f32 v57, v18;
	v43 =	vadd.f32 v61, v43  }
0x3ea: {  	s18 =	sadd.s32 $0xEC00, s5;
	s16 =	sor.u32 s7, s16;
	v56 =	vld [tilespmem:s20+$0x0];
	v46 =	vmul.f32 v59, v39;
	v44 =	vadd.f32 v54, v44  }
0x3eb: {  	s21 =	sor.u32 s4, s18;
	v58 =	vld [tilespmem:s16+$0x0];
	v57 =	vmul.f32 v60, v17;
	v43 =	vadd.f32 v55, v43  }
0x3ec: {  	s17 =	sor.u32 s7, s19;
	s16 =	sadd.s32 $0xEC80, s5;
	v59 =	vld [tilespmem:s21+$0x0];
	v60 =	vmul.f32 v62, v38;
	v44 =	vadd.f32 v46, v44  }
0x3ed: {  	s19 =	sor.u32 s4, s16;
	v62 =	vld [tilespmem:s17+$0x0];
	v61 =	vmul.f32 v63, v16;
	v43 =	vadd.f32 v57, v43  }
0x3ee: {  	s18 =	sor.u32 s7, s18;
	s20 =	sadd.s32 $0xED00, s5;
	v63 =	vld [tilespmem:s19+$0x0];
	v54 =	vmul.f32 v49, v37;
	v44 =	vadd.f32 v60, v44  }
0x3ef: {  	s21 =	sor.u32 s4, s20;
	v49 =	vld [tilespmem:s18+$0x0];
	v55 =	vmul.f32 v56, v15;
	v43 =	vadd.f32 v61, v43  }
0x3f0: {  	s16 =	sor.u32 s7, s16;
	v50 =	vld [tilespmem:s21+$0x0];
	s18 =	sadd.s32 $0xED80, s5;
	v56 =	vmul.f32 v58, v36;
	v44 =	vadd.f32 v54, v44  }
0x3f1: {  	s19 =	sor.u32 s4, s18;
	v58 =	vld [tilespmem:s16+$0x0];
	v57 =	vmul.f32 v59, v14;
	v43 =	vadd.f32 v55, v43  }
0x3f2: {  	s17 =	sor.u32 s7, s20;
	s16 =	sor.u32 $0xF200, s5;
	v59 =	vld [tilespmem:s19+$0x0];
	v60 =	vmul.f32 v62, v35;
	v44 =	vadd.f32 v56, v44  }
0x3f3: {  	s20 =	sor.u32 s4, s16;
	v62 =	vld [tilespmem:s17+$0x0];
	v61 =	vmul.f32 v63, v13;
	v43 =	vadd.f32 v57, v43  }
0x3f4: {  	s21 =	sor.u32 $0xF280, s5;
	s18 =	sor.u32 s7, s18;
	v63 =	vld [tilespmem:s20+$0x0];
	v54 =	vmul.f32 v49, v34;
	v44 =	vadd.f32 v60, v44  }
0x3f5: {  	s19 =	sor.u32 s4, s21;
	v49 =	vld [tilespmem:s18+$0x0];
	v55 =	vmul.f32 v50, v12;
	v43 =	vadd.f32 v61, v43  }
0x3f6: {  	s16 =	sor.u32 s7, s16;
	s18 =	sor.u32 $0xF300, s5;
	v50 =	vld [tilespmem:s19+$0x0];
	v56 =	vmul.f32 v58, v33;
	v44 =	vadd.f32 v54, v44  }
0x3f7: {  	s20 =	sor.u32 s4, s18;
	v58 =	vld [tilespmem:s16+$0x0];
	v57 =	vmul.f32 v59, v11;
	v43 =	vadd.f32 v55, v43  }
0x3f8: {  	s17 =	sor.u32 s7, s21;
	s16 =	sor.u32 $0xF380, s5;
	v59 =	vld [tilespmem:s20+$0x0];
	v60 =	vmul.f32 v62, v32;
	v44 =	vadd.f32 v56, v44  }
0x3f9: {  	s21 =	sor.u32 s4, s16;
	v62 =	vld [tilespmem:s17+$0x0];
	v61 =	vmul.f32 v63, v10;
	v43 =	vadd.f32 v57, v43  }
0x3fa: {  	s18 =	sor.u32 s7, s18;
	s19 =	sadd.s32 $0xF400, s5;
	v63 =	vld [tilespmem:s21+$0x0];
	v54 =	vmul.f32 v49, v31;
	v44 =	vadd.f32 v60, v44  }
0x3fb: {  	s20 =	sor.u32 s4, s19;
	v49 =	vld [tilespmem:s18+$0x0];
	v55 =	vmul.f32 v50, v9;
	v43 =	vadd.f32 v61, v43  }
0x3fc: {  	s16 =	sor.u32 s7, s16;
	s18 =	sadd.s32 $0xF480, s5;
	v50 =	vld [tilespmem:s20+$0x0];
	v56 =	vmul.f32 v58, v30;
	v44 =	vadd.f32 v54, v44  }
0x3fd: {  	s21 =	sor.u32 s4, s18;
	v58 =	vld [tilespmem:s16+$0x0];
	v57 =	vmul.f32 v59, v8;
	v43 =	vadd.f32 v55, v43  }
0x3fe: {  	s17 =	sor.u32 s7, s19;
	s16 =	sadd.s32 $0xF500, s5;
	v59 =	vld [tilespmem:s21+$0x0];
	v60 =	vmul.f32 v62, v29;
	v44 =	vadd.f32 v56, v44  }
0x3ff: {  	s19 =	sor.u32 s4, s16;
	v62 =	vld [tilespmem:s17+$0x0];
	v61 =	vmul.f32 v63, v7;
	v43 =	vadd.f32 v57, v43  }
0x400: {  	s18 =	sor.u32 s7, s18;
	s20 =	sadd.s32 $0xF580, s5;
	v53 =	vmul.f32 v49, v27;
	v63 =	vld [tilespmem:s19+$0x0];
	v44 =	vadd.f32 v60, v44  }
0x401: {  	s21 =	sor.u32 s4, s20;
	v54 =	vmul.f32 v50, v6;
	v55 =	vld [tilespmem:s18+$0x0];
	v43 =	vadd.f32 v61, v43  }
0x402: {  	s16 =	sor.u32 s7, s16;
	v56 =	vld [tilespmem:s21+$0x0];
	v57 =	vmul.f32 v58, v25;
	v44 =	vadd.f32 v53, v44  }
0x403: {  	v58 =	vmul.f32 v59, v5;
	v59 =	vld [tilespmem:s16+$0x0];
	v43 =	vadd.f32 v54, v43  }
0x404: {  	s18 =	sor.u32 s7, s20;
	v60 =	vmul.f32 v62, v23;
	v44 =	vadd.f32 v57, v44  }
0x405: {  	v62 =	vld [tilespmem:s18+$0x0];
	v61 =	vmul.f32 v63, v4;
	v43 =	vadd.f32 v58, v43  }
0x406: {  	v63 =	vmul.f32 v55, v24;
	v44 =	vadd.f32 v60, v44  }
0x407: {  	v49 =	vmul.f32 v56, v3;
	v43 =	vadd.f32 v61, v43  }
0x408: {  	v50 =	vmul.f32 v59, v26;
	v44 =	vadd.f32 v63, v44  }
0x409: {  	v43 =	vadd.f32 v49, v43  }
0x40a: {  	s16 =	sor.u32 $0xFA00, s5;
	v51 =	vmul.f32 v62, v28;
	v44 =	vadd.f32 v50, v44  }
0x40b: {  	s17 =	sor.u32 $0xFA80, s5;
	s19 =	sor.u32 s4, s16;
	[tilespmem:s15+$0x16A00] =	vst v43  }
0x40c: {  	s20 =	sor.u32 s4, s17;
	s18 =	sor.u32 $0xFB00, s5;
	v44 =	vadd.f32 v51, v44;
	v43 =	vld [tilespmem:s19+$0x0]  }
0x40d: {  	s21 =	sor.u32 s4, s18;
	v52 =	vld [tilespmem:s20+$0x0]  }
0x40e: {  	v53 =	vld [tilespmem:s21+$0x0];
	s19 =	sor.u32 s7, s16;
	[tilespmem:s13+$0x16B80] =	vst v44  }
0x40f: {  	s20 =	sor.u32 $0xFB80, s5;
	s21 =	sor.u32 s7, s17;
	v44 =	vld [tilespmem:s19+$0x0]  }
0x410: {  	s17 =	sor.u32 s4, s20;
	v54 =	vld [tilespmem:s21+$0x0]  }
0x411: {  	s18 =	sor.u32 s7, s18;
	s16 =	sadd.s32 $0xFC00, s5;
	v55 =	vld [tilespmem:s17+$0x0]  }
0x412: {  	v56 =	vld [tilespmem:s18+$0x0];
	s19 =	sor.u32 s4, s16;
	v43 =	vmul.f32 v43, v21;
	v45 =	vmul.f32 v52, v22  }
0x413: {  	s15 =	sor.u32 s7, s20;
	s17 =	sadd.s32 $0xFC80, s5;
	v57 =	vld [tilespmem:s19+$0x0]  }
0x414: {  	v59 =	vld [tilespmem:s15+$0x0];
	s20 =	sor.u32 s4, s17;
	v58 =	vmul.f32 v53, v20;
	v43 =	vadd.f32 v45, v43  }
0x415: {  	s21 =	sadd.s32 $0xFD00, s5;
	s16 =	sor.u32 s7, s16;
	v60 =	vld [tilespmem:s20+$0x0];
	v44 =	vmul.f32 v44, v41;
	v47 =	vmul.f32 v54, v42  }
0x416: {  	v62 =	vld [tilespmem:s16+$0x0];
	s18 =	sor.u32 s4, s21;
	v61 =	vmul.f32 v55, v19;
	v43 =	vadd.f32 v58, v43  }
0x417: {  	s19 =	sadd.s32 $0xFD80, s5;
	s17 =	sor.u32 s7, s17;
	v63 =	vld [tilespmem:s18+$0x0];
	v54 =	vmul.f32 v56, v40;
	v44 =	vadd.f32 v47, v44  }
0x418: {  	v49 =	vld [tilespmem:s17+$0x0];
	s20 =	sor.u32 s4, s19;
	v55 =	vmul.f32 v57, v18;
	v43 =	vadd.f32 v61, v43  }
0x419: {  	s15 =	sor.u32 s7, s21;
	s17 =	sor.u32 $0x10200, s5;
	v56 =	vld [tilespmem:s20+$0x0];
	v46 =	vmul.f32 v59, v39;
	v44 =	vadd.f32 v54, v44  }
0x41a: {  	s21 =	sor.u32 s4, s17;
	v57 =	vmul.f32 v60, v17;
	v58 =	vld [tilespmem:s15+$0x0];
	v43 =	vadd.f32 v55, v43  }
0x41b: {  	s18 =	sor.u32 $0x10280, s5;
	s16 =	sor.u32 s7, s19;
	v59 =	vld [tilespmem:s21+$0x0];
	v60 =	vmul.f32 v62, v38;
	v44 =	vadd.f32 v46, v44  }
0x41c: {  	s19 =	sor.u32 s4, s18;
	v62 =	vld [tilespmem:s16+$0x0];
	v61 =	vmul.f32 v63, v16;
	v43 =	vadd.f32 v57, v43  }
0x41d: {  	s17 =	sor.u32 s7, s17;
	s20 =	sor.u32 $0x10300, s5;
	v63 =	vld [tilespmem:s19+$0x0];
	v54 =	vmul.f32 v49, v37;
	v44 =	vadd.f32 v60, v44  }
0x41e: {  	s21 =	sor.u32 s4, s20;
	v49 =	vld [tilespmem:s17+$0x0];
	v55 =	vmul.f32 v56, v15;
	v43 =	vadd.f32 v61, v43  }
0x41f: {  	v50 =	vld [tilespmem:s21+$0x0];
	s15 =	sor.u32 s7, s18;
	s17 =	sor.u32 $0x10380, s5;
	v56 =	vmul.f32 v58, v36;
	v44 =	vadd.f32 v54, v44  }
0x420: {  	s18 =	sor.u32 s4, s17;
	v58 =	vld [tilespmem:s15+$0x0];
	v57 =	vmul.f32 v59, v14;
	v43 =	vadd.f32 v55, v43  }
0x421: {  	s16 =	sor.u32 s7, s20;
	s19 =	sadd.s32 $0x10400, s5;
	v59 =	vld [tilespmem:s18+$0x0];
	v60 =	vmul.f32 v62, v35;
	v44 =	vadd.f32 v56, v44  }
0x422: {  	s20 =	sor.u32 s4, s19;
	v62 =	vld [tilespmem:s16+$0x0];
	v61 =	vmul.f32 v63, v13;
	v43 =	vadd.f32 v57, v43  }
0x423: {  	s21 =	sadd.s32 $0x10480, s5;
	s17 =	sor.u32 s7, s17;
	v63 =	vld [tilespmem:s20+$0x0];
	v54 =	vmul.f32 v49, v34;
	v44 =	vadd.f32 v60, v44  }
0x424: {  	s18 =	sor.u32 s4, s21;
	v49 =	vld [tilespmem:s17+$0x0];
	v55 =	vmul.f32 v50, v12;
	v43 =	vadd.f32 v61, v43  }
0x425: {  	s15 =	sor.u32 s7, s19;
	s17 =	sadd.s32 $0x10500, s5;
	v50 =	vld [tilespmem:s18+$0x0];
	v56 =	vmul.f32 v58, v33;
	v44 =	vadd.f32 v54, v44  }
0x426: {  	s19 =	sor.u32 s4, s17;
	v58 =	vld [tilespmem:s15+$0x0];
	v57 =	vmul.f32 v59, v11;
	v43 =	vadd.f32 v55, v43  }
0x427: {  	s16 =	sor.u32 s7, s21;
	s20 =	sadd.s32 $0x10580, s5;
	v59 =	vld [tilespmem:s19+$0x0];
	v60 =	vmul.f32 v62, v32;
	v44 =	vadd.f32 v56, v44  }
0x428: {  	s21 =	sor.u32 s4, s20;
	v62 =	vld [tilespmem:s16+$0x0];
	v61 =	vmul.f32 v63, v10;
	v43 =	vadd.f32 v57, v43  }
0x429: {  	s17 =	sor.u32 s7, s17;
	s18 =	sor.u32 $0x10A00, s5;
	v63 =	vld [tilespmem:s21+$0x0];
	v54 =	vmul.f32 v49, v31;
	v44 =	vadd.f32 v60, v44  }
0x42a: {  	s19 =	sor.u32 s4, s18;
	v49 =	vld [tilespmem:s17+$0x0];
	v55 =	vmul.f32 v50, v9;
	v43 =	vadd.f32 v61, v43  }
0x42b: {  	s15 =	sor.u32 s7, s20;
	s17 =	sor.u32 $0x10A80, s5;
	v50 =	vld [tilespmem:s19+$0x0];
	v56 =	vmul.f32 v58, v30;
	v44 =	vadd.f32 v54, v44  }
0x42c: {  	s20 =	sor.u32 s4, s17;
	v58 =	vld [tilespmem:s15+$0x0];
	v57 =	vmul.f32 v59, v8;
	v43 =	vadd.f32 v55, v43  }
0x42d: {  	s16 =	sor.u32 s7, s18;
	s21 =	sor.u32 $0x10B00, s5;
	v59 =	vld [tilespmem:s20+$0x0];
	v60 =	vmul.f32 v62, v29;
	v44 =	vadd.f32 v56, v44  }
0x42e: {  	s18 =	sor.u32 s4, s21;
	v62 =	vld [tilespmem:s16+$0x0];
	v61 =	vmul.f32 v63, v7;
	v43 =	vadd.f32 v57, v43  }
0x42f: {  	s17 =	sor.u32 s7, s17;
	s19 =	sor.u32 $0x10B80, s5;
	v53 =	vmul.f32 v49, v27;
	v63 =	vld [tilespmem:s18+$0x0];
	v44 =	vadd.f32 v60, v44  }
0x430: {  	s20 =	sor.u32 s4, s19;
	v54 =	vmul.f32 v50, v6;
	v55 =	vld [tilespmem:s17+$0x0];
	v43 =	vadd.f32 v61, v43  }
0x431: {  	s15 =	sor.u32 s7, s21;
	v56 =	vld [tilespmem:s20+$0x0];
	v57 =	vmul.f32 v58, v25;
	v44 =	vadd.f32 v53, v44  }
0x432: {  	v58 =	vmul.f32 v59, v5;
	v59 =	vld [tilespmem:s15+$0x0];
	v43 =	vadd.f32 v54, v43  }
0x433: {  	s21 =	sor.u32 s7, s19;
	v60 =	vmul.f32 v62, v23;
	v44 =	vadd.f32 v57, v44  }
0x434: {  	v62 =	vld [tilespmem:s21+$0x0];
	v61 =	vmul.f32 v63, v4;
	v43 =	vadd.f32 v58, v43  }
0x435: {  	v63 =	vmul.f32 v55, v24;
	v44 =	vadd.f32 v60, v44  }
0x436: {  	v49 =	vmul.f32 v56, v3;
	v43 =	vadd.f32 v61, v43  }
0x437: {  	v50 =	vmul.f32 v59, v26;
	v44 =	vadd.f32 v63, v44  }
0x438: {  	v43 =	vadd.f32 v49, v43  }
0x439: {  	s16 =	sadd.s32 $0x10C00, s5;
	v51 =	vmul.f32 v62, v28;
	v44 =	vadd.f32 v50, v44  }
0x43a: {  	s18 =	sadd.s32 $0x10C80, s5;
	s17 =	sor.u32 s4, s16;
	[tilespmem:s14+$0x16C00] =	vst v43  }
0x43b: {  	s19 =	sor.u32 s4, s18;
	s20 =	sadd.s32 $0x10D00, s5;
	v44 =	vadd.f32 v51, v44;
	v43 =	vld [tilespmem:s17+$0x0]  }
0x43c: {  	s21 =	sor.u32 s4, s20;
	v52 =	vld [tilespmem:s19+$0x0]  }
0x43d: {  	s15 =	sor.u32 s7, s16;
	v53 =	vld [tilespmem:s21+$0x0];
	[tilespmem:s13+$0x16C00] =	vst v44  }
0x43e: {  	s18 =	sor.u32 s7, s18;
	s14 =	sadd.s32 $0x10D80, s5;
	v44 =	vld [tilespmem:s15+$0x0]  }
0x43f: {  	s19 =	sor.u32 s4, s14;
	v54 =	vld [tilespmem:s18+$0x0]  }
0x440: {  	s20 =	sor.u32 s7, s20;
	v55 =	vld [tilespmem:s19+$0x0];
	s15 =	sor.u32 $0x11200, s5  }
0x441: {  	v56 =	vld [tilespmem:s20+$0x0];
	s21 =	sor.u32 s4, s15;
	v43 =	vmul.f32 v43, v21;
	v45 =	vmul.f32 v52, v22  }
0x442: {  	s17 =	sor.u32 $0x11280, s5;
	s14 =	sor.u32 s7, s14;
	v57 =	vld [tilespmem:s21+$0x0]  }
0x443: {  	v59 =	vld [tilespmem:s14+$0x0];
	s18 =	sor.u32 s4, s17;
	v58 =	vmul.f32 v53, v20;
	v43 =	vadd.f32 v45, v43  }
0x444: {  	s19 =	sor.u32 $0x11300, s5;
	v60 =	vld [tilespmem:s18+$0x0];
	s15 =	sor.u32 s7, s15;
	v44 =	vmul.f32 v44, v41;
	v47 =	vmul.f32 v54, v42  }
0x445: {  	s20 =	sor.u32 s4, s19;
	v62 =	vld [tilespmem:s15+$0x0];
	v61 =	vmul.f32 v55, v19;
	v43 =	vadd.f32 v58, v43  }
0x446: {  	s16 =	sor.u32 s7, s17;
	v63 =	vld [tilespmem:s20+$0x0];
	s21 =	sor.u32 $0x11380, s5;
	v54 =	vmul.f32 v56, v40;
	v44 =	vadd.f32 v47, v44  }
0x447: {  	v49 =	vld [tilespmem:s16+$0x0];
	s17 =	sor.u32 s4, s21;
	v55 =	vmul.f32 v57, v18;
	v43 =	vadd.f32 v61, v43  }
0x448: {  	s14 =	sor.u32 s7, s19;
	s18 =	sadd.s32 $0x11400, s5;
	v56 =	vld [tilespmem:s17+$0x0];
	v46 =	vmul.f32 v59, v39;
	v44 =	vadd.f32 v54, v44  }
0x449: {  	s19 =	sor.u32 s4, s18;
	v57 =	vmul.f32 v60, v17;
	v58 =	vld [tilespmem:s14+$0x0];
	v43 =	vadd.f32 v55, v43  }
0x44a: {  	s20 =	sadd.s32 $0x11480, s5;
	s15 =	sor.u32 s7, s21;
	v59 =	vld [tilespmem:s19+$0x0];
	v60 =	vmul.f32 v62, v38;
	v44 =	vadd.f32 v46, v44  }
0x44b: {  	s21 =	sor.u32 s4, s20;
	v62 =	vld [tilespmem:s15+$0x0];
	v61 =	vmul.f32 v63, v16;
	v43 =	vadd.f32 v57, v43  }
0x44c: {  	s16 =	sor.u32 s7, s18;
	s17 =	sadd.s32 $0x11500, s5;
	v63 =	vld [tilespmem:s21+$0x0];
	v54 =	vmul.f32 v49, v37;
	v44 =	vadd.f32 v60, v44  }
0x44d: {  	s18 =	sor.u32 s4, s17;
	v49 =	vld [tilespmem:s16+$0x0];
	v55 =	vmul.f32 v56, v15;
	v43 =	vadd.f32 v61, v43  }
0x44e: {  	s19 =	sadd.s32 $0x11580, s5;
	v50 =	vld [tilespmem:s18+$0x0];
	s14 =	sor.u32 s7, s20;
	v56 =	vmul.f32 v58, v36;
	v44 =	vadd.f32 v54, v44  }
0x44f: {  	s20 =	sor.u32 s4, s19;
	v58 =	vld [tilespmem:s14+$0x0];
	v57 =	vmul.f32 v59, v14;
	v43 =	vadd.f32 v55, v43  }
0x450: {  	s15 =	sor.u32 s7, s17;
	s21 =	sor.u32 $0x11A00, s5;
	v59 =	vld [tilespmem:s20+$0x0];
	v60 =	vmul.f32 v62, v35;
	v44 =	vadd.f32 v56, v44  }
0x451: {  	s17 =	sor.u32 s4, s21;
	v62 =	vld [tilespmem:s15+$0x0];
	v61 =	vmul.f32 v63, v13;
	v43 =	vadd.f32 v57, v43  }
0x452: {  	s18 =	sor.u32 $0x11A80, s5;
	s16 =	sor.u32 s7, s19;
	v63 =	vld [tilespmem:s17+$0x0];
	v54 =	vmul.f32 v49, v34;
	v44 =	vadd.f32 v60, v44  }
0x453: {  	s19 =	sor.u32 s4, s18;
	v49 =	vld [tilespmem:s16+$0x0];
	v55 =	vmul.f32 v50, v12;
	v43 =	vadd.f32 v61, v43  }
0x454: {  	s14 =	sor.u32 s7, s21;
	s20 =	sor.u32 $0x11B00, s5;
	v50 =	vld [tilespmem:s19+$0x0];
	v56 =	vmul.f32 v58, v33;
	v44 =	vadd.f32 v54, v44  }
0x455: {  	s21 =	sor.u32 s4, s20;
	v58 =	vld [tilespmem:s14+$0x0];
	v57 =	vmul.f32 v59, v11;
	v43 =	vadd.f32 v55, v43  }
0x456: {  	s15 =	sor.u32 s7, s18;
	s17 =	sor.u32 $0x11B80, s5;
	v59 =	vld [tilespmem:s21+$0x0];
	v60 =	vmul.f32 v62, v32;
	v44 =	vadd.f32 v56, v44  }
0x457: {  	s18 =	sor.u32 s4, s17;
	v62 =	vld [tilespmem:s15+$0x0];
	v61 =	vmul.f32 v63, v10;
	v43 =	vadd.f32 v57, v43  }
0x458: {  	s16 =	sor.u32 s7, s20;
	s19 =	sadd.s32 $0x11C00, s5;
	v63 =	vld [tilespmem:s18+$0x0];
	v54 =	vmul.f32 v49, v31;
	v44 =	vadd.f32 v60, v44  }
0x459: {  	s20 =	sor.u32 s4, s19;
	v49 =	vld [tilespmem:s16+$0x0];
	v55 =	vmul.f32 v50, v9;
	v43 =	vadd.f32 v61, v43  }
0x45a: {  	s14 =	sor.u32 s7, s17;
	s21 =	sadd.s32 $0x11C80, s5;
	v50 =	vld [tilespmem:s20+$0x0];
	v56 =	vmul.f32 v58, v30;
	v44 =	vadd.f32 v54, v44  }
0x45b: {  	s17 =	sor.u32 s4, s21;
	v58 =	vld [tilespmem:s14+$0x0];
	v57 =	vmul.f32 v59, v8;
	v43 =	vadd.f32 v55, v43  }
0x45c: {  	s15 =	sor.u32 s7, s19;
	s18 =	sadd.s32 $0x11D00, s5;
	v59 =	vld [tilespmem:s17+$0x0];
	v60 =	vmul.f32 v62, v29;
	v44 =	vadd.f32 v56, v44  }
0x45d: {  	s19 =	sor.u32 s4, s18;
	v62 =	vld [tilespmem:s15+$0x0];
	v61 =	vmul.f32 v63, v7;
	v43 =	vadd.f32 v57, v43  }
0x45e: {  	s16 =	sor.u32 s7, s21;
	s20 =	sadd.s32 $0x11D80, s5;
	v53 =	vmul.f32 v49, v27;
	v63 =	vld [tilespmem:s19+$0x0];
	v44 =	vadd.f32 v60, v44  }
0x45f: {  	s21 =	sor.u32 s4, s20;
	v54 =	vmul.f32 v50, v6;
	v55 =	vld [tilespmem:s16+$0x0];
	v43 =	vadd.f32 v61, v43  }
0x460: {  	s14 =	sor.u32 s7, s18;
	v56 =	vld [tilespmem:s21+$0x0];
	v57 =	vmul.f32 v58, v25;
	v44 =	vadd.f32 v53, v44  }
0x461: {  	v58 =	vmul.f32 v59, v5;
	v59 =	vld [tilespmem:s14+$0x0];
	v43 =	vadd.f32 v54, v43  }
0x462: {  	s16 =	sor.u32 s7, s20;
	v60 =	vmul.f32 v62, v23;
	v44 =	vadd.f32 v57, v44  }
0x463: {  	v62 =	vld [tilespmem:s16+$0x0];
	v61 =	vmul.f32 v63, v4;
	v43 =	vadd.f32 v58, v43  }
0x464: {  	v63 =	vmul.f32 v55, v24;
	v44 =	vadd.f32 v60, v44  }
0x465: {  	v49 =	vmul.f32 v56, v3;
	v43 =	vadd.f32 v61, v43  }
0x466: {  	v50 =	vmul.f32 v59, v26;
	v44 =	vadd.f32 v63, v44  }
0x467: {  	v43 =	vadd.f32 v49, v43  }
0x468: {  	s17 =	sor.u32 $0x12200, s5;
	v51 =	vmul.f32 v62, v28;
	v44 =	vadd.f32 v50, v44  }
0x469: {  	s18 =	sor.u32 s4, s17;
	s19 =	sor.u32 $0x12280, s5;
	[tilespmem:s12+$0x16A00] =	vst v43  }
0x46a: {  	s20 =	sor.u32 s4, s19;
	s16 =	sor.u32 $0x12300, s5;
	v44 =	vadd.f32 v51, v44;
	v43 =	vld [tilespmem:s18+$0x0]  }
0x46b: {  	s21 =	sor.u32 s4, s16;
	v52 =	vld [tilespmem:s20+$0x0]  }
0x46c: {  	s14 =	sor.u32 s7, s17;
	v53 =	vld [tilespmem:s21+$0x0];
	[tilespmem:s13+$0x16C80] =	vst v44  }
0x46d: {  	s17 =	sor.u32 $0x12380, s5;
	s18 =	sor.u32 s7, s19;
	v44 =	vld [tilespmem:s14+$0x0]  }
0x46e: {  	s19 =	sor.u32 s4, s17;
	v54 =	vld [tilespmem:s18+$0x0]  }
0x46f: {  	s20 =	sadd.s32 $0x12400, s5;
	s21 =	sor.u32 s7, s16;
	v55 =	vld [tilespmem:s19+$0x0]  }
0x470: {  	s15 =	sor.u32 s4, s20;
	v56 =	vld [tilespmem:s21+$0x0]  }
0x471: {  	s12 =	sor.u32 s7, s17;
	s16 =	sadd.s32 $0x12480, s5;
	v57 =	vld [tilespmem:s15+$0x0];
	v43 =	vmul.f32 v43, v21;
	v45 =	vmul.f32 v52, v22  }
0x472: {  	s17 =	sor.u32 s4, s16;
	v59 =	vld [tilespmem:s12+$0x0];
	v58 =	vmul.f32 v53, v20  }
0x473: {  	s13 =	sor.u32 s7, s20;
	v60 =	vld [tilespmem:s17+$0x0];
	s18 =	sadd.s32 $0x12500, s5;
	v43 =	vadd.f32 v45, v43;
	v44 =	vmul.f32 v44, v41;
	v47 =	vmul.f32 v54, v42  }
0x474: {  	v62 =	vld [tilespmem:s13+$0x0];
	s19 =	sor.u32 s4, s18;
	v61 =	vmul.f32 v55, v19  }
0x475: {  	s20 =	sadd.s32 $0x12580, s5;
	s14 =	sor.u32 s7, s16;
	v63 =	vld [tilespmem:s19+$0x0];
	v54 =	vmul.f32 v56, v40;
	v43 =	vadd.f32 v58, v43;
	v44 =	vadd.f32 v47, v44  }
0x476: {  	s21 =	sor.u32 s4, s20;
	v49 =	vld [tilespmem:s14+$0x0];
	v55 =	vmul.f32 v57, v18  }
0x477: {  	s15 =	sor.u32 $0x12A00, s5;
	s12 =	sor.u32 s7, s18;
	v56 =	vld [tilespmem:s21+$0x0];
	v46 =	vmul.f32 v59, v39;
	v43 =	vadd.f32 v61, v43;
	v44 =	vadd.f32 v54, v44  }
0x478: {  	s16 =	sor.u32 s4, s15;
	v57 =	vmul.f32 v60, v17;
	v58 =	vld [tilespmem:s12+$0x0]  }
0x479: {  	s17 =	sor.u32 $0x12A80, s5;
	s13 =	sor.u32 s7, s20;
	v59 =	vld [tilespmem:s16+$0x0];
	v60 =	vmul.f32 v62, v38;
	v43 =	vadd.f32 v55, v43;
	v44 =	vadd.f32 v46, v44  }
0x47a: {  	s18 =	sor.u32 s4, s17;
	v62 =	vld [tilespmem:s13+$0x0];
	v61 =	vmul.f32 v63, v16  }
0x47b: {  	s14 =	sor.u32 s7, s15;
	s19 =	sor.u32 $0x12B00, s5;
	v63 =	vld [tilespmem:s18+$0x0];
	v54 =	vmul.f32 v49, v37;
	v43 =	vadd.f32 v57, v43;
	v44 =	vadd.f32 v60, v44  }
0x47c: {  	s20 =	sor.u32 s4, s19;
	v49 =	vld [tilespmem:s14+$0x0];
	v55 =	vmul.f32 v56, v15  }
0x47d: {  	v50 =	vld [tilespmem:s20+$0x0];
	s21 =	sor.u32 $0x12B80, s5;
	s12 =	sor.u32 s7, s17;
	v56 =	vmul.f32 v58, v36;
	v43 =	vadd.f32 v61, v43;
	v44 =	vadd.f32 v54, v44  }
0x47e: {  	s15 =	sor.u32 s4, s21;
	v58 =	vld [tilespmem:s12+$0x0];
	v57 =	vmul.f32 v59, v14  }
0x47f: {  	s16 =	sadd.s32 $0x12C00, s5;
	s13 =	sor.u32 s7, s19;
	v59 =	vld [tilespmem:s15+$0x0];
	v60 =	vmul.f32 v62, v35;
	v43 =	vadd.f32 v55, v43;
	v44 =	vadd.f32 v56, v44  }
0x480: {  	s17 =	sor.u32 s4, s16;
	v62 =	vld [tilespmem:s13+$0x0];
	v61 =	vmul.f32 v63, v13  }
0x481: {  	s18 =	sadd.s32 $0x12C80, s5;
	s14 =	sor.u32 s7, s21;
	v63 =	vld [tilespmem:s17+$0x0];
	v54 =	vmul.f32 v49, v34;
	v43 =	vadd.f32 v57, v43;
	v44 =	vadd.f32 v60, v44  }
0x482: {  	s19 =	sor.u32 s4, s18;
	v49 =	vld [tilespmem:s14+$0x0];
	v55 =	vmul.f32 v50, v12  }
0x483: {  	s20 =	sadd.s32 $0x12D00, s5;
	s12 =	sor.u32 s7, s16;
	v50 =	vld [tilespmem:s19+$0x0];
	v56 =	vmul.f32 v58, v33;
	v43 =	vadd.f32 v61, v43;
	v44 =	vadd.f32 v54, v44  }
0x484: {  	s21 =	sor.u32 s4, s20;
	v58 =	vld [tilespmem:s12+$0x0];
	v57 =	vmul.f32 v59, v11  }
0x485: {  	s15 =	sadd.s32 $0x12D80, s5;
	s13 =	sor.u32 s7, s18;
	v59 =	vld [tilespmem:s21+$0x0];
	v60 =	vmul.f32 v62, v32;
	v43 =	vadd.f32 v55, v43;
	v44 =	vadd.f32 v56, v44  }
0x486: {  	s16 =	sor.u32 s4, s15;
	v62 =	vld [tilespmem:s13+$0x0];
	v61 =	vmul.f32 v63, v10  }
0x487: {  	s17 =	sor.u32 $0x13200, s5;
	s14 =	sor.u32 s7, s20;
	v63 =	vld [tilespmem:s16+$0x0];
	v54 =	vmul.f32 v49, v31;
	v43 =	vadd.f32 v57, v43;
	v44 =	vadd.f32 v60, v44  }
0x488: {  	s18 =	sor.u32 s4, s17;
	v49 =	vld [tilespmem:s14+$0x0];
	v55 =	vmul.f32 v50, v9  }
0x489: {  	s12 =	sor.u32 s7, s15;
	v56 =	vld [tilespmem:s18+$0x0];
	v57 =	vmul.f32 v58, v30;
	v43 =	vadd.f32 v61, v43;
	v44 =	vadd.f32 v54, v44  }
0x48a: {  	s19 =	sor.u32 $0x13280, s5;
	s13 =	sor.u32 s7, s17;
	v58 =	vmul.f32 v59, v8;
	v59 =	vld [tilespmem:s12+$0x0]  }
0x48b: {  	s20 =	sor.u32 s4, s19;
	s21 =	sor.u32 $0x13300, s5;
	v60 =	vmul.f32 v62, v29;
	v62 =	vld [tilespmem:s13+$0x0];
	v43 =	vadd.f32 v55, v43;
	v44 =	vadd.f32 v57, v44  }
0x48c: {  	v51 =	vld [tilespmem:s20+$0x0];
	s15 =	sor.u32 s4, s21;
	v61 =	vmul.f32 v63, v7  }
0x48d: {  	s16 =	sor.u32 $0x13380, s5;
	s14 =	sor.u32 s7, s19;
	v63 =	vld [tilespmem:s15+$0x0];
	v55 =	vmul.f32 v49, v27;
	v43 =	vadd.f32 v58, v43;
	v44 =	vadd.f32 v60, v44  }
0x48e: {  	s17 =	sor.u32 s4, s16;
	v56 =	vmul.f32 v56, v6;
	v57 =	vld [tilespmem:s14+$0x0]  }
0x48f: {  	s12 =	sor.u32 s7, s21;
	v59 =	vmul.f32 v59, v25;
	v58 =	vld [tilespmem:s17+$0x0];
	v43 =	vadd.f32 v61, v43;
	v44 =	vadd.f32 v55, v44  }
0x490: {  	v62 =	vmul.f32 v62, v23;
	v61 =	vld [tilespmem:s12+$0x0]  }
0x491: {  	s18 =	sor.u32 s7, s16;
	v60 =	vmul.f32 v51, v5;
	v43 =	vadd.f32 v56, v43;
	v44 =	vadd.f32 v59, v44  }
0x492: {  	v52 =	vld [tilespmem:s18+$0x0];
	v63 =	vmul.f32 v63, v4  }
0x493: {  	v53 =	vmul.f32 v57, v24;
	v43 =	vadd.f32 v60, v43;
	v44 =	vadd.f32 v62, v44  }
0x494: {  	v54 =	vmul.f32 v58, v3  }
0x495: {  	v55 =	vmul.f32 v61, v26;
	v43 =	vadd.f32 v63, v43;
	v44 =	vadd.f32 v53, v44;
	_ =	sdelay $0x1  }
0x496: {  	v56 =	vmul.f32 v52, v28;
	v43 =	vadd.f32 v54, v43;
	v44 =	vadd.f32 v55, v44  }
0x497: {  	s19 =	sadd.s32 $0x13400, s5  }
0x498: {  	s20 =	sor.u32 s4, s19;
	s21 =	sadd.s32 $0x13480, s5;
	[tilespmem:s10+$0x16A00] =	vst v43;
	v57 =	vadd.f32 v56, v44  }
0x499: {  	s14 =	sor.u32 s4, s21;
	v58 =	vld [tilespmem:s20+$0x0]  }
0x49a: {  	s15 =	sor.u32 s7, s19;
	v59 =	vld [tilespmem:s14+$0x0];
	[tilespmem:s11+$0x16A00] =	vst v57  }
0x49b: {  	s16 =	sadd.s32 $0x13500, s5;
	s17 =	sor.u32 s7, s21;
	v43 =	vld [tilespmem:s15+$0x0]  }
0x49c: {  	s18 =	sor.u32 s4, s16;
	v60 =	vld [tilespmem:s17+$0x0]  }
0x49d: {  	s19 =	sadd.s32 $0x13580, s5;
	s10 =	sor.u32 s7, s16;
	v61 =	vld [tilespmem:s18+$0x0]  }
0x49e: {  	s20 =	sor.u32 s4, s19;
	v62 =	vld [tilespmem:s10+$0x0]  }
0x49f: {  	s21 =	sor.u32 $0x13A00, s5;
	v63 =	vld [tilespmem:s20+$0x0];
	s11 =	sor.u32 s7, s19  }
0x4a0: {  	s12 =	sor.u32 s4, s21;
	v52 =	vld [tilespmem:s11+$0x0];
	v21 =	vmul.f32 v58, v21;
	v22 =	vmul.f32 v59, v22  }
0x4a1: {  	s13 =	sor.u32 $0x13A80, s5;
	v53 =	vld [tilespmem:s12+$0x0];
	s10 =	sor.u32 s7, s21;
	v41 =	vmul.f32 v43, v41;
	v42 =	vmul.f32 v60, v42  }
0x4a2: {  	s14 =	sor.u32 s4, s13;
	v54 =	vld [tilespmem:s10+$0x0];
	v20 =	vmul.f32 v61, v20;
	v21 =	vadd.f32 v22, v21  }
0x4a3: {  	v55 =	vld [tilespmem:s14+$0x0];
	s15 =	sor.u32 $0x13B00, s5;
	s11 =	sor.u32 s7, s13;
	v40 =	vmul.f32 v62, v40;
	v41 =	vadd.f32 v42, v41  }
0x4a4: {  	v56 =	vld [tilespmem:s11+$0x0];
	s16 =	sor.u32 s4, s15;
	v19 =	vmul.f32 v63, v19;
	v20 =	vadd.f32 v20, v21  }
0x4a5: {  	s17 =	sor.u32 $0x13B80, s5;
	s10 =	sor.u32 s7, s15;
	v57 =	vld [tilespmem:s16+$0x0];
	v39 =	vmul.f32 v52, v39;
	v40 =	vadd.f32 v40, v41  }
0x4a6: {  	s18 =	sor.u32 s4, s17;
	v18 =	vmul.f32 v53, v18;
	v58 =	vld [tilespmem:s10+$0x0];
	v19 =	vadd.f32 v19, v20  }
0x4a7: {  	s19 =	sadd.s32 $0x13C00, s5;
	s11 =	sor.u32 s7, s17;
	v59 =	vld [tilespmem:s18+$0x0];
	v22 =	vmul.f32 v54, v38;
	v39 =	vadd.f32 v39, v40  }
0x4a8: {  	s20 =	sor.u32 s4, s19;
	v17 =	vmul.f32 v55, v17;
	v60 =	vld [tilespmem:s11+$0x0];
	v18 =	vadd.f32 v18, v19  }
0x4a9: {  	s21 =	sadd.s32 $0x13C80, s5;
	v61 =	vld [tilespmem:s20+$0x0];
	s10 =	sor.u32 s7, s19;
	v21 =	vmul.f32 v56, v37;
	v22 =	vadd.f32 v22, v39  }
0x4aa: {  	s12 =	sor.u32 s4, s21;
	v62 =	vld [tilespmem:s10+$0x0];
	v16 =	vmul.f32 v57, v16;
	v17 =	vadd.f32 v17, v18  }
0x4ab: {  	s13 =	sadd.s32 $0x13D00, s5;
	v63 =	vld [tilespmem:s12+$0x0];
	s11 =	sor.u32 s7, s21;
	v20 =	vmul.f32 v58, v36;
	v21 =	vadd.f32 v21, v22  }
0x4ac: {  	s14 =	sor.u32 s4, s13;
	v15 =	vmul.f32 v59, v15;
	v36 =	vld [tilespmem:s11+$0x0];
	v16 =	vadd.f32 v16, v17  }
0x4ad: {  	s15 =	sadd.s32 $0x13D80, s5;
	s10 =	sor.u32 s7, s13;
	v38 =	vld [tilespmem:s14+$0x0];
	v19 =	vmul.f32 v60, v35;
	v20 =	vadd.f32 v20, v21  }
0x4ae: {  	s16 =	sor.u32 s4, s15;
	v14 =	vmul.f32 v61, v14;
	v39 =	vld [tilespmem:s10+$0x0];
	v15 =	vadd.f32 v15, v16  }
0x4af: {  	s17 =	sor.u32 $0x14200, s5;
	s11 =	sor.u32 s7, s15;
	v40 =	vld [tilespmem:s16+$0x0];
	v18 =	vmul.f32 v62, v34;
	v19 =	vadd.f32 v19, v20  }
0x4b0: {  	s18 =	sor.u32 s4, s17;
	v13 =	vmul.f32 v63, v13;
	v41 =	vld [tilespmem:s11+$0x0];
	v14 =	vadd.f32 v14, v15  }
0x4b1: {  	s19 =	sor.u32 $0x14280, s5;
	v42 =	vld [tilespmem:s18+$0x0];
	s10 =	sor.u32 s7, s17;
	v17 =	vmul.f32 v36, v33;
	v18 =	vadd.f32 v18, v19  }
0x4b2: {  	s20 =	sor.u32 s4, s19;
	v12 =	vmul.f32 v38, v12;
	v43 =	vld [tilespmem:s10+$0x0];
	v13 =	vadd.f32 v13, v14  }
0x4b3: {  	v44 =	vld [tilespmem:s20+$0x0];
	s21 =	sor.u32 $0x14300, s5;
	s11 =	sor.u32 s7, s19;
	v16 =	vmul.f32 v39, v32;
	v17 =	vadd.f32 v17, v18  }
0x4b4: {  	s12 =	sor.u32 s4, s21;
	v45 =	vld [tilespmem:s11+$0x0];
	v11 =	vmul.f32 v40, v11;
	v12 =	vadd.f32 v12, v13  }
0x4b5: {  	s13 =	sor.u32 $0x14380, s5;
	v46 =	vld [tilespmem:s12+$0x0];
	s10 =	sor.u32 s7, s21;
	v15 =	vmul.f32 v41, v31;
	v16 =	vadd.f32 v16, v17  }
0x4b6: {  	s14 =	sor.u32 s4, s13;
	v10 =	vmul.f32 v42, v10;
	v47 =	vld [tilespmem:s10+$0x0];
	v11 =	vadd.f32 v11, v12  }
0x4b7: {  	v48 =	vld [tilespmem:s14+$0x0];
	s15 =	sadd.s32 $0x14400, s5;
	s11 =	sor.u32 s7, s13;
	v14 =	vmul.f32 v43, v30;
	v15 =	vadd.f32 v15, v16  }
0x4b8: {  	v9 =	vmul.f32 v44, v9;
	s16 =	sor.u32 s4, s15;
	v49 =	vld [tilespmem:s11+$0x0];
	v10 =	vadd.f32 v10, v11  }
0x4b9: {  	v50 =	vld [tilespmem:s16+$0x0];
	s17 =	sadd.s32 $0x14480, s5;
	s10 =	sor.u32 s7, s15;
	v13 =	vmul.f32 v45, v29;
	v14 =	vadd.f32 v14, v15  }
0x4ba: {  	v8 =	vmul.f32 v46, v8;
	s18 =	sor.u32 s4, s17;
	v51 =	vld [tilespmem:s10+$0x0];
	v9 =	vadd.f32 v9, v10  }
0x4bb: {  	s19 =	sadd.s32 $0x14500, s5;
	s11 =	sor.u32 s7, s17;
	v52 =	vld [tilespmem:s18+$0x0];
	v12 =	vmul.f32 v47, v27;
	v13 =	vadd.f32 v13, v14  }
0x4bc: {  	s20 =	sor.u32 s4, s19;
	v7 =	vmul.f32 v48, v7;
	v53 =	vld [tilespmem:s11+$0x0];
	v8 =	vadd.f32 v8, v9  }
0x4bd: {  	v54 =	vld [tilespmem:s20+$0x0];
	s5 =	sadd.s32 $0x14580, s5;
	s10 =	sor.u32 s7, s19;
	v11 =	vmul.f32 v49, v25;
	v12 =	vadd.f32 v12, v13  }
0x4be: {  	s4 =	sor.u32 s4, s5;
	v55 =	vld [tilespmem:s10+$0x0];
	v6 =	vmul.f32 v50, v6;
	v7 =	vadd.f32 v7, v8  }
0x4bf: {  	s21 =	sor.u32 s7, s5;
	v56 =	vld [tilespmem:s4+$0x0];
	v10 =	vmul.f32 v51, v23;
	v11 =	vadd.f32 v11, v12  }
0x4c0: {  	v57 =	vld [tilespmem:s21+$0x0];
	v5 =	vmul.f32 v52, v5;
	v6 =	vadd.f32 v6, v7  }
0x4c1: {  	v9 =	vmul.f32 v53, v24;
	v58 =	vadd.f32 v10, v11  }
0x4c2: {  	v4 =	vmul.f32 v54, v4;
	v5 =	vadd.f32 v5, v6  }
0x4c3: {  	s29 =	sadd.s32 $0x2, s29;
	v60 =	vmul.f32 v55, v26;
	v59 =	vadd.f32 v9, v58  }
0x4c4: {  	p0 =	slt.u32 s29, $0xE;
	v3 =	vmul.f32 v56, v3;
	v4 =	vadd.f32 v4, v5  }
.Ltmp4:
0x4c5: {  	v62 =	vmul.f32 v57, v28;
	v61 =	vadd.f32 v60, v59;
	(pc) =	sbr.rel @p0 .LBB2_7-.Ltmp4, $4  }
0x4c6: {  	v3 =	vadd.f32 v3, v4  }
0x4c7: {  	v63 =	vadd.f32 v62, v61  }
0x4c8: {  	s1 =	sadd.s32 $0x1, s1;
	[tilespmem:s8+$0x16A00] =	vst v3  }
0x4c9: {  	s30 =	sadd.s32 $0x20, s30;
	s0 =	sadd.s32 $0x100, s0;
	s31 =	sadd.s32 $0x120, s31;
	[tilespmem:s9+$0x16A00] =	vst v63  }
.Ltmp5:
0x4ca: {  	(pc) =	sbr.rel @p1 .LBB2_10-.Ltmp5, $3  }
0x4cb: {  	_ =	sdelay $0x1  }
0x4cc: {  	s0 =	sadd.s32 $0x100, s28  }
0x4cd: {  	[hbm4b:s0+s3] =	stream.linear.scatter [tilespmem:s25], [sflag:$0x4], $0x800, $0x38;
	[tilespmem:$0x17200] =	vst v63  }
0x4ce: {  	s0 =	smul.u32 $0x500, s26;
	_ =	sdelay $0x1  }
0x4cf: {  	s0 =	sshra.s32 s0, $0x2  }
0x4d0: {  	v3 =	vld [tilespmem:s0+$0x1E0];
	_ =	sdelay $0x4  }
0x4d1: {  	v4 =	vshll.u32 v3, $0x1  }
0x4d2: {  	v3 =	vand.u32 $0x7, v3;
	v4 =	vand.u32 $0xFFFFFFF0, v4  }
0x4d3: {  	v3 =	vor.u32 v3, v4  }
0x4d4: {  	v4 =	vperm.xlane v3, v0;
	_ =	sdelay $0x1  }
0x4d5: {  	v3 =	vperm.xlane v3, v2;
	v4 =	vadd.s32 v1, v4;
	_ =	sdelay $0x1  }
0x4d6: {  	v3 =	vadd.s32 v1, v3;
	_ =	sdelay $0x1  }
0x4d7: {  	s1 =	simm.s32 $0xAA00  }
0x4d8: {  	[tilespmem:s1], [sflag:$0x2] =	stream.indirect_vreg.gather [hbm4b:s2+s3], $0x80, v4, vm0, $0xb8;
	[tilespmem:$0x17200] =	vst v63  }
0x4d9: {  	s7 =	simm.s32 $0xB200  }
0x4da: {  	[tilespmem:s7], [sflag:$0x2] =	stream.indirect_vreg.gather [hbm4b:s2+s3], $0x80, v3, vm0, $0xb8;
	[tilespmem:$0x17200] =	vst v63  }
0x4db: {  	v3 =	vld [tilespmem:s0+$0x1F0];
	_ =	sdelay $0x4  }
0x4dc: {  	v55 =	vshll.u32 v3, $0x1  }
0x4dd: {  	v3 =	vand.u32 $0x7, v3;
	v4 =	vand.u32 $0xFFFFFFF0, v55  }
0x4de: {  	v3 =	vor.u32 v3, v4  }
0x4df: {  	v4 =	vperm.xlane v3, v0;
	_ =	sdelay $0x1  }
0x4e0: {  	v3 =	vperm.xlane v3, v2;
	v4 =	vadd.s32 v1, v4;
	_ =	sdelay $0x1  }
0x4e1: {  	v3 =	vadd.s32 v1, v3;
	_ =	sdelay $0x1  }
0x4e2: {  	s8 =	simm.s32 $0xBA00  }
0x4e3: {  	[tilespmem:s8], [sflag:$0x2] =	stream.indirect_vreg.gather [hbm4b:s2+s3], $0x80, v4, vm0, $0xb8;
	[tilespmem:$0x17200] =	vst v63  }
0x4e4: {  	s9 =	simm.s32 $0xC200  }
0x4e5: {  	[tilespmem:s9], [sflag:$0x2] =	stream.indirect_vreg.gather [hbm4b:s2+s3], $0x80, v3, vm0, $0xb8;
	[tilespmem:$0x17200] =	vst v63  }
0x4e6: {  	v3 =	vld [tilespmem:s0+$0x200];
	_ =	sdelay $0x4  }
0x4e7: {  	v56 =	vshll.u32 v3, $0x1  }
0x4e8: {  	v3 =	vand.u32 $0x7, v3;
	v4 =	vand.u32 $0xFFFFFFF0, v56  }
0x4e9: {  	v3 =	vor.u32 v3, v4  }
0x4ea: {  	v4 =	vperm.xlane v3, v0;
	_ =	sdelay $0x1  }
0x4eb: {  	v3 =	vperm.xlane v3, v2;
	v4 =	vadd.s32 v1, v4;
	_ =	sdelay $0x1  }
0x4ec: {  	v3 =	vadd.s32 v1, v3;
	_ =	sdelay $0x1  }
0x4ed: {  	s10 =	simm.s32 $0xCA00  }
0x4ee: {  	[tilespmem:s10], [sflag:$0x2] =	stream.indirect_vreg.gather [hbm4b:s2+s3], $0x80, v4, vm0, $0xb8;
	[tilespmem:$0x17200] =	vst v63  }
0x4ef: {  	s11 =	simm.s32 $0xD200  }
0x4f0: {  	[tilespmem:s11], [sflag:$0x2] =	stream.indirect_vreg.gather [hbm4b:s2+s3], $0x80, v3, vm0, $0xb8;
	[tilespmem:$0x17200] =	vst v63  }
0x4f1: {  	v3 =	vld [tilespmem:s0+$0x210];
	_ =	sdelay $0x4  }
0x4f2: {  	v57 =	vshll.u32 v3, $0x1  }
0x4f3: {  	v3 =	vand.u32 $0x7, v3;
	v4 =	vand.u32 $0xFFFFFFF0, v57  }
0x4f4: {  	v3 =	vor.u32 v3, v4  }
0x4f5: {  	v4 =	vperm.xlane v3, v0;
	_ =	sdelay $0x1  }
0x4f6: {  	v3 =	vperm.xlane v3, v2;
	v4 =	vadd.s32 v1, v4;
	_ =	sdelay $0x1  }
0x4f7: {  	v3 =	vadd.s32 v1, v3;
	_ =	sdelay $0x1  }
0x4f8: {  	s12 =	simm.s32 $0xDA00  }
0x4f9: {  	[tilespmem:s12], [sflag:$0x2] =	stream.indirect_vreg.gather [hbm4b:s2+s3], $0x80, v4, vm0, $0xb8;
	[tilespmem:$0x17200] =	vst v63  }
0x4fa: {  	s13 =	simm.s32 $0xE200  }
0x4fb: {  	[tilespmem:s13], [sflag:$0x2] =	stream.indirect_vreg.gather [hbm4b:s2+s3], $0x80, v3, vm0, $0xb8;
	[tilespmem:$0x17200] =	vst v63  }
0x4fc: {  	v3 =	vld [tilespmem:s0+$0x220];
	_ =	sdelay $0x4  }
0x4fd: {  	v58 =	vshll.u32 v3, $0x1  }
0x4fe: {  	v3 =	vand.u32 $0x7, v3;
	v4 =	vand.u32 $0xFFFFFFF0, v58  }
0x4ff: {  	v3 =	vor.u32 v3, v4  }
0x500: {  	v4 =	vperm.xlane v3, v0;
	_ =	sdelay $0x1  }
0x501: {  	v3 =	vperm.xlane v3, v2;
	v4 =	vadd.s32 v1, v4;
	_ =	sdelay $0x1  }
0x502: {  	v3 =	vadd.s32 v1, v3;
	_ =	sdelay $0x1  }
0x503: {  	s14 =	simm.s32 $0xEA00  }
0x504: {  	[tilespmem:s14], [sflag:$0x2] =	stream.indirect_vreg.gather [hbm4b:s2+s3], $0x80, v4, vm0, $0xb8;
	[tilespmem:$0x17200] =	vst v63  }
0x505: {  	s15 =	simm.s32 $0xF200  }
0x506: {  	[tilespmem:s15], [sflag:$0x2] =	stream.indirect_vreg.gather [hbm4b:s2+s3], $0x80, v3, vm0, $0xb8;
	[tilespmem:$0x17200] =	vst v63  }
0x507: {  	v3 =	vld [tilespmem:s0+$0x230];
	_ =	sdelay $0x4  }
0x508: {  	v59 =	vshll.u32 v3, $0x1  }
0x509: {  	v3 =	vand.u32 $0x7, v3;
	v4 =	vand.u32 $0xFFFFFFF0, v59  }
0x50a: {  	v3 =	vor.u32 v3, v4  }
0x50b: {  	v4 =	vperm.xlane v3, v0;
	_ =	sdelay $0x1  }
0x50c: {  	v3 =	vperm.xlane v3, v2;
	v4 =	vadd.s32 v1, v4;
	_ =	sdelay $0x1  }
0x50d: {  	v3 =	vadd.s32 v1, v3;
	_ =	sdelay $0x1  }
0x50e: {  	s16 =	simm.s32 $0xFA00  }
0x50f: {  	[tilespmem:s16], [sflag:$0x2] =	stream.indirect_vreg.gather [hbm4b:s2+s3], $0x80, v4, vm0, $0xb8;
	[tilespmem:$0x17200] =	vst v63  }
0x510: {  	s17 =	simm.s32 $0x10200  }
0x511: {  	[tilespmem:s17], [sflag:$0x2] =	stream.indirect_vreg.gather [hbm4b:s2+s3], $0x80, v3, vm0, $0xb8;
	[tilespmem:$0x17200] =	vst v63  }
0x512: {  	v3 =	vld [tilespmem:s0+$0x240];
	_ =	sdelay $0x4  }
0x513: {  	v60 =	vshll.u32 v3, $0x1  }
0x514: {  	v3 =	vand.u32 $0x7, v3;
	v4 =	vand.u32 $0xFFFFFFF0, v60  }
0x515: {  	v3 =	vor.u32 v3, v4  }
0x516: {  	v4 =	vperm.xlane v3, v0;
	_ =	sdelay $0x1  }
0x517: {  	v3 =	vperm.xlane v3, v2;
	v4 =	vadd.s32 v1, v4;
	_ =	sdelay $0x1  }
0x518: {  	v3 =	vadd.s32 v1, v3;
	_ =	sdelay $0x1  }
0x519: {  	s18 =	simm.s32 $0x10A00  }
0x51a: {  	[tilespmem:s18], [sflag:$0x2] =	stream.indirect_vreg.gather [hbm4b:s2+s3], $0x80, v4, vm0, $0xb8;
	[tilespmem:$0x17200] =	vst v63  }
0x51b: {  	s19 =	simm.s32 $0x11200  }
0x51c: {  	[tilespmem:s19], [sflag:$0x2] =	stream.indirect_vreg.gather [hbm4b:s2+s3], $0x80, v3, vm0, $0xb8;
	[tilespmem:$0x17200] =	vst v63  }
0x51d: {  	v3 =	vld [tilespmem:s0+$0x250];
	_ =	sdelay $0x4  }
0x51e: {  	v61 =	vshll.u32 v3, $0x1  }
0x51f: {  	v3 =	vand.u32 $0x7, v3;
	v4 =	vand.u32 $0xFFFFFFF0, v61  }
0x520: {  	v3 =	vor.u32 v3, v4  }
0x521: {  	v4 =	vperm.xlane v3, v0;
	_ =	sdelay $0x1  }
0x522: {  	v3 =	vperm.xlane v3, v2;
	v4 =	vadd.s32 v1, v4;
	_ =	sdelay $0x1  }
0x523: {  	v3 =	vadd.s32 v1, v3;
	_ =	sdelay $0x1  }
0x524: {  	s20 =	simm.s32 $0x11A00  }
0x525: {  	[tilespmem:s20], [sflag:$0x2] =	stream.indirect_vreg.gather [hbm4b:s2+s3], $0x80, v4, vm0, $0xb8;
	[tilespmem:$0x17200] =	vst v63  }
0x526: {  	s21 =	simm.s32 $0x12200  }
0x527: {  	[tilespmem:s21], [sflag:$0x2] =	stream.indirect_vreg.gather [hbm4b:s2+s3], $0x80, v3, vm0, $0xb8;
	[tilespmem:$0x17200] =	vst v63  }
0x528: {  	v3 =	vld [tilespmem:s0+$0x260];
	_ =	sdelay $0x4  }
0x529: {  	v62 =	vshll.u32 v3, $0x1  }
0x52a: {  	v3 =	vand.u32 $0x7, v3;
	v4 =	vand.u32 $0xFFFFFFF0, v62  }
0x52b: {  	v3 =	vor.u32 v3, v4  }
0x52c: {  	v4 =	vperm.xlane v3, v0;
	_ =	sdelay $0x1  }
0x52d: {  	v3 =	vperm.xlane v3, v2;
	v4 =	vadd.s32 v1, v4;
	_ =	sdelay $0x1  }
0x52e: {  	v3 =	vadd.s32 v1, v3;
	_ =	sdelay $0x1  }
0x52f: {  	s28 =	simm.s32 $0x12A00  }
0x530: {  	[tilespmem:s28], [sflag:$0x2] =	stream.indirect_vreg.gather [hbm4b:s2+s3], $0x80, v4, vm0, $0xb8;
	[tilespmem:$0x17200] =	vst v63  }
0x531: {  	s29 =	simm.s32 $0x13200  }
0x532: {  	[tilespmem:s29], [sflag:$0x2] =	stream.indirect_vreg.gather [hbm4b:s2+s3], $0x80, v3, vm0, $0xb8;
	[tilespmem:$0x17200] =	vst v63  }
0x533: {  	v3 =	vld [tilespmem:s0+$0x270];
	_ =	sdelay $0x4  }
0x534: {  	v63 =	vshll.u32 v3, $0x1  }
0x535: {  	v3 =	vand.u32 $0x7, v3;
	v4 =	vand.u32 $0xFFFFFFF0, v63  }
0x536: {  	v3 =	vor.u32 v3, v4  }
0x537: {  	v4 =	vperm.xlane v3, v0;
	_ =	sdelay $0x1  }
0x538: {  	v3 =	vperm.xlane v3, v2;
	v4 =	vadd.s32 v1, v4;
	_ =	sdelay $0x1  }
0x539: {  	v3 =	vadd.s32 v1, v3  }
.Ltmp6:
0x53a: {  	_ = 	snop;
	(pc) =	sbr.rel .LBB2_2-.Ltmp6, $4  }
0x53b: {  	s30 =	simm.s32 $0x13A00  }
0x53c: {  	[tilespmem:s30], [sflag:$0x2] =	stream.indirect_vreg.gather [hbm4b:s2+s3], $0x80, v4, vm0, $0xb8;
	[tilespmem:$0x17200] =	vst v63  }
0x53d: {  	s31 =	simm.s32 $0x14200;
	s26 =	sadd.s32 $0x1, s26  }
0x53e: {  	[tilespmem:s31], [sflag:$0x2] =	stream.indirect_vreg.gather [hbm4b:s2+s3], $0x80, v3, vm0, $0xb8;
	[tilespmem:$0x17200] =	vst v63  }
.LBB2_11:
0x53f: {  	_ =	sfence.sel $0x180000  }
0x540: {  	[bflag:$0x0] =	sbarrier.arrive $0xFFFF  }
0x541: {  	_ =	strace $0x90000047  }
0x542: {  	s0 =	stileid.u32;
	[bflag:$0x2] =	sbarrier.arrive $0xFFFF  }
0x543: {  	p0 =	sne.s32 s0, $0x0;
	s0 =	rddreg [dreg:$0x2]  }
0x544: {  	s0 =	sadd.s32 @!p0 $0x100000, s0  }
0x545: {  	[sflag:s0] =	ssyncadd.tile.s32 @!p0 $0x1;
	_ =	shalt  }
.Lfunc_end2:
_tile_overlayer_lowered:
.L_overlay_start_2:
0x546: {  	(tag) =	ssettag $0x2  }
0x547: {  	s0 =	rddreg [dreg:$0x0];
	s2 =	stileid.u32  }
0x548: {  	s1 =	rddreg [dreg:$0x1];
	p0 =	sne.s32 s2, $0x0  }
0x549: {  	s3 =	rddreg [dreg:$0x2];
	[bflag:$0x3] =	sbarrier.arrive $0xFFFF;
	s2 =	simm.s32 @!p0 $0x1C05  }
0x54a: {  	[timem:s3], [sflag:s2] =	dma.local @!p0 [hbm:s0], s1  }
0x54b: {  	s0 =	simm.s32 @!p0 $0x5  }
0x54c: {  	_ =	swait.ge @!p0 [sflag:s0], s1  }
0x54d: {  	s1 =	ssub.s32 @!p0 $0x0, s1;
	[sflag:s0] =	ssyncset.done @!p0 $0x0  }
0x54e: {  	[sflag:s0] =	ssyncadd.s32 @!p0 s1  }
0x54f: {  	[bflag:$0x3] =	sbarrier.arrive $0xFFFF  }
0x550: {  	_ =	shalt  }

</sc_bundles>
